<compile_context>
chip_gen: v7x
topology: tpu7x:2x2x1
jax: 0.10.2.dev20260603
libtpu: 0.0.44.dev20260713+nightly
codegen_flags: <defaults>
</compile_context>

<pallas_src>
import jax
import jax.numpy as jnp
from jax import lax
from jax.experimental import pallas as pl
from jax.experimental.pallas import tpu as pltpu
from jax.experimental.pallas import tpu_sc as plsc

F = 128
D = 64
CF = 5
CH = 128


def _mm(a, b):
    return jnp.dot(a.astype(jnp.bfloat16), b.astype(jnp.bfloat16),
                   preferred_element_type=jnp.float32)



def _enc2_body(xa_ref, xb_ref, w1_ref, b1_ref, w2_ref, b2_ref, o_ref):
    ha = jnp.maximum(_mm(xa_ref[...], w1_ref[...]) + b1_ref[...], 0.0)
    ha = jnp.maximum(_mm(ha, w2_ref[...]) + b2_ref[...], 0.0)
    hb = jnp.maximum(_mm(xb_ref[...], w1_ref[...]) + b1_ref[...], 0.0)
    hb = jnp.maximum(_mm(hb, w2_ref[...]) + b2_ref[...], 0.0)
    o_ref[...] = jnp.concatenate([ha, hb], axis=1)


def _encode_packed(x, w1, b1, w2, b2, blk, n_rows, row_off):
    half_blocks = (n_rows // 2) // blk
    off_a = row_off // blk
    off_b = (row_off + n_rows // 2) // blk
    return pl.pallas_call(
        _enc2_body,
        grid=(half_blocks,),
        in_specs=[
            pl.BlockSpec((blk, F), lambda i: (i + off_a, 0)),
            pl.BlockSpec((blk, F), lambda i: (i + off_b, 0)),
            pl.BlockSpec((F, D), lambda i: (0, 0)),
            pl.BlockSpec((1, D), lambda i: (0, 0)),
            pl.BlockSpec((D, D), lambda i: (0, 0)),
            pl.BlockSpec((1, D), lambda i: (0, 0)),
        ],
        out_specs=pl.BlockSpec((blk, 2 * D), lambda i: (i, 0)),
        out_shape=jax.ShapeDtypeStruct((n_rows // 2, 2 * D), jnp.float32),
    )(x, x, w1, b1.reshape(1, D), w2, b2.reshape(1, D))


def _card_body(psa_ref, pca_ref, psb_ref, pcb_ref, dense_ref,
               w3a_ref, w3b_ref, b3_ref, w4_ref, b4_ref, o_ref):
    lo = pl.program_id(0) < 4
    s128 = psa_ref[0] + psa_ref[1] + psb_ref[0] + psb_ref[1]
    s = jnp.where(lo, s128[:, :D], s128[:, D:])
    cnt = (pca_ref[0, :, 0:1] + pca_ref[1, :, 0:1]
           + pcb_ref[0, :, 0:1] + pcb_ref[1, :, 0:1])
    agg = s / jnp.maximum(cnt, 1.0)
    ch = _mm(agg, w3b_ref[...]) + b3_ref[...]
    for i in range(CF):
        ch = ch + dense_ref[:, i:i + 1] * w3a_ref[i:i + 1, :]
    ch = jnp.maximum(ch, 0.0)
    h = jnp.maximum(_mm(ch, w4_ref[...]) + b4_ref[...], 0.0)
    o_ref[...] = jnp.concatenate([h, jnp.zeros_like(h)], axis=1)


def _card_mlp(psum_a, pcnt_a, psum_b, pcnt_b, dense, w3a, w3b, b3, w4, b4):
    u = dense.shape[0]
    blk = u // 8
    return pl.pallas_call(
        _card_body,
        grid=(8,),
        in_specs=[
            pl.BlockSpec((2, blk, 2 * D), lambda i: (0, jnp.where(i < 4, i, i - 4), 0)),
            pl.BlockSpec((2, blk, 16), lambda i: (0, i, 0)),
            pl.BlockSpec((2, blk, 2 * D), lambda i: (0, jnp.where(i < 4, i, i - 4), 0)),
            pl.BlockSpec((2, blk, 16), lambda i: (0, i, 0)),
            pl.BlockSpec((blk, CF), lambda i: (i, 0)),
            pl.BlockSpec((CF, D), lambda i: (0, 0)),
            pl.BlockSpec((D, D), lambda i: (0, 0)),
            pl.BlockSpec((1, D), lambda i: (0, 0)),
            pl.BlockSpec((D, D), lambda i: (0, 0)),
            pl.BlockSpec((1, D), lambda i: (0, 0)),
        ],
        out_specs=pl.BlockSpec((blk, 2 * D), lambda i: (i, 0)),
        out_shape=jax.ShapeDtypeStruct((u, 2 * D), jnp.float32),
    )(psum_a, pcnt_a, psum_b, pcnt_b, dense,
      w3a, w3b, b3.reshape(1, D), w4, b4.reshape(1, D))


def _head_body(x_ref, tch_ref, w1_ref, b1_ref, w2_ref, b2_ref,
               w5_ref, b5_ref, w6_ref, b6_ref, o_ref):
    th = jnp.maximum(_mm(x_ref[...], w1_ref[...]) + b1_ref[...], 0.0)
    th = jnp.maximum(_mm(th, w2_ref[...]) + b2_ref[...], 0.0)
    hcat = jnp.concatenate([th, tch_ref[...][:, :D]], axis=1)
    h = jnp.maximum(_mm(hcat, w5_ref[...]) + b5_ref[...], 0.0)
    o_ref[...] = (_mm(h, w6_ref[...]) + b6_ref[...]).reshape(o_ref.shape)


def _head(target_x, tch, w1, b1, w2, b2, w5, b5, w6, b6, blk):
    n = target_x.shape[0]
    return pl.pallas_call(
        _head_body,
        grid=(pl.cdiv(n, blk),),
        in_specs=[
            pl.BlockSpec((blk, F), lambda i: (i, 0)),
            pl.BlockSpec((blk, 2 * D), lambda i: (i, 0)),
            pl.BlockSpec((F, D), lambda i: (0, 0)),
            pl.BlockSpec((1, D), lambda i: (0, 0)),
            pl.BlockSpec((D, D), lambda i: (0, 0)),
            pl.BlockSpec((1, D), lambda i: (0, 0)),
            pl.BlockSpec((F, D), lambda i: (0, 0)),
            pl.BlockSpec((1, D), lambda i: (0, 0)),
            pl.BlockSpec((D, 1), lambda i: (0, 0)),
            pl.BlockSpec((1, 1), lambda i: (0, 0)),
        ],
        out_specs=pl.BlockSpec((blk,), lambda i: (i,)),
        out_shape=jax.ShapeDtypeStruct((n,), jnp.float32),
    )(target_x, tch, w1, b1.reshape(1, D), w2, b2.reshape(1, D),
      w5, b5.reshape(1, D), w6, b6.reshape(1, 1))



_VMESH = plsc.VectorSubcoreMesh(core_axis_name="core", subcore_axis_name="subcore")
_SC_PARAMS = pltpu.CompilerParams(use_tc_tiling_on_sc=False)


def _sc_segment_sum(hh2, idx2d, u):
    h = hh2.shape[0] * 2
    rows_per_sub = u // 16

    @pl.kernel(
        out_type=(jax.ShapeDtypeStruct((2, u // 2, 2 * D), jnp.float32),
                  jax.ShapeDtypeStruct((2, u, 16), jnp.float32)),
        mesh=_VMESH,
        compiler_params=_SC_PARAMS,
        scratch_types=[
            pltpu.VMEM_SHARED((u, D), jnp.float32),
            pltpu.VMEM_SHARED((u, 16), jnp.float32),
            pltpu.VMEM((CH // 2, 16), jnp.float32),
            pltpu.VMEM((rows_per_sub, D), jnp.float32),
            pltpu.VMEM((rows_per_sub, 16), jnp.float32),
        ],
    )
    def sc_kernel(hh2_hbm, idx_hbm, osum_hbm, ocnt_hbm,
                  acc_sum, acc_cnt, ones_v, zero_v, zcnt_v):
        cid = lax.axis_index("core")
        sid = lax.axis_index("subcore")

        @pl.loop(0, CH // 2)
        def _(i):
            ones_v.at[pl.ds(i, 1), :][...] = jnp.ones((1, 16), jnp.float32)

        @pl.loop(0, rows_per_sub)
        def _(i):
            for j in range(D // 16):
                zero_v.at[pl.ds(i, 1), pl.ds(j * 16, 16)][...] = (
                    jnp.zeros((1, 16), jnp.float32))
            zcnt_v.at[pl.ds(i, 1), :][...] = jnp.zeros((1, 16), jnp.float32)

        sl = pl.ds(sid * rows_per_sub, rows_per_sub)
        pltpu.sync_copy(zero_v, acc_sum.at[sl])
        pltpu.sync_copy(zcnt_v, acc_cnt.at[sl])
        plsc.subcore_barrier()

        n_chunks = h // CH

        def body(xl_vmem, xr_vmem, il_vmem, ir_vmem):
            pltpu.sync_copy(xl_vmem, acc_sum.at[il_vmem.at[0]], add=True)
            pltpu.sync_copy(xr_vmem, acc_sum.at[ir_vmem.at[0]], add=True)
            pltpu.sync_copy(ones_v, acc_cnt.at[il_vmem.at[0]], add=True)
            pltpu.sync_copy(ones_v, acc_cnt.at[ir_vmem.at[0]], add=True)

        pltpu.emit_pipeline(
            body,
            grid=(n_chunks,),
            in_specs=[
                pl.BlockSpec((CH // 2, D), lambda i: (i, 0)),
                pl.BlockSpec((CH // 2, D), lambda i: (i, 1)),
                pl.BlockSpec((1, CH // 2), lambda i: (0, i)),
                pl.BlockSpec((1, CH // 2), lambda i, n=n_chunks: (0, i + n)),
            ],
            out_specs=[],
            core_axis_name=("core", "subcore"),
            dimension_semantics=(pltpu.PARALLEL,),
        )(hh2_hbm, hh2_hbm, idx_hbm, idx_hbm)

        plsc.subcore_barrier()
        @pl.when(sid < 8)
        def _():
            pltpu.sync_copy(acc_sum.at[sl],
                            osum_hbm.at[cid, sl, pl.ds(0, D)])

        @pl.when(sid >= 8)
        def _():
            pltpu.sync_copy(
                acc_sum.at[sl],
                osum_hbm.at[cid, pl.ds((sid - 8) * rows_per_sub,
                                       rows_per_sub), pl.ds(D, D)])

        pltpu.sync_copy(acc_cnt.at[sl], ocnt_hbm.at[cid, sl])

    return sc_kernel(hh2, idx2d)


def _sc_gather(table, idx2d):
    n = idx2d.shape[1]

    @pl.kernel(
        out_type=jax.ShapeDtypeStruct((n, 2 * D), jnp.float32),
        mesh=_VMESH,
    )
    def sc_kernel(tab_hbm, i_hbm, o_hbm):
        def body(i_vmem, o_vmem):
            pltpu.sync_copy(tab_hbm.at[i_vmem.at[0]], o_vmem)

        pltpu.emit_pipeline(
            body,
            grid=(n // CH,),
            in_specs=[pl.BlockSpec((1, CH), lambda i: (0, i))],
            out_specs=[pl.BlockSpec((CH, 2 * D), lambda i: (i, 0))],
            core_axis_name=("core", "subcore"),
            dimension_semantics=(pltpu.PARALLEL,),
        )(i_hbm, o_hbm)

    return sc_kernel(table, idx2d)



def kernel(target_x, hist_x, hist_card_local_idx, target_card_local_idx,
           card_dense_feats, W1, b1, W2, b2, W3, b3, W4, b4, W5, b5, W6, b6):
    b = target_x.shape[0]
    u = card_dense_feats.shape[0]
    h = hist_x.shape[0]

    h2 = h // 2
    idx = hist_card_local_idx
    hh2_a = _encode_packed(hist_x, W1, b1, W2, b2, blk=8000,
                           n_rows=h2, row_off=0)
    hh2_b = _encode_packed(hist_x, W1, b1, W2, b2, blk=8000,
                           n_rows=h2, row_off=h2)

    up = ((u + 127) // 128) * 128
    psum_a, pcnt_a = _sc_segment_sum(hh2_a, idx[:h2].reshape(1, h2), up)
    psum_b, pcnt_b = _sc_segment_sum(hh2_b, idx[h2:].reshape(1, h2), up)

    dense_p = jnp.pad(card_dense_feats, ((0, up - u), (0, 0)))
    card_h = _card_mlp(psum_a, pcnt_a, psum_b, pcnt_b, dense_p,
                       W3[:CF], W3[CF:], b3, W4, b4)

    bp = ((b + CH - 1) // CH) * CH
    tidx = jnp.pad(target_card_local_idx, (0, bp - b)).reshape(1, bp)
    tch = _sc_gather(card_h, tidx)

    return _head(target_x, tch, W1, b1, W2, b2, W5, b5, W6, b6, blk=4096)

# --- scband reference (transcript-rebuilt; emitter-appended) ---
"""Pipeline reference for scband-card-history-sage-18588618457111 (READ-ONLY COPY).

The authoritative reference and input builder live on the scoring server;
editing this copy changes nothing except your own understanding.
"""

import jax, jax.numpy as jnp
import numpy as np

B, H, U, F, D, CF = 50000, 320000, 10000, 128, 64, 5

def _lin_init(k, fi, fo):
    s = 1.0 / np.sqrt(fi)
    kw, kb = jax.random.split(k)
    W = jax.random.uniform(kw, (fi, fo), jnp.float32, -s, s)
    b = jax.random.uniform(kb, (fo,), jnp.float32, -s, s)
    return W, b

def setup_inputs(seed: int = 0) -> dict:
    key = jax.random.key(seed)
    ks = jax.random.split(key, 12)
    target_x = jax.random.normal(ks[0], (B, F), jnp.float32)
    hist_x = jax.random.normal(ks[1], (H, F), jnp.float32)
    hist_card_local_idx = jax.random.randint(ks[2], (H,), 0, U, dtype=jnp.int32)
    target_card_local_idx = jax.random.randint(ks[3], (B,), 0, U, dtype=jnp.int32)
    card_dense_feats = jax.random.normal(ks[4], (U, CF), jnp.float32)
    W1, b1 = _lin_init(ks[5], F, D)
    W2, b2 = _lin_init(ks[6], D, D)
    W3, b3 = _lin_init(ks[7], CF + D, D)
    W4, b4 = _lin_init(ks[8], D, D)
    W5, b5 = _lin_init(ks[9], 2 * D, D)
    W6, b6 = _lin_init(ks[10], D, 1)
    return {"target_x": target_x, "hist_x": hist_x, "hist_card_local_idx": hist_card_local_idx, "target_card_local_idx": target_card_local_idx, "card_dense_feats": card_dense_feats, "W1": W1, "b1": b1, "W2": W2, "b2": b2, "W3": W3, "b3": b3, "W4": W4, "b4": b4, "W5": W5, "b5": b5, "W6": W6, "b6": b6}

def reference(target_x, hist_x, hist_card_local_idx, target_card_local_idx, card_dense_feats, W1, b1, W2, b2, W3, b3, W4, b4, W5, b5, W6, b6):
    # Dropout is identity at inference.
    def txn_encoder(x):
        h = jax.nn.relu(x @ W1 + b1)
        return jax.nn.relu(h @ W2 + b2)
    n_cards = card_dense_feats.shape[0]
    target_h = txn_encoder(target_x)
    hist_h = txn_encoder(hist_x)
    hist_sum = jax.ops.segment_sum(hist_h, hist_card_local_idx, num_segments=n_cards)
    ones = jnp.ones((hist_h.shape[0], 1), dtype=hist_h.dtype)
    hist_cnt = jax.ops.segment_sum(ones, hist_card_local_idx, num_segments=n_cards)
    hist_agg = hist_sum / jnp.maximum(hist_cnt, 1.0)
    card_in = jnp.concatenate([card_dense_feats, hist_agg], axis=1)
    ch = jax.nn.relu(card_in @ W3 + b3)
    card_h = jax.nn.relu(ch @ W4 + b4)
    target_card_h = jnp.take(card_h, target_card_local_idx, axis=0)
    head_in = jnp.concatenate([target_h, target_card_h], axis=1)
    hh = jax.nn.relu(head_in @ W5 + b5)
    logits = (hh @ W6 + b6).squeeze(-1)
    return logits

if __name__ == "__main__":
    import jax
    _d = setup_inputs()
    print(jax.jit(kernel)(*tuple(_d.values())))

</pallas_src>

<mosaic_0001>
#map = affine_map<(d0, d1) -> (0, 0)>
module attributes {stable_mosaic.version = 14 : i64} {
  func.func @sc_kernel(%arg0: i32, %arg1: i32, %arg2: memref<10112x128xf32, #tpu.memory_space<hbm>>, %arg3: memref<1x50048xi32, #tpu.memory_space<hbm>>, %arg4: memref<50048x128xf32, #tpu.memory_space<hbm>>) attributes {dimension_semantics = [#tpu.dimension_semantics<core_parallel>, #tpu.dimension_semantics<subcore_parallel>], iteration_bounds = array<i64: 2, 16>, scalar_prefetch = 0 : i64, scratch_operands = 0 : i64, tpu.core_type = #tpu.core_type<sc_vector_subcore>, window_params = [{transform_indices = #map}, {transform_indices = #map}, {transform_indices = #map}]} {
    %mul3A = arith.constant 1 : i32
    %mul3A_0 = arith.muli %arg1, %mul3A : i32
    %add3A = arith.constant 0 : i32
    %add3A_1 = arith.addi %add3A, %mul3A_0 : i32
    %mul3A_2 = arith.constant 16 : i32
    %mul3A_3 = arith.muli %arg0, %mul3A_2 : i32
    %add3A_4 = arith.addi %add3A_1, %mul3A_3 : i32
    %lt3A = arith.constant 7 : i32
    %lt3A_5 = arith.cmpi slt, %add3A_4, %lt3A : i32
    %jit3A = arith.constant 13 : i32
    %jit3A_6 = arith.constant 12 : i32
    %select_n3A = arith.select %lt3A_5, %jit3A, %jit3A_6 : i32
    %lt3A_7 = arith.constant 7 : i32
    %lt3A_8 = arith.cmpi slt, %add3A_4, %lt3A_7 : i32
    %mul3A_9 = arith.muli %add3A_4, %select_n3A : i32
    %mul3A_10 = arith.constant 12 : i32
    %mul3A_11 = arith.muli %add3A_4, %mul3A_10 : i32
    %add3A_12 = arith.constant 7 : i32
    %add3A_13 = arith.addi %mul3A_11, %add3A_12 : i32
    %select_n3A_14 = arith.select %lt3A_8, %mul3A_9, %add3A_13 : i32
    %mul3A_15 = arith.constant 1 : i32
    %mul3A_16 = arith.muli %mul3A_15, %select_n3A : i32
    "tpu.region"() ({
      %run_scoped3A = memref.alloca() : memref<2x1x128xi32, #tpu.memory_space<vmem>>
      %run_scoped3A_17 = tpu.sem_alloc : memref<2x!tpu.dma_semaphore, #tpu.memory_space<semaphore_mem>>
      %run_scoped3A_18 = memref.alloca() : memref<2x128x128xf32, #tpu.memory_space<vmem>>
      %run_scoped3A_19 = tpu.sem_alloc : memref<2x!tpu.dma_semaphore, #tpu.memory_space<semaphore_mem>>
      %gt3A = arith.constant 0 : i32
      %gt3A_20 = arith.cmpi sgt, %mul3A_16, %gt3A : i32
      %convert_element_type3A = arith.extui %gt3A_20 : i1 to i32
      %cond3A = arith.constant 0 : i32
      %cond3A_21 = arith.cmpi ne, %convert_element_type3A, %cond3A : i32
      scf.if %cond3A_21 {
        %mul3A_22 = arith.constant 1 : i32
        %mul3A_23 = arith.muli %mul3A_22, %select_n3A : i32
        %sub3A = arith.constant 1 : i32
        %sub3A_24 = arith.subi %mul3A_23, %sub3A : i32
        %eq3A = arith.constant 0 : i32
        %eq3A_25 = arith.cmpi eq, %sub3A_24, %eq3A : i32
        %add3A_26 = arith.constant 0 : i32
        %add3A_27 = arith.addi %add3A_26, %select_n3A_14 : i32
        %select_n3A_28 = arith.constant true
        %select_n3A_29 = arith.constant 0 : i32
        %select_n3A_30 = arith.constant -1 : i32
        %select_n3A_31 = arith.select %select_n3A_28, %select_n3A_30, %select_n3A_29 : i32
        %eq3A_32 = arith.constant -1 : i32
        %eq3A_33 = arith.cmpi eq, %select_n3A_31, %eq3A_32 : i32
        %sub3A_34 = arith.constant 1 : i32
        %sub3A_35 = arith.subi %select_n3A, %sub3A_34 : i32
        %select_n3A_36 = arith.select %eq3A_33, %sub3A_35, %select_n3A_31 : i32
        %add3A_37 = arith.addi %select_n3A_36, %select_n3A_14 : i32
        %select_n3A_38 = arith.constant true
        %select_n3A_39 = arith.constant 0 : i32
        %select_n3A_40 = arith.constant 1 : i32
        %select_n3A_41 = arith.select %select_n3A_38, %select_n3A_40, %select_n3A_39 : i32
        %eq3A_42 = arith.cmpi eq, %select_n3A_41, %select_n3A : i32
        %select_n3A_43 = arith.constant 0 : i32
        %select_n3A_44 = arith.select %eq3A_42, %select_n3A_43, %select_n3A_41 : i32
        %add3A_45 = arith.addi %select_n3A_44, %select_n3A_14 : i32
        %add3A_46 = arith.constant 1 : i32
        %add3A_47 = arith.addi %select_n3A_44, %add3A_46 : i32
        %select_n3A_48 = arith.constant true
        %select_n3A_49 = arith.select %select_n3A_48, %add3A_47, %select_n3A_44 : i32
        %eq3A_50 = arith.cmpi eq, %select_n3A_49, %select_n3A : i32
        %select_n3A_51 = arith.constant 0 : i32
        %select_n3A_52 = arith.select %eq3A_50, %select_n3A_51, %select_n3A_49 : i32
        %add3A_53 = arith.addi %select_n3A_52, %select_n3A_14 : i32
        "tpu.trace_start"() <{level = 10 : i32, message = "ep_initialize_0"}> : () -> ()
        %rem3A = arith.constant 0 : i32
        %rem3A_54 = arith.constant 2 : i32
        %rem3A_55 = arith.remui %rem3A, %rem3A_54 : i32
        %mul3A_56 = arith.constant 128 : i32
        %mul3A_57 = arith.muli %mul3A_56, %add3A_27 : i32
        %dma_start3A = arith.constant 0 : i32
        %dma_start3A_58 = arith.constant 0 : i32
        %dma_start3A_59 = tpu.memref_slice %run_scoped3A[%rem3A_55, %dma_start3A, %dma_start3A_58] : memref<2x1x128xi32, #tpu.memory_space<vmem>> -> memref<1x1x128xi32, #tpu.memory_space<vmem>>
        %dma_start3A_60 = tpu.memref_squeeze %dma_start3A_59 : memref<1x1x128xi32, #tpu.memory_space<vmem>> -> memref<1x128xi32, #tpu.memory_space<vmem>>
        %dma_start3A_61 = arith.constant 0 : i32
        %dma_start3A_62 = tpu.memref_slice %arg3[%dma_start3A_61, %mul3A_57] : memref<1x50048xi32, #tpu.memory_space<hbm>> -> memref<1x128xi32, #tpu.memory_space<hbm>>
        %dma_start3A_63 = tpu.memref_slice %run_scoped3A_17[%rem3A_55] : memref<2x!tpu.dma_semaphore, #tpu.memory_space<semaphore_mem>> -> memref<1x!tpu.dma_semaphore, #tpu.memory_space<semaphore_mem>>
        %dma_start3A_64 = tpu.memref_squeeze %dma_start3A_63 : memref<1x!tpu.dma_semaphore, #tpu.memory_space<semaphore_mem>> -> memref<!tpu.dma_semaphore, #tpu.memory_space<semaphore_mem>>
        %dma_start3A_65 = arith.constant 0 : i32
        %dma_start3A_66 = arith.constant 0 : i32
        %dma_start3A_67 = tpu.memref_slice %run_scoped3A[%rem3A_55, %dma_start3A_65, %dma_start3A_66] : memref<2x1x128xi32, #tpu.memory_space<vmem>> -> memref<1x1x128xi32, #tpu.memory_space<vmem>>
        %dma_start3A_68 = tpu.memref_squeeze %dma_start3A_67 : memref<1x1x128xi32, #tpu.memory_space<vmem>> -> memref<1x128xi32, #tpu.memory_space<vmem>>
        %dma_start3A_69 = arith.constant 0 : i32
        %dma_start3A_70 = tpu.memref_slice %arg3[%dma_start3A_69, %mul3A_57] : memref<1x50048xi32, #tpu.memory_space<hbm>> -> memref<1x128xi32, #tpu.memory_space<hbm>>
        tpu.enqueue_dma source(%dma_start3A_70 : memref<1x128xi32, #tpu.memory_space<hbm>>) target(%dma_start3A_68 : memref<1x128xi32, #tpu.memory_space<vmem>>) target_semaphore(%dma_start3A_64 : memref<!tpu.dma_semaphore, #tpu.memory_space<semaphore_mem>>)
        %add3A_71 = arith.constant 0 : i32
        %add3A_72 = arith.constant 1 : i32
        %add3A_73 = arith.addi %add3A_71, %add3A_72 : i32
        %select_n3A_74 = arith.constant true
        %select_n3A_75 = arith.constant 0 : i32
        %select_n3A_76 = arith.select %select_n3A_74, %add3A_73, %select_n3A_75 : i32
        %while3A = arith.constant 0 : i32
        %while3A_77 = arith.constant 0 : i32
        %while3A_78 = arith.constant 0 : i32
        %while3A_79 = arith.constant 0 : i32
        %while3A_80 = arith.constant 0 : i32
        "tpu.trace_stop"() : () -> ()
        %while3A_81 = arith.subi %mul3A_16, %while3A : i32
        %while3A_82 = arith.addi %while3A, %while3A_81 : i32
        %while3A_83 = arith.constant 1 : i32
        %while3A_84 = arith.divsi %while3A_81, %while3A_83 : i32
        %while3A_85 = arith.muli %while3A_84, %while3A_83 : i32
        %while3A_86 = arith.addi %while3A, %while3A_85 : i32
        %while3A_87 = arith.constant 1 : i32
        %while3A_88:5 = scf.for %while3A_142 = %while3A to %while3A_86 step %while3A_87 iter_args(%while3A_143 = %select_n3A_76, %while3A_144 = %while3A_77, %while3A_145 = %while3A_78, %while3A_146 = %while3A_79, %while3A_147 = %while3A_80) -> (i32, i32, i32, i32, i32)  : i32 {
          %mul3A_148 = arith.constant 1 : i32
          %mul3A_149 = arith.muli %mul3A_148, %select_n3A : i32
          %eq3A_150 = arith.constant 0 : i32
          %eq3A_151 = arith.cmpi eq, %while3A_142, %eq3A_150 : i32
          %sub3A_152 = arith.constant 1 : i32
          %sub3A_153 = arith.subi %mul3A_149, %sub3A_152 : i32
          %eq3A_154 = arith.cmpi eq, %while3A_142, %sub3A_153 : i32
          %add3A_155 = arith.addi %while3A_147, %select_n3A_14 : i32
          %sub3A_156 = arith.constant 1 : i32
          %sub3A_157 = arith.subi %while3A_147, %sub3A_156 : i32
          %select_n3A_158 = arith.constant true
          %select_n3A_159 = arith.select %select_n3A_158, %sub3A_157, %while3A_147 : i32
          %eq3A_160 = arith.constant -1 : i32
          %eq3A_161 = arith.cmpi eq, %select_n3A_159, %eq3A_160 : i32
          %sub3A_162 = arith.constant 1 : i32
          %sub3A_163 = arith.subi %select_n3A, %sub3A_162 : i32
          %select_n3A_164 = arith.select %eq3A_161, %sub3A_163, %select_n3A_159 : i32
          %add3A_165 = arith.addi %select_n3A_164, %select_n3A_14 : i32
          %add3A_166 = arith.constant 1 : i32
          %add3A_167 = arith.addi %while3A_147, %add3A_166 : i32
          %select_n3A_168 = arith.constant true
          %select_n3A_169 = arith.select %select_n3A_168, %add3A_167, %while3A_147 : i32
          %eq3A_170 = arith.cmpi eq, %select_n3A_169, %select_n3A : i32
          %select_n3A_171 = arith.constant 0 : i32
          %select_n3A_172 = arith.select %eq3A_170, %select_n3A_171, %select_n3A_169 : i32
          %add3A_173 = arith.addi %select_n3A_172, %select_n3A_14 : i32
          %add3A_174 = arith.constant 1 : i32
          %add3A_175 = arith.addi %select_n3A_172, %add3A_174 : i32
          %select_n3A_176 = arith.constant true
          %select_n3A_177 = arith.select %select_n3A_176, %add3A_175, %select_n3A_172 : i32
          %eq3A_178 = arith.cmpi eq, %select_n3A_177, %select_n3A : i32
          %select_n3A_179 = arith.constant 0 : i32
          %select_n3A_180 = arith.select %eq3A_178, %select_n3A_179, %select_n3A_177 : i32
          %add3A_181 = arith.addi %select_n3A_180, %select_n3A_14 : i32
          %ne3A = arith.cmpi ne, %add3A_155, %add3A_173 : i32
          %or3A = arith.constant false
          %or3A_182 = arith.ori %or3A, %ne3A : i1
          %sub3A_183 = arith.constant 2 : i32
          %sub3A_184 = arith.subi %mul3A_149, %sub3A_183 : i32
          %add3A_185 = arith.constant 1 : i32
          %add3A_186 = arith.addi %sub3A_184, %add3A_185 : i32
          %ge3A = arith.cmpi sge, %while3A_142, %add3A_186 : i32
          %not3A = arith.constant true
          %not3A_187 = arith.xori %ge3A, %not3A : i1
          %and3A = arith.andi %or3A_182, %not3A_187 : i1
          %convert_element_type3A_188 = arith.extui %and3A : i1 to i32
          %cond3A_189 = arith.constant 0 : i32
          %cond3A_190 = arith.cmpi ne, %convert_element_type3A_188, %cond3A_189 : i32
          scf.if %cond3A_190 {
            "tpu.trace_start"() <{level = 10 : i32, message = "ep_copy_in"}> : () -> ()
            %rem3A_294 = arith.constant 2 : i32
            %rem3A_295 = arith.remui %while3A_143, %rem3A_294 : i32
            %mul3A_296 = arith.constant 128 : i32
            %mul3A_297 = arith.muli %mul3A_296, %add3A_173 : i32
            %dma_start3A_298 = arith.constant 0 : i32
            %dma_start3A_299 = arith.constant 0 : i32
            %dma_start3A_300 = tpu.memref_slice %run_scoped3A[%rem3A_295, %dma_start3A_298, %dma_start3A_299] : memref<2x1x128xi32, #tpu.memory_space<vmem>> -> memref<1x1x128xi32, #tpu.memory_space<vmem>>
            %dma_start3A_301 = tpu.memref_squeeze %dma_start3A_300 : memref<1x1x128xi32, #tpu.memory_space<vmem>> -> memref<1x128xi32, #tpu.memory_space<vmem>>
            %dma_start3A_302 = arith.constant 0 : i32
            %dma_start3A_303 = tpu.memref_slice %arg3[%dma_start3A_302, %mul3A_297] : memref<1x50048xi32, #tpu.memory_space<hbm>> -> memref<1x128xi32, #tpu.memory_space<hbm>>
            %dma_start3A_304 = tpu.memref_slice %run_scoped3A_17[%rem3A_295] : memref<2x!tpu.dma_semaphore, #tpu.memory_space<semaphore_mem>> -> memref<1x!tpu.dma_semaphore, #tpu.memory_space<semaphore_mem>>
            %dma_start3A_305 = tpu.memref_squeeze %dma_start3A_304 : memref<1x!tpu.dma_semaphore, #tpu.memory_space<semaphore_mem>> -> memref<!tpu.dma_semaphore, #tpu.memory_space<semaphore_mem>>
            %dma_start3A_306 = arith.constant 0 : i32
            %dma_start3A_307 = arith.constant 0 : i32
            %dma_start3A_308 = tpu.memref_slice %run_scoped3A[%rem3A_295, %dma_start3A_306, %dma_start3A_307] : memref<2x1x128xi32, #tpu.memory_space<vmem>> -> memref<1x1x128xi32, #tpu.memory_space<vmem>>
            %dma_start3A_309 = tpu.memref_squeeze %dma_start3A_308 : memref<1x1x128xi32, #tpu.memory_space<vmem>> -> memref<1x128xi32, #tpu.memory_space<vmem>>
            %dma_start3A_310 = arith.constant 0 : i32
            %dma_start3A_311 = tpu.memref_slice %arg3[%dma_start3A_310, %mul3A_297] : memref<1x50048xi32, #tpu.memory_space<hbm>> -> memref<1x128xi32, #tpu.memory_space<hbm>>
            tpu.enqueue_dma source(%dma_start3A_311 : memref<1x128xi32, #tpu.memory_space<hbm>>) target(%dma_start3A_309 : memref<1x128xi32, #tpu.memory_space<vmem>>) target_semaphore(%dma_start3A_305 : memref<!tpu.dma_semaphore, #tpu.memory_space<semaphore_mem>>)
            "tpu.trace_stop"() : () -> ()
          } else {
          }
          %and3A_191 = arith.constant true
          %and3A_192 = arith.andi %and3A, %and3A_191 : i1
          %add3A_193 = arith.constant 1 : i32
          %add3A_194 = arith.addi %while3A_143, %add3A_193 : i32
          %select_n3A_195 = arith.select %and3A_192, %add3A_194, %while3A_143 : i32
          %ne3A_196 = arith.cmpi ne, %add3A_155, %add3A_173 : i32
          %or3A_197 = arith.constant false
          %or3A_198 = arith.ori %or3A_197, %ne3A_196 : i1
          %or3A_199 = arith.constant false
          %or3A_200 = arith.ori %or3A_198, %or3A_199 : i1
          %sub3A_201 = arith.constant 2 : i32
          %sub3A_202 = arith.subi %mul3A_149, %sub3A_201 : i32
          %add3A_203 = arith.constant 1 : i32
          %add3A_204 = arith.addi %sub3A_202, %add3A_203 : i32
          %ge3A_205 = arith.cmpi sge, %while3A_142, %add3A_204 : i32
          %not3A_206 = arith.constant true
          %not3A_207 = arith.xori %ge3A_205, %not3A_206 : i1
          %and3A_208 = arith.andi %or3A_200, %not3A_207 : i1
          %ne3A_209 = arith.cmpi ne, %add3A_155, %add3A_165 : i32
          %or3A_210 = arith.constant false
          %or3A_211 = arith.ori %or3A_210, %ne3A_209 : i1
          %or3A_212 = arith.ori %or3A_211, %eq3A_151 : i1
          %convert_element_type3A_213 = arith.extui %or3A_212 : i1 to i32
          %cond3A_214 = arith.constant 0 : i32
          %cond3A_215 = arith.cmpi ne, %convert_element_type3A_213, %cond3A_214 : i32
          scf.if %cond3A_215 {
            "tpu.trace_start"() <{level = 10 : i32, message = "ep_wait_in"}> : () -> ()
            %mul3A_294 = arith.constant 128 : i32
            %mul3A_295 = arith.muli %mul3A_294, %add3A_155 : i32
            %rem3A_296 = arith.constant 2 : i32
            %rem3A_297 = arith.remui %while3A_144, %rem3A_296 : i32
            %dma_wait3A = arith.constant 0 : i32
            %dma_wait3A_298 = arith.constant 0 : i32
            %dma_wait3A_299 = tpu.memref_slice %run_scoped3A[%rem3A_297, %dma_wait3A, %dma_wait3A_298] : memref<2x1x128xi32, #tpu.memory_space<vmem>> -> memref<1x1x128xi32, #tpu.memory_space<vmem>>
            %dma_wait3A_300 = tpu.memref_squeeze %dma_wait3A_299 : memref<1x1x128xi32, #tpu.memory_space<vmem>> -> memref<1x128xi32, #tpu.memory_space<vmem>>
            %dma_wait3A_301 = arith.constant 0 : i32
            %dma_wait3A_302 = tpu.memref_slice %arg3[%dma_wait3A_301, %mul3A_295] : memref<1x50048xi32, #tpu.memory_space<hbm>> -> memref<1x128xi32, #tpu.memory_space<hbm>>
            %dma_wait3A_303 = tpu.memref_slice %run_scoped3A_17[%rem3A_297] : memref<2x!tpu.dma_semaphore, #tpu.memory_space<semaphore_mem>> -> memref<1x!tpu.dma_semaphore, #tpu.memory_space<semaphore_mem>>
            %dma_wait3A_304 = tpu.memref_squeeze %dma_wait3A_303 : memref<1x!tpu.dma_semaphore, #tpu.memory_space<semaphore_mem>> -> memref<!tpu.dma_semaphore, #tpu.memory_space<semaphore_mem>>
            %dma_wait3A_305 = arith.constant 0 : i32
            %dma_wait3A_306 = arith.constant 0 : i32
            %dma_wait3A_307 = tpu.memref_slice %run_scoped3A[%rem3A_297, %dma_wait3A_305, %dma_wait3A_306] : memref<2x1x128xi32, #tpu.memory_space<vmem>> -> memref<1x1x128xi32, #tpu.memory_space<vmem>>
            %dma_wait3A_308 = tpu.memref_squeeze %dma_wait3A_307 : memref<1x1x128xi32, #tpu.memory_space<vmem>> -> memref<1x128xi32, #tpu.memory_space<vmem>>
            %dma_wait3A_309 = arith.constant 0 : i32
            %dma_wait3A_310 = tpu.memref_slice %arg3[%dma_wait3A_309, %mul3A_295] : memref<1x50048xi32, #tpu.memory_space<hbm>> -> memref<1x128xi32, #tpu.memory_space<hbm>>
            tpu.wait_dma2 semaphore(%dma_wait3A_304 : memref<!tpu.dma_semaphore, #tpu.memory_space<semaphore_mem>>) src(%dma_wait3A_310 : memref<1x128xi32, #tpu.memory_space<hbm>>) dst(%dma_wait3A_308 : memref<1x128xi32, #tpu.memory_space<vmem>>)
            "tpu.trace_stop"() : () -> ()
          } else {
          }
          %ne3A_216 = arith.cmpi ne, %add3A_155, %add3A_165 : i32
          %or3A_217 = arith.constant false
          %or3A_218 = arith.ori %or3A_217, %ne3A_216 : i1
          %or3A_219 = arith.constant false
          %or3A_220 = arith.ori %or3A_218, %or3A_219 : i1
          %or3A_221 = arith.ori %or3A_220, %eq3A_151 : i1
          %convert_element_type3A_222 = arith.extui %or3A_221 : i1 to i32
          %cond3A_223 = arith.constant 0 : i32
          %cond3A_224 = arith.cmpi ne, %convert_element_type3A_222, %cond3A_223 : i32
          scf.if %cond3A_224 {
          } else {
          }
          %rem3A_225 = arith.constant 2 : i32
          %rem3A_226 = arith.remui %while3A_144, %rem3A_225 : i32
          %rem3A_227 = arith.constant 2 : i32
          %rem3A_228 = arith.remui %while3A_145, %rem3A_227 : i32
          %run_scoped3A_229 = arith.constant 0 : i32
          "tpu.trace_start"() <{level = 10 : i32, message = "ep_run_kernel"}> : () -> ()
          "tpu.region"() ({
            %run_scoped3A_294 = tpu.sem_alloc : memref<!tpu.dma_semaphore, #tpu.memory_space<semaphore_mem>>
            %dma_start3A_295 = arith.constant 0 : i32
            %dma_start3A_296 = arith.constant 0 : i32
            %dma_start3A_297 = tpu.memref_slice %run_scoped3A_18[%rem3A_228, %dma_start3A_295, %dma_start3A_296] : memref<2x128x128xf32, #tpu.memory_space<vmem>> -> memref<1x128x128xf32, #tpu.memory_space<vmem>>
            %dma_start3A_298 = tpu.memref_squeeze %dma_start3A_297 : memref<1x128x128xf32, #tpu.memory_space<vmem>> -> memref<128x128xf32, #tpu.memory_space<vmem>>
            %dma_start3A_299 = arith.constant 0 : i32
            %dma_start3A_300 = arith.constant 0 : i32
            %dma_start3A_301 = tpu.memref_slice %run_scoped3A[%rem3A_226, %dma_start3A_299, %dma_start3A_300] : memref<2x1x128xi32, #tpu.memory_space<vmem>> -> memref<1x1x128xi32, #tpu.memory_space<vmem>>
            %dma_start3A_302 = tpu.memref_squeeze %dma_start3A_301 : memref<1x1x128xi32, #tpu.memory_space<vmem>> -> memref<1x128xi32, #tpu.memory_space<vmem>>
            %dma_start3A_303 = arith.constant 0 : i32
            %dma_start3A_304 = tpu.memref_slice %dma_start3A_302[%run_scoped3A_229, %dma_start3A_303] : memref<1x128xi32, #tpu.memory_space<vmem>> -> memref<1x128xi32, #tpu.memory_space<vmem>>
            %dma_start3A_305 = tpu.memref_squeeze %dma_start3A_304 : memref<1x128xi32, #tpu.memory_space<vmem>> -> memref<128xi32, #tpu.memory_space<vmem>>
            %dma_start3A_306 = arith.constant 0 : i32
            %dma_start3A_307 = arith.constant 0 : i32
            %dma_start3A_308 = tpu.memref_slice %arg2[%dma_start3A_306, %dma_start3A_307] : memref<10112x128xf32, #tpu.memory_space<hbm>> -> memref<10112x128xf32, #tpu.memory_space<hbm>>
            tpu.enqueue_indirect_dma source(%dma_start3A_308 : memref<10112x128xf32, #tpu.memory_space<hbm>>) target(%dma_start3A_298 : memref<128x128xf32, #tpu.memory_space<vmem>>) offsets(%dma_start3A_305 : memref<128xi32, #tpu.memory_space<vmem>>) semaphore(%run_scoped3A_294 : memref<!tpu.dma_semaphore, #tpu.memory_space<semaphore_mem>>)
            %dma_wait3A = arith.constant 0 : i32
            %dma_wait3A_309 = arith.constant 0 : i32
            %dma_wait3A_310 = tpu.memref_slice %run_scoped3A_18[%rem3A_228, %dma_wait3A, %dma_wait3A_309] : memref<2x128x128xf32, #tpu.memory_space<vmem>> -> memref<1x128x128xf32, #tpu.memory_space<vmem>>
            %dma_wait3A_311 = tpu.memref_squeeze %dma_wait3A_310 : memref<1x128x128xf32, #tpu.memory_space<vmem>> -> memref<128x128xf32, #tpu.memory_space<vmem>>
            %dma_wait3A_312 = arith.constant 0 : i32
            %dma_wait3A_313 = arith.constant 0 : i32
            %dma_wait3A_314 = tpu.memref_slice %run_scoped3A[%rem3A_226, %dma_wait3A_312, %dma_wait3A_313] : memref<2x1x128xi32, #tpu.memory_space<vmem>> -> memref<1x1x128xi32, #tpu.memory_space<vmem>>
            %dma_wait3A_315 = tpu.memref_squeeze %dma_wait3A_314 : memref<1x1x128xi32, #tpu.memory_space<vmem>> -> memref<1x128xi32, #tpu.memory_space<vmem>>
            %dma_wait3A_316 = arith.constant 0 : i32
            %dma_wait3A_317 = tpu.memref_slice %dma_wait3A_315[%run_scoped3A_229, %dma_wait3A_316] : memref<1x128xi32, #tpu.memory_space<vmem>> -> memref<1x128xi32, #tpu.memory_space<vmem>>
            %dma_wait3A_318 = tpu.memref_squeeze %dma_wait3A_317 : memref<1x128xi32, #tpu.memory_space<vmem>> -> memref<128xi32, #tpu.memory_space<vmem>>
            %dma_wait3A_319 = arith.constant 0 : i32
            %dma_wait3A_320 = arith.constant 0 : i32
            %dma_wait3A_321 = tpu.memref_slice %arg2[%dma_wait3A_319, %dma_wait3A_320] : memref<10112x128xf32, #tpu.memory_space<hbm>> -> memref<10112x128xf32, #tpu.memory_space<hbm>>
            tpu.wait_indirect_dma semaphore(%run_scoped3A_294 : memref<!tpu.dma_semaphore, #tpu.memory_space<semaphore_mem>>) src(%dma_wait3A_321 : memref<10112x128xf32, #tpu.memory_space<hbm>>) dst(%dma_wait3A_311 : memref<128x128xf32, #tpu.memory_space<vmem>>)
            tpu.yield
          }) : () -> ()
          "tpu.trace_stop"() : () -> ()
          %ne3A_230 = arith.cmpi ne, %add3A_155, %add3A_173 : i32
          %or3A_231 = arith.constant false
          %or3A_232 = arith.ori %or3A_231, %ne3A_230 : i1
          %or3A_233 = arith.ori %or3A_232, %eq3A_154 : i1
          %convert_element_type3A_234 = arith.extui %or3A_233 : i1 to i32
          %cond3A_235 = arith.constant 0 : i32
          %cond3A_236 = arith.cmpi ne, %convert_element_type3A_234, %cond3A_235 : i32
          scf.if %cond3A_236 {
          } else {
          }
          %and3A_237 = arith.constant false
          %and3A_238 = arith.andi %or3A_233, %and3A_237 : i1
          %ne3A_239 = arith.cmpi ne, %add3A_155, %add3A_173 : i32
          %or3A_240 = arith.constant false
          %or3A_241 = arith.ori %or3A_240, %ne3A_239 : i1
          %or3A_242 = arith.constant false
          %or3A_243 = arith.ori %or3A_241, %or3A_242 : i1
          %or3A_244 = arith.ori %or3A_243, %eq3A_154 : i1
          %convert_element_type3A_245 = arith.extui %or3A_244 : i1 to i32
          %cond3A_246 = arith.constant 0 : i32
          %cond3A_247 = arith.cmpi ne, %convert_element_type3A_245, %cond3A_246 : i32
          scf.if %cond3A_247 {
            "tpu.trace_start"() <{level = 10 : i32, message = "ep_copy_out"}> : () -> ()
            %rem3A_294 = arith.constant 2 : i32
            %rem3A_295 = arith.remui %while3A_145, %rem3A_294 : i32
            %mul3A_296 = arith.constant 128 : i32
            %mul3A_297 = arith.muli %mul3A_296, %add3A_155 : i32
            %dma_start3A_298 = arith.constant 0 : i32
            %dma_start3A_299 = arith.constant 0 : i32
            %dma_start3A_300 = tpu.memref_slice %run_scoped3A_18[%rem3A_295, %dma_start3A_298, %dma_start3A_299] : memref<2x128x128xf32, #tpu.memory_space<vmem>> -> memref<1x128x128xf32, #tpu.memory_space<vmem>>
            %dma_start3A_301 = tpu.memref_squeeze %dma_start3A_300 : memref<1x128x128xf32, #tpu.memory_space<vmem>> -> memref<128x128xf32, #tpu.memory_space<vmem>>
            %dma_start3A_302 = arith.constant 0 : i32
            %dma_start3A_303 = tpu.memref_slice %arg4[%mul3A_297, %dma_start3A_302] : memref<50048x128xf32, #tpu.memory_space<hbm>> -> memref<128x128xf32, #tpu.memory_space<hbm>>
            %dma_start3A_304 = tpu.memref_slice %run_scoped3A_19[%rem3A_295] : memref<2x!tpu.dma_semaphore, #tpu.memory_space<semaphore_mem>> -> memref<1x!tpu.dma_semaphore, #tpu.memory_space<semaphore_mem>>
            %dma_start3A_305 = tpu.memref_squeeze %dma_start3A_304 : memref<1x!tpu.dma_semaphore, #tpu.memory_space<semaphore_mem>> -> memref<!tpu.dma_semaphore, #tpu.memory_space<semaphore_mem>>
            %dma_start3A_306 = arith.constant 0 : i32
            %dma_start3A_307 = tpu.memref_slice %arg4[%mul3A_297, %dma_start3A_306] : memref<50048x128xf32, #tpu.memory_space<hbm>> -> memref<128x128xf32, #tpu.memory_space<hbm>>
            %dma_start3A_308 = arith.constant 0 : i32
            %dma_start3A_309 = arith.constant 0 : i32
            %dma_start3A_310 = tpu.memref_slice %run_scoped3A_18[%rem3A_295, %dma_start3A_308, %dma_start3A_309] : memref<2x128x128xf32, #tpu.memory_space<vmem>> -> memref<1x128x128xf32, #tpu.memory_space<vmem>>
            %dma_start3A_311 = tpu.memref_squeeze %dma_start3A_310 : memref<1x128x128xf32, #tpu.memory_space<vmem>> -> memref<128x128xf32, #tpu.memory_space<vmem>>
            tpu.enqueue_dma source(%dma_start3A_311 : memref<128x128xf32, #tpu.memory_space<vmem>>) target(%dma_start3A_307 : memref<128x128xf32, #tpu.memory_space<hbm>>) target_semaphore(%dma_start3A_305 : memref<!tpu.dma_semaphore, #tpu.memory_space<semaphore_mem>>)
            "tpu.trace_stop"() : () -> ()
          } else {
          }
          %and3A_248 = arith.constant true
          %and3A_249 = arith.andi %or3A_244, %and3A_248 : i1
          %add3A_250 = arith.constant 1 : i32
          %add3A_251 = arith.addi %while3A_145, %add3A_250 : i32
          %select_n3A_252 = arith.select %and3A_249, %add3A_251, %while3A_145 : i32
          %ne3A_253 = arith.cmpi ne, %add3A_155, %add3A_165 : i32
          %or3A_254 = arith.constant false
          %or3A_255 = arith.ori %or3A_254, %ne3A_253 : i1
          %not3A_256 = arith.constant true
          %not3A_257 = arith.xori %eq3A_151, %not3A_256 : i1
          %and3A_258 = arith.andi %or3A_255, %not3A_257 : i1
          %convert_element_type3A_259 = arith.extui %and3A_258 : i1 to i32
          %cond3A_260 = arith.constant 0 : i32
          %cond3A_261 = arith.cmpi ne, %convert_element_type3A_259, %cond3A_260 : i32
          scf.if %cond3A_261 {
          } else {
          }
          %and3A_262 = arith.constant false
          %and3A_263 = arith.andi %and3A_258, %and3A_262 : i1
          %ne3A_264 = arith.cmpi ne, %add3A_155, %add3A_165 : i32
          %or3A_265 = arith.constant false
          %or3A_266 = arith.ori %or3A_265, %ne3A_264 : i1
          %or3A_267 = arith.constant false
          %or3A_268 = arith.ori %or3A_266, %or3A_267 : i1
          %not3A_269 = arith.constant true
          %not3A_270 = arith.xori %eq3A_151, %not3A_269 : i1
          %and3A_271 = arith.andi %or3A_268, %not3A_270 : i1
          %convert_element_type3A_272 = arith.extui %and3A_271 : i1 to i32
          %cond3A_273 = arith.constant 0 : i32
          %cond3A_274 = arith.cmpi ne, %convert_element_type3A_272, %cond3A_273 : i32
          scf.if %cond3A_274 {
            "tpu.trace_start"() <{level = 10 : i32, message = "ep_wait_out"}> : () -> ()
            %rem3A_294 = arith.constant 2 : i32
            %rem3A_295 = arith.remui %while3A_146, %rem3A_294 : i32
            %mul3A_296 = arith.constant 128 : i32
            %mul3A_297 = arith.muli %mul3A_296, %add3A_165 : i32
            %dma_wait3A = arith.constant 0 : i32
            %dma_wait3A_298 = arith.constant 0 : i32
            %dma_wait3A_299 = tpu.memref_slice %run_scoped3A_18[%rem3A_295, %dma_wait3A, %dma_wait3A_298] : memref<2x128x128xf32, #tpu.memory_space<vmem>> -> memref<1x128x128xf32, #tpu.memory_space<vmem>>
            %dma_wait3A_300 = tpu.memref_squeeze %dma_wait3A_299 : memref<1x128x128xf32, #tpu.memory_space<vmem>> -> memref<128x128xf32, #tpu.memory_space<vmem>>
            %dma_wait3A_301 = arith.constant 0 : i32
            %dma_wait3A_302 = tpu.memref_slice %arg4[%mul3A_297, %dma_wait3A_301] : memref<50048x128xf32, #tpu.memory_space<hbm>> -> memref<128x128xf32, #tpu.memory_space<hbm>>
            %dma_wait3A_303 = tpu.memref_slice %run_scoped3A_19[%rem3A_295] : memref<2x!tpu.dma_semaphore, #tpu.memory_space<semaphore_mem>> -> memref<1x!tpu.dma_semaphore, #tpu.memory_space<semaphore_mem>>
            %dma_wait3A_304 = tpu.memref_squeeze %dma_wait3A_303 : memref<1x!tpu.dma_semaphore, #tpu.memory_space<semaphore_mem>> -> memref<!tpu.dma_semaphore, #tpu.memory_space<semaphore_mem>>
            %dma_wait3A_305 = arith.constant 0 : i32
            %dma_wait3A_306 = tpu.memref_slice %arg4[%mul3A_297, %dma_wait3A_305] : memref<50048x128xf32, #tpu.memory_space<hbm>> -> memref<128x128xf32, #tpu.memory_space<hbm>>
            %dma_wait3A_307 = arith.constant 0 : i32
            %dma_wait3A_308 = arith.constant 0 : i32
            %dma_wait3A_309 = tpu.memref_slice %run_scoped3A_18[%rem3A_295, %dma_wait3A_307, %dma_wait3A_308] : memref<2x128x128xf32, #tpu.memory_space<vmem>> -> memref<1x128x128xf32, #tpu.memory_space<vmem>>
            %dma_wait3A_310 = tpu.memref_squeeze %dma_wait3A_309 : memref<1x128x128xf32, #tpu.memory_space<vmem>> -> memref<128x128xf32, #tpu.memory_space<vmem>>
            tpu.wait_dma2 semaphore(%dma_wait3A_304 : memref<!tpu.dma_semaphore, #tpu.memory_space<semaphore_mem>>) src(%dma_wait3A_310 : memref<128x128xf32, #tpu.memory_space<vmem>>) dst(%dma_wait3A_306 : memref<128x128xf32, #tpu.memory_space<hbm>>)
            "tpu.trace_stop"() : () -> ()
          } else {
          }
          %and3A_275 = arith.constant true
          %and3A_276 = arith.andi %and3A_271, %and3A_275 : i1
          %add3A_277 = arith.constant 1 : i32
          %add3A_278 = arith.addi %while3A_146, %add3A_277 : i32
          %select_n3A_279 = arith.select %and3A_276, %add3A_278, %while3A_146 : i32
          %ne3A_280 = arith.cmpi ne, %add3A_155, %add3A_173 : i32
          %or3A_281 = arith.constant false
          %or3A_282 = arith.ori %or3A_281, %ne3A_280 : i1
          %or3A_283 = arith.ori %or3A_282, %eq3A_154 : i1
          %add3A_284 = arith.constant 1 : i32
          %add3A_285 = arith.addi %while3A_144, %add3A_284 : i32
          %select_n3A_286 = arith.select %or3A_283, %add3A_285, %while3A_144 : i32
          %add3A_287 = arith.constant 1 : i32
          %add3A_288 = arith.addi %while3A_147, %add3A_287 : i32
          %select_n3A_289 = arith.constant true
          %select_n3A_290 = arith.select %select_n3A_289, %add3A_288, %while3A_147 : i32
          %eq3A_291 = arith.cmpi eq, %select_n3A_290, %select_n3A : i32
          %select_n3A_292 = arith.constant 0 : i32
          %select_n3A_293 = arith.select %eq3A_291, %select_n3A_292, %select_n3A_290 : i32
          scf.yield %select_n3A_195, %select_n3A_286, %select_n3A_252, %select_n3A_279, %select_n3A_293 : i32, i32, i32, i32, i32
        }
        %while3A_89 = arith.constant 1 : i32
        %while3A_90:5 = scf.for %while3A_142 = %while3A_86 to %while3A_82 step %while3A_89 iter_args(%while3A_143 = %while3A_88#0, %while3A_144 = %while3A_88#1, %while3A_145 = %while3A_88#2, %while3A_146 = %while3A_88#3, %while3A_147 = %while3A_88#4) -> (i32, i32, i32, i32, i32)  : i32 {
          %mul3A_148 = arith.constant 1 : i32
          %mul3A_149 = arith.muli %mul3A_148, %select_n3A : i32
          %eq3A_150 = arith.constant 0 : i32
          %eq3A_151 = arith.cmpi eq, %while3A_142, %eq3A_150 : i32
          %sub3A_152 = arith.constant 1 : i32
          %sub3A_153 = arith.subi %mul3A_149, %sub3A_152 : i32
          %eq3A_154 = arith.cmpi eq, %while3A_142, %sub3A_153 : i32
          %add3A_155 = arith.addi %while3A_147, %select_n3A_14 : i32
          %sub3A_156 = arith.constant 1 : i32
          %sub3A_157 = arith.subi %while3A_147, %sub3A_156 : i32
          %select_n3A_158 = arith.constant true
          %select_n3A_159 = arith.select %select_n3A_158, %sub3A_157, %while3A_147 : i32
          %eq3A_160 = arith.constant -1 : i32
          %eq3A_161 = arith.cmpi eq, %select_n3A_159, %eq3A_160 : i32
          %sub3A_162 = arith.constant 1 : i32
          %sub3A_163 = arith.subi %select_n3A, %sub3A_162 : i32
          %select_n3A_164 = arith.select %eq3A_161, %sub3A_163, %select_n3A_159 : i32
          %add3A_165 = arith.addi %select_n3A_164, %select_n3A_14 : i32
          %add3A_166 = arith.constant 1 : i32
          %add3A_167 = arith.addi %while3A_147, %add3A_166 : i32
          %select_n3A_168 = arith.constant true
          %select_n3A_169 = arith.select %select_n3A_168, %add3A_167, %while3A_147 : i32
          %eq3A_170 = arith.cmpi eq, %select_n3A_169, %select_n3A : i32
          %select_n3A_171 = arith.constant 0 : i32
          %select_n3A_172 = arith.select %eq3A_170, %select_n3A_171, %select_n3A_169 : i32
          %add3A_173 = arith.addi %select_n3A_172, %select_n3A_14 : i32
          %add3A_174 = arith.constant 1 : i32
          %add3A_175 = arith.addi %select_n3A_172, %add3A_174 : i32
          %select_n3A_176 = arith.constant true
          %select_n3A_177 = arith.select %select_n3A_176, %add3A_175, %select_n3A_172 : i32
          %eq3A_178 = arith.cmpi eq, %select_n3A_177, %select_n3A : i32
          %select_n3A_179 = arith.constant 0 : i32
          %select_n3A_180 = arith.select %eq3A_178, %select_n3A_179, %select_n3A_177 : i32
          %add3A_181 = arith.addi %select_n3A_180, %select_n3A_14 : i32
          %ne3A = arith.cmpi ne, %add3A_155, %add3A_173 : i32
          %or3A = arith.constant false
          %or3A_182 = arith.ori %or3A, %ne3A : i1
          %sub3A_183 = arith.constant 2 : i32
          %sub3A_184 = arith.subi %mul3A_149, %sub3A_183 : i32
          %add3A_185 = arith.constant 1 : i32
          %add3A_186 = arith.addi %sub3A_184, %add3A_185 : i32
          %ge3A = arith.cmpi sge, %while3A_142, %add3A_186 : i32
          %not3A = arith.constant true
          %not3A_187 = arith.xori %ge3A, %not3A : i1
          %and3A = arith.andi %or3A_182, %not3A_187 : i1
          %convert_element_type3A_188 = arith.extui %and3A : i1 to i32
          %cond3A_189 = arith.constant 0 : i32
          %cond3A_190 = arith.cmpi ne, %convert_element_type3A_188, %cond3A_189 : i32
          scf.if %cond3A_190 {
            "tpu.trace_start"() <{level = 10 : i32, message = "ep_copy_in"}> : () -> ()
            %rem3A_294 = arith.constant 2 : i32
            %rem3A_295 = arith.remui %while3A_143, %rem3A_294 : i32
            %mul3A_296 = arith.constant 128 : i32
            %mul3A_297 = arith.muli %mul3A_296, %add3A_173 : i32
            %dma_start3A_298 = arith.constant 0 : i32
            %dma_start3A_299 = arith.constant 0 : i32
            %dma_start3A_300 = tpu.memref_slice %run_scoped3A[%rem3A_295, %dma_start3A_298, %dma_start3A_299] : memref<2x1x128xi32, #tpu.memory_space<vmem>> -> memref<1x1x128xi32, #tpu.memory_space<vmem>>
            %dma_start3A_301 = tpu.memref_squeeze %dma_start3A_300 : memref<1x1x128xi32, #tpu.memory_space<vmem>> -> memref<1x128xi32, #tpu.memory_space<vmem>>
            %dma_start3A_302 = arith.constant 0 : i32
            %dma_start3A_303 = tpu.memref_slice %arg3[%dma_start3A_302, %mul3A_297] : memref<1x50048xi32, #tpu.memory_space<hbm>> -> memref<1x128xi32, #tpu.memory_space<hbm>>
            %dma_start3A_304 = tpu.memref_slice %run_scoped3A_17[%rem3A_295] : memref<2x!tpu.dma_semaphore, #tpu.memory_space<semaphore_mem>> -> memref<1x!tpu.dma_semaphore, #tpu.memory_space<semaphore_mem>>
            %dma_start3A_305 = tpu.memref_squeeze %dma_start3A_304 : memref<1x!tpu.dma_semaphore, #tpu.memory_space<semaphore_mem>> -> memref<!tpu.dma_semaphore, #tpu.memory_space<semaphore_mem>>
            %dma_start3A_306 = arith.constant 0 : i32
            %dma_start3A_307 = arith.constant 0 : i32
            %dma_start3A_308 = tpu.memref_slice %run_scoped3A[%rem3A_295, %dma_start3A_306, %dma_start3A_307] : memref<2x1x128xi32, #tpu.memory_space<vmem>> -> memref<1x1x128xi32, #tpu.memory_space<vmem>>
            %dma_start3A_309 = tpu.memref_squeeze %dma_start3A_308 : memref<1x1x128xi32, #tpu.memory_space<vmem>> -> memref<1x128xi32, #tpu.memory_space<vmem>>
            %dma_start3A_310 = arith.constant 0 : i32
            %dma_start3A_311 = tpu.memref_slice %arg3[%dma_start3A_310, %mul3A_297] : memref<1x50048xi32, #tpu.memory_space<hbm>> -> memref<1x128xi32, #tpu.memory_space<hbm>>
            tpu.enqueue_dma source(%dma_start3A_311 : memref<1x128xi32, #tpu.memory_space<hbm>>) target(%dma_start3A_309 : memref<1x128xi32, #tpu.memory_space<vmem>>) target_semaphore(%dma_start3A_305 : memref<!tpu.dma_semaphore, #tpu.memory_space<semaphore_mem>>)
            "tpu.trace_stop"() : () -> ()
          } else {
          }
          %and3A_191 = arith.constant true
          %and3A_192 = arith.andi %and3A, %and3A_191 : i1
          %add3A_193 = arith.constant 1 : i32
          %add3A_194 = arith.addi %while3A_143, %add3A_193 : i32
          %select_n3A_195 = arith.select %and3A_192, %add3A_194, %while3A_143 : i32
          %ne3A_196 = arith.cmpi ne, %add3A_155, %add3A_173 : i32
          %or3A_197 = arith.constant false
          %or3A_198 = arith.ori %or3A_197, %ne3A_196 : i1
          %or3A_199 = arith.constant false
          %or3A_200 = arith.ori %or3A_198, %or3A_199 : i1
          %sub3A_201 = arith.constant 2 : i32
          %sub3A_202 = arith.subi %mul3A_149, %sub3A_201 : i32
          %add3A_203 = arith.constant 1 : i32
          %add3A_204 = arith.addi %sub3A_202, %add3A_203 : i32
          %ge3A_205 = arith.cmpi sge, %while3A_142, %add3A_204 : i32
          %not3A_206 = arith.constant true
          %not3A_207 = arith.xori %ge3A_205, %not3A_206 : i1
          %and3A_208 = arith.andi %or3A_200, %not3A_207 : i1
          %ne3A_209 = arith.cmpi ne, %add3A_155, %add3A_165 : i32
          %or3A_210 = arith.constant false
          %or3A_211 = arith.ori %or3A_210, %ne3A_209 : i1
          %or3A_212 = arith.ori %or3A_211, %eq3A_151 : i1
          %convert_element_type3A_213 = arith.extui %or3A_212 : i1 to i32
          %cond3A_214 = arith.constant 0 : i32
          %cond3A_215 = arith.cmpi ne, %convert_element_type3A_213, %cond3A_214 : i32
          scf.if %cond3A_215 {
            "tpu.trace_start"() <{level = 10 : i32, message = "ep_wait_in"}> : () -> ()
            %mul3A_294 = arith.constant 128 : i32
            %mul3A_295 = arith.muli %mul3A_294, %add3A_155 : i32
            %rem3A_296 = arith.constant 2 : i32
            %rem3A_297 = arith.remui %while3A_144, %rem3A_296 : i32
            %dma_wait3A = arith.constant 0 : i32
            %dma_wait3A_298 = arith.constant 0 : i32
            %dma_wait3A_299 = tpu.memref_slice %run_scoped3A[%rem3A_297, %dma_wait3A, %dma_wait3A_298] : memref<2x1x128xi32, #tpu.memory_space<vmem>> -> memref<1x1x128xi32, #tpu.memory_space<vmem>>
            %dma_wait3A_300 = tpu.memref_squeeze %dma_wait3A_299 : memref<1x1x128xi32, #tpu.memory_space<vmem>> -> memref<1x128xi32, #tpu.memory_space<vmem>>
            %dma_wait3A_301 = arith.constant 0 : i32
            %dma_wait3A_302 = tpu.memref_slice %arg3[%dma_wait3A_301, %mul3A_295] : memref<1x50048xi32, #tpu.memory_space<hbm>> -> memref<1x128xi32, #tpu.memory_space<hbm>>
            %dma_wait3A_303 = tpu.memref_slice %run_scoped3A_17[%rem3A_297] : memref<2x!tpu.dma_semaphore, #tpu.memory_space<semaphore_mem>> -> memref<1x!tpu.dma_semaphore, #tpu.memory_space<semaphore_mem>>
            %dma_wait3A_304 = tpu.memref_squeeze %dma_wait3A_303 : memref<1x!tpu.dma_semaphore, #tpu.memory_space<semaphore_mem>> -> memref<!tpu.dma_semaphore, #tpu.memory_space<semaphore_mem>>
            %dma_wait3A_305 = arith.constant 0 : i32
            %dma_wait3A_306 = arith.constant 0 : i32
            %dma_wait3A_307 = tpu.memref_slice %run_scoped3A[%rem3A_297, %dma_wait3A_305, %dma_wait3A_306] : memref<2x1x128xi32, #tpu.memory_space<vmem>> -> memref<1x1x128xi32, #tpu.memory_space<vmem>>
            %dma_wait3A_308 = tpu.memref_squeeze %dma_wait3A_307 : memref<1x1x128xi32, #tpu.memory_space<vmem>> -> memref<1x128xi32, #tpu.memory_space<vmem>>
            %dma_wait3A_309 = arith.constant 0 : i32
            %dma_wait3A_310 = tpu.memref_slice %arg3[%dma_wait3A_309, %mul3A_295] : memref<1x50048xi32, #tpu.memory_space<hbm>> -> memref<1x128xi32, #tpu.memory_space<hbm>>
            tpu.wait_dma2 semaphore(%dma_wait3A_304 : memref<!tpu.dma_semaphore, #tpu.memory_space<semaphore_mem>>) src(%dma_wait3A_310 : memref<1x128xi32, #tpu.memory_space<hbm>>) dst(%dma_wait3A_308 : memref<1x128xi32, #tpu.memory_space<vmem>>)
            "tpu.trace_stop"() : () -> ()
          } else {
          }
          %ne3A_216 = arith.cmpi ne, %add3A_155, %add3A_165 : i32
          %or3A_217 = arith.constant false
          %or3A_218 = arith.ori %or3A_217, %ne3A_216 : i1
          %or3A_219 = arith.constant false
          %or3A_220 = arith.ori %or3A_218, %or3A_219 : i1
          %or3A_221 = arith.ori %or3A_220, %eq3A_151 : i1
          %convert_element_type3A_222 = arith.extui %or3A_221 : i1 to i32
          %cond3A_223 = arith.constant 0 : i32
          %cond3A_224 = arith.cmpi ne, %convert_element_type3A_222, %cond3A_223 : i32
          scf.if %cond3A_224 {
          } else {
          }
          %rem3A_225 = arith.constant 2 : i32
          %rem3A_226 = arith.remui %while3A_144, %rem3A_225 : i32
          %rem3A_227 = arith.constant 2 : i32
          %rem3A_228 = arith.remui %while3A_145, %rem3A_227 : i32
          %run_scoped3A_229 = arith.constant 0 : i32
          "tpu.trace_start"() <{level = 10 : i32, message = "ep_run_kernel"}> : () -> ()
          "tpu.region"() ({
            %run_scoped3A_294 = tpu.sem_alloc : memref<!tpu.dma_semaphore, #tpu.memory_space<semaphore_mem>>
            %dma_start3A_295 = arith.constant 0 : i32
            %dma_start3A_296 = arith.constant 0 : i32
            %dma_start3A_297 = tpu.memref_slice %run_scoped3A_18[%rem3A_228, %dma_start3A_295, %dma_start3A_296] : memref<2x128x128xf32, #tpu.memory_space<vmem>> -> memref<1x128x128xf32, #tpu.memory_space<vmem>>
            %dma_start3A_298 = tpu.memref_squeeze %dma_start3A_297 : memref<1x128x128xf32, #tpu.memory_space<vmem>> -> memref<128x128xf32, #tpu.memory_space<vmem>>
            %dma_start3A_299 = arith.constant 0 : i32
            %dma_start3A_300 = arith.constant 0 : i32
            %dma_start3A_301 = tpu.memref_slice %run_scoped3A[%rem3A_226, %dma_start3A_299, %dma_start3A_300] : memref<2x1x128xi32, #tpu.memory_space<vmem>> -> memref<1x1x128xi32, #tpu.memory_space<vmem>>
            %dma_start3A_302 = tpu.memref_squeeze %dma_start3A_301 : memref<1x1x128xi32, #tpu.memory_space<vmem>> -> memref<1x128xi32, #tpu.memory_space<vmem>>
            %dma_start3A_303 = arith.constant 0 : i32
            %dma_start3A_304 = tpu.memref_slice %dma_start3A_302[%run_scoped3A_229, %dma_start3A_303] : memref<1x128xi32, #tpu.memory_space<vmem>> -> memref<1x128xi32, #tpu.memory_space<vmem>>
            %dma_start3A_305 = tpu.memref_squeeze %dma_start3A_304 : memref<1x128xi32, #tpu.memory_space<vmem>> -> memref<128xi32, #tpu.memory_space<vmem>>
            %dma_start3A_306 = arith.constant 0 : i32
            %dma_start3A_307 = arith.constant 0 : i32
            %dma_start3A_308 = tpu.memref_slice %arg2[%dma_start3A_306, %dma_start3A_307] : memref<10112x128xf32, #tpu.memory_space<hbm>> -> memref<10112x128xf32, #tpu.memory_space<hbm>>
            tpu.enqueue_indirect_dma source(%dma_start3A_308 : memref<10112x128xf32, #tpu.memory_space<hbm>>) target(%dma_start3A_298 : memref<128x128xf32, #tpu.memory_space<vmem>>) offsets(%dma_start3A_305 : memref<128xi32, #tpu.memory_space<vmem>>) semaphore(%run_scoped3A_294 : memref<!tpu.dma_semaphore, #tpu.memory_space<semaphore_mem>>)
            %dma_wait3A = arith.constant 0 : i32
            %dma_wait3A_309 = arith.constant 0 : i32
            %dma_wait3A_310 = tpu.memref_slice %run_scoped3A_18[%rem3A_228, %dma_wait3A, %dma_wait3A_309] : memref<2x128x128xf32, #tpu.memory_space<vmem>> -> memref<1x128x128xf32, #tpu.memory_space<vmem>>
            %dma_wait3A_311 = tpu.memref_squeeze %dma_wait3A_310 : memref<1x128x128xf32, #tpu.memory_space<vmem>> -> memref<128x128xf32, #tpu.memory_space<vmem>>
            %dma_wait3A_312 = arith.constant 0 : i32
            %dma_wait3A_313 = arith.constant 0 : i32
            %dma_wait3A_314 = tpu.memref_slice %run_scoped3A[%rem3A_226, %dma_wait3A_312, %dma_wait3A_313] : memref<2x1x128xi32, #tpu.memory_space<vmem>> -> memref<1x1x128xi32, #tpu.memory_space<vmem>>
            %dma_wait3A_315 = tpu.memref_squeeze %dma_wait3A_314 : memref<1x1x128xi32, #tpu.memory_space<vmem>> -> memref<1x128xi32, #tpu.memory_space<vmem>>
            %dma_wait3A_316 = arith.constant 0 : i32
            %dma_wait3A_317 = tpu.memref_slice %dma_wait3A_315[%run_scoped3A_229, %dma_wait3A_316] : memref<1x128xi32, #tpu.memory_space<vmem>> -> memref<1x128xi32, #tpu.memory_space<vmem>>
            %dma_wait3A_318 = tpu.memref_squeeze %dma_wait3A_317 : memref<1x128xi32, #tpu.memory_space<vmem>> -> memref<128xi32, #tpu.memory_space<vmem>>
            %dma_wait3A_319 = arith.constant 0 : i32
            %dma_wait3A_320 = arith.constant 0 : i32
            %dma_wait3A_321 = tpu.memref_slice %arg2[%dma_wait3A_319, %dma_wait3A_320] : memref<10112x128xf32, #tpu.memory_space<hbm>> -> memref<10112x128xf32, #tpu.memory_space<hbm>>
            tpu.wait_indirect_dma semaphore(%run_scoped3A_294 : memref<!tpu.dma_semaphore, #tpu.memory_space<semaphore_mem>>) src(%dma_wait3A_321 : memref<10112x128xf32, #tpu.memory_space<hbm>>) dst(%dma_wait3A_311 : memref<128x128xf32, #tpu.memory_space<vmem>>)
            tpu.yield
          }) : () -> ()
          "tpu.trace_stop"() : () -> ()
          %ne3A_230 = arith.cmpi ne, %add3A_155, %add3A_173 : i32
          %or3A_231 = arith.constant false
          %or3A_232 = arith.ori %or3A_231, %ne3A_230 : i1
          %or3A_233 = arith.ori %or3A_232, %eq3A_154 : i1
          %convert_element_type3A_234 = arith.extui %or3A_233 : i1 to i32
          %cond3A_235 = arith.constant 0 : i32
          %cond3A_236 = arith.cmpi ne, %convert_element_type3A_234, %cond3A_235 : i32
          scf.if %cond3A_236 {
          } else {
          }
          %and3A_237 = arith.constant false
          %and3A_238 = arith.andi %or3A_233, %and3A_237 : i1
          %ne3A_239 = arith.cmpi ne, %add3A_155, %add3A_173 : i32
          %or3A_240 = arith.constant false
          %or3A_241 = arith.ori %or3A_240, %ne3A_239 : i1
          %or3A_242 = arith.constant false
          %or3A_243 = arith.ori %or3A_241, %or3A_242 : i1
          %or3A_244 = arith.ori %or3A_243, %eq3A_154 : i1
          %convert_element_type3A_245 = arith.extui %or3A_244 : i1 to i32
          %cond3A_246 = arith.constant 0 : i32
          %cond3A_247 = arith.cmpi ne, %convert_element_type3A_245, %cond3A_246 : i32
          scf.if %cond3A_247 {
            "tpu.trace_start"() <{level = 10 : i32, message = "ep_copy_out"}> : () -> ()
            %rem3A_294 = arith.constant 2 : i32
            %rem3A_295 = arith.remui %while3A_145, %rem3A_294 : i32
            %mul3A_296 = arith.constant 128 : i32
            %mul3A_297 = arith.muli %mul3A_296, %add3A_155 : i32
            %dma_start3A_298 = arith.constant 0 : i32
            %dma_start3A_299 = arith.constant 0 : i32
            %dma_start3A_300 = tpu.memref_slice %run_scoped3A_18[%rem3A_295, %dma_start3A_298, %dma_start3A_299] : memref<2x128x128xf32, #tpu.memory_space<vmem>> -> memref<1x128x128xf32, #tpu.memory_space<vmem>>
            %dma_start3A_301 = tpu.memref_squeeze %dma_start3A_300 : memref<1x128x128xf32, #tpu.memory_space<vmem>> -> memref<128x128xf32, #tpu.memory_space<vmem>>
            %dma_start3A_302 = arith.constant 0 : i32
            %dma_start3A_303 = tpu.memref_slice %arg4[%mul3A_297, %dma_start3A_302] : memref<50048x128xf32, #tpu.memory_space<hbm>> -> memref<128x128xf32, #tpu.memory_space<hbm>>
            %dma_start3A_304 = tpu.memref_slice %run_scoped3A_19[%rem3A_295] : memref<2x!tpu.dma_semaphore, #tpu.memory_space<semaphore_mem>> -> memref<1x!tpu.dma_semaphore, #tpu.memory_space<semaphore_mem>>
            %dma_start3A_305 = tpu.memref_squeeze %dma_start3A_304 : memref<1x!tpu.dma_semaphore, #tpu.memory_space<semaphore_mem>> -> memref<!tpu.dma_semaphore, #tpu.memory_space<semaphore_mem>>
            %dma_start3A_306 = arith.constant 0 : i32
            %dma_start3A_307 = tpu.memref_slice %arg4[%mul3A_297, %dma_start3A_306] : memref<50048x128xf32, #tpu.memory_space<hbm>> -> memref<128x128xf32, #tpu.memory_space<hbm>>
            %dma_start3A_308 = arith.constant 0 : i32
            %dma_start3A_309 = arith.constant 0 : i32
            %dma_start3A_310 = tpu.memref_slice %run_scoped3A_18[%rem3A_295, %dma_start3A_308, %dma_start3A_309] : memref<2x128x128xf32, #tpu.memory_space<vmem>> -> memref<1x128x128xf32, #tpu.memory_space<vmem>>
            %dma_start3A_311 = tpu.memref_squeeze %dma_start3A_310 : memref<1x128x128xf32, #tpu.memory_space<vmem>> -> memref<128x128xf32, #tpu.memory_space<vmem>>
            tpu.enqueue_dma source(%dma_start3A_311 : memref<128x128xf32, #tpu.memory_space<vmem>>) target(%dma_start3A_307 : memref<128x128xf32, #tpu.memory_space<hbm>>) target_semaphore(%dma_start3A_305 : memref<!tpu.dma_semaphore, #tpu.memory_space<semaphore_mem>>)
            "tpu.trace_stop"() : () -> ()
          } else {
          }
          %and3A_248 = arith.constant true
          %and3A_249 = arith.andi %or3A_244, %and3A_248 : i1
          %add3A_250 = arith.constant 1 : i32
          %add3A_251 = arith.addi %while3A_145, %add3A_250 : i32
          %select_n3A_252 = arith.select %and3A_249, %add3A_251, %while3A_145 : i32
          %ne3A_253 = arith.cmpi ne, %add3A_155, %add3A_165 : i32
          %or3A_254 = arith.constant false
          %or3A_255 = arith.ori %or3A_254, %ne3A_253 : i1
          %not3A_256 = arith.constant true
          %not3A_257 = arith.xori %eq3A_151, %not3A_256 : i1
          %and3A_258 = arith.andi %or3A_255, %not3A_257 : i1
          %convert_element_type3A_259 = arith.extui %and3A_258 : i1 to i32
          %cond3A_260 = arith.constant 0 : i32
          %cond3A_261 = arith.cmpi ne, %convert_element_type3A_259, %cond3A_260 : i32
          scf.if %cond3A_261 {
          } else {
          }
          %and3A_262 = arith.constant false
          %and3A_263 = arith.andi %and3A_258, %and3A_262 : i1
          %ne3A_264 = arith.cmpi ne, %add3A_155, %add3A_165 : i32
          %or3A_265 = arith.constant false
          %or3A_266 = arith.ori %or3A_265, %ne3A_264 : i1
          %or3A_267 = arith.constant false
          %or3A_268 = arith.ori %or3A_266, %or3A_267 : i1
          %not3A_269 = arith.constant true
          %not3A_270 = arith.xori %eq3A_151, %not3A_269 : i1
          %and3A_271 = arith.andi %or3A_268, %not3A_270 : i1
          %convert_element_type3A_272 = arith.extui %and3A_271 : i1 to i32
          %cond3A_273 = arith.constant 0 : i32
          %cond3A_274 = arith.cmpi ne, %convert_element_type3A_272, %cond3A_273 : i32
          scf.if %cond3A_274 {
            "tpu.trace_start"() <{level = 10 : i32, message = "ep_wait_out"}> : () -> ()
            %rem3A_294 = arith.constant 2 : i32
            %rem3A_295 = arith.remui %while3A_146, %rem3A_294 : i32
            %mul3A_296 = arith.constant 128 : i32
            %mul3A_297 = arith.muli %mul3A_296, %add3A_165 : i32
            %dma_wait3A = arith.constant 0 : i32
            %dma_wait3A_298 = arith.constant 0 : i32
            %dma_wait3A_299 = tpu.memref_slice %run_scoped3A_18[%rem3A_295, %dma_wait3A, %dma_wait3A_298] : memref<2x128x128xf32, #tpu.memory_space<vmem>> -> memref<1x128x128xf32, #tpu.memory_space<vmem>>
            %dma_wait3A_300 = tpu.memref_squeeze %dma_wait3A_299 : memref<1x128x128xf32, #tpu.memory_space<vmem>> -> memref<128x128xf32, #tpu.memory_space<vmem>>
            %dma_wait3A_301 = arith.constant 0 : i32
            %dma_wait3A_302 = tpu.memref_slice %arg4[%mul3A_297, %dma_wait3A_301] : memref<50048x128xf32, #tpu.memory_space<hbm>> -> memref<128x128xf32, #tpu.memory_space<hbm>>
            %dma_wait3A_303 = tpu.memref_slice %run_scoped3A_19[%rem3A_295] : memref<2x!tpu.dma_semaphore, #tpu.memory_space<semaphore_mem>> -> memref<1x!tpu.dma_semaphore, #tpu.memory_space<semaphore_mem>>
            %dma_wait3A_304 = tpu.memref_squeeze %dma_wait3A_303 : memref<1x!tpu.dma_semaphore, #tpu.memory_space<semaphore_mem>> -> memref<!tpu.dma_semaphore, #tpu.memory_space<semaphore_mem>>
            %dma_wait3A_305 = arith.constant 0 : i32
            %dma_wait3A_306 = tpu.memref_slice %arg4[%mul3A_297, %dma_wait3A_305] : memref<50048x128xf32, #tpu.memory_space<hbm>> -> memref<128x128xf32, #tpu.memory_space<hbm>>
            %dma_wait3A_307 = arith.constant 0 : i32
            %dma_wait3A_308 = arith.constant 0 : i32
            %dma_wait3A_309 = tpu.memref_slice %run_scoped3A_18[%rem3A_295, %dma_wait3A_307, %dma_wait3A_308] : memref<2x128x128xf32, #tpu.memory_space<vmem>> -> memref<1x128x128xf32, #tpu.memory_space<vmem>>
            %dma_wait3A_310 = tpu.memref_squeeze %dma_wait3A_309 : memref<1x128x128xf32, #tpu.memory_space<vmem>> -> memref<128x128xf32, #tpu.memory_space<vmem>>
            tpu.wait_dma2 semaphore(%dma_wait3A_304 : memref<!tpu.dma_semaphore, #tpu.memory_space<semaphore_mem>>) src(%dma_wait3A_310 : memref<128x128xf32, #tpu.memory_space<vmem>>) dst(%dma_wait3A_306 : memref<128x128xf32, #tpu.memory_space<hbm>>)
            "tpu.trace_stop"() : () -> ()
          } else {
          }
          %and3A_275 = arith.constant true
          %and3A_276 = arith.andi %and3A_271, %and3A_275 : i1
          %add3A_277 = arith.constant 1 : i32
          %add3A_278 = arith.addi %while3A_146, %add3A_277 : i32
          %select_n3A_279 = arith.select %and3A_276, %add3A_278, %while3A_146 : i32
          %ne3A_280 = arith.cmpi ne, %add3A_155, %add3A_173 : i32
          %or3A_281 = arith.constant false
          %or3A_282 = arith.ori %or3A_281, %ne3A_280 : i1
          %or3A_283 = arith.ori %or3A_282, %eq3A_154 : i1
          %add3A_284 = arith.constant 1 : i32
          %add3A_285 = arith.addi %while3A_144, %add3A_284 : i32
          %select_n3A_286 = arith.select %or3A_283, %add3A_285, %while3A_144 : i32
          %add3A_287 = arith.constant 1 : i32
          %add3A_288 = arith.addi %while3A_147, %add3A_287 : i32
          %select_n3A_289 = arith.constant true
          %select_n3A_290 = arith.select %select_n3A_289, %add3A_288, %while3A_147 : i32
          %eq3A_291 = arith.cmpi eq, %select_n3A_290, %select_n3A : i32
          %select_n3A_292 = arith.constant 0 : i32
          %select_n3A_293 = arith.select %eq3A_291, %select_n3A_292, %select_n3A_290 : i32
          scf.yield %select_n3A_195, %select_n3A_286, %select_n3A_252, %select_n3A_279, %select_n3A_293 : i32, i32, i32, i32, i32
        }
        %sub3A_91 = arith.constant 1 : i32
        %sub3A_92 = arith.subi %while3A_90#4, %sub3A_91 : i32
        %select_n3A_93 = arith.constant true
        %select_n3A_94 = arith.select %select_n3A_93, %sub3A_92, %while3A_90#4 : i32
        %eq3A_95 = arith.constant -1 : i32
        %eq3A_96 = arith.cmpi eq, %select_n3A_94, %eq3A_95 : i32
        %sub3A_97 = arith.constant 1 : i32
        %sub3A_98 = arith.subi %select_n3A, %sub3A_97 : i32
        %select_n3A_99 = arith.select %eq3A_96, %sub3A_98, %select_n3A_94 : i32
        %sub3A_100 = arith.constant 1 : i32
        %sub3A_101 = arith.subi %mul3A_16, %sub3A_100 : i32
        %mul3A_102 = arith.constant 1 : i32
        %mul3A_103 = arith.muli %mul3A_102, %select_n3A : i32
        %eq3A_104 = arith.constant 0 : i32
        %eq3A_105 = arith.cmpi eq, %sub3A_101, %eq3A_104 : i32
        %sub3A_106 = arith.constant 1 : i32
        %sub3A_107 = arith.subi %mul3A_103, %sub3A_106 : i32
        %eq3A_108 = arith.cmpi eq, %sub3A_101, %sub3A_107 : i32
        %add3A_109 = arith.addi %select_n3A_99, %select_n3A_14 : i32
        %sub3A_110 = arith.constant 1 : i32
        %sub3A_111 = arith.subi %select_n3A_99, %sub3A_110 : i32
        %select_n3A_112 = arith.constant true
        %select_n3A_113 = arith.select %select_n3A_112, %sub3A_111, %select_n3A_99 : i32
        %eq3A_114 = arith.constant -1 : i32
        %eq3A_115 = arith.cmpi eq, %select_n3A_113, %eq3A_114 : i32
        %sub3A_116 = arith.constant 1 : i32
        %sub3A_117 = arith.subi %select_n3A, %sub3A_116 : i32
        %select_n3A_118 = arith.select %eq3A_115, %sub3A_117, %select_n3A_113 : i32
        %add3A_119 = arith.addi %select_n3A_118, %select_n3A_14 : i32
        %add3A_120 = arith.constant 1 : i32
        %add3A_121 = arith.addi %select_n3A_99, %add3A_120 : i32
        %select_n3A_122 = arith.constant true
        %select_n3A_123 = arith.select %select_n3A_122, %add3A_121, %select_n3A_99 : i32
        %eq3A_124 = arith.cmpi eq, %select_n3A_123, %select_n3A : i32
        %select_n3A_125 = arith.constant 0 : i32
        %select_n3A_126 = arith.select %eq3A_124, %select_n3A_125, %select_n3A_123 : i32
        %add3A_127 = arith.addi %select_n3A_126, %select_n3A_14 : i32
        %add3A_128 = arith.constant 1 : i32
        %add3A_129 = arith.addi %select_n3A_126, %add3A_128 : i32
        %select_n3A_130 = arith.constant true
        %select_n3A_131 = arith.select %select_n3A_130, %add3A_129, %select_n3A_126 : i32
        %eq3A_132 = arith.cmpi eq, %select_n3A_131, %select_n3A : i32
        %select_n3A_133 = arith.constant 0 : i32
        %select_n3A_134 = arith.select %eq3A_132, %select_n3A_133, %select_n3A_131 : i32
        %add3A_135 = arith.addi %select_n3A_134, %select_n3A_14 : i32
        %convert_element_type3A_136 = arith.extui %eq3A_108 : i1 to i32
        %cond3A_137 = arith.constant 0 : i32
        %cond3A_138 = arith.cmpi ne, %convert_element_type3A_136, %cond3A_137 : i32
        scf.if %cond3A_138 {
        } else {
        }
        %convert_element_type3A_139 = arith.extui %eq3A_108 : i1 to i32
        %cond3A_140 = arith.constant 0 : i32
        %cond3A_141 = arith.cmpi ne, %convert_element_type3A_139, %cond3A_140 : i32
        scf.if %cond3A_141 {
          "tpu.trace_start"() <{level = 10 : i32, message = "ep_finalize"}> : () -> ()
          %rem3A_142 = arith.constant 2 : i32
          %rem3A_143 = arith.remui %while3A_90#3, %rem3A_142 : i32
          %mul3A_144 = arith.constant 128 : i32
          %mul3A_145 = arith.muli %mul3A_144, %add3A_109 : i32
          %dma_wait3A = arith.constant 0 : i32
          %dma_wait3A_146 = arith.constant 0 : i32
          %dma_wait3A_147 = tpu.memref_slice %run_scoped3A_18[%rem3A_143, %dma_wait3A, %dma_wait3A_146] : memref<2x128x128xf32, #tpu.memory_space<vmem>> -> memref<1x128x128xf32, #tpu.memory_space<vmem>>
          %dma_wait3A_148 = tpu.memref_squeeze %dma_wait3A_147 : memref<1x128x128xf32, #tpu.memory_space<vmem>> -> memref<128x128xf32, #tpu.memory_space<vmem>>
          %dma_wait3A_149 = arith.constant 0 : i32
          %dma_wait3A_150 = tpu.memref_slice %arg4[%mul3A_145, %dma_wait3A_149] : memref<50048x128xf32, #tpu.memory_space<hbm>> -> memref<128x128xf32, #tpu.memory_space<hbm>>
          %dma_wait3A_151 = tpu.memref_slice %run_scoped3A_19[%rem3A_143] : memref<2x!tpu.dma_semaphore, #tpu.memory_space<semaphore_mem>> -> memref<1x!tpu.dma_semaphore, #tpu.memory_space<semaphore_mem>>
          %dma_wait3A_152 = tpu.memref_squeeze %dma_wait3A_151 : memref<1x!tpu.dma_semaphore, #tpu.memory_space<semaphore_mem>> -> memref<!tpu.dma_semaphore, #tpu.memory_space<semaphore_mem>>
          %dma_wait3A_153 = arith.constant 0 : i32
          %dma_wait3A_154 = tpu.memref_slice %arg4[%mul3A_145, %dma_wait3A_153] : memref<50048x128xf32, #tpu.memory_space<hbm>> -> memref<128x128xf32, #tpu.memory_space<hbm>>
          %dma_wait3A_155 = arith.constant 0 : i32
          %dma_wait3A_156 = arith.constant 0 : i32
          %dma_wait3A_157 = tpu.memref_slice %run_scoped3A_18[%rem3A_143, %dma_wait3A_155, %dma_wait3A_156] : memref<2x128x128xf32, #tpu.memory_space<vmem>> -> memref<1x128x128xf32, #tpu.memory_space<vmem>>
          %dma_wait3A_158 = tpu.memref_squeeze %dma_wait3A_157 : memref<1x128x128xf32, #tpu.memory_space<vmem>> -> memref<128x128xf32, #tpu.memory_space<vmem>>
          tpu.wait_dma2 semaphore(%dma_wait3A_152 : memref<!tpu.dma_semaphore, #tpu.memory_space<semaphore_mem>>) src(%dma_wait3A_158 : memref<128x128xf32, #tpu.memory_space<vmem>>) dst(%dma_wait3A_154 : memref<128x128xf32, #tpu.memory_space<hbm>>)
          "tpu.trace_stop"() : () -> ()
        } else {
        }
      } else {
      }
      tpu.yield
    }) : () -> ()
    return
  }
}

#map = affine_map<(d0, d1) -> (0, 0)>
#map1 = affine_map<(d0, d1) -> (0, 0, 0)>
module attributes {stable_mosaic.version = 14 : i64} {
  func.func @sc_kernel(%arg0: i32, %arg1: i32, %arg2: memref<80000x128xf32, #tpu.memory_space<hbm>>, %arg3: memref<1x160000xi32, #tpu.memory_space<hbm>>, %arg4: memref<2x5056x128xf32, #tpu.memory_space<hbm>>, %arg5: memref<2x10112x16xf32, #tpu.memory_space<hbm>>, %arg6: memref<10112x64xf32, #tpu.memory_space<vmem_shared>>, %arg7: memref<10112x16xf32, #tpu.memory_space<vmem_shared>>, %arg8: memref<64x16xf32, #tpu.memory_space<vmem>>, %arg9: memref<632x64xf32, #tpu.memory_space<vmem>>, %arg10: memref<632x16xf32, #tpu.memory_space<vmem>>) attributes {dimension_semantics = [#tpu.dimension_semantics<core_parallel>, #tpu.dimension_semantics<subcore_parallel>], iteration_bounds = array<i64: 2, 16>, scalar_prefetch = 0 : i64, scratch_operands = 5 : i64, tpu.core_type = #tpu.core_type<sc_vector_subcore>, window_params = [{transform_indices = #map}, {transform_indices = #map}, {transform_indices = #map1}, {transform_indices = #map1}]} {
    %scan3A = arith.constant 0 : i32
    %scan3A_0 = arith.constant 64 : i32
    %scan3A_1 = arith.addi %scan3A, %scan3A_0 : i32
    %scan3A_2 = arith.constant 1 : i32
    scf.for %scan3A_36 = %scan3A to %scan3A_1 step %scan3A_2  : i32 {
      %mul3A_37 = arith.constant 1 : i32
      %mul3A_38 = arith.muli %scan3A_36, %mul3A_37 : i32
      %add3A_39 = arith.constant 0 : i32
      %add3A_40 = arith.addi %add3A_39, %mul3A_38 : i32
      %broadcast_in_dim3A = arith.constant 1.000000e+00 : f32
      %broadcast_in_dim3A_41 = vector.broadcast %broadcast_in_dim3A : f32 to vector<1x16xf32>
      %swap3A = arith.index_cast %add3A_40 : i32 to index
      %swap3A_42 = arith.constant 0 : index
      %swap3A_43 = tpu.vector_load %arg8[%swap3A, %swap3A_42] {strides = array<i32>} : memref<64x16xf32, #tpu.memory_space<vmem>>, vector<1x16xf32>,
      %swap3A_44 = vector.shape_cast %swap3A_43 : vector<1x16xf32> to vector<1x16xf32>
      %swap3A_45 = vector.shape_cast %broadcast_in_dim3A_41 : vector<1x16xf32> to vector<1x16xf32>
      tpu.vector_store %arg8[%swap3A, %swap3A_42], %swap3A_45 {strides = array<i32>} : memref<64x16xf32, #tpu.memory_space<vmem>>, vector<1x16xf32>,
    }
    %scan3A_3 = arith.constant 64 : i32
    %scan3A_4 = arith.constant 0 : i32
    %scan3A_5 = arith.constant 632 : i32
    %scan3A_6 = arith.addi %scan3A_4, %scan3A_5 : i32
    %scan3A_7 = arith.constant 1 : i32
    scf.for %scan3A_36 = %scan3A_4 to %scan3A_6 step %scan3A_7  : i32 {
      %mul3A_37 = arith.constant 1 : i32
      %mul3A_38 = arith.muli %scan3A_36, %mul3A_37 : i32
      %add3A_39 = arith.constant 0 : i32
      %add3A_40 = arith.addi %add3A_39, %mul3A_38 : i32
      %broadcast_in_dim3A = arith.constant 0.000000e+00 : f32
      %broadcast_in_dim3A_41 = vector.broadcast %broadcast_in_dim3A : f32 to vector<1x16xf32>
      %swap3A = arith.index_cast %add3A_40 : i32 to index
      %swap3A_42 = arith.constant 0 : index
      %swap3A_43 = tpu.vector_load %arg9[%swap3A, %swap3A_42] {strides = array<i32>} : memref<632x64xf32, #tpu.memory_space<vmem>>, vector<1x16xf32>,
      %swap3A_44 = vector.shape_cast %swap3A_43 : vector<1x16xf32> to vector<1x16xf32>
      %swap3A_45 = vector.shape_cast %broadcast_in_dim3A_41 : vector<1x16xf32> to vector<1x16xf32>
      tpu.vector_store %arg9[%swap3A, %swap3A_42], %swap3A_45 {strides = array<i32>} : memref<632x64xf32, #tpu.memory_space<vmem>>, vector<1x16xf32>,
      %broadcast_in_dim3A_46 = arith.constant 0.000000e+00 : f32
      %broadcast_in_dim3A_47 = vector.broadcast %broadcast_in_dim3A_46 : f32 to vector<1x16xf32>
      %swap3A_48 = arith.index_cast %add3A_40 : i32 to index
      %swap3A_49 = arith.constant 16 : index
      %swap3A_50 = tpu.vector_load %arg9[%swap3A_48, %swap3A_49] {strides = array<i32>} : memref<632x64xf32, #tpu.memory_space<vmem>>, vector<1x16xf32>,
      %swap3A_51 = vector.shape_cast %swap3A_50 : vector<1x16xf32> to vector<1x16xf32>
      %swap3A_52 = vector.shape_cast %broadcast_in_dim3A_47 : vector<1x16xf32> to vector<1x16xf32>
      tpu.vector_store %arg9[%swap3A_48, %swap3A_49], %swap3A_52 {strides = array<i32>} : memref<632x64xf32, #tpu.memory_space<vmem>>, vector<1x16xf32>,
      %broadcast_in_dim3A_53 = arith.constant 0.000000e+00 : f32
      %broadcast_in_dim3A_54 = vector.broadcast %broadcast_in_dim3A_53 : f32 to vector<1x16xf32>
      %swap3A_55 = arith.index_cast %add3A_40 : i32 to index
      %swap3A_56 = arith.constant 32 : index
      %swap3A_57 = tpu.vector_load %arg9[%swap3A_55, %swap3A_56] {strides = array<i32>} : memref<632x64xf32, #tpu.memory_space<vmem>>, vector<1x16xf32>,
      %swap3A_58 = vector.shape_cast %swap3A_57 : vector<1x16xf32> to vector<1x16xf32>
      %swap3A_59 = vector.shape_cast %broadcast_in_dim3A_54 : vector<1x16xf32> to vector<1x16xf32>
      tpu.vector_store %arg9[%swap3A_55, %swap3A_56], %swap3A_59 {strides = array<i32>} : memref<632x64xf32, #tpu.memory_space<vmem>>, vector<1x16xf32>,
      %broadcast_in_dim3A_60 = arith.constant 0.000000e+00 : f32
      %broadcast_in_dim3A_61 = vector.broadcast %broadcast_in_dim3A_60 : f32 to vector<1x16xf32>
      %swap3A_62 = arith.index_cast %add3A_40 : i32 to index
      %swap3A_63 = arith.constant 48 : index
      %swap3A_64 = tpu.vector_load %arg9[%swap3A_62, %swap3A_63] {strides = array<i32>} : memref<632x64xf32, #tpu.memory_space<vmem>>, vector<1x16xf32>,
      %swap3A_65 = vector.shape_cast %swap3A_64 : vector<1x16xf32> to vector<1x16xf32>
      %swap3A_66 = vector.shape_cast %broadcast_in_dim3A_61 : vector<1x16xf32> to vector<1x16xf32>
      tpu.vector_store %arg9[%swap3A_62, %swap3A_63], %swap3A_66 {strides = array<i32>} : memref<632x64xf32, #tpu.memory_space<vmem>>, vector<1x16xf32>,
      %broadcast_in_dim3A_67 = arith.constant 0.000000e+00 : f32
      %broadcast_in_dim3A_68 = vector.broadcast %broadcast_in_dim3A_67 : f32 to vector<1x16xf32>
      %swap3A_69 = arith.index_cast %add3A_40 : i32 to index
      %swap3A_70 = arith.constant 0 : index
      %swap3A_71 = tpu.vector_load %arg10[%swap3A_69, %swap3A_70] {strides = array<i32>} : memref<632x16xf32, #tpu.memory_space<vmem>>, vector<1x16xf32>,
      %swap3A_72 = vector.shape_cast %swap3A_71 : vector<1x16xf32> to vector<1x16xf32>
      %swap3A_73 = vector.shape_cast %broadcast_in_dim3A_68 : vector<1x16xf32> to vector<1x16xf32>
      tpu.vector_store %arg10[%swap3A_69, %swap3A_70], %swap3A_73 {strides = array<i32>} : memref<632x16xf32, #tpu.memory_space<vmem>>, vector<1x16xf32>,
    }
    %scan3A_8 = arith.constant 632 : i32
    %mul3A = arith.constant 632 : i32
    %mul3A_9 = arith.muli %arg1, %mul3A : i32
    "tpu.region"() ({
      %run_scoped3A = tpu.sem_alloc : memref<!tpu.dma_semaphore, #tpu.memory_space<semaphore_mem>>
      %dma_start3A = arith.constant 0 : i32
      %dma_start3A_36 = tpu.memref_slice %arg6[%mul3A_9, %dma_start3A] : memref<10112x64xf32, #tpu.memory_space<vmem_shared>> -> memref<632x64xf32, #tpu.memory_space<vmem_shared>>
      %dma_start3A_37 = arith.constant 0 : i32
      %dma_start3A_38 = tpu.memref_slice %arg6[%mul3A_9, %dma_start3A_37] : memref<10112x64xf32, #tpu.memory_space<vmem_shared>> -> memref<632x64xf32, #tpu.memory_space<vmem_shared>>
      tpu.enqueue_dma source(%arg9 : memref<632x64xf32, #tpu.memory_space<vmem>>) target(%dma_start3A_38 : memref<632x64xf32, #tpu.memory_space<vmem_shared>>) target_semaphore(%run_scoped3A : memref<!tpu.dma_semaphore, #tpu.memory_space<semaphore_mem>>)
      %dma_wait3A = arith.constant 0 : i32
      %dma_wait3A_39 = tpu.memref_slice %arg6[%mul3A_9, %dma_wait3A] : memref<10112x64xf32, #tpu.memory_space<vmem_shared>> -> memref<632x64xf32, #tpu.memory_space<vmem_shared>>
      %dma_wait3A_40 = arith.constant 0 : i32
      %dma_wait3A_41 = tpu.memref_slice %arg6[%mul3A_9, %dma_wait3A_40] : memref<10112x64xf32, #tpu.memory_space<vmem_shared>> -> memref<632x64xf32, #tpu.memory_space<vmem_shared>>
      tpu.wait_dma2 semaphore(%run_scoped3A : memref<!tpu.dma_semaphore, #tpu.memory_space<semaphore_mem>>) src(%arg9 : memref<632x64xf32, #tpu.memory_space<vmem>>) dst(%dma_wait3A_41 : memref<632x64xf32, #tpu.memory_space<vmem_shared>>)
      tpu.yield
    }) : () -> ()
    "tpu.region"() ({
      %run_scoped3A = tpu.sem_alloc : memref<!tpu.dma_semaphore, #tpu.memory_space<semaphore_mem>>
      %dma_start3A = arith.constant 0 : i32
      %dma_start3A_36 = tpu.memref_slice %arg7[%mul3A_9, %dma_start3A] : memref<10112x16xf32, #tpu.memory_space<vmem_shared>> -> memref<632x16xf32, #tpu.memory_space<vmem_shared>>
      %dma_start3A_37 = arith.constant 0 : i32
      %dma_start3A_38 = tpu.memref_slice %arg7[%mul3A_9, %dma_start3A_37] : memref<10112x16xf32, #tpu.memory_space<vmem_shared>> -> memref<632x16xf32, #tpu.memory_space<vmem_shared>>
      tpu.enqueue_dma source(%arg10 : memref<632x16xf32, #tpu.memory_space<vmem>>) target(%dma_start3A_38 : memref<632x16xf32, #tpu.memory_space<vmem_shared>>) target_semaphore(%run_scoped3A : memref<!tpu.dma_semaphore, #tpu.memory_space<semaphore_mem>>)
      %dma_wait3A = arith.constant 0 : i32
      %dma_wait3A_39 = tpu.memref_slice %arg7[%mul3A_9, %dma_wait3A] : memref<10112x16xf32, #tpu.memory_space<vmem_shared>> -> memref<632x16xf32, #tpu.memory_space<vmem_shared>>
      %dma_wait3A_40 = arith.constant 0 : i32
      %dma_wait3A_41 = tpu.memref_slice %arg7[%mul3A_9, %dma_wait3A_40] : memref<10112x16xf32, #tpu.memory_space<vmem_shared>> -> memref<632x16xf32, #tpu.memory_space<vmem_shared>>
      tpu.wait_dma2 semaphore(%run_scoped3A : memref<!tpu.dma_semaphore, #tpu.memory_space<semaphore_mem>>) src(%arg10 : memref<632x16xf32, #tpu.memory_space<vmem>>) dst(%dma_wait3A_41 : memref<632x16xf32, #tpu.memory_space<vmem_shared>>)
      tpu.yield
    }) : () -> ()
    %barrier3A = arith.constant 0 : index
    tpu.barrier barrier_id(%barrier3A)
    %mul3A_10 = arith.constant 1 : i32
    %mul3A_11 = arith.muli %arg1, %mul3A_10 : i32
    %add3A = arith.constant 0 : i32
    %add3A_12 = arith.addi %add3A, %mul3A_11 : i32
    %mul3A_13 = arith.constant 16 : i32
    %mul3A_14 = arith.muli %arg0, %mul3A_13 : i32
    %add3A_15 = arith.addi %add3A_12, %mul3A_14 : i32
    %lt3A = arith.constant 2 : i32
    %lt3A_16 = arith.cmpi slt, %add3A_15, %lt3A : i32
    %jit3A = arith.constant 40 : i32
    %jit3A_17 = arith.constant 39 : i32
    %select_n3A = arith.select %lt3A_16, %jit3A, %jit3A_17 : i32
    %lt3A_18 = arith.constant 2 : i32
    %lt3A_19 = arith.cmpi slt, %add3A_15, %lt3A_18 : i32
    %mul3A_20 = arith.muli %add3A_15, %select_n3A : i32
    %mul3A_21 = arith.constant 39 : i32
    %mul3A_22 = arith.muli %add3A_15, %mul3A_21 : i32
    %add3A_23 = arith.constant 2 : i32
    %add3A_24 = arith.addi %mul3A_22, %add3A_23 : i32
    %select_n3A_25 = arith.select %lt3A_19, %mul3A_20, %add3A_24 : i32
    %mul3A_26 = arith.constant 1 : i32
    %mul3A_27 = arith.muli %mul3A_26, %select_n3A : i32
    "tpu.region"() ({
      %run_scoped3A = memref.alloca() : memref<2x64x64xf32, #tpu.memory_space<vmem>>
      %run_scoped3A_36 = tpu.sem_alloc : memref<2x!tpu.dma_semaphore, #tpu.memory_space<semaphore_mem>>
      %run_scoped3A_37 = memref.alloca() : memref<2x64x64xf32, #tpu.memory_space<vmem>>
      %run_scoped3A_38 = tpu.sem_alloc : memref<2x!tpu.dma_semaphore, #tpu.memory_space<semaphore_mem>>
      %run_scoped3A_39 = memref.alloca() : memref<2x1x64xi32, #tpu.memory_space<vmem>>
      %run_scoped3A_40 = tpu.sem_alloc : memref<2x!tpu.dma_semaphore, #tpu.memory_space<semaphore_mem>>
      %run_scoped3A_41 = memref.alloca() : memref<2x1x64xi32, #tpu.memory_space<vmem>>
      %run_scoped3A_42 = tpu.sem_alloc : memref<2x!tpu.dma_semaphore, #tpu.memory_space<semaphore_mem>>
      %gt3A = arith.constant 0 : i32
      %gt3A_43 = arith.cmpi sgt, %mul3A_27, %gt3A : i32
      %convert_element_type3A_44 = arith.extui %gt3A_43 : i1 to i32
      %cond3A_45 = arith.constant 0 : i32
      %cond3A_46 = arith.cmpi ne, %convert_element_type3A_44, %cond3A_45 : i32
      scf.if %cond3A_46 {
        %mul3A_47 = arith.constant 1 : i32
        %mul3A_48 = arith.muli %mul3A_47, %select_n3A : i32
        %sub3A = arith.constant 1 : i32
        %sub3A_49 = arith.subi %mul3A_48, %sub3A : i32
        %eq3A = arith.constant 0 : i32
        %eq3A_50 = arith.cmpi eq, %sub3A_49, %eq3A : i32
        %add3A_51 = arith.constant 0 : i32
        %add3A_52 = arith.addi %add3A_51, %select_n3A_25 : i32
        %select_n3A_53 = arith.constant true
        %select_n3A_54 = arith.constant 0 : i32
        %select_n3A_55 = arith.constant -1 : i32
        %select_n3A_56 = arith.select %select_n3A_53, %select_n3A_55, %select_n3A_54 : i32
        %eq3A_57 = arith.constant -1 : i32
        %eq3A_58 = arith.cmpi eq, %select_n3A_56, %eq3A_57 : i32
        %sub3A_59 = arith.constant 1 : i32
        %sub3A_60 = arith.subi %select_n3A, %sub3A_59 : i32
        %select_n3A_61 = arith.select %eq3A_58, %sub3A_60, %select_n3A_56 : i32
        %add3A_62 = arith.addi %select_n3A_61, %select_n3A_25 : i32
        %select_n3A_63 = arith.constant true
        %select_n3A_64 = arith.constant 0 : i32
        %select_n3A_65 = arith.constant 1 : i32
        %select_n3A_66 = arith.select %select_n3A_63, %select_n3A_65, %select_n3A_64 : i32
        %eq3A_67 = arith.cmpi eq, %select_n3A_66, %select_n3A : i32
        %select_n3A_68 = arith.constant 0 : i32
        %select_n3A_69 = arith.select %eq3A_67, %select_n3A_68, %select_n3A_66 : i32
        %add3A_70 = arith.addi %select_n3A_69, %select_n3A_25 : i32
        %add3A_71 = arith.constant 1 : i32
        %add3A_72 = arith.addi %select_n3A_69, %add3A_71 : i32
        %select_n3A_73 = arith.constant true
        %select_n3A_74 = arith.select %select_n3A_73, %add3A_72, %select_n3A_69 : i32
        %eq3A_75 = arith.cmpi eq, %select_n3A_74, %select_n3A : i32
        %select_n3A_76 = arith.constant 0 : i32
        %select_n3A_77 = arith.select %eq3A_75, %select_n3A_76, %select_n3A_74 : i32
        %add3A_78 = arith.addi %select_n3A_77, %select_n3A_25 : i32
        "tpu.trace_start"() <{level = 10 : i32, message = "ep_initialize_0"}> : () -> ()
        %rem3A = arith.constant 0 : i32
        %rem3A_79 = arith.constant 2 : i32
        %rem3A_80 = arith.remui %rem3A, %rem3A_79 : i32
        %mul3A_81 = arith.constant 64 : i32
        %mul3A_82 = arith.muli %mul3A_81, %add3A_52 : i32
        %dma_start3A = arith.constant 0 : i32
        %dma_start3A_83 = arith.constant 0 : i32
        %dma_start3A_84 = tpu.memref_slice %run_scoped3A[%rem3A_80, %dma_start3A, %dma_start3A_83] : memref<2x64x64xf32, #tpu.memory_space<vmem>> -> memref<1x64x64xf32, #tpu.memory_space<vmem>>
        %dma_start3A_85 = tpu.memref_squeeze %dma_start3A_84 : memref<1x64x64xf32, #tpu.memory_space<vmem>> -> memref<64x64xf32, #tpu.memory_space<vmem>>
        %dma_start3A_86 = arith.constant 0 : i32
        %dma_start3A_87 = tpu.memref_slice %arg2[%mul3A_82, %dma_start3A_86] : memref<80000x128xf32, #tpu.memory_space<hbm>> -> memref<64x64xf32, #tpu.memory_space<hbm>>
        %dma_start3A_88 = tpu.memref_slice %run_scoped3A_36[%rem3A_80] : memref<2x!tpu.dma_semaphore, #tpu.memory_space<semaphore_mem>> -> memref<1x!tpu.dma_semaphore, #tpu.memory_space<semaphore_mem>>
        %dma_start3A_89 = tpu.memref_squeeze %dma_start3A_88 : memref<1x!tpu.dma_semaphore, #tpu.memory_space<semaphore_mem>> -> memref<!tpu.dma_semaphore, #tpu.memory_space<semaphore_mem>>
        %dma_start3A_90 = arith.constant 0 : i32
        %dma_start3A_91 = arith.constant 0 : i32
        %dma_start3A_92 = tpu.memref_slice %run_scoped3A[%rem3A_80, %dma_start3A_90, %dma_start3A_91] : memref<2x64x64xf32, #tpu.memory_space<vmem>> -> memref<1x64x64xf32, #tpu.memory_space<vmem>>
        %dma_start3A_93 = tpu.memref_squeeze %dma_start3A_92 : memref<1x64x64xf32, #tpu.memory_space<vmem>> -> memref<64x64xf32, #tpu.memory_space<vmem>>
        %dma_start3A_94 = arith.constant 0 : i32
        %dma_start3A_95 = tpu.memref_slice %arg2[%mul3A_82, %dma_start3A_94] : memref<80000x128xf32, #tpu.memory_space<hbm>> -> memref<64x64xf32, #tpu.memory_space<hbm>>
        tpu.enqueue_dma source(%dma_start3A_95 : memref<64x64xf32, #tpu.memory_space<hbm>>) target(%dma_start3A_93 : memref<64x64xf32, #tpu.memory_space<vmem>>) target_semaphore(%dma_start3A_89 : memref<!tpu.dma_semaphore, #tpu.memory_space<semaphore_mem>>)
        %add3A_96 = arith.constant 0 : i32
        %add3A_97 = arith.constant 1 : i32
        %add3A_98 = arith.addi %add3A_96, %add3A_97 : i32
        %select_n3A_99 = arith.constant true
        %select_n3A_100 = arith.constant 0 : i32
        %select_n3A_101 = arith.select %select_n3A_99, %add3A_98, %select_n3A_100 : i32
        %rem3A_102 = arith.constant 0 : i32
        %rem3A_103 = arith.constant 2 : i32
        %rem3A_104 = arith.remui %rem3A_102, %rem3A_103 : i32
        %mul3A_105 = arith.constant 64 : i32
        %mul3A_106 = arith.muli %mul3A_105, %add3A_52 : i32
        %dma_start3A_107 = arith.constant 0 : i32
        %dma_start3A_108 = arith.constant 0 : i32
        %dma_start3A_109 = tpu.memref_slice %run_scoped3A_37[%rem3A_104, %dma_start3A_107, %dma_start3A_108] : memref<2x64x64xf32, #tpu.memory_space<vmem>> -> memref<1x64x64xf32, #tpu.memory_space<vmem>>
        %dma_start3A_110 = tpu.memref_squeeze %dma_start3A_109 : memref<1x64x64xf32, #tpu.memory_space<vmem>> -> memref<64x64xf32, #tpu.memory_space<vmem>>
        %dma_start3A_111 = arith.constant 64 : i32
        %dma_start3A_112 = tpu.memref_slice %arg2[%mul3A_106, %dma_start3A_111] : memref<80000x128xf32, #tpu.memory_space<hbm>> -> memref<64x64xf32, #tpu.memory_space<hbm>>
        %dma_start3A_113 = tpu.memref_slice %run_scoped3A_38[%rem3A_104] : memref<2x!tpu.dma_semaphore, #tpu.memory_space<semaphore_mem>> -> memref<1x!tpu.dma_semaphore, #tpu.memory_space<semaphore_mem>>
        %dma_start3A_114 = tpu.memref_squeeze %dma_start3A_113 : memref<1x!tpu.dma_semaphore, #tpu.memory_space<semaphore_mem>> -> memref<!tpu.dma_semaphore, #tpu.memory_space<semaphore_mem>>
        %dma_start3A_115 = arith.constant 0 : i32
        %dma_start3A_116 = arith.constant 0 : i32
        %dma_start3A_117 = tpu.memref_slice %run_scoped3A_37[%rem3A_104, %dma_start3A_115, %dma_start3A_116] : memref<2x64x64xf32, #tpu.memory_space<vmem>> -> memref<1x64x64xf32, #tpu.memory_space<vmem>>
        %dma_start3A_118 = tpu.memref_squeeze %dma_start3A_117 : memref<1x64x64xf32, #tpu.memory_space<vmem>> -> memref<64x64xf32, #tpu.memory_space<vmem>>
        %dma_start3A_119 = arith.constant 64 : i32
        %dma_start3A_120 = tpu.memref_slice %arg2[%mul3A_106, %dma_start3A_119] : memref<80000x128xf32, #tpu.memory_space<hbm>> -> memref<64x64xf32, #tpu.memory_space<hbm>>
        tpu.enqueue_dma source(%dma_start3A_120 : memref<64x64xf32, #tpu.memory_space<hbm>>) target(%dma_start3A_118 : memref<64x64xf32, #tpu.memory_space<vmem>>) target_semaphore(%dma_start3A_114 : memref<!tpu.dma_semaphore, #tpu.memory_space<semaphore_mem>>)
        %add3A_121 = arith.constant 0 : i32
        %add3A_122 = arith.constant 1 : i32
        %add3A_123 = arith.addi %add3A_121, %add3A_122 : i32
        %select_n3A_124 = arith.constant true
        %select_n3A_125 = arith.constant 0 : i32
        %select_n3A_126 = arith.select %select_n3A_124, %add3A_123, %select_n3A_125 : i32
        %rem3A_127 = arith.constant 0 : i32
        %rem3A_128 = arith.constant 2 : i32
        %rem3A_129 = arith.remui %rem3A_127, %rem3A_128 : i32
        %mul3A_130 = arith.constant 64 : i32
        %mul3A_131 = arith.muli %mul3A_130, %add3A_52 : i32
        %dma_start3A_132 = arith.constant 0 : i32
        %dma_start3A_133 = arith.constant 0 : i32
        %dma_start3A_134 = tpu.memref_slice %run_scoped3A_39[%rem3A_129, %dma_start3A_132, %dma_start3A_133] : memref<2x1x64xi32, #tpu.memory_space<vmem>> -> memref<1x1x64xi32, #tpu.memory_space<vmem>>
        %dma_start3A_135 = tpu.memref_squeeze %dma_start3A_134 : memref<1x1x64xi32, #tpu.memory_space<vmem>> -> memref<1x64xi32, #tpu.memory_space<vmem>>
        %dma_start3A_136 = arith.constant 0 : i32
        %dma_start3A_137 = tpu.memref_slice %arg3[%dma_start3A_136, %mul3A_131] : memref<1x160000xi32, #tpu.memory_space<hbm>> -> memref<1x64xi32, #tpu.memory_space<hbm>>
        %dma_start3A_138 = tpu.memref_slice %run_scoped3A_40[%rem3A_129] : memref<2x!tpu.dma_semaphore, #tpu.memory_space<semaphore_mem>> -> memref<1x!tpu.dma_semaphore, #tpu.memory_space<semaphore_mem>>
        %dma_start3A_139 = tpu.memref_squeeze %dma_start3A_138 : memref<1x!tpu.dma_semaphore, #tpu.memory_space<semaphore_mem>> -> memref<!tpu.dma_semaphore, #tpu.memory_space<semaphore_mem>>
        %dma_start3A_140 = arith.constant 0 : i32
        %dma_start3A_141 = arith.constant 0 : i32
        %dma_start3A_142 = tpu.memref_slice %run_scoped3A_39[%rem3A_129, %dma_start3A_140, %dma_start3A_141] : memref<2x1x64xi32, #tpu.memory_space<vmem>> -> memref<1x1x64xi32, #tpu.memory_space<vmem>>
        %dma_start3A_143 = tpu.memref_squeeze %dma_start3A_142 : memref<1x1x64xi32, #tpu.memory_space<vmem>> -> memref<1x64xi32, #tpu.memory_space<vmem>>
        %dma_start3A_144 = arith.constant 0 : i32
        %dma_start3A_145 = tpu.memref_slice %arg3[%dma_start3A_144, %mul3A_131] : memref<1x160000xi32, #tpu.memory_space<hbm>> -> memref<1x64xi32, #tpu.memory_space<hbm>>
        tpu.enqueue_dma source(%dma_start3A_145 : memref<1x64xi32, #tpu.memory_space<hbm>>) target(%dma_start3A_143 : memref<1x64xi32, #tpu.memory_space<vmem>>) target_semaphore(%dma_start3A_139 : memref<!tpu.dma_semaphore, #tpu.memory_space<semaphore_mem>>)
        %add3A_146 = arith.constant 0 : i32
        %add3A_147 = arith.constant 1 : i32
        %add3A_148 = arith.addi %add3A_146, %add3A_147 : i32
        %select_n3A_149 = arith.constant true
        %select_n3A_150 = arith.constant 0 : i32
        %select_n3A_151 = arith.select %select_n3A_149, %add3A_148, %select_n3A_150 : i32
        %rem3A_152 = arith.constant 0 : i32
        %rem3A_153 = arith.constant 2 : i32
        %rem3A_154 = arith.remui %rem3A_152, %rem3A_153 : i32
        %add3A_155 = arith.constant 1250 : i32
        %add3A_156 = arith.addi %add3A_52, %add3A_155 : i32
        %mul3A_157 = arith.constant 64 : i32
        %mul3A_158 = arith.muli %mul3A_157, %add3A_156 : i32
        %dma_start3A_159 = arith.constant 0 : i32
        %dma_start3A_160 = arith.constant 0 : i32
        %dma_start3A_161 = tpu.memref_slice %run_scoped3A_41[%rem3A_154, %dma_start3A_159, %dma_start3A_160] : memref<2x1x64xi32, #tpu.memory_space<vmem>> -> memref<1x1x64xi32, #tpu.memory_space<vmem>>
        %dma_start3A_162 = tpu.memref_squeeze %dma_start3A_161 : memref<1x1x64xi32, #tpu.memory_space<vmem>> -> memref<1x64xi32, #tpu.memory_space<vmem>>
        %dma_start3A_163 = arith.constant 0 : i32
        %dma_start3A_164 = tpu.memref_slice %arg3[%dma_start3A_163, %mul3A_158] : memref<1x160000xi32, #tpu.memory_space<hbm>> -> memref<1x64xi32, #tpu.memory_space<hbm>>
        %dma_start3A_165 = tpu.memref_slice %run_scoped3A_42[%rem3A_154] : memref<2x!tpu.dma_semaphore, #tpu.memory_space<semaphore_mem>> -> memref<1x!tpu.dma_semaphore, #tpu.memory_space<semaphore_mem>>
        %dma_start3A_166 = tpu.memref_squeeze %dma_start3A_165 : memref<1x!tpu.dma_semaphore, #tpu.memory_space<semaphore_mem>> -> memref<!tpu.dma_semaphore, #tpu.memory_space<semaphore_mem>>
        %dma_start3A_167 = arith.constant 0 : i32
        %dma_start3A_168 = arith.constant 0 : i32
        %dma_start3A_169 = tpu.memref_slice %run_scoped3A_41[%rem3A_154, %dma_start3A_167, %dma_start3A_168] : memref<2x1x64xi32, #tpu.memory_space<vmem>> -> memref<1x1x64xi32, #tpu.memory_space<vmem>>
        %dma_start3A_170 = tpu.memref_squeeze %dma_start3A_169 : memref<1x1x64xi32, #tpu.memory_space<vmem>> -> memref<1x64xi32, #tpu.memory_space<vmem>>
        %dma_start3A_171 = arith.constant 0 : i32
        %dma_start3A_172 = tpu.memref_slice %arg3[%dma_start3A_171, %mul3A_158] : memref<1x160000xi32, #tpu.memory_space<hbm>> -> memref<1x64xi32, #tpu.memory_space<hbm>>
        tpu.enqueue_dma source(%dma_start3A_172 : memref<1x64xi32, #tpu.memory_space<hbm>>) target(%dma_start3A_170 : memref<1x64xi32, #tpu.memory_space<vmem>>) target_semaphore(%dma_start3A_166 : memref<!tpu.dma_semaphore, #tpu.memory_space<semaphore_mem>>)
        %add3A_173 = arith.constant 0 : i32
        %add3A_174 = arith.constant 1 : i32
        %add3A_175 = arith.addi %add3A_173, %add3A_174 : i32
        %select_n3A_176 = arith.constant true
        %select_n3A_177 = arith.constant 0 : i32
        %select_n3A_178 = arith.select %select_n3A_176, %add3A_175, %select_n3A_177 : i32
        %while3A = arith.constant 0 : i32
        %while3A_179 = arith.constant 0 : i32
        %while3A_180 = arith.constant 0 : i32
        %while3A_181 = arith.constant 0 : i32
        %while3A_182 = arith.constant 0 : i32
        %while3A_183 = arith.constant 0 : i32
        "tpu.trace_stop"() : () -> ()
        %while3A_184 = arith.subi %mul3A_27, %while3A : i32
        %while3A_185 = arith.addi %while3A, %while3A_184 : i32
        %while3A_186 = arith.constant 1 : i32
        %while3A_187 = arith.divsi %while3A_184, %while3A_186 : i32
        %while3A_188 = arith.muli %while3A_187, %while3A_186 : i32
        %while3A_189 = arith.addi %while3A, %while3A_188 : i32
        %while3A_190 = arith.constant 1 : i32
        %while3A_191:9 = scf.for %while3A_251 = %while3A to %while3A_189 step %while3A_190 iter_args(%while3A_252 = %select_n3A_101, %while3A_253 = %while3A_179, %while3A_254 = %select_n3A_126, %while3A_255 = %while3A_180, %while3A_256 = %select_n3A_151, %while3A_257 = %while3A_181, %while3A_258 = %select_n3A_178, %while3A_259 = %while3A_182, %while3A_260 = %while3A_183) -> (i32, i32, i32, i32, i32, i32, i32, i32, i32)  : i32 {
          %mul3A_261 = arith.constant 1 : i32
          %mul3A_262 = arith.muli %mul3A_261, %select_n3A : i32
          %eq3A_263 = arith.constant 0 : i32
          %eq3A_264 = arith.cmpi eq, %while3A_251, %eq3A_263 : i32
          %sub3A_265 = arith.constant 1 : i32
          %sub3A_266 = arith.subi %mul3A_262, %sub3A_265 : i32
          %eq3A_267 = arith.cmpi eq, %while3A_251, %sub3A_266 : i32
          %add3A_268 = arith.addi %while3A_260, %select_n3A_25 : i32
          %sub3A_269 = arith.constant 1 : i32
          %sub3A_270 = arith.subi %while3A_260, %sub3A_269 : i32
          %select_n3A_271 = arith.constant true
          %select_n3A_272 = arith.select %select_n3A_271, %sub3A_270, %while3A_260 : i32
          %eq3A_273 = arith.constant -1 : i32
          %eq3A_274 = arith.cmpi eq, %select_n3A_272, %eq3A_273 : i32
          %sub3A_275 = arith.constant 1 : i32
          %sub3A_276 = arith.subi %select_n3A, %sub3A_275 : i32
          %select_n3A_277 = arith.select %eq3A_274, %sub3A_276, %select_n3A_272 : i32
          %add3A_278 = arith.addi %select_n3A_277, %select_n3A_25 : i32
          %add3A_279 = arith.constant 1 : i32
          %add3A_280 = arith.addi %while3A_260, %add3A_279 : i32
          %select_n3A_281 = arith.constant true
          %select_n3A_282 = arith.select %select_n3A_281, %add3A_280, %while3A_260 : i32
          %eq3A_283 = arith.cmpi eq, %select_n3A_282, %select_n3A : i32
          %select_n3A_284 = arith.constant 0 : i32
          %select_n3A_285 = arith.select %eq3A_283, %select_n3A_284, %select_n3A_282 : i32
          %add3A_286 = arith.addi %select_n3A_285, %select_n3A_25 : i32
          %add3A_287 = arith.constant 1 : i32
          %add3A_288 = arith.addi %select_n3A_285, %add3A_287 : i32
          %select_n3A_289 = arith.constant true
          %select_n3A_290 = arith.select %select_n3A_289, %add3A_288, %select_n3A_285 : i32
          %eq3A_291 = arith.cmpi eq, %select_n3A_290, %select_n3A : i32
          %select_n3A_292 = arith.constant 0 : i32
          %select_n3A_293 = arith.select %eq3A_291, %select_n3A_292, %select_n3A_290 : i32
          %add3A_294 = arith.addi %select_n3A_293, %select_n3A_25 : i32
          %ne3A = arith.cmpi ne, %add3A_268, %add3A_286 : i32
          %or3A = arith.constant false
          %or3A_295 = arith.ori %or3A, %ne3A : i1
          %or3A_296 = arith.constant false
          %or3A_297 = arith.ori %or3A_295, %or3A_296 : i1
          %sub3A_298 = arith.constant 2 : i32
          %sub3A_299 = arith.subi %mul3A_262, %sub3A_298 : i32
          %add3A_300 = arith.constant 1 : i32
          %add3A_301 = arith.addi %sub3A_299, %add3A_300 : i32
          %ge3A_302 = arith.cmpi sge, %while3A_251, %add3A_301 : i32
          %not3A = arith.constant true
          %not3A_303 = arith.xori %ge3A_302, %not3A : i1
          %and3A = arith.andi %or3A_297, %not3A_303 : i1
          %convert_element_type3A_304 = arith.extui %and3A : i1 to i32
          %cond3A_305 = arith.constant 0 : i32
          %cond3A_306 = arith.cmpi ne, %convert_element_type3A_304, %cond3A_305 : i32
          scf.if %cond3A_306 {
            "tpu.trace_start"() <{level = 10 : i32, message = "ep_copy_in"}> : () -> ()
            %rem3A_562 = arith.constant 2 : i32
            %rem3A_563 = arith.remui %while3A_252, %rem3A_562 : i32
            %mul3A_564 = arith.constant 64 : i32
            %mul3A_565 = arith.muli %mul3A_564, %add3A_286 : i32
            %dma_start3A_566 = arith.constant 0 : i32
            %dma_start3A_567 = arith.constant 0 : i32
            %dma_start3A_568 = tpu.memref_slice %run_scoped3A[%rem3A_563, %dma_start3A_566, %dma_start3A_567] : memref<2x64x64xf32, #tpu.memory_space<vmem>> -> memref<1x64x64xf32, #tpu.memory_space<vmem>>
            %dma_start3A_569 = tpu.memref_squeeze %dma_start3A_568 : memref<1x64x64xf32, #tpu.memory_space<vmem>> -> memref<64x64xf32, #tpu.memory_space<vmem>>
            %dma_start3A_570 = arith.constant 0 : i32
            %dma_start3A_571 = tpu.memref_slice %arg2[%mul3A_565, %dma_start3A_570] : memref<80000x128xf32, #tpu.memory_space<hbm>> -> memref<64x64xf32, #tpu.memory_space<hbm>>
            %dma_start3A_572 = tpu.memref_slice %run_scoped3A_36[%rem3A_563] : memref<2x!tpu.dma_semaphore, #tpu.memory_space<semaphore_mem>> -> memref<1x!tpu.dma_semaphore, #tpu.memory_space<semaphore_mem>>
            %dma_start3A_573 = tpu.memref_squeeze %dma_start3A_572 : memref<1x!tpu.dma_semaphore, #tpu.memory_space<semaphore_mem>> -> memref<!tpu.dma_semaphore, #tpu.memory_space<semaphore_mem>>
            %dma_start3A_574 = arith.constant 0 : i32
            %dma_start3A_575 = arith.constant 0 : i32
            %dma_start3A_576 = tpu.memref_slice %run_scoped3A[%rem3A_563, %dma_start3A_574, %dma_start3A_575] : memref<2x64x64xf32, #tpu.memory_space<vmem>> -> memref<1x64x64xf32, #tpu.memory_space<vmem>>
            %dma_start3A_577 = tpu.memref_squeeze %dma_start3A_576 : memref<1x64x64xf32, #tpu.memory_space<vmem>> -> memref<64x64xf32, #tpu.memory_space<vmem>>
            %dma_start3A_578 = arith.constant 0 : i32
            %dma_start3A_579 = tpu.memref_slice %arg2[%mul3A_565, %dma_start3A_578] : memref<80000x128xf32, #tpu.memory_space<hbm>> -> memref<64x64xf32, #tpu.memory_space<hbm>>
            tpu.enqueue_dma source(%dma_start3A_579 : memref<64x64xf32, #tpu.memory_space<hbm>>) target(%dma_start3A_577 : memref<64x64xf32, #tpu.memory_space<vmem>>) target_semaphore(%dma_start3A_573 : memref<!tpu.dma_semaphore, #tpu.memory_space<semaphore_mem>>)
            "tpu.trace_stop"() : () -> ()
          } else {
          }
          %and3A_307 = arith.constant true
          %and3A_308 = arith.andi %and3A, %and3A_307 : i1
          %add3A_309 = arith.constant 1 : i32
          %add3A_310 = arith.addi %while3A_252, %add3A_309 : i32
          %select_n3A_311 = arith.select %and3A_308, %add3A_310, %while3A_252 : i32
          %ne3A_312 = arith.cmpi ne, %add3A_268, %add3A_286 : i32
          %or3A_313 = arith.constant false
          %or3A_314 = arith.ori %or3A_313, %ne3A_312 : i1
          %or3A_315 = arith.constant false
          %or3A_316 = arith.ori %or3A_314, %or3A_315 : i1
          %sub3A_317 = arith.constant 2 : i32
          %sub3A_318 = arith.subi %mul3A_262, %sub3A_317 : i32
          %add3A_319 = arith.constant 1 : i32
          %add3A_320 = arith.addi %sub3A_318, %add3A_319 : i32
          %ge3A_321 = arith.cmpi sge, %while3A_251, %add3A_320 : i32
          %not3A_322 = arith.constant true
          %not3A_323 = arith.xori %ge3A_321, %not3A_322 : i1
          %and3A_324 = arith.andi %or3A_316, %not3A_323 : i1
          %convert_element_type3A_325 = arith.extui %and3A_324 : i1 to i32
          %cond3A_326 = arith.constant 0 : i32
          %cond3A_327 = arith.cmpi ne, %convert_element_type3A_325, %cond3A_326 : i32
          scf.if %cond3A_327 {
            "tpu.trace_start"() <{level = 10 : i32, message = "ep_copy_in"}> : () -> ()
            %rem3A_562 = arith.constant 2 : i32
            %rem3A_563 = arith.remui %while3A_254, %rem3A_562 : i32
            %mul3A_564 = arith.constant 64 : i32
            %mul3A_565 = arith.muli %mul3A_564, %add3A_286 : i32
            %dma_start3A_566 = arith.constant 0 : i32
            %dma_start3A_567 = arith.constant 0 : i32
            %dma_start3A_568 = tpu.memref_slice %run_scoped3A_37[%rem3A_563, %dma_start3A_566, %dma_start3A_567] : memref<2x64x64xf32, #tpu.memory_space<vmem>> -> memref<1x64x64xf32, #tpu.memory_space<vmem>>
            %dma_start3A_569 = tpu.memref_squeeze %dma_start3A_568 : memref<1x64x64xf32, #tpu.memory_space<vmem>> -> memref<64x64xf32, #tpu.memory_space<vmem>>
            %dma_start3A_570 = arith.constant 64 : i32
            %dma_start3A_571 = tpu.memref_slice %arg2[%mul3A_565, %dma_start3A_570] : memref<80000x128xf32, #tpu.memory_space<hbm>> -> memref<64x64xf32, #tpu.memory_space<hbm>>
            %dma_start3A_572 = tpu.memref_slice %run_scoped3A_38[%rem3A_563] : memref<2x!tpu.dma_semaphore, #tpu.memory_space<semaphore_mem>> -> memref<1x!tpu.dma_semaphore, #tpu.memory_space<semaphore_mem>>
            %dma_start3A_573 = tpu.memref_squeeze %dma_start3A_572 : memref<1x!tpu.dma_semaphore, #tpu.memory_space<semaphore_mem>> -> memref<!tpu.dma_semaphore, #tpu.memory_space<semaphore_mem>>
            %dma_start3A_574 = arith.constant 0 : i32
            %dma_start3A_575 = arith.constant 0 : i32
            %dma_start3A_576 = tpu.memref_slice %run_scoped3A_37[%rem3A_563, %dma_start3A_574, %dma_start3A_575] : memref<2x64x64xf32, #tpu.memory_space<vmem>> -> memref<1x64x64xf32, #tpu.memory_space<vmem>>
            %dma_start3A_577 = tpu.memref_squeeze %dma_start3A_576 : memref<1x64x64xf32, #tpu.memory_space<vmem>> -> memref<64x64xf32, #tpu.memory_space<vmem>>
            %dma_start3A_578 = arith.constant 64 : i32
            %dma_start3A_579 = tpu.memref_slice %arg2[%mul3A_565, %dma_start3A_578] : memref<80000x128xf32, #tpu.memory_space<hbm>> -> memref<64x64xf32, #tpu.memory_space<hbm>>
            tpu.enqueue_dma source(%dma_start3A_579 : memref<64x64xf32, #tpu.memory_space<hbm>>) target(%dma_start3A_577 : memref<64x64xf32, #tpu.memory_space<vmem>>) target_semaphore(%dma_start3A_573 : memref<!tpu.dma_semaphore, #tpu.memory_space<semaphore_mem>>)
            "tpu.trace_stop"() : () -> ()
          } else {
          }
          %and3A_328 = arith.constant true
          %and3A_329 = arith.andi %and3A_324, %and3A_328 : i1
          %add3A_330 = arith.constant 1 : i32
          %add3A_331 = arith.addi %while3A_254, %add3A_330 : i32
          %select_n3A_332 = arith.select %and3A_329, %add3A_331, %while3A_254 : i32
          %ne3A_333 = arith.cmpi ne, %add3A_268, %add3A_286 : i32
          %or3A_334 = arith.constant false
          %or3A_335 = arith.ori %or3A_334, %ne3A_333 : i1
          %sub3A_336 = arith.constant 2 : i32
          %sub3A_337 = arith.subi %mul3A_262, %sub3A_336 : i32
          %add3A_338 = arith.constant 1 : i32
          %add3A_339 = arith.addi %sub3A_337, %add3A_338 : i32
          %ge3A_340 = arith.cmpi sge, %while3A_251, %add3A_339 : i32
          %not3A_341 = arith.constant true
          %not3A_342 = arith.xori %ge3A_340, %not3A_341 : i1
          %and3A_343 = arith.andi %or3A_335, %not3A_342 : i1
          %convert_element_type3A_344 = arith.extui %and3A_343 : i1 to i32
          %cond3A_345 = arith.constant 0 : i32
          %cond3A_346 = arith.cmpi ne, %convert_element_type3A_344, %cond3A_345 : i32
          scf.if %cond3A_346 {
            "tpu.trace_start"() <{level = 10 : i32, message = "ep_copy_in"}> : () -> ()
            %rem3A_562 = arith.constant 2 : i32
            %rem3A_563 = arith.remui %while3A_256, %rem3A_562 : i32
            %mul3A_564 = arith.constant 64 : i32
            %mul3A_565 = arith.muli %mul3A_564, %add3A_286 : i32
            %dma_start3A_566 = arith.constant 0 : i32
            %dma_start3A_567 = arith.constant 0 : i32
            %dma_start3A_568 = tpu.memref_slice %run_scoped3A_39[%rem3A_563, %dma_start3A_566, %dma_start3A_567] : memref<2x1x64xi32, #tpu.memory_space<vmem>> -> memref<1x1x64xi32, #tpu.memory_space<vmem>>
            %dma_start3A_569 = tpu.memref_squeeze %dma_start3A_568 : memref<1x1x64xi32, #tpu.memory_space<vmem>> -> memref<1x64xi32, #tpu.memory_space<vmem>>
            %dma_start3A_570 = arith.constant 0 : i32
            %dma_start3A_571 = tpu.memref_slice %arg3[%dma_start3A_570, %mul3A_565] : memref<1x160000xi32, #tpu.memory_space<hbm>> -> memref<1x64xi32, #tpu.memory_space<hbm>>
            %dma_start3A_572 = tpu.memref_slice %run_scoped3A_40[%rem3A_563] : memref<2x!tpu.dma_semaphore, #tpu.memory_space<semaphore_mem>> -> memref<1x!tpu.dma_semaphore, #tpu.memory_space<semaphore_mem>>
            %dma_start3A_573 = tpu.memref_squeeze %dma_start3A_572 : memref<1x!tpu.dma_semaphore, #tpu.memory_space<semaphore_mem>> -> memref<!tpu.dma_semaphore, #tpu.memory_space<semaphore_mem>>
            %dma_start3A_574 = arith.constant 0 : i32
            %dma_start3A_575 = arith.constant 0 : i32
            %dma_start3A_576 = tpu.memref_slice %run_scoped3A_39[%rem3A_563, %dma_start3A_574, %dma_start3A_575] : memref<2x1x64xi32, #tpu.memory_space<vmem>> -> memref<1x1x64xi32, #tpu.memory_space<vmem>>
            %dma_start3A_577 = tpu.memref_squeeze %dma_start3A_576 : memref<1x1x64xi32, #tpu.memory_space<vmem>> -> memref<1x64xi32, #tpu.memory_space<vmem>>
            %dma_start3A_578 = arith.constant 0 : i32
            %dma_start3A_579 = tpu.memref_slice %arg3[%dma_start3A_578, %mul3A_565] : memref<1x160000xi32, #tpu.memory_space<hbm>> -> memref<1x64xi32, #tpu.memory_space<hbm>>
            tpu.enqueue_dma source(%dma_start3A_579 : memref<1x64xi32, #tpu.memory_space<hbm>>) target(%dma_start3A_577 : memref<1x64xi32, #tpu.memory_space<vmem>>) target_semaphore(%dma_start3A_573 : memref<!tpu.dma_semaphore, #tpu.memory_space<semaphore_mem>>)
            "tpu.trace_stop"() : () -> ()
          } else {
          }
          %and3A_347 = arith.constant true
          %and3A_348 = arith.andi %and3A_343, %and3A_347 : i1
          %add3A_349 = arith.constant 1 : i32
          %add3A_350 = arith.addi %while3A_256, %add3A_349 : i32
          %select_n3A_351 = arith.select %and3A_348, %add3A_350, %while3A_256 : i32
          %add3A_352 = arith.constant 1250 : i32
          %add3A_353 = arith.addi %add3A_268, %add3A_352 : i32
          %add3A_354 = arith.constant 1250 : i32
          %add3A_355 = arith.addi %add3A_286, %add3A_354 : i32
          %ne3A_356 = arith.cmpi ne, %add3A_353, %add3A_355 : i32
          %or3A_357 = arith.constant false
          %or3A_358 = arith.ori %or3A_357, %ne3A_356 : i1
          %sub3A_359 = arith.constant 2 : i32
          %sub3A_360 = arith.subi %mul3A_262, %sub3A_359 : i32
          %add3A_361 = arith.constant 1 : i32
          %add3A_362 = arith.addi %sub3A_360, %add3A_361 : i32
          %ge3A_363 = arith.cmpi sge, %while3A_251, %add3A_362 : i32
          %not3A_364 = arith.constant true
          %not3A_365 = arith.xori %ge3A_363, %not3A_364 : i1
          %and3A_366 = arith.andi %or3A_358, %not3A_365 : i1
          %convert_element_type3A_367 = arith.extui %and3A_366 : i1 to i32
          %cond3A_368 = arith.constant 0 : i32
          %cond3A_369 = arith.cmpi ne, %convert_element_type3A_367, %cond3A_368 : i32
          scf.if %cond3A_369 {
            "tpu.trace_start"() <{level = 10 : i32, message = "ep_copy_in"}> : () -> ()
            %rem3A_562 = arith.constant 2 : i32
            %rem3A_563 = arith.remui %while3A_258, %rem3A_562 : i32
            %add3A_564 = arith.constant 1250 : i32
            %add3A_565 = arith.addi %add3A_286, %add3A_564 : i32
            %mul3A_566 = arith.constant 64 : i32
            %mul3A_567 = arith.muli %mul3A_566, %add3A_565 : i32
            %dma_start3A_568 = arith.constant 0 : i32
            %dma_start3A_569 = arith.constant 0 : i32
            %dma_start3A_570 = tpu.memref_slice %run_scoped3A_41[%rem3A_563, %dma_start3A_568, %dma_start3A_569] : memref<2x1x64xi32, #tpu.memory_space<vmem>> -> memref<1x1x64xi32, #tpu.memory_space<vmem>>
            %dma_start3A_571 = tpu.memref_squeeze %dma_start3A_570 : memref<1x1x64xi32, #tpu.memory_space<vmem>> -> memref<1x64xi32, #tpu.memory_space<vmem>>
            %dma_start3A_572 = arith.constant 0 : i32
            %dma_start3A_573 = tpu.memref_slice %arg3[%dma_start3A_572, %mul3A_567] : memref<1x160000xi32, #tpu.memory_space<hbm>> -> memref<1x64xi32, #tpu.memory_space<hbm>>
            %dma_start3A_574 = tpu.memref_slice %run_scoped3A_42[%rem3A_563] : memref<2x!tpu.dma_semaphore, #tpu.memory_space<semaphore_mem>> -> memref<1x!tpu.dma_semaphore, #tpu.memory_space<semaphore_mem>>
            %dma_start3A_575 = tpu.memref_squeeze %dma_start3A_574 : memref<1x!tpu.dma_semaphore, #tpu.memory_space<semaphore_mem>> -> memref<!tpu.dma_semaphore, #tpu.memory_space<semaphore_mem>>
            %dma_start3A_576 = arith.constant 0 : i32
            %dma_start3A_577 = arith.constant 0 : i32
            %dma_start3A_578 = tpu.memref_slice %run_scoped3A_41[%rem3A_563, %dma_start3A_576, %dma_start3A_577] : memref<2x1x64xi32, #tpu.memory_space<vmem>> -> memref<1x1x64xi32, #tpu.memory_space<vmem>>
            %dma_start3A_579 = tpu.memref_squeeze %dma_start3A_578 : memref<1x1x64xi32, #tpu.memory_space<vmem>> -> memref<1x64xi32, #tpu.memory_space<vmem>>
            %dma_start3A_580 = arith.constant 0 : i32
            %dma_start3A_581 = tpu.memref_slice %arg3[%dma_start3A_580, %mul3A_567] : memref<1x160000xi32, #tpu.memory_space<hbm>> -> memref<1x64xi32, #tpu.memory_space<hbm>>
            tpu.enqueue_dma source(%dma_start3A_581 : memref<1x64xi32, #tpu.memory_space<hbm>>) target(%dma_start3A_579 : memref<1x64xi32, #tpu.memory_space<vmem>>) target_semaphore(%dma_start3A_575 : memref<!tpu.dma_semaphore, #tpu.memory_space<semaphore_mem>>)
            "tpu.trace_stop"() : () -> ()
          } else {
          }
          %and3A_370 = arith.constant true
          %and3A_371 = arith.andi %and3A_366, %and3A_370 : i1
          %add3A_372 = arith.constant 1 : i32
          %add3A_373 = arith.addi %while3A_258, %add3A_372 : i32
          %select_n3A_374 = arith.select %and3A_371, %add3A_373, %while3A_258 : i32
          %ne3A_375 = arith.cmpi ne, %add3A_268, %add3A_278 : i32
          %or3A_376 = arith.constant false
          %or3A_377 = arith.ori %or3A_376, %ne3A_375 : i1
          %or3A_378 = arith.constant false
          %or3A_379 = arith.ori %or3A_377, %or3A_378 : i1
          %or3A_380 = arith.ori %or3A_379, %eq3A_264 : i1
          %convert_element_type3A_381 = arith.extui %or3A_380 : i1 to i32
          %cond3A_382 = arith.constant 0 : i32
          %cond3A_383 = arith.cmpi ne, %convert_element_type3A_381, %cond3A_382 : i32
          scf.if %cond3A_383 {
            "tpu.trace_start"() <{level = 10 : i32, message = "ep_wait_in"}> : () -> ()
            %mul3A_562 = arith.constant 64 : i32
            %mul3A_563 = arith.muli %mul3A_562, %add3A_268 : i32
            %rem3A_564 = arith.constant 2 : i32
            %rem3A_565 = arith.remui %while3A_253, %rem3A_564 : i32
            %dma_wait3A = arith.constant 0 : i32
            %dma_wait3A_566 = arith.constant 0 : i32
            %dma_wait3A_567 = tpu.memref_slice %run_scoped3A[%rem3A_565, %dma_wait3A, %dma_wait3A_566] : memref<2x64x64xf32, #tpu.memory_space<vmem>> -> memref<1x64x64xf32, #tpu.memory_space<vmem>>
            %dma_wait3A_568 = tpu.memref_squeeze %dma_wait3A_567 : memref<1x64x64xf32, #tpu.memory_space<vmem>> -> memref<64x64xf32, #tpu.memory_space<vmem>>
            %dma_wait3A_569 = arith.constant 0 : i32
            %dma_wait3A_570 = tpu.memref_slice %arg2[%mul3A_563, %dma_wait3A_569] : memref<80000x128xf32, #tpu.memory_space<hbm>> -> memref<64x64xf32, #tpu.memory_space<hbm>>
            %dma_wait3A_571 = tpu.memref_slice %run_scoped3A_36[%rem3A_565] : memref<2x!tpu.dma_semaphore, #tpu.memory_space<semaphore_mem>> -> memref<1x!tpu.dma_semaphore, #tpu.memory_space<semaphore_mem>>
            %dma_wait3A_572 = tpu.memref_squeeze %dma_wait3A_571 : memref<1x!tpu.dma_semaphore, #tpu.memory_space<semaphore_mem>> -> memref<!tpu.dma_semaphore, #tpu.memory_space<semaphore_mem>>
            %dma_wait3A_573 = arith.constant 0 : i32
            %dma_wait3A_574 = arith.constant 0 : i32
            %dma_wait3A_575 = tpu.memref_slice %run_scoped3A[%rem3A_565, %dma_wait3A_573, %dma_wait3A_574] : memref<2x64x64xf32, #tpu.memory_space<vmem>> -> memref<1x64x64xf32, #tpu.memory_space<vmem>>
            %dma_wait3A_576 = tpu.memref_squeeze %dma_wait3A_575 : memref<1x64x64xf32, #tpu.memory_space<vmem>> -> memref<64x64xf32, #tpu.memory_space<vmem>>
            %dma_wait3A_577 = arith.constant 0 : i32
            %dma_wait3A_578 = tpu.memref_slice %arg2[%mul3A_563, %dma_wait3A_577] : memref<80000x128xf32, #tpu.memory_space<hbm>> -> memref<64x64xf32, #tpu.memory_space<hbm>>
            tpu.wait_dma2 semaphore(%dma_wait3A_572 : memref<!tpu.dma_semaphore, #tpu.memory_space<semaphore_mem>>) src(%dma_wait3A_578 : memref<64x64xf32, #tpu.memory_space<hbm>>) dst(%dma_wait3A_576 : memref<64x64xf32, #tpu.memory_space<vmem>>)
            "tpu.trace_stop"() : () -> ()
          } else {
          }
          %ne3A_384 = arith.cmpi ne, %add3A_268, %add3A_278 : i32
          %or3A_385 = arith.constant false
          %or3A_386 = arith.ori %or3A_385, %ne3A_384 : i1
          %or3A_387 = arith.constant false
          %or3A_388 = arith.ori %or3A_386, %or3A_387 : i1
          %or3A_389 = arith.ori %or3A_388, %eq3A_264 : i1
          %convert_element_type3A_390 = arith.extui %or3A_389 : i1 to i32
          %cond3A_391 = arith.constant 0 : i32
          %cond3A_392 = arith.cmpi ne, %convert_element_type3A_390, %cond3A_391 : i32
          scf.if %cond3A_392 {
            "tpu.trace_start"() <{level = 10 : i32, message = "ep_wait_in"}> : () -> ()
            %mul3A_562 = arith.constant 64 : i32
            %mul3A_563 = arith.muli %mul3A_562, %add3A_268 : i32
            %rem3A_564 = arith.constant 2 : i32
            %rem3A_565 = arith.remui %while3A_255, %rem3A_564 : i32
            %dma_wait3A = arith.constant 0 : i32
            %dma_wait3A_566 = arith.constant 0 : i32
            %dma_wait3A_567 = tpu.memref_slice %run_scoped3A_37[%rem3A_565, %dma_wait3A, %dma_wait3A_566] : memref<2x64x64xf32, #tpu.memory_space<vmem>> -> memref<1x64x64xf32, #tpu.memory_space<vmem>>
            %dma_wait3A_568 = tpu.memref_squeeze %dma_wait3A_567 : memref<1x64x64xf32, #tpu.memory_space<vmem>> -> memref<64x64xf32, #tpu.memory_space<vmem>>
            %dma_wait3A_569 = arith.constant 64 : i32
            %dma_wait3A_570 = tpu.memref_slice %arg2[%mul3A_563, %dma_wait3A_569] : memref<80000x128xf32, #tpu.memory_space<hbm>> -> memref<64x64xf32, #tpu.memory_space<hbm>>
            %dma_wait3A_571 = tpu.memref_slice %run_scoped3A_38[%rem3A_565] : memref<2x!tpu.dma_semaphore, #tpu.memory_space<semaphore_mem>> -> memref<1x!tpu.dma_semaphore, #tpu.memory_space<semaphore_mem>>
            %dma_wait3A_572 = tpu.memref_squeeze %dma_wait3A_571 : memref<1x!tpu.dma_semaphore, #tpu.memory_space<semaphore_mem>> -> memref<!tpu.dma_semaphore, #tpu.memory_space<semaphore_mem>>
            %dma_wait3A_573 = arith.constant 0 : i32
            %dma_wait3A_574 = arith.constant 0 : i32
            %dma_wait3A_575 = tpu.memref_slice %run_scoped3A_37[%rem3A_565, %dma_wait3A_573, %dma_wait3A_574] : memref<2x64x64xf32, #tpu.memory_space<vmem>> -> memref<1x64x64xf32, #tpu.memory_space<vmem>>
            %dma_wait3A_576 = tpu.memref_squeeze %dma_wait3A_575 : memref<1x64x64xf32, #tpu.memory_space<vmem>> -> memref<64x64xf32, #tpu.memory_space<vmem>>
            %dma_wait3A_577 = arith.constant 64 : i32
            %dma_wait3A_578 = tpu.memref_slice %arg2[%mul3A_563, %dma_wait3A_577] : memref<80000x128xf32, #tpu.memory_space<hbm>> -> memref<64x64xf32, #tpu.memory_space<hbm>>
            tpu.wait_dma2 semaphore(%dma_wait3A_572 : memref<!tpu.dma_semaphore, #tpu.memory_space<semaphore_mem>>) src(%dma_wait3A_578 : memref<64x64xf32, #tpu.memory_space<hbm>>) dst(%dma_wait3A_576 : memref<64x64xf32, #tpu.memory_space<vmem>>)
            "tpu.trace_stop"() : () -> ()
          } else {
          }
          %ne3A_393 = arith.cmpi ne, %add3A_268, %add3A_278 : i32
          %or3A_394 = arith.constant false
          %or3A_395 = arith.ori %or3A_394, %ne3A_393 : i1
          %or3A_396 = arith.ori %or3A_395, %eq3A_264 : i1
          %convert_element_type3A_397 = arith.extui %or3A_396 : i1 to i32
          %cond3A_398 = arith.constant 0 : i32
          %cond3A_399 = arith.cmpi ne, %convert_element_type3A_397, %cond3A_398 : i32
          scf.if %cond3A_399 {
            "tpu.trace_start"() <{level = 10 : i32, message = "ep_wait_in"}> : () -> ()
            %mul3A_562 = arith.constant 64 : i32
            %mul3A_563 = arith.muli %mul3A_562, %add3A_268 : i32
            %rem3A_564 = arith.constant 2 : i32
            %rem3A_565 = arith.remui %while3A_257, %rem3A_564 : i32
            %dma_wait3A = arith.constant 0 : i32
            %dma_wait3A_566 = arith.constant 0 : i32
            %dma_wait3A_567 = tpu.memref_slice %run_scoped3A_39[%rem3A_565, %dma_wait3A, %dma_wait3A_566] : memref<2x1x64xi32, #tpu.memory_space<vmem>> -> memref<1x1x64xi32, #tpu.memory_space<vmem>>
            %dma_wait3A_568 = tpu.memref_squeeze %dma_wait3A_567 : memref<1x1x64xi32, #tpu.memory_space<vmem>> -> memref<1x64xi32, #tpu.memory_space<vmem>>
            %dma_wait3A_569 = arith.constant 0 : i32
            %dma_wait3A_570 = tpu.memref_slice %arg3[%dma_wait3A_569, %mul3A_563] : memref<1x160000xi32, #tpu.memory_space<hbm>> -> memref<1x64xi32, #tpu.memory_space<hbm>>
            %dma_wait3A_571 = tpu.memref_slice %run_scoped3A_40[%rem3A_565] : memref<2x!tpu.dma_semaphore, #tpu.memory_space<semaphore_mem>> -> memref<1x!tpu.dma_semaphore, #tpu.memory_space<semaphore_mem>>
            %dma_wait3A_572 = tpu.memref_squeeze %dma_wait3A_571 : memref<1x!tpu.dma_semaphore, #tpu.memory_space<semaphore_mem>> -> memref<!tpu.dma_semaphore, #tpu.memory_space<semaphore_mem>>
            %dma_wait3A_573 = arith.constant 0 : i32
            %dma_wait3A_574 = arith.constant 0 : i32
            %dma_wait3A_575 = tpu.memref_slice %run_scoped3A_39[%rem3A_565, %dma_wait3A_573, %dma_wait3A_574] : memref<2x1x64xi32, #tpu.memory_space<vmem>> -> memref<1x1x64xi32, #tpu.memory_space<vmem>>
            %dma_wait3A_576 = tpu.memref_squeeze %dma_wait3A_575 : memref<1x1x64xi32, #tpu.memory_space<vmem>> -> memref<1x64xi32, #tpu.memory_space<vmem>>
            %dma_wait3A_577 = arith.constant 0 : i32
            %dma_wait3A_578 = tpu.memref_slice %arg3[%dma_wait3A_577, %mul3A_563] : memref<1x160000xi32, #tpu.memory_space<hbm>> -> memref<1x64xi32, #tpu.memory_space<hbm>>
            tpu.wait_dma2 semaphore(%dma_wait3A_572 : memref<!tpu.dma_semaphore, #tpu.memory_space<semaphore_mem>>) src(%dma_wait3A_578 : memref<1x64xi32, #tpu.memory_space<hbm>>) dst(%dma_wait3A_576 : memref<1x64xi32, #tpu.memory_space<vmem>>)
            "tpu.trace_stop"() : () -> ()
          } else {
          }
          %add3A_400 = arith.constant 1250 : i32
          %add3A_401 = arith.addi %add3A_268, %add3A_400 : i32
          %add3A_402 = arith.constant 1250 : i32
          %add3A_403 = arith.addi %add3A_278, %add3A_402 : i32
          %ne3A_404 = arith.cmpi ne, %add3A_401, %add3A_403 : i32
          %or3A_405 = arith.constant false
          %or3A_406 = arith.ori %or3A_405, %ne3A_404 : i1
          %or3A_407 = arith.ori %or3A_406, %eq3A_264 : i1
          %convert_element_type3A_408 = arith.extui %or3A_407 : i1 to i32
          %cond3A_409 = arith.constant 0 : i32
          %cond3A_410 = arith.cmpi ne, %convert_element_type3A_408, %cond3A_409 : i32
          scf.if %cond3A_410 {
            "tpu.trace_start"() <{level = 10 : i32, message = "ep_wait_in"}> : () -> ()
            %add3A_562 = arith.constant 1250 : i32
            %add3A_563 = arith.addi %add3A_268, %add3A_562 : i32
            %mul3A_564 = arith.constant 64 : i32
            %mul3A_565 = arith.muli %mul3A_564, %add3A_563 : i32
            %rem3A_566 = arith.constant 2 : i32
            %rem3A_567 = arith.remui %while3A_259, %rem3A_566 : i32
            %dma_wait3A = arith.constant 0 : i32
            %dma_wait3A_568 = arith.constant 0 : i32
            %dma_wait3A_569 = tpu.memref_slice %run_scoped3A_41[%rem3A_567, %dma_wait3A, %dma_wait3A_568] : memref<2x1x64xi32, #tpu.memory_space<vmem>> -> memref<1x1x64xi32, #tpu.memory_space<vmem>>
            %dma_wait3A_570 = tpu.memref_squeeze %dma_wait3A_569 : memref<1x1x64xi32, #tpu.memory_space<vmem>> -> memref<1x64xi32, #tpu.memory_space<vmem>>
            %dma_wait3A_571 = arith.constant 0 : i32
            %dma_wait3A_572 = tpu.memref_slice %arg3[%dma_wait3A_571, %mul3A_565] : memref<1x160000xi32, #tpu.memory_space<hbm>> -> memref<1x64xi32, #tpu.memory_space<hbm>>
            %dma_wait3A_573 = tpu.memref_slice %run_scoped3A_42[%rem3A_567] : memref<2x!tpu.dma_semaphore, #tpu.memory_space<semaphore_mem>> -> memref<1x!tpu.dma_semaphore, #tpu.memory_space<semaphore_mem>>
            %dma_wait3A_574 = tpu.memref_squeeze %dma_wait3A_573 : memref<1x!tpu.dma_semaphore, #tpu.memory_space<semaphore_mem>> -> memref<!tpu.dma_semaphore, #tpu.memory_space<semaphore_mem>>
            %dma_wait3A_575 = arith.constant 0 : i32
            %dma_wait3A_576 = arith.constant 0 : i32
            %dma_wait3A_577 = tpu.memref_slice %run_scoped3A_41[%rem3A_567, %dma_wait3A_575, %dma_wait3A_576] : memref<2x1x64xi32, #tpu.memory_space<vmem>> -> memref<1x1x64xi32, #tpu.memory_space<vmem>>
            %dma_wait3A_578 = tpu.memref_squeeze %dma_wait3A_577 : memref<1x1x64xi32, #tpu.memory_space<vmem>> -> memref<1x64xi32, #tpu.memory_space<vmem>>
            %dma_wait3A_579 = arith.constant 0 : i32
            %dma_wait3A_580 = tpu.memref_slice %arg3[%dma_wait3A_579, %mul3A_565] : memref<1x160000xi32, #tpu.memory_space<hbm>> -> memref<1x64xi32, #tpu.memory_space<hbm>>
            tpu.wait_dma2 semaphore(%dma_wait3A_574 : memref<!tpu.dma_semaphore, #tpu.memory_space<semaphore_mem>>) src(%dma_wait3A_580 : memref<1x64xi32, #tpu.memory_space<hbm>>) dst(%dma_wait3A_578 : memref<1x64xi32, #tpu.memory_space<vmem>>)
            "tpu.trace_stop"() : () -> ()
          } else {
          }
          %rem3A_411 = arith.constant 2 : i32
          %rem3A_412 = arith.remui %while3A_253, %rem3A_411 : i32
          %rem3A_413 = arith.constant 2 : i32
          %rem3A_414 = arith.remui %while3A_255, %rem3A_413 : i32
          %rem3A_415 = arith.constant 2 : i32
          %rem3A_416 = arith.remui %while3A_257, %rem3A_415 : i32
          %rem3A_417 = arith.constant 2 : i32
          %rem3A_418 = arith.remui %while3A_259, %rem3A_417 : i32
          %run_scoped3A_419 = arith.constant 0 : i32
          "tpu.trace_start"() <{level = 10 : i32, message = "ep_run_kernel"}> : () -> ()
          "tpu.region"() ({
            %run_scoped3A_562 = tpu.sem_alloc : memref<!tpu.dma_semaphore, #tpu.memory_space<semaphore_mem>>
            %dma_start3A_563 = arith.constant 0 : i32
            %dma_start3A_564 = arith.constant 0 : i32
            %dma_start3A_565 = tpu.memref_slice %run_scoped3A[%rem3A_412, %dma_start3A_563, %dma_start3A_564] : memref<2x64x64xf32, #tpu.memory_space<vmem>> -> memref<1x64x64xf32, #tpu.memory_space<vmem>>
            %dma_start3A_566 = tpu.memref_squeeze %dma_start3A_565 : memref<1x64x64xf32, #tpu.memory_space<vmem>> -> memref<64x64xf32, #tpu.memory_space<vmem>>
            %dma_start3A_567 = arith.constant 0 : i32
            %dma_start3A_568 = arith.constant 0 : i32
            %dma_start3A_569 = tpu.memref_slice %run_scoped3A_39[%rem3A_416, %dma_start3A_567, %dma_start3A_568] : memref<2x1x64xi32, #tpu.memory_space<vmem>> -> memref<1x1x64xi32, #tpu.memory_space<vmem>>
            %dma_start3A_570 = tpu.memref_squeeze %dma_start3A_569 : memref<1x1x64xi32, #tpu.memory_space<vmem>> -> memref<1x64xi32, #tpu.memory_space<vmem>>
            %dma_start3A_571 = arith.constant 0 : i32
            %dma_start3A_572 = tpu.memref_slice %dma_start3A_570[%run_scoped3A_419, %dma_start3A_571] : memref<1x64xi32, #tpu.memory_space<vmem>> -> memref<1x64xi32, #tpu.memory_space<vmem>>
            %dma_start3A_573 = tpu.memref_squeeze %dma_start3A_572 : memref<1x64xi32, #tpu.memory_space<vmem>> -> memref<64xi32, #tpu.memory_space<vmem>>
            %dma_start3A_574 = arith.constant 0 : i32
            %dma_start3A_575 = arith.constant 0 : i32
            %dma_start3A_576 = tpu.memref_slice %arg6[%dma_start3A_574, %dma_start3A_575] : memref<10112x64xf32, #tpu.memory_space<vmem_shared>> -> memref<10112x64xf32, #tpu.memory_space<vmem_shared>>
            tpu.enqueue_indirect_dma source(%dma_start3A_566 : memref<64x64xf32, #tpu.memory_space<vmem>>) target(%dma_start3A_576 : memref<10112x64xf32, #tpu.memory_space<vmem_shared>>) offsets(%dma_start3A_573 : memref<64xi32, #tpu.memory_space<vmem>>) semaphore(%run_scoped3A_562 : memref<!tpu.dma_semaphore, #tpu.memory_space<semaphore_mem>>) {add = true}
            %dma_wait3A = arith.constant 0 : i32
            %dma_wait3A_577 = arith.constant 0 : i32
            %dma_wait3A_578 = tpu.memref_slice %run_scoped3A[%rem3A_412, %dma_wait3A, %dma_wait3A_577] : memref<2x64x64xf32, #tpu.memory_space<vmem>> -> memref<1x64x64xf32, #tpu.memory_space<vmem>>
            %dma_wait3A_579 = tpu.memref_squeeze %dma_wait3A_578 : memref<1x64x64xf32, #tpu.memory_space<vmem>> -> memref<64x64xf32, #tpu.memory_space<vmem>>
            %dma_wait3A_580 = arith.constant 0 : i32
            %dma_wait3A_581 = arith.constant 0 : i32
            %dma_wait3A_582 = tpu.memref_slice %run_scoped3A_39[%rem3A_416, %dma_wait3A_580, %dma_wait3A_581] : memref<2x1x64xi32, #tpu.memory_space<vmem>> -> memref<1x1x64xi32, #tpu.memory_space<vmem>>
            %dma_wait3A_583 = tpu.memref_squeeze %dma_wait3A_582 : memref<1x1x64xi32, #tpu.memory_space<vmem>> -> memref<1x64xi32, #tpu.memory_space<vmem>>
            %dma_wait3A_584 = arith.constant 0 : i32
            %dma_wait3A_585 = tpu.memref_slice %dma_wait3A_583[%run_scoped3A_419, %dma_wait3A_584] : memref<1x64xi32, #tpu.memory_space<vmem>> -> memref<1x64xi32, #tpu.memory_space<vmem>>
            %dma_wait3A_586 = tpu.memref_squeeze %dma_wait3A_585 : memref<1x64xi32, #tpu.memory_space<vmem>> -> memref<64xi32, #tpu.memory_space<vmem>>
            %dma_wait3A_587 = arith.constant 0 : i32
            %dma_wait3A_588 = arith.constant 0 : i32
            %dma_wait3A_589 = tpu.memref_slice %arg6[%dma_wait3A_587, %dma_wait3A_588] : memref<10112x64xf32, #tpu.memory_space<vmem_shared>> -> memref<10112x64xf32, #tpu.memory_space<vmem_shared>>
            tpu.wait_indirect_dma semaphore(%run_scoped3A_562 : memref<!tpu.dma_semaphore, #tpu.memory_space<semaphore_mem>>) src(%dma_wait3A_579 : memref<64x64xf32, #tpu.memory_space<vmem>>) dst(%dma_wait3A_589 : memref<10112x64xf32, #tpu.memory_space<vmem_shared>>)
            tpu.yield
          }) : () -> ()
          %run_scoped3A_420 = arith.constant 0 : i32
          "tpu.region"() ({
            %run_scoped3A_562 = tpu.sem_alloc : memref<!tpu.dma_semaphore, #tpu.memory_space<semaphore_mem>>
            %dma_start3A_563 = arith.constant 0 : i32
            %dma_start3A_564 = arith.constant 0 : i32
            %dma_start3A_565 = tpu.memref_slice %run_scoped3A_37[%rem3A_414, %dma_start3A_563, %dma_start3A_564] : memref<2x64x64xf32, #tpu.memory_space<vmem>> -> memref<1x64x64xf32, #tpu.memory_space<vmem>>
            %dma_start3A_566 = tpu.memref_squeeze %dma_start3A_565 : memref<1x64x64xf32, #tpu.memory_space<vmem>> -> memref<64x64xf32, #tpu.memory_space<vmem>>
            %dma_start3A_567 = arith.constant 0 : i32
            %dma_start3A_568 = arith.constant 0 : i32
            %dma_start3A_569 = tpu.memref_slice %run_scoped3A_41[%rem3A_418, %dma_start3A_567, %dma_start3A_568] : memref<2x1x64xi32, #tpu.memory_space<vmem>> -> memref<1x1x64xi32, #tpu.memory_space<vmem>>
            %dma_start3A_570 = tpu.memref_squeeze %dma_start3A_569 : memref<1x1x64xi32, #tpu.memory_space<vmem>> -> memref<1x64xi32, #tpu.memory_space<vmem>>
            %dma_start3A_571 = arith.constant 0 : i32
            %dma_start3A_572 = tpu.memref_slice %dma_start3A_570[%run_scoped3A_420, %dma_start3A_571] : memref<1x64xi32, #tpu.memory_space<vmem>> -> memref<1x64xi32, #tpu.memory_space<vmem>>
            %dma_start3A_573 = tpu.memref_squeeze %dma_start3A_572 : memref<1x64xi32, #tpu.memory_space<vmem>> -> memref<64xi32, #tpu.memory_space<vmem>>
            %dma_start3A_574 = arith.constant 0 : i32
            %dma_start3A_575 = arith.constant 0 : i32
            %dma_start3A_576 = tpu.memref_slice %arg6[%dma_start3A_574, %dma_start3A_575] : memref<10112x64xf32, #tpu.memory_space<vmem_shared>> -> memref<10112x64xf32, #tpu.memory_space<vmem_shared>>
            tpu.enqueue_indirect_dma source(%dma_start3A_566 : memref<64x64xf32, #tpu.memory_space<vmem>>) target(%dma_start3A_576 : memref<10112x64xf32, #tpu.memory_space<vmem_shared>>) offsets(%dma_start3A_573 : memref<64xi32, #tpu.memory_space<vmem>>) semaphore(%run_scoped3A_562 : memref<!tpu.dma_semaphore, #tpu.memory_space<semaphore_mem>>) {add = true}
            %dma_wait3A = arith.constant 0 : i32
            %dma_wait3A_577 = arith.constant 0 : i32
            %dma_wait3A_578 = tpu.memref_slice %run_scoped3A_37[%rem3A_414, %dma_wait3A, %dma_wait3A_577] : memref<2x64x64xf32, #tpu.memory_space<vmem>> -> memref<1x64x64xf32, #tpu.memory_space<vmem>>
            %dma_wait3A_579 = tpu.memref_squeeze %dma_wait3A_578 : memref<1x64x64xf32, #tpu.memory_space<vmem>> -> memref<64x64xf32, #tpu.memory_space<vmem>>
            %dma_wait3A_580 = arith.constant 0 : i32
            %dma_wait3A_581 = arith.constant 0 : i32
            %dma_wait3A_582 = tpu.memref_slice %run_scoped3A_41[%rem3A_418, %dma_wait3A_580, %dma_wait3A_581] : memref<2x1x64xi32, #tpu.memory_space<vmem>> -> memref<1x1x64xi32, #tpu.memory_space<vmem>>
            %dma_wait3A_583 = tpu.memref_squeeze %dma_wait3A_582 : memref<1x1x64xi32, #tpu.memory_space<vmem>> -> memref<1x64xi32, #tpu.memory_space<vmem>>
            %dma_wait3A_584 = arith.constant 0 : i32
            %dma_wait3A_585 = tpu.memref_slice %dma_wait3A_583[%run_scoped3A_420, %dma_wait3A_584] : memref<1x64xi32, #tpu.memory_space<vmem>> -> memref<1x64xi32, #tpu.memory_space<vmem>>
            %dma_wait3A_586 = tpu.memref_squeeze %dma_wait3A_585 : memref<1x64xi32, #tpu.memory_space<vmem>> -> memref<64xi32, #tpu.memory_space<vmem>>
            %dma_wait3A_587 = arith.constant 0 : i32
            %dma_wait3A_588 = arith.constant 0 : i32
            %dma_wait3A_589 = tpu.memref_slice %arg6[%dma_wait3A_587, %dma_wait3A_588] : memref<10112x64xf32, #tpu.memory_space<vmem_shared>> -> memref<10112x64xf32, #tpu.memory_space<vmem_shared>>
            tpu.wait_indirect_dma semaphore(%run_scoped3A_562 : memref<!tpu.dma_semaphore, #tpu.memory_space<semaphore_mem>>) src(%dma_wait3A_579 : memref<64x64xf32, #tpu.memory_space<vmem>>) dst(%dma_wait3A_589 : memref<10112x64xf32, #tpu.memory_space<vmem_shared>>)
            tpu.yield
          }) : () -> ()
          %run_scoped3A_421 = arith.constant 0 : i32
          "tpu.region"() ({
            %run_scoped3A_562 = tpu.sem_alloc : memref<!tpu.dma_semaphore, #tpu.memory_space<semaphore_mem>>
            %dma_start3A_563 = arith.constant 0 : i32
            %dma_start3A_564 = arith.constant 0 : i32
            %dma_start3A_565 = tpu.memref_slice %run_scoped3A_39[%rem3A_416, %dma_start3A_563, %dma_start3A_564] : memref<2x1x64xi32, #tpu.memory_space<vmem>> -> memref<1x1x64xi32, #tpu.memory_space<vmem>>
            %dma_start3A_566 = tpu.memref_squeeze %dma_start3A_565 : memref<1x1x64xi32, #tpu.memory_space<vmem>> -> memref<1x64xi32, #tpu.memory_space<vmem>>
            %dma_start3A_567 = arith.constant 0 : i32
            %dma_start3A_568 = tpu.memref_slice %dma_start3A_566[%run_scoped3A_421, %dma_start3A_567] : memref<1x64xi32, #tpu.memory_space<vmem>> -> memref<1x64xi32, #tpu.memory_space<vmem>>
            %dma_start3A_569 = tpu.memref_squeeze %dma_start3A_568 : memref<1x64xi32, #tpu.memory_space<vmem>> -> memref<64xi32, #tpu.memory_space<vmem>>
            %dma_start3A_570 = arith.constant 0 : i32
            %dma_start3A_571 = arith.constant 0 : i32
            %dma_start3A_572 = tpu.memref_slice %arg7[%dma_start3A_570, %dma_start3A_571] : memref<10112x16xf32, #tpu.memory_space<vmem_shared>> -> memref<10112x16xf32, #tpu.memory_space<vmem_shared>>
            tpu.enqueue_indirect_dma source(%arg8 : memref<64x16xf32, #tpu.memory_space<vmem>>) target(%dma_start3A_572 : memref<10112x16xf32, #tpu.memory_space<vmem_shared>>) offsets(%dma_start3A_569 : memref<64xi32, #tpu.memory_space<vmem>>) semaphore(%run_scoped3A_562 : memref<!tpu.dma_semaphore, #tpu.memory_space<semaphore_mem>>) {add = true}
            %dma_wait3A = arith.constant 0 : i32
            %dma_wait3A_573 = arith.constant 0 : i32
            %dma_wait3A_574 = tpu.memref_slice %run_scoped3A_39[%rem3A_416, %dma_wait3A, %dma_wait3A_573] : memref<2x1x64xi32, #tpu.memory_space<vmem>> -> memref<1x1x64xi32, #tpu.memory_space<vmem>>
            %dma_wait3A_575 = tpu.memref_squeeze %dma_wait3A_574 : memref<1x1x64xi32, #tpu.memory_space<vmem>> -> memref<1x64xi32, #tpu.memory_space<vmem>>
            %dma_wait3A_576 = arith.constant 0 : i32
            %dma_wait3A_577 = tpu.memref_slice %dma_wait3A_575[%run_scoped3A_421, %dma_wait3A_576] : memref<1x64xi32, #tpu.memory_space<vmem>> -> memref<1x64xi32, #tpu.memory_space<vmem>>
            %dma_wait3A_578 = tpu.memref_squeeze %dma_wait3A_577 : memref<1x64xi32, #tpu.memory_space<vmem>> -> memref<64xi32, #tpu.memory_space<vmem>>
            %dma_wait3A_579 = arith.constant 0 : i32
            %dma_wait3A_580 = arith.constant 0 : i32
            %dma_wait3A_581 = tpu.memref_slice %arg7[%dma_wait3A_579, %dma_wait3A_580] : memref<10112x16xf32, #tpu.memory_space<vmem_shared>> -> memref<10112x16xf32, #tpu.memory_space<vmem_shared>>
            tpu.wait_indirect_dma semaphore(%run_scoped3A_562 : memref<!tpu.dma_semaphore, #tpu.memory_space<semaphore_mem>>) src(%arg8 : memref<64x16xf32, #tpu.memory_space<vmem>>) dst(%dma_wait3A_581 : memref<10112x16xf32, #tpu.memory_space<vmem_shared>>)
            tpu.yield
          }) : () -> ()
          %run_scoped3A_422 = arith.constant 0 : i32
          "tpu.region"() ({
            %run_scoped3A_562 = tpu.sem_alloc : memref<!tpu.dma_semaphore, #tpu.memory_space<semaphore_mem>>
            %dma_start3A_563 = arith.constant 0 : i32
            %dma_start3A_564 = arith.constant 0 : i32
            %dma_start3A_565 = tpu.memref_slice %run_scoped3A_41[%rem3A_418, %dma_start3A_563, %dma_start3A_564] : memref<2x1x64xi32, #tpu.memory_space<vmem>> -> memref<1x1x64xi32, #tpu.memory_space<vmem>>
            %dma_start3A_566 = tpu.memref_squeeze %dma_start3A_565 : memref<1x1x64xi32, #tpu.memory_space<vmem>> -> memref<1x64xi32, #tpu.memory_space<vmem>>
            %dma_start3A_567 = arith.constant 0 : i32
            %dma_start3A_568 = tpu.memref_slice %dma_start3A_566[%run_scoped3A_422, %dma_start3A_567] : memref<1x64xi32, #tpu.memory_space<vmem>> -> memref<1x64xi32, #tpu.memory_space<vmem>>
            %dma_start3A_569 = tpu.memref_squeeze %dma_start3A_568 : memref<1x64xi32, #tpu.memory_space<vmem>> -> memref<64xi32, #tpu.memory_space<vmem>>
            %dma_start3A_570 = arith.constant 0 : i32
            %dma_start3A_571 = arith.constant 0 : i32
            %dma_start3A_572 = tpu.memref_slice %arg7[%dma_start3A_570, %dma_start3A_571] : memref<10112x16xf32, #tpu.memory_space<vmem_shared>> -> memref<10112x16xf32, #tpu.memory_space<vmem_shared>>
            tpu.enqueue_indirect_dma source(%arg8 : memref<64x16xf32, #tpu.memory_space<vmem>>) target(%dma_start3A_572 : memref<10112x16xf32, #tpu.memory_space<vmem_shared>>) offsets(%dma_start3A_569 : memref<64xi32, #tpu.memory_space<vmem>>) semaphore(%run_scoped3A_562 : memref<!tpu.dma_semaphore, #tpu.memory_space<semaphore_mem>>) {add = true}
            %dma_wait3A = arith.constant 0 : i32
            %dma_wait3A_573 = arith.constant 0 : i32
            %dma_wait3A_574 = tpu.memref_slice %run_scoped3A_41[%rem3A_418, %dma_wait3A, %dma_wait3A_573] : memref<2x1x64xi32, #tpu.memory_space<vmem>> -> memref<1x1x64xi32, #tpu.memory_space<vmem>>
            %dma_wait3A_575 = tpu.memref_squeeze %dma_wait3A_574 : memref<1x1x64xi32, #tpu.memory_space<vmem>> -> memref<1x64xi32, #tpu.memory_space<vmem>>
            %dma_wait3A_576 = arith.constant 0 : i32
            %dma_wait3A_577 = tpu.memref_slice %dma_wait3A_575[%run_scoped3A_422, %dma_wait3A_576] : memref<1x64xi32, #tpu.memory_space<vmem>> -> memref<1x64xi32, #tpu.memory_space<vmem>>
            %dma_wait3A_578 = tpu.memref_squeeze %dma_wait3A_577 : memref<1x64xi32, #tpu.memory_space<vmem>> -> memref<64xi32, #tpu.memory_space<vmem>>
            %dma_wait3A_579 = arith.constant 0 : i32
            %dma_wait3A_580 = arith.constant 0 : i32
            %dma_wait3A_581 = tpu.memref_slice %arg7[%dma_wait3A_579, %dma_wait3A_580] : memref<10112x16xf32, #tpu.memory_space<vmem_shared>> -> memref<10112x16xf32, #tpu.memory_space<vmem_shared>>
            tpu.wait_indirect_dma semaphore(%run_scoped3A_562 : memref<!tpu.dma_semaphore, #tpu.memory_space<semaphore_mem>>) src(%arg8 : memref<64x16xf32, #tpu.memory_space<vmem>>) dst(%dma_wait3A_581 : memref<10112x16xf32, #tpu.memory_space<vmem_shared>>)
            tpu.yield
          }) : () -> ()
          "tpu.trace_stop"() : () -> ()
          %ne3A_423 = arith.cmpi ne, %add3A_268, %add3A_286 : i32
          %or3A_424 = arith.constant false
          %or3A_425 = arith.ori %or3A_424, %ne3A_423 : i1
          %or3A_426 = arith.constant false
          %or3A_427 = arith.ori %or3A_425, %or3A_426 : i1
          %or3A_428 = arith.ori %or3A_427, %eq3A_267 : i1
          %convert_element_type3A_429 = arith.extui %or3A_428 : i1 to i32
          %cond3A_430 = arith.constant 0 : i32
          %cond3A_431 = arith.cmpi ne, %convert_element_type3A_429, %cond3A_430 : i32
          scf.if %cond3A_431 {
          } else {
          }
          %and3A_432 = arith.constant false
          %and3A_433 = arith.andi %or3A_428, %and3A_432 : i1
          %ne3A_434 = arith.cmpi ne, %add3A_268, %add3A_286 : i32
          %or3A_435 = arith.constant false
          %or3A_436 = arith.ori %or3A_435, %ne3A_434 : i1
          %or3A_437 = arith.constant false
          %or3A_438 = arith.ori %or3A_436, %or3A_437 : i1
          %or3A_439 = arith.ori %or3A_438, %eq3A_267 : i1
          %convert_element_type3A_440 = arith.extui %or3A_439 : i1 to i32
          %cond3A_441 = arith.constant 0 : i32
          %cond3A_442 = arith.cmpi ne, %convert_element_type3A_440, %cond3A_441 : i32
          scf.if %cond3A_442 {
          } else {
          }
          %and3A_443 = arith.constant false
          %and3A_444 = arith.andi %or3A_439, %and3A_443 : i1
          %ne3A_445 = arith.cmpi ne, %add3A_268, %add3A_286 : i32
          %or3A_446 = arith.constant false
          %or3A_447 = arith.ori %or3A_446, %ne3A_445 : i1
          %or3A_448 = arith.ori %or3A_447, %eq3A_267 : i1
          %convert_element_type3A_449 = arith.extui %or3A_448 : i1 to i32
          %cond3A_450 = arith.constant 0 : i32
          %cond3A_451 = arith.cmpi ne, %convert_element_type3A_449, %cond3A_450 : i32
          scf.if %cond3A_451 {
          } else {
          }
          %and3A_452 = arith.constant false
          %and3A_453 = arith.andi %or3A_448, %and3A_452 : i1
          %add3A_454 = arith.constant 1250 : i32
          %add3A_455 = arith.addi %add3A_268, %add3A_454 : i32
          %add3A_456 = arith.constant 1250 : i32
          %add3A_457 = arith.addi %add3A_286, %add3A_456 : i32
          %ne3A_458 = arith.cmpi ne, %add3A_455, %add3A_457 : i32
          %or3A_459 = arith.constant false
          %or3A_460 = arith.ori %or3A_459, %ne3A_458 : i1
          %or3A_461 = arith.ori %or3A_460, %eq3A_267 : i1
          %convert_element_type3A_462 = arith.extui %or3A_461 : i1 to i32
          %cond3A_463 = arith.constant 0 : i32
          %cond3A_464 = arith.cmpi ne, %convert_element_type3A_462, %cond3A_463 : i32
          scf.if %cond3A_464 {
          } else {
          }
          %and3A_465 = arith.constant false
          %and3A_466 = arith.andi %or3A_461, %and3A_465 : i1
          %ne3A_467 = arith.cmpi ne, %add3A_268, %add3A_278 : i32
          %or3A_468 = arith.constant false
          %or3A_469 = arith.ori %or3A_468, %ne3A_467 : i1
          %or3A_470 = arith.constant false
          %or3A_471 = arith.ori %or3A_469, %or3A_470 : i1
          %not3A_472 = arith.constant true
          %not3A_473 = arith.xori %eq3A_264, %not3A_472 : i1
          %and3A_474 = arith.andi %or3A_471, %not3A_473 : i1
          %convert_element_type3A_475 = arith.extui %and3A_474 : i1 to i32
          %cond3A_476 = arith.constant 0 : i32
          %cond3A_477 = arith.cmpi ne, %convert_element_type3A_475, %cond3A_476 : i32
          scf.if %cond3A_477 {
          } else {
          }
          %and3A_478 = arith.constant false
          %and3A_479 = arith.andi %and3A_474, %and3A_478 : i1
          %ne3A_480 = arith.cmpi ne, %add3A_268, %add3A_278 : i32
          %or3A_481 = arith.constant false
          %or3A_482 = arith.ori %or3A_481, %ne3A_480 : i1
          %or3A_483 = arith.constant false
          %or3A_484 = arith.ori %or3A_482, %or3A_483 : i1
          %not3A_485 = arith.constant true
          %not3A_486 = arith.xori %eq3A_264, %not3A_485 : i1
          %and3A_487 = arith.andi %or3A_484, %not3A_486 : i1
          %convert_element_type3A_488 = arith.extui %and3A_487 : i1 to i32
          %cond3A_489 = arith.constant 0 : i32
          %cond3A_490 = arith.cmpi ne, %convert_element_type3A_488, %cond3A_489 : i32
          scf.if %cond3A_490 {
          } else {
          }
          %and3A_491 = arith.constant false
          %and3A_492 = arith.andi %and3A_487, %and3A_491 : i1
          %ne3A_493 = arith.cmpi ne, %add3A_268, %add3A_278 : i32
          %or3A_494 = arith.constant false
          %or3A_495 = arith.ori %or3A_494, %ne3A_493 : i1
          %not3A_496 = arith.constant true
          %not3A_497 = arith.xori %eq3A_264, %not3A_496 : i1
          %and3A_498 = arith.andi %or3A_495, %not3A_497 : i1
          %convert_element_type3A_499 = arith.extui %and3A_498 : i1 to i32
          %cond3A_500 = arith.constant 0 : i32
          %cond3A_501 = arith.cmpi ne, %convert_element_type3A_499, %cond3A_500 : i32
          scf.if %cond3A_501 {
          } else {
          }
          %and3A_502 = arith.constant false
          %and3A_503 = arith.andi %and3A_498, %and3A_502 : i1
          %add3A_504 = arith.constant 1250 : i32
          %add3A_505 = arith.addi %add3A_268, %add3A_504 : i32
          %add3A_506 = arith.constant 1250 : i32
          %add3A_507 = arith.addi %add3A_278, %add3A_506 : i32
          %ne3A_508 = arith.cmpi ne, %add3A_505, %add3A_507 : i32
          %or3A_509 = arith.constant false
          %or3A_510 = arith.ori %or3A_509, %ne3A_508 : i1
          %not3A_511 = arith.constant true
          %not3A_512 = arith.xori %eq3A_264, %not3A_511 : i1
          %and3A_513 = arith.andi %or3A_510, %not3A_512 : i1
          %convert_element_type3A_514 = arith.extui %and3A_513 : i1 to i32
          %cond3A_515 = arith.constant 0 : i32
          %cond3A_516 = arith.cmpi ne, %convert_element_type3A_514, %cond3A_515 : i32
          scf.if %cond3A_516 {
          } else {
          }
          %and3A_517 = arith.constant false
          %and3A_518 = arith.andi %and3A_513, %and3A_517 : i1
          %ne3A_519 = arith.cmpi ne, %add3A_268, %add3A_286 : i32
          %or3A_520 = arith.constant false
          %or3A_521 = arith.ori %or3A_520, %ne3A_519 : i1
          %or3A_522 = arith.constant false
          %or3A_523 = arith.ori %or3A_521, %or3A_522 : i1
          %or3A_524 = arith.ori %or3A_523, %eq3A_267 : i1
          %add3A_525 = arith.constant 1 : i32
          %add3A_526 = arith.addi %while3A_253, %add3A_525 : i32
          %select_n3A_527 = arith.select %or3A_524, %add3A_526, %while3A_253 : i32
          %ne3A_528 = arith.cmpi ne, %add3A_268, %add3A_286 : i32
          %or3A_529 = arith.constant false
          %or3A_530 = arith.ori %or3A_529, %ne3A_528 : i1
          %or3A_531 = arith.constant false
          %or3A_532 = arith.ori %or3A_530, %or3A_531 : i1
          %or3A_533 = arith.ori %or3A_532, %eq3A_267 : i1
          %add3A_534 = arith.constant 1 : i32
          %add3A_535 = arith.addi %while3A_255, %add3A_534 : i32
          %select_n3A_536 = arith.select %or3A_533, %add3A_535, %while3A_255 : i32
          %ne3A_537 = arith.cmpi ne, %add3A_268, %add3A_286 : i32
          %or3A_538 = arith.constant false
          %or3A_539 = arith.ori %or3A_538, %ne3A_537 : i1
          %or3A_540 = arith.ori %or3A_539, %eq3A_267 : i1
          %add3A_541 = arith.constant 1 : i32
          %add3A_542 = arith.addi %while3A_257, %add3A_541 : i32
          %select_n3A_543 = arith.select %or3A_540, %add3A_542, %while3A_257 : i32
          %add3A_544 = arith.constant 1250 : i32
          %add3A_545 = arith.addi %add3A_268, %add3A_544 : i32
          %add3A_546 = arith.constant 1250 : i32
          %add3A_547 = arith.addi %add3A_286, %add3A_546 : i32
          %ne3A_548 = arith.cmpi ne, %add3A_545, %add3A_547 : i32
          %or3A_549 = arith.constant false
          %or3A_550 = arith.ori %or3A_549, %ne3A_548 : i1
          %or3A_551 = arith.ori %or3A_550, %eq3A_267 : i1
          %add3A_552 = arith.constant 1 : i32
          %add3A_553 = arith.addi %while3A_259, %add3A_552 : i32
          %select_n3A_554 = arith.select %or3A_551, %add3A_553, %while3A_259 : i32
          %add3A_555 = arith.constant 1 : i32
          %add3A_556 = arith.addi %while3A_260, %add3A_555 : i32
          %select_n3A_557 = arith.constant true
          %select_n3A_558 = arith.select %select_n3A_557, %add3A_556, %while3A_260 : i32
          %eq3A_559 = arith.cmpi eq, %select_n3A_558, %select_n3A : i32
          %select_n3A_560 = arith.constant 0 : i32
          %select_n3A_561 = arith.select %eq3A_559, %select_n3A_560, %select_n3A_558 : i32
          scf.yield %select_n3A_311, %select_n3A_527, %select_n3A_332, %select_n3A_536, %select_n3A_351, %select_n3A_543, %select_n3A_374, %select_n3A_554, %select_n3A_561 : i32, i32, i32, i32, i32, i32, i32, i32, i32
        }
        %while3A_192 = arith.constant 1 : i32
        %while3A_193:9 = scf.for %while3A_251 = %while3A_189 to %while3A_185 step %while3A_192 iter_args(%while3A_252 = %while3A_191#0, %while3A_253 = %while3A_191#1, %while3A_254 = %while3A_191#2, %while3A_255 = %while3A_191#3, %while3A_256 = %while3A_191#4, %while3A_257 = %while3A_191#5, %while3A_258 = %while3A_191#6, %while3A_259 = %while3A_191#7, %while3A_260 = %while3A_191#8) -> (i32, i32, i32, i32, i32, i32, i32, i32, i32)  : i32 {
          %mul3A_261 = arith.constant 1 : i32
          %mul3A_262 = arith.muli %mul3A_261, %select_n3A : i32
          %eq3A_263 = arith.constant 0 : i32
          %eq3A_264 = arith.cmpi eq, %while3A_251, %eq3A_263 : i32
          %sub3A_265 = arith.constant 1 : i32
          %sub3A_266 = arith.subi %mul3A_262, %sub3A_265 : i32
          %eq3A_267 = arith.cmpi eq, %while3A_251, %sub3A_266 : i32
          %add3A_268 = arith.addi %while3A_260, %select_n3A_25 : i32
          %sub3A_269 = arith.constant 1 : i32
          %sub3A_270 = arith.subi %while3A_260, %sub3A_269 : i32
          %select_n3A_271 = arith.constant true
          %select_n3A_272 = arith.select %select_n3A_271, %sub3A_270, %while3A_260 : i32
          %eq3A_273 = arith.constant -1 : i32
          %eq3A_274 = arith.cmpi eq, %select_n3A_272, %eq3A_273 : i32
          %sub3A_275 = arith.constant 1 : i32
          %sub3A_276 = arith.subi %select_n3A, %sub3A_275 : i32
          %select_n3A_277 = arith.select %eq3A_274, %sub3A_276, %select_n3A_272 : i32
          %add3A_278 = arith.addi %select_n3A_277, %select_n3A_25 : i32
          %add3A_279 = arith.constant 1 : i32
          %add3A_280 = arith.addi %while3A_260, %add3A_279 : i32
          %select_n3A_281 = arith.constant true
          %select_n3A_282 = arith.select %select_n3A_281, %add3A_280, %while3A_260 : i32
          %eq3A_283 = arith.cmpi eq, %select_n3A_282, %select_n3A : i32
          %select_n3A_284 = arith.constant 0 : i32
          %select_n3A_285 = arith.select %eq3A_283, %select_n3A_284, %select_n3A_282 : i32
          %add3A_286 = arith.addi %select_n3A_285, %select_n3A_25 : i32
          %add3A_287 = arith.constant 1 : i32
          %add3A_288 = arith.addi %select_n3A_285, %add3A_287 : i32
          %select_n3A_289 = arith.constant true
          %select_n3A_290 = arith.select %select_n3A_289, %add3A_288, %select_n3A_285 : i32
          %eq3A_291 = arith.cmpi eq, %select_n3A_290, %select_n3A : i32
          %select_n3A_292 = arith.constant 0 : i32
          %select_n3A_293 = arith.select %eq3A_291, %select_n3A_292, %select_n3A_290 : i32
          %add3A_294 = arith.addi %select_n3A_293, %select_n3A_25 : i32
          %ne3A = arith.cmpi ne, %add3A_268, %add3A_286 : i32
          %or3A = arith.constant false
          %or3A_295 = arith.ori %or3A, %ne3A : i1
          %or3A_296 = arith.constant false
          %or3A_297 = arith.ori %or3A_295, %or3A_296 : i1
          %sub3A_298 = arith.constant 2 : i32
          %sub3A_299 = arith.subi %mul3A_262, %sub3A_298 : i32
          %add3A_300 = arith.constant 1 : i32
          %add3A_301 = arith.addi %sub3A_299, %add3A_300 : i32
          %ge3A_302 = arith.cmpi sge, %while3A_251, %add3A_301 : i32
          %not3A = arith.constant true
          %not3A_303 = arith.xori %ge3A_302, %not3A : i1
          %and3A = arith.andi %or3A_297, %not3A_303 : i1
          %convert_element_type3A_304 = arith.extui %and3A : i1 to i32
          %cond3A_305 = arith.constant 0 : i32
          %cond3A_306 = arith.cmpi ne, %convert_element_type3A_304, %cond3A_305 : i32
          scf.if %cond3A_306 {
            "tpu.trace_start"() <{level = 10 : i32, message = "ep_copy_in"}> : () -> ()
            %rem3A_562 = arith.constant 2 : i32
            %rem3A_563 = arith.remui %while3A_252, %rem3A_562 : i32
            %mul3A_564 = arith.constant 64 : i32
            %mul3A_565 = arith.muli %mul3A_564, %add3A_286 : i32
            %dma_start3A_566 = arith.constant 0 : i32
            %dma_start3A_567 = arith.constant 0 : i32
            %dma_start3A_568 = tpu.memref_slice %run_scoped3A[%rem3A_563, %dma_start3A_566, %dma_start3A_567] : memref<2x64x64xf32, #tpu.memory_space<vmem>> -> memref<1x64x64xf32, #tpu.memory_space<vmem>>
            %dma_start3A_569 = tpu.memref_squeeze %dma_start3A_568 : memref<1x64x64xf32, #tpu.memory_space<vmem>> -> memref<64x64xf32, #tpu.memory_space<vmem>>
            %dma_start3A_570 = arith.constant 0 : i32
            %dma_start3A_571 = tpu.memref_slice %arg2[%mul3A_565, %dma_start3A_570] : memref<80000x128xf32, #tpu.memory_space<hbm>> -> memref<64x64xf32, #tpu.memory_space<hbm>>
            %dma_start3A_572 = tpu.memref_slice %run_scoped3A_36[%rem3A_563] : memref<2x!tpu.dma_semaphore, #tpu.memory_space<semaphore_mem>> -> memref<1x!tpu.dma_semaphore, #tpu.memory_space<semaphore_mem>>
            %dma_start3A_573 = tpu.memref_squeeze %dma_start3A_572 : memref<1x!tpu.dma_semaphore, #tpu.memory_space<semaphore_mem>> -> memref<!tpu.dma_semaphore, #tpu.memory_space<semaphore_mem>>
            %dma_start3A_574 = arith.constant 0 : i32
            %dma_start3A_575 = arith.constant 0 : i32
            %dma_start3A_576 = tpu.memref_slice %run_scoped3A[%rem3A_563, %dma_start3A_574, %dma_start3A_575] : memref<2x64x64xf32, #tpu.memory_space<vmem>> -> memref<1x64x64xf32, #tpu.memory_space<vmem>>
            %dma_start3A_577 = tpu.memref_squeeze %dma_start3A_576 : memref<1x64x64xf32, #tpu.memory_space<vmem>> -> memref<64x64xf32, #tpu.memory_space<vmem>>
            %dma_start3A_578 = arith.constant 0 : i32
            %dma_start3A_579 = tpu.memref_slice %arg2[%mul3A_565, %dma_start3A_578] : memref<80000x128xf32, #tpu.memory_space<hbm>> -> memref<64x64xf32, #tpu.memory_space<hbm>>
            tpu.enqueue_dma source(%dma_start3A_579 : memref<64x64xf32, #tpu.memory_space<hbm>>) target(%dma_start3A_577 : memref<64x64xf32, #tpu.memory_space<vmem>>) target_semaphore(%dma_start3A_573 : memref<!tpu.dma_semaphore, #tpu.memory_space<semaphore_mem>>)
            "tpu.trace_stop"() : () -> ()
          } else {
          }
          %and3A_307 = arith.constant true
          %and3A_308 = arith.andi %and3A, %and3A_307 : i1
          %add3A_309 = arith.constant 1 : i32
          %add3A_310 = arith.addi %while3A_252, %add3A_309 : i32
          %select_n3A_311 = arith.select %and3A_308, %add3A_310, %while3A_252 : i32
          %ne3A_312 = arith.cmpi ne, %add3A_268, %add3A_286 : i32
          %or3A_313 = arith.constant false
          %or3A_314 = arith.ori %or3A_313, %ne3A_312 : i1
          %or3A_315 = arith.constant false
          %or3A_316 = arith.ori %or3A_314, %or3A_315 : i1
          %sub3A_317 = arith.constant 2 : i32
          %sub3A_318 = arith.subi %mul3A_262, %sub3A_317 : i32
          %add3A_319 = arith.constant 1 : i32
          %add3A_320 = arith.addi %sub3A_318, %add3A_319 : i32
          %ge3A_321 = arith.cmpi sge, %while3A_251, %add3A_320 : i32
          %not3A_322 = arith.constant true
          %not3A_323 = arith.xori %ge3A_321, %not3A_322 : i1
          %and3A_324 = arith.andi %or3A_316, %not3A_323 : i1
          %convert_element_type3A_325 = arith.extui %and3A_324 : i1 to i32
          %cond3A_326 = arith.constant 0 : i32
          %cond3A_327 = arith.cmpi ne, %convert_element_type3A_325, %cond3A_326 : i32
          scf.if %cond3A_327 {
            "tpu.trace_start"() <{level = 10 : i32, message = "ep_copy_in"}> : () -> ()
            %rem3A_562 = arith.constant 2 : i32
            %rem3A_563 = arith.remui %while3A_254, %rem3A_562 : i32
            %mul3A_564 = arith.constant 64 : i32
            %mul3A_565 = arith.muli %mul3A_564, %add3A_286 : i32
            %dma_start3A_566 = arith.constant 0 : i32
            %dma_start3A_567 = arith.constant 0 : i32
            %dma_start3A_568 = tpu.memref_slice %run_scoped3A_37[%rem3A_563, %dma_start3A_566, %dma_start3A_567] : memref<2x64x64xf32, #tpu.memory_space<vmem>> -> memref<1x64x64xf32, #tpu.memory_space<vmem>>
            %dma_start3A_569 = tpu.memref_squeeze %dma_start3A_568 : memref<1x64x64xf32, #tpu.memory_space<vmem>> -> memref<64x64xf32, #tpu.memory_space<vmem>>
            %dma_start3A_570 = arith.constant 64 : i32
            %dma_start3A_571 = tpu.memref_slice %arg2[%mul3A_565, %dma_start3A_570] : memref<80000x128xf32, #tpu.memory_space<hbm>> -> memref<64x64xf32, #tpu.memory_space<hbm>>
            %dma_start3A_572 = tpu.memref_slice %run_scoped3A_38[%rem3A_563] : memref<2x!tpu.dma_semaphore, #tpu.memory_space<semaphore_mem>> -> memref<1x!tpu.dma_semaphore, #tpu.memory_space<semaphore_mem>>
            %dma_start3A_573 = tpu.memref_squeeze %dma_start3A_572 : memref<1x!tpu.dma_semaphore, #tpu.memory_space<semaphore_mem>> -> memref<!tpu.dma_semaphore, #tpu.memory_space<semaphore_mem>>
            %dma_start3A_574 = arith.constant 0 : i32
            %dma_start3A_575 = arith.constant 0 : i32
            %dma_start3A_576 = tpu.memref_slice %run_scoped3A_37[%rem3A_563, %dma_start3A_574, %dma_start3A_575] : memref<2x64x64xf32, #tpu.memory_space<vmem>> -> memref<1x64x64xf32, #tpu.memory_space<vmem>>
            %dma_start3A_577 = tpu.memref_squeeze %dma_start3A_576 : memref<1x64x64xf32, #tpu.memory_space<vmem>> -> memref<64x64xf32, #tpu.memory_space<vmem>>
            %dma_start3A_578 = arith.constant 64 : i32
            %dma_start3A_579 = tpu.memref_slice %arg2[%mul3A_565, %dma_start3A_578] : memref<80000x128xf32, #tpu.memory_space<hbm>> -> memref<64x64xf32, #tpu.memory_space<hbm>>
            tpu.enqueue_dma source(%dma_start3A_579 : memref<64x64xf32, #tpu.memory_space<hbm>>) target(%dma_start3A_577 : memref<64x64xf32, #tpu.memory_space<vmem>>) target_semaphore(%dma_start3A_573 : memref<!tpu.dma_semaphore, #tpu.memory_space<semaphore_mem>>)
            "tpu.trace_stop"() : () -> ()
          } else {
          }
          %and3A_328 = arith.constant true
          %and3A_329 = arith.andi %and3A_324, %and3A_328 : i1
          %add3A_330 = arith.constant 1 : i32
          %add3A_331 = arith.addi %while3A_254, %add3A_330 : i32
          %select_n3A_332 = arith.select %and3A_329, %add3A_331, %while3A_254 : i32
          %ne3A_333 = arith.cmpi ne, %add3A_268, %add3A_286 : i32
          %or3A_334 = arith.constant false
          %or3A_335 = arith.ori %or3A_334, %ne3A_333 : i1
          %sub3A_336 = arith.constant 2 : i32
          %sub3A_337 = arith.subi %mul3A_262, %sub3A_336 : i32
          %add3A_338 = arith.constant 1 : i32
          %add3A_339 = arith.addi %sub3A_337, %add3A_338 : i32
          %ge3A_340 = arith.cmpi sge, %while3A_251, %add3A_339 : i32
          %not3A_341 = arith.constant true
          %not3A_342 = arith.xori %ge3A_340, %not3A_341 : i1
          %and3A_343 = arith.andi %or3A_335, %not3A_342 : i1
          %convert_element_type3A_344 = arith.extui %and3A_343 : i1 to i32
          %cond3A_345 = arith.constant 0 : i32
          %cond3A_346 = arith.cmpi ne, %convert_element_type3A_344, %cond3A_345 : i32
          scf.if %cond3A_346 {
            "tpu.trace_start"() <{level = 10 : i32, message = "ep_copy_in"}> : () -> ()
            %rem3A_562 = arith.constant 2 : i32
            %rem3A_563 = arith.remui %while3A_256, %rem3A_562 : i32
            %mul3A_564 = arith.constant 64 : i32
            %mul3A_565 = arith.muli %mul3A_564, %add3A_286 : i32
            %dma_start3A_566 = arith.constant 0 : i32
            %dma_start3A_567 = arith.constant 0 : i32
            %dma_start3A_568 = tpu.memref_slice %run_scoped3A_39[%rem3A_563, %dma_start3A_566, %dma_start3A_567] : memref<2x1x64xi32, #tpu.memory_space<vmem>> -> memref<1x1x64xi32, #tpu.memory_space<vmem>>
            %dma_start3A_569 = tpu.memref_squeeze %dma_start3A_568 : memref<1x1x64xi32, #tpu.memory_space<vmem>> -> memref<1x64xi32, #tpu.memory_space<vmem>>
            %dma_start3A_570 = arith.constant 0 : i32
            %dma_start3A_571 = tpu.memref_slice %arg3[%dma_start3A_570, %mul3A_565] : memref<1x160000xi32, #tpu.memory_space<hbm>> -> memref<1x64xi32, #tpu.memory_space<hbm>>
            %dma_start3A_572 = tpu.memref_slice %run_scoped3A_40[%rem3A_563] : memref<2x!tpu.dma_semaphore, #tpu.memory_space<semaphore_mem>> -> memref<1x!tpu.dma_semaphore, #tpu.memory_space<semaphore_mem>>
            %dma_start3A_573 = tpu.memref_squeeze %dma_start3A_572 : memref<1x!tpu.dma_semaphore, #tpu.memory_space<semaphore_mem>> -> memref<!tpu.dma_semaphore, #tpu.memory_space<semaphore_mem>>
            %dma_start3A_574 = arith.constant 0 : i32
            %dma_start3A_575 = arith.constant 0 : i32
            %dma_start3A_576 = tpu.memref_slice %run_scoped3A_39[%rem3A_563, %dma_start3A_574, %dma_start3A_575] : memref<2x1x64xi32, #tpu.memory_space<vmem>> -> memref<1x1x64xi32, #tpu.memory_space<vmem>>
            %dma_start3A_577 = tpu.memref_squeeze %dma_start3A_576 : memref<1x1x64xi32, #tpu.memory_space<vmem>> -> memref<1x64xi32, #tpu.memory_space<vmem>>
            %dma_start3A_578 = arith.constant 0 : i32
            %dma_start3A_579 = tpu.memref_slice %arg3[%dma_start3A_578, %mul3A_565] : memref<1x160000xi32, #tpu.memory_space<hbm>> -> memref<1x64xi32, #tpu.memory_space<hbm>>
            tpu.enqueue_dma source(%dma_start3A_579 : memref<1x64xi32, #tpu.memory_space<hbm>>) target(%dma_start3A_577 : memref<1x64xi32, #tpu.memory_space<vmem>>) target_semaphore(%dma_start3A_573 : memref<!tpu.dma_semaphore, #tpu.memory_space<semaphore_mem>>)
            "tpu.trace_stop"() : () -> ()
          } else {
          }
          %and3A_347 = arith.constant true
          %and3A_348 = arith.andi %and3A_343, %and3A_347 : i1
          %add3A_349 = arith.constant 1 : i32
          %add3A_350 = arith.addi %while3A_256, %add3A_349 : i32
          %select_n3A_351 = arith.select %and3A_348, %add3A_350, %while3A_256 : i32
          %add3A_352 = arith.constant 1250 : i32
          %add3A_353 = arith.addi %add3A_268, %add3A_352 : i32
          %add3A_354 = arith.constant 1250 : i32
          %add3A_355 = arith.addi %add3A_286, %add3A_354 : i32
          %ne3A_356 = arith.cmpi ne, %add3A_353, %add3A_355 : i32
          %or3A_357 = arith.constant false
          %or3A_358 = arith.ori %or3A_357, %ne3A_356 : i1
          %sub3A_359 = arith.constant 2 : i32
          %sub3A_360 = arith.subi %mul3A_262, %sub3A_359 : i32
          %add3A_361 = arith.constant 1 : i32
          %add3A_362 = arith.addi %sub3A_360, %add3A_361 : i32
          %ge3A_363 = arith.cmpi sge, %while3A_251, %add3A_362 : i32
          %not3A_364 = arith.constant true
          %not3A_365 = arith.xori %ge3A_363, %not3A_364 : i1
          %and3A_366 = arith.andi %or3A_358, %not3A_365 : i1
          %convert_element_type3A_367 = arith.extui %and3A_366 : i1 to i32
          %cond3A_368 = arith.constant 0 : i32
          %cond3A_369 = arith.cmpi ne, %convert_element_type3A_367, %cond3A_368 : i32
          scf.if %cond3A_369 {
            "tpu.trace_start"() <{level = 10 : i32, message = "ep_copy_in"}> : () -> ()
            %rem3A_562 = arith.constant 2 : i32
            %rem3A_563 = arith.remui %while3A_258, %rem3A_562 : i32
            %add3A_564 = arith.constant 1250 : i32
            %add3A_565 = arith.addi %add3A_286, %add3A_564 : i32
            %mul3A_566 = arith.constant 64 : i32
            %mul3A_567 = arith.muli %mul3A_566, %add3A_565 : i32
            %dma_start3A_568 = arith.constant 0 : i32
            %dma_start3A_569 = arith.constant 0 : i32
            %dma_start3A_570 = tpu.memref_slice %run_scoped3A_41[%rem3A_563, %dma_start3A_568, %dma_start3A_569] : memref<2x1x64xi32, #tpu.memory_space<vmem>> -> memref<1x1x64xi32, #tpu.memory_space<vmem>>
            %dma_start3A_571 = tpu.memref_squeeze %dma_start3A_570 : memref<1x1x64xi32, #tpu.memory_space<vmem>> -> memref<1x64xi32, #tpu.memory_space<vmem>>
            %dma_start3A_572 = arith.constant 0 : i32
            %dma_start3A_573 = tpu.memref_slice %arg3[%dma_start3A_572, %mul3A_567] : memref<1x160000xi32, #tpu.memory_space<hbm>> -> memref<1x64xi32, #tpu.memory_space<hbm>>
            %dma_start3A_574 = tpu.memref_slice %run_scoped3A_42[%rem3A_563] : memref<2x!tpu.dma_semaphore, #tpu.memory_space<semaphore_mem>> -> memref<1x!tpu.dma_semaphore, #tpu.memory_space<semaphore_mem>>
            %dma_start3A_575 = tpu.memref_squeeze %dma_start3A_574 : memref<1x!tpu.dma_semaphore, #tpu.memory_space<semaphore_mem>> -> memref<!tpu.dma_semaphore, #tpu.memory_space<semaphore_mem>>
            %dma_start3A_576 = arith.constant 0 : i32
            %dma_start3A_577 = arith.constant 0 : i32
            %dma_start3A_578 = tpu.memref_slice %run_scoped3A_41[%rem3A_563, %dma_start3A_576, %dma_start3A_577] : memref<2x1x64xi32, #tpu.memory_space<vmem>> -> memref<1x1x64xi32, #tpu.memory_space<vmem>>
            %dma_start3A_579 = tpu.memref_squeeze %dma_start3A_578 : memref<1x1x64xi32, #tpu.memory_space<vmem>> -> memref<1x64xi32, #tpu.memory_space<vmem>>
            %dma_start3A_580 = arith.constant 0 : i32
            %dma_start3A_581 = tpu.memref_slice %arg3[%dma_start3A_580, %mul3A_567] : memref<1x160000xi32, #tpu.memory_space<hbm>> -> memref<1x64xi32, #tpu.memory_space<hbm>>
            tpu.enqueue_dma source(%dma_start3A_581 : memref<1x64xi32, #tpu.memory_space<hbm>>) target(%dma_start3A_579 : memref<1x64xi32, #tpu.memory_space<vmem>>) target_semaphore(%dma_start3A_575 : memref<!tpu.dma_semaphore, #tpu.memory_space<semaphore_mem>>)
            "tpu.trace_stop"() : () -> ()
          } else {
          }
          %and3A_370 = arith.constant true
          %and3A_371 = arith.andi %and3A_366, %and3A_370 : i1
          %add3A_372 = arith.constant 1 : i32
          %add3A_373 = arith.addi %while3A_258, %add3A_372 : i32
          %select_n3A_374 = arith.select %and3A_371, %add3A_373, %while3A_258 : i32
          %ne3A_375 = arith.cmpi ne, %add3A_268, %add3A_278 : i32
          %or3A_376 = arith.constant false
          %or3A_377 = arith.ori %or3A_376, %ne3A_375 : i1
          %or3A_378 = arith.constant false
          %or3A_379 = arith.ori %or3A_377, %or3A_378 : i1
          %or3A_380 = arith.ori %or3A_379, %eq3A_264 : i1
          %convert_element_type3A_381 = arith.extui %or3A_380 : i1 to i32
          %cond3A_382 = arith.constant 0 : i32
          %cond3A_383 = arith.cmpi ne, %convert_element_type3A_381, %cond3A_382 : i32
          scf.if %cond3A_383 {
            "tpu.trace_start"() <{level = 10 : i32, message = "ep_wait_in"}> : () -> ()
            %mul3A_562 = arith.constant 64 : i32
            %mul3A_563 = arith.muli %mul3A_562, %add3A_268 : i32
            %rem3A_564 = arith.constant 2 : i32
            %rem3A_565 = arith.remui %while3A_253, %rem3A_564 : i32
            %dma_wait3A = arith.constant 0 : i32
            %dma_wait3A_566 = arith.constant 0 : i32
            %dma_wait3A_567 = tpu.memref_slice %run_scoped3A[%rem3A_565, %dma_wait3A, %dma_wait3A_566] : memref<2x64x64xf32, #tpu.memory_space<vmem>> -> memref<1x64x64xf32, #tpu.memory_space<vmem>>
            %dma_wait3A_568 = tpu.memref_squeeze %dma_wait3A_567 : memref<1x64x64xf32, #tpu.memory_space<vmem>> -> memref<64x64xf32, #tpu.memory_space<vmem>>
            %dma_wait3A_569 = arith.constant 0 : i32
            %dma_wait3A_570 = tpu.memref_slice %arg2[%mul3A_563, %dma_wait3A_569] : memref<80000x128xf32, #tpu.memory_space<hbm>> -> memref<64x64xf32, #tpu.memory_space<hbm>>
            %dma_wait3A_571 = tpu.memref_slice %run_scoped3A_36[%rem3A_565] : memref<2x!tpu.dma_semaphore, #tpu.memory_space<semaphore_mem>> -> memref<1x!tpu.dma_semaphore, #tpu.memory_space<semaphore_mem>>
            %dma_wait3A_572 = tpu.memref_squeeze %dma_wait3A_571 : memref<1x!tpu.dma_semaphore, #tpu.memory_space<semaphore_mem>> -> memref<!tpu.dma_semaphore, #tpu.memory_space<semaphore_mem>>
            %dma_wait3A_573 = arith.constant 0 : i32
            %dma_wait3A_574 = arith.constant 0 : i32
            %dma_wait3A_575 = tpu.memref_slice %run_scoped3A[%rem3A_565, %dma_wait3A_573, %dma_wait3A_574] : memref<2x64x64xf32, #tpu.memory_space<vmem>> -> memref<1x64x64xf32, #tpu.memory_space<vmem>>
            %dma_wait3A_576 = tpu.memref_squeeze %dma_wait3A_575 : memref<1x64x64xf32, #tpu.memory_space<vmem>> -> memref<64x64xf32, #tpu.memory_space<vmem>>
            %dma_wait3A_577 = arith.constant 0 : i32
            %dma_wait3A_578 = tpu.memref_slice %arg2[%mul3A_563, %dma_wait3A_577] : memref<80000x128xf32, #tpu.memory_space<hbm>> -> memref<64x64xf32, #tpu.memory_space<hbm>>
            tpu.wait_dma2 semaphore(%dma_wait3A_572 : memref<!tpu.dma_semaphore, #tpu.memory_space<semaphore_mem>>) src(%dma_wait3A_578 : memref<64x64xf32, #tpu.memory_space<hbm>>) dst(%dma_wait3A_576 : memref<64x64xf32, #tpu.memory_space<vmem>>)
            "tpu.trace_stop"() : () -> ()
          } else {
          }
          %ne3A_384 = arith.cmpi ne, %add3A_268, %add3A_278 : i32
          %or3A_385 = arith.constant false
          %or3A_386 = arith.ori %or3A_385, %ne3A_384 : i1
          %or3A_387 = arith.constant false
          %or3A_388 = arith.ori %or3A_386, %or3A_387 : i1
          %or3A_389 = arith.ori %or3A_388, %eq3A_264 : i1
          %convert_element_type3A_390 = arith.extui %or3A_389 : i1 to i32
          %cond3A_391 = arith.constant 0 : i32
          %cond3A_392 = arith.cmpi ne, %convert_element_type3A_390, %cond3A_391 : i32
          scf.if %cond3A_392 {
            "tpu.trace_start"() <{level = 10 : i32, message = "ep_wait_in"}> : () -> ()
            %mul3A_562 = arith.constant 64 : i32
            %mul3A_563 = arith.muli %mul3A_562, %add3A_268 : i32
            %rem3A_564 = arith.constant 2 : i32
            %rem3A_565 = arith.remui %while3A_255, %rem3A_564 : i32
            %dma_wait3A = arith.constant 0 : i32
            %dma_wait3A_566 = arith.constant 0 : i32
            %dma_wait3A_567 = tpu.memref_slice %run_scoped3A_37[%rem3A_565, %dma_wait3A, %dma_wait3A_566] : memref<2x64x64xf32, #tpu.memory_space<vmem>> -> memref<1x64x64xf32, #tpu.memory_space<vmem>>
            %dma_wait3A_568 = tpu.memref_squeeze %dma_wait3A_567 : memref<1x64x64xf32, #tpu.memory_space<vmem>> -> memref<64x64xf32, #tpu.memory_space<vmem>>
            %dma_wait3A_569 = arith.constant 64 : i32
            %dma_wait3A_570 = tpu.memref_slice %arg2[%mul3A_563, %dma_wait3A_569] : memref<80000x128xf32, #tpu.memory_space<hbm>> -> memref<64x64xf32, #tpu.memory_space<hbm>>
            %dma_wait3A_571 = tpu.memref_slice %run_scoped3A_38[%rem3A_565] : memref<2x!tpu.dma_semaphore, #tpu.memory_space<semaphore_mem>> -> memref<1x!tpu.dma_semaphore, #tpu.memory_space<semaphore_mem>>
            %dma_wait3A_572 = tpu.memref_squeeze %dma_wait3A_571 : memref<1x!tpu.dma_semaphore, #tpu.memory_space<semaphore_mem>> -> memref<!tpu.dma_semaphore, #tpu.memory_space<semaphore_mem>>
            %dma_wait3A_573 = arith.constant 0 : i32
            %dma_wait3A_574 = arith.constant 0 : i32
            %dma_wait3A_575 = tpu.memref_slice %run_scoped3A_37[%rem3A_565, %dma_wait3A_573, %dma_wait3A_574] : memref<2x64x64xf32, #tpu.memory_space<vmem>> -> memref<1x64x64xf32, #tpu.memory_space<vmem>>
            %dma_wait3A_576 = tpu.memref_squeeze %dma_wait3A_575 : memref<1x64x64xf32, #tpu.memory_space<vmem>> -> memref<64x64xf32, #tpu.memory_space<vmem>>
            %dma_wait3A_577 = arith.constant 64 : i32
            %dma_wait3A_578 = tpu.memref_slice %arg2[%mul3A_563, %dma_wait3A_577] : memref<80000x128xf32, #tpu.memory_space<hbm>> -> memref<64x64xf32, #tpu.memory_space<hbm>>
            tpu.wait_dma2 semaphore(%dma_wait3A_572 : memref<!tpu.dma_semaphore, #tpu.memory_space<semaphore_mem>>) src(%dma_wait3A_578 : memref<64x64xf32, #tpu.memory_space<hbm>>) dst(%dma_wait3A_576 : memref<64x64xf32, #tpu.memory_space<vmem>>)
            "tpu.trace_stop"() : () -> ()
          } else {
          }
          %ne3A_393 = arith.cmpi ne, %add3A_268, %add3A_278 : i32
          %or3A_394 = arith.constant false
          %or3A_395 = arith.ori %or3A_394, %ne3A_393 : i1
          %or3A_396 = arith.ori %or3A_395, %eq3A_264 : i1
          %convert_element_type3A_397 = arith.extui %or3A_396 : i1 to i32
          %cond3A_398 = arith.constant 0 : i32
          %cond3A_399 = arith.cmpi ne, %convert_element_type3A_397, %cond3A_398 : i32
          scf.if %cond3A_399 {
            "tpu.trace_start"() <{level = 10 : i32, message = "ep_wait_in"}> : () -> ()
            %mul3A_562 = arith.constant 64 : i32
            %mul3A_563 = arith.muli %mul3A_562, %add3A_268 : i32
            %rem3A_564 = arith.constant 2 : i32
            %rem3A_565 = arith.remui %while3A_257, %rem3A_564 : i32
            %dma_wait3A = arith.constant 0 : i32
            %dma_wait3A_566 = arith.constant 0 : i32
            %dma_wait3A_567 = tpu.memref_slice %run_scoped3A_39[%rem3A_565, %dma_wait3A, %dma_wait3A_566] : memref<2x1x64xi32, #tpu.memory_space<vmem>> -> memref<1x1x64xi32, #tpu.memory_space<vmem>>
            %dma_wait3A_568 = tpu.memref_squeeze %dma_wait3A_567 : memref<1x1x64xi32, #tpu.memory_space<vmem>> -> memref<1x64xi32, #tpu.memory_space<vmem>>
            %dma_wait3A_569 = arith.constant 0 : i32
            %dma_wait3A_570 = tpu.memref_slice %arg3[%dma_wait3A_569, %mul3A_563] : memref<1x160000xi32, #tpu.memory_space<hbm>> -> memref<1x64xi32, #tpu.memory_space<hbm>>
            %dma_wait3A_571 = tpu.memref_slice %run_scoped3A_40[%rem3A_565] : memref<2x!tpu.dma_semaphore, #tpu.memory_space<semaphore_mem>> -> memref<1x!tpu.dma_semaphore, #tpu.memory_space<semaphore_mem>>
            %dma_wait3A_572 = tpu.memref_squeeze %dma_wait3A_571 : memref<1x!tpu.dma_semaphore, #tpu.memory_space<semaphore_mem>> -> memref<!tpu.dma_semaphore, #tpu.memory_space<semaphore_mem>>
            %dma_wait3A_573 = arith.constant 0 : i32
            %dma_wait3A_574 = arith.constant 0 : i32
            %dma_wait3A_575 = tpu.memref_slice %run_scoped3A_39[%rem3A_565, %dma_wait3A_573, %dma_wait3A_574] : memref<2x1x64xi32, #tpu.memory_space<vmem>> -> memref<1x1x64xi32, #tpu.memory_space<vmem>>
            %dma_wait3A_576 = tpu.memref_squeeze %dma_wait3A_575 : memref<1x1x64xi32, #tpu.memory_space<vmem>> -> memref<1x64xi32, #tpu.memory_space<vmem>>
            %dma_wait3A_577 = arith.constant 0 : i32
            %dma_wait3A_578 = tpu.memref_slice %arg3[%dma_wait3A_577, %mul3A_563] : memref<1x160000xi32, #tpu.memory_space<hbm>> -> memref<1x64xi32, #tpu.memory_space<hbm>>
            tpu.wait_dma2 semaphore(%dma_wait3A_572 : memref<!tpu.dma_semaphore, #tpu.memory_space<semaphore_mem>>) src(%dma_wait3A_578 : memref<1x64xi32, #tpu.memory_space<hbm>>) dst(%dma_wait3A_576 : memref<1x64xi32, #tpu.memory_space<vmem>>)
            "tpu.trace_stop"() : () -> ()
          } else {
          }
          %add3A_400 = arith.constant 1250 : i32
          %add3A_401 = arith.addi %add3A_268, %add3A_400 : i32
          %add3A_402 = arith.constant 1250 : i32
          %add3A_403 = arith.addi %add3A_278, %add3A_402 : i32
          %ne3A_404 = arith.cmpi ne, %add3A_401, %add3A_403 : i32
          %or3A_405 = arith.constant false
          %or3A_406 = arith.ori %or3A_405, %ne3A_404 : i1
          %or3A_407 = arith.ori %or3A_406, %eq3A_264 : i1
          %convert_element_type3A_408 = arith.extui %or3A_407 : i1 to i32
          %cond3A_409 = arith.constant 0 : i32
          %cond3A_410 = arith.cmpi ne, %convert_element_type3A_408, %cond3A_409 : i32
          scf.if %cond3A_410 {
            "tpu.trace_start"() <{level = 10 : i32, message = "ep_wait_in"}> : () -> ()
            %add3A_562 = arith.constant 1250 : i32
            %add3A_563 = arith.addi %add3A_268, %add3A_562 : i32
            %mul3A_564 = arith.constant 64 : i32
            %mul3A_565 = arith.muli %mul3A_564, %add3A_563 : i32
            %rem3A_566 = arith.constant 2 : i32
            %rem3A_567 = arith.remui %while3A_259, %rem3A_566 : i32
            %dma_wait3A = arith.constant 0 : i32
            %dma_wait3A_568 = arith.constant 0 : i32
            %dma_wait3A_569 = tpu.memref_slice %run_scoped3A_41[%rem3A_567, %dma_wait3A, %dma_wait3A_568] : memref<2x1x64xi32, #tpu.memory_space<vmem>> -> memref<1x1x64xi32, #tpu.memory_space<vmem>>
            %dma_wait3A_570 = tpu.memref_squeeze %dma_wait3A_569 : memref<1x1x64xi32, #tpu.memory_space<vmem>> -> memref<1x64xi32, #tpu.memory_space<vmem>>
            %dma_wait3A_571 = arith.constant 0 : i32
            %dma_wait3A_572 = tpu.memref_slice %arg3[%dma_wait3A_571, %mul3A_565] : memref<1x160000xi32, #tpu.memory_space<hbm>> -> memref<1x64xi32, #tpu.memory_space<hbm>>
            %dma_wait3A_573 = tpu.memref_slice %run_scoped3A_42[%rem3A_567] : memref<2x!tpu.dma_semaphore, #tpu.memory_space<semaphore_mem>> -> memref<1x!tpu.dma_semaphore, #tpu.memory_space<semaphore_mem>>
            %dma_wait3A_574 = tpu.memref_squeeze %dma_wait3A_573 : memref<1x!tpu.dma_semaphore, #tpu.memory_space<semaphore_mem>> -> memref<!tpu.dma_semaphore, #tpu.memory_space<semaphore_mem>>
            %dma_wait3A_575 = arith.constant 0 : i32
            %dma_wait3A_576 = arith.constant 0 : i32
            %dma_wait3A_577 = tpu.memref_slice %run_scoped3A_41[%rem3A_567, %dma_wait3A_575, %dma_wait3A_576] : memref<2x1x64xi32, #tpu.memory_space<vmem>> -> memref<1x1x64xi32, #tpu.memory_space<vmem>>
            %dma_wait3A_578 = tpu.memref_squeeze %dma_wait3A_577 : memref<1x1x64xi32, #tpu.memory_space<vmem>> -> memref<1x64xi32, #tpu.memory_space<vmem>>
            %dma_wait3A_579 = arith.constant 0 : i32
            %dma_wait3A_580 = tpu.memref_slice %arg3[%dma_wait3A_579, %mul3A_565] : memref<1x160000xi32, #tpu.memory_space<hbm>> -> memref<1x64xi32, #tpu.memory_space<hbm>>
            tpu.wait_dma2 semaphore(%dma_wait3A_574 : memref<!tpu.dma_semaphore, #tpu.memory_space<semaphore_mem>>) src(%dma_wait3A_580 : memref<1x64xi32, #tpu.memory_space<hbm>>) dst(%dma_wait3A_578 : memref<1x64xi32, #tpu.memory_space<vmem>>)
            "tpu.trace_stop"() : () -> ()
          } else {
          }
          %rem3A_411 = arith.constant 2 : i32
          %rem3A_412 = arith.remui %while3A_253, %rem3A_411 : i32
          %rem3A_413 = arith.constant 2 : i32
          %rem3A_414 = arith.remui %while3A_255, %rem3A_413 : i32
          %rem3A_415 = arith.constant 2 : i32
          %rem3A_416 = arith.remui %while3A_257, %rem3A_415 : i32
          %rem3A_417 = arith.constant 2 : i32
          %rem3A_418 = arith.remui %while3A_259, %rem3A_417 : i32
          %run_scoped3A_419 = arith.constant 0 : i32
          "tpu.trace_start"() <{level = 10 : i32, message = "ep_run_kernel"}> : () -> ()
          "tpu.region"() ({
            %run_scoped3A_562 = tpu.sem_alloc : memref<!tpu.dma_semaphore, #tpu.memory_space<semaphore_mem>>
            %dma_start3A_563 = arith.constant 0 : i32
            %dma_start3A_564 = arith.constant 0 : i32
            %dma_start3A_565 = tpu.memref_slice %run_scoped3A[%rem3A_412, %dma_start3A_563, %dma_start3A_564] : memref<2x64x64xf32, #tpu.memory_space<vmem>> -> memref<1x64x64xf32, #tpu.memory_space<vmem>>
            %dma_start3A_566 = tpu.memref_squeeze %dma_start3A_565 : memref<1x64x64xf32, #tpu.memory_space<vmem>> -> memref<64x64xf32, #tpu.memory_space<vmem>>
            %dma_start3A_567 = arith.constant 0 : i32
            %dma_start3A_568 = arith.constant 0 : i32
            %dma_start3A_569 = tpu.memref_slice %run_scoped3A_39[%rem3A_416, %dma_start3A_567, %dma_start3A_568] : memref<2x1x64xi32, #tpu.memory_space<vmem>> -> memref<1x1x64xi32, #tpu.memory_space<vmem>>
            %dma_start3A_570 = tpu.memref_squeeze %dma_start3A_569 : memref<1x1x64xi32, #tpu.memory_space<vmem>> -> memref<1x64xi32, #tpu.memory_space<vmem>>
            %dma_start3A_571 = arith.constant 0 : i32
            %dma_start3A_572 = tpu.memref_slice %dma_start3A_570[%run_scoped3A_419, %dma_start3A_571] : memref<1x64xi32, #tpu.memory_space<vmem>> -> memref<1x64xi32, #tpu.memory_space<vmem>>
            %dma_start3A_573 = tpu.memref_squeeze %dma_start3A_572 : memref<1x64xi32, #tpu.memory_space<vmem>> -> memref<64xi32, #tpu.memory_space<vmem>>
            %dma_start3A_574 = arith.constant 0 : i32
            %dma_start3A_575 = arith.constant 0 : i32
            %dma_start3A_576 = tpu.memref_slice %arg6[%dma_start3A_574, %dma_start3A_575] : memref<10112x64xf32, #tpu.memory_space<vmem_shared>> -> memref<10112x64xf32, #tpu.memory_space<vmem_shared>>
            tpu.enqueue_indirect_dma source(%dma_start3A_566 : memref<64x64xf32, #tpu.memory_space<vmem>>) target(%dma_start3A_576 : memref<10112x64xf32, #tpu.memory_space<vmem_shared>>) offsets(%dma_start3A_573 : memref<64xi32, #tpu.memory_space<vmem>>) semaphore(%run_scoped3A_562 : memref<!tpu.dma_semaphore, #tpu.memory_space<semaphore_mem>>) {add = true}
            %dma_wait3A = arith.constant 0 : i32
            %dma_wait3A_577 = arith.constant 0 : i32
            %dma_wait3A_578 = tpu.memref_slice %run_scoped3A[%rem3A_412, %dma_wait3A, %dma_wait3A_577] : memref<2x64x64xf32, #tpu.memory_space<vmem>> -> memref<1x64x64xf32, #tpu.memory_space<vmem>>
            %dma_wait3A_579 = tpu.memref_squeeze %dma_wait3A_578 : memref<1x64x64xf32, #tpu.memory_space<vmem>> -> memref<64x64xf32, #tpu.memory_space<vmem>>
            %dma_wait3A_580 = arith.constant 0 : i32
            %dma_wait3A_581 = arith.constant 0 : i32
            %dma_wait3A_582 = tpu.memref_slice %run_scoped3A_39[%rem3A_416, %dma_wait3A_580, %dma_wait3A_581] : memref<2x1x64xi32, #tpu.memory_space<vmem>> -> memref<1x1x64xi32, #tpu.memory_space<vmem>>
            %dma_wait3A_583 = tpu.memref_squeeze %dma_wait3A_582 : memref<1x1x64xi32, #tpu.memory_space<vmem>> -> memref<1x64xi32, #tpu.memory_space<vmem>>
            %dma_wait3A_584 = arith.constant 0 : i32
            %dma_wait3A_585 = tpu.memref_slice %dma_wait3A_583[%run_scoped3A_419, %dma_wait3A_584] : memref<1x64xi32, #tpu.memory_space<vmem>> -> memref<1x64xi32, #tpu.memory_space<vmem>>
            %dma_wait3A_586 = tpu.memref_squeeze %dma_wait3A_585 : memref<1x64xi32, #tpu.memory_space<vmem>> -> memref<64xi32, #tpu.memory_space<vmem>>
            %dma_wait3A_587 = arith.constant 0 : i32
            %dma_wait3A_588 = arith.constant 0 : i32
            %dma_wait3A_589 = tpu.memref_slice %arg6[%dma_wait3A_587, %dma_wait3A_588] : memref<10112x64xf32, #tpu.memory_space<vmem_shared>> -> memref<10112x64xf32, #tpu.memory_space<vmem_shared>>
            tpu.wait_indirect_dma semaphore(%run_scoped3A_562 : memref<!tpu.dma_semaphore, #tpu.memory_space<semaphore_mem>>) src(%dma_wait3A_579 : memref<64x64xf32, #tpu.memory_space<vmem>>) dst(%dma_wait3A_589 : memref<10112x64xf32, #tpu.memory_space<vmem_shared>>)
            tpu.yield
          }) : () -> ()
          %run_scoped3A_420 = arith.constant 0 : i32
          "tpu.region"() ({
            %run_scoped3A_562 = tpu.sem_alloc : memref<!tpu.dma_semaphore, #tpu.memory_space<semaphore_mem>>
            %dma_start3A_563 = arith.constant 0 : i32
            %dma_start3A_564 = arith.constant 0 : i32
            %dma_start3A_565 = tpu.memref_slice %run_scoped3A_37[%rem3A_414, %dma_start3A_563, %dma_start3A_564] : memref<2x64x64xf32, #tpu.memory_space<vmem>> -> memref<1x64x64xf32, #tpu.memory_space<vmem>>
            %dma_start3A_566 = tpu.memref_squeeze %dma_start3A_565 : memref<1x64x64xf32, #tpu.memory_space<vmem>> -> memref<64x64xf32, #tpu.memory_space<vmem>>
            %dma_start3A_567 = arith.constant 0 : i32
            %dma_start3A_568 = arith.constant 0 : i32
            %dma_start3A_569 = tpu.memref_slice %run_scoped3A_41[%rem3A_418, %dma_start3A_567, %dma_start3A_568] : memref<2x1x64xi32, #tpu.memory_space<vmem>> -> memref<1x1x64xi32, #tpu.memory_space<vmem>>
            %dma_start3A_570 = tpu.memref_squeeze %dma_start3A_569 : memref<1x1x64xi32, #tpu.memory_space<vmem>> -> memref<1x64xi32, #tpu.memory_space<vmem>>
            %dma_start3A_571 = arith.constant 0 : i32
            %dma_start3A_572 = tpu.memref_slice %dma_start3A_570[%run_scoped3A_420, %dma_start3A_571] : memref<1x64xi32, #tpu.memory_space<vmem>> -> memref<1x64xi32, #tpu.memory_space<vmem>>
            %dma_start3A_573 = tpu.memref_squeeze %dma_start3A_572 : memref<1x64xi32, #tpu.memory_space<vmem>> -> memref<64xi32, #tpu.memory_space<vmem>>
            %dma_start3A_574 = arith.constant 0 : i32
            %dma_start3A_575 = arith.constant 0 : i32
            %dma_start3A_576 = tpu.memref_slice %arg6[%dma_start3A_574, %dma_start3A_575] : memref<10112x64xf32, #tpu.memory_space<vmem_shared>> -> memref<10112x64xf32, #tpu.memory_space<vmem_shared>>
            tpu.enqueue_indirect_dma source(%dma_start3A_566 : memref<64x64xf32, #tpu.memory_space<vmem>>) target(%dma_start3A_576 : memref<10112x64xf32, #tpu.memory_space<vmem_shared>>) offsets(%dma_start3A_573 : memref<64xi32, #tpu.memory_space<vmem>>) semaphore(%run_scoped3A_562 : memref<!tpu.dma_semaphore, #tpu.memory_space<semaphore_mem>>) {add = true}
            %dma_wait3A = arith.constant 0 : i32
            %dma_wait3A_577 = arith.constant 0 : i32
            %dma_wait3A_578 = tpu.memref_slice %run_scoped3A_37[%rem3A_414, %dma_wait3A, %dma_wait3A_577] : memref<2x64x64xf32, #tpu.memory_space<vmem>> -> memref<1x64x64xf32, #tpu.memory_space<vmem>>
            %dma_wait3A_579 = tpu.memref_squeeze %dma_wait3A_578 : memref<1x64x64xf32, #tpu.memory_space<vmem>> -> memref<64x64xf32, #tpu.memory_space<vmem>>
            %dma_wait3A_580 = arith.constant 0 : i32
            %dma_wait3A_581 = arith.constant 0 : i32
            %dma_wait3A_582 = tpu.memref_slice %run_scoped3A_41[%rem3A_418, %dma_wait3A_580, %dma_wait3A_581] : memref<2x1x64xi32, #tpu.memory_space<vmem>> -> memref<1x1x64xi32, #tpu.memory_space<vmem>>
            %dma_wait3A_583 = tpu.memref_squeeze %dma_wait3A_582 : memref<1x1x64xi32, #tpu.memory_space<vmem>> -> memref<1x64xi32, #tpu.memory_space<vmem>>
            %dma_wait3A_584 = arith.constant 0 : i32
            %dma_wait3A_585 = tpu.memref_slice %dma_wait3A_583[%run_scoped3A_420, %dma_wait3A_584] : memref<1x64xi32, #tpu.memory_space<vmem>> -> memref<1x64xi32, #tpu.memory_space<vmem>>
            %dma_wait3A_586 = tpu.memref_squeeze %dma_wait3A_585 : memref<1x64xi32, #tpu.memory_space<vmem>> -> memref<64xi32, #tpu.memory_space<vmem>>
            %dma_wait3A_587 = arith.constant 0 : i32
            %dma_wait3A_588 = arith.constant 0 : i32
            %dma_wait3A_589 = tpu.memref_slice %arg6[%dma_wait3A_587, %dma_wait3A_588] : memref<10112x64xf32, #tpu.memory_space<vmem_shared>> -> memref<10112x64xf32, #tpu.memory_space<vmem_shared>>
            tpu.wait_indirect_dma semaphore(%run_scoped3A_562 : memref<!tpu.dma_semaphore, #tpu.memory_space<semaphore_mem>>) src(%dma_wait3A_579 : memref<64x64xf32, #tpu.memory_space<vmem>>) dst(%dma_wait3A_589 : memref<10112x64xf32, #tpu.memory_space<vmem_shared>>)
            tpu.yield
          }) : () -> ()
          %run_scoped3A_421 = arith.constant 0 : i32
          "tpu.region"() ({
            %run_scoped3A_562 = tpu.sem_alloc : memref<!tpu.dma_semaphore, #tpu.memory_space<semaphore_mem>>
            %dma_start3A_563 = arith.constant 0 : i32
            %dma_start3A_564 = arith.constant 0 : i32
            %dma_start3A_565 = tpu.memref_slice %run_scoped3A_39[%rem3A_416, %dma_start3A_563, %dma_start3A_564] : memref<2x1x64xi32, #tpu.memory_space<vmem>> -> memref<1x1x64xi32, #tpu.memory_space<vmem>>
            %dma_start3A_566 = tpu.memref_squeeze %dma_start3A_565 : memref<1x1x64xi32, #tpu.memory_space<vmem>> -> memref<1x64xi32, #tpu.memory_space<vmem>>
            %dma_start3A_567 = arith.constant 0 : i32
            %dma_start3A_568 = tpu.memref_slice %dma_start3A_566[%run_scoped3A_421, %dma_start3A_567] : memref<1x64xi32, #tpu.memory_space<vmem>> -> memref<1x64xi32, #tpu.memory_space<vmem>>
            %dma_start3A_569 = tpu.memref_squeeze %dma_start3A_568 : memref<1x64xi32, #tpu.memory_space<vmem>> -> memref<64xi32, #tpu.memory_space<vmem>>
            %dma_start3A_570 = arith.constant 0 : i32
            %dma_start3A_571 = arith.constant 0 : i32
            %dma_start3A_572 = tpu.memref_slice %arg7[%dma_start3A_570, %dma_start3A_571] : memref<10112x16xf32, #tpu.memory_space<vmem_shared>> -> memref<10112x16xf32, #tpu.memory_space<vmem_shared>>
            tpu.enqueue_indirect_dma source(%arg8 : memref<64x16xf32, #tpu.memory_space<vmem>>) target(%dma_start3A_572 : memref<10112x16xf32, #tpu.memory_space<vmem_shared>>) offsets(%dma_start3A_569 : memref<64xi32, #tpu.memory_space<vmem>>) semaphore(%run_scoped3A_562 : memref<!tpu.dma_semaphore, #tpu.memory_space<semaphore_mem>>) {add = true}
            %dma_wait3A = arith.constant 0 : i32
            %dma_wait3A_573 = arith.constant 0 : i32
            %dma_wait3A_574 = tpu.memref_slice %run_scoped3A_39[%rem3A_416, %dma_wait3A, %dma_wait3A_573] : memref<2x1x64xi32, #tpu.memory_space<vmem>> -> memref<1x1x64xi32, #tpu.memory_space<vmem>>
            %dma_wait3A_575 = tpu.memref_squeeze %dma_wait3A_574 : memref<1x1x64xi32, #tpu.memory_space<vmem>> -> memref<1x64xi32, #tpu.memory_space<vmem>>
            %dma_wait3A_576 = arith.constant 0 : i32
            %dma_wait3A_577 = tpu.memref_slice %dma_wait3A_575[%run_scoped3A_421, %dma_wait3A_576] : memref<1x64xi32, #tpu.memory_space<vmem>> -> memref<1x64xi32, #tpu.memory_space<vmem>>
            %dma_wait3A_578 = tpu.memref_squeeze %dma_wait3A_577 : memref<1x64xi32, #tpu.memory_space<vmem>> -> memref<64xi32, #tpu.memory_space<vmem>>
            %dma_wait3A_579 = arith.constant 0 : i32
            %dma_wait3A_580 = arith.constant 0 : i32
            %dma_wait3A_581 = tpu.memref_slice %arg7[%dma_wait3A_579, %dma_wait3A_580] : memref<10112x16xf32, #tpu.memory_space<vmem_shared>> -> memref<10112x16xf32, #tpu.memory_space<vmem_shared>>
            tpu.wait_indirect_dma semaphore(%run_scoped3A_562 : memref<!tpu.dma_semaphore, #tpu.memory_space<semaphore_mem>>) src(%arg8 : memref<64x16xf32, #tpu.memory_space<vmem>>) dst(%dma_wait3A_581 : memref<10112x16xf32, #tpu.memory_space<vmem_shared>>)
            tpu.yield
          }) : () -> ()
          %run_scoped3A_422 = arith.constant 0 : i32
          "tpu.region"() ({
            %run_scoped3A_562 = tpu.sem_alloc : memref<!tpu.dma_semaphore, #tpu.memory_space<semaphore_mem>>
            %dma_start3A_563 = arith.constant 0 : i32
            %dma_start3A_564 = arith.constant 0 : i32
            %dma_start3A_565 = tpu.memref_slice %run_scoped3A_41[%rem3A_418, %dma_start3A_563, %dma_start3A_564] : memref<2x1x64xi32, #tpu.memory_space<vmem>> -> memref<1x1x64xi32, #tpu.memory_space<vmem>>
            %dma_start3A_566 = tpu.memref_squeeze %dma_start3A_565 : memref<1x1x64xi32, #tpu.memory_space<vmem>> -> memref<1x64xi32, #tpu.memory_space<vmem>>
            %dma_start3A_567 = arith.constant 0 : i32
            %dma_start3A_568 = tpu.memref_slice %dma_start3A_566[%run_scoped3A_422, %dma_start3A_567] : memref<1x64xi32, #tpu.memory_space<vmem>> -> memref<1x64xi32, #tpu.memory_space<vmem>>
            %dma_start3A_569 = tpu.memref_squeeze %dma_start3A_568 : memref<1x64xi32, #tpu.memory_space<vmem>> -> memref<64xi32, #tpu.memory_space<vmem>>
            %dma_start3A_570 = arith.constant 0 : i32
            %dma_start3A_571 = arith.constant 0 : i32
            %dma_start3A_572 = tpu.memref_slice %arg7[%dma_start3A_570, %dma_start3A_571] : memref<10112x16xf32, #tpu.memory_space<vmem_shared>> -> memref<10112x16xf32, #tpu.memory_space<vmem_shared>>
            tpu.enqueue_indirect_dma source(%arg8 : memref<64x16xf32, #tpu.memory_space<vmem>>) target(%dma_start3A_572 : memref<10112x16xf32, #tpu.memory_space<vmem_shared>>) offsets(%dma_start3A_569 : memref<64xi32, #tpu.memory_space<vmem>>) semaphore(%run_scoped3A_562 : memref<!tpu.dma_semaphore, #tpu.memory_space<semaphore_mem>>) {add = true}
            %dma_wait3A = arith.constant 0 : i32
            %dma_wait3A_573 = arith.constant 0 : i32
            %dma_wait3A_574 = tpu.memref_slice %run_scoped3A_41[%rem3A_418, %dma_wait3A, %dma_wait3A_573] : memref<2x1x64xi32, #tpu.memory_space<vmem>> -> memref<1x1x64xi32, #tpu.memory_space<vmem>>
            %dma_wait3A_575 = tpu.memref_squeeze %dma_wait3A_574 : memref<1x1x64xi32, #tpu.memory_space<vmem>> -> memref<1x64xi32, #tpu.memory_space<vmem>>
            %dma_wait3A_576 = arith.constant 0 : i32
            %dma_wait3A_577 = tpu.memref_slice %dma_wait3A_575[%run_scoped3A_422, %dma_wait3A_576] : memref<1x64xi32, #tpu.memory_space<vmem>> -> memref<1x64xi32, #tpu.memory_space<vmem>>
            %dma_wait3A_578 = tpu.memref_squeeze %dma_wait3A_577 : memref<1x64xi32, #tpu.memory_space<vmem>> -> memref<64xi32, #tpu.memory_space<vmem>>
            %dma_wait3A_579 = arith.constant 0 : i32
            %dma_wait3A_580 = arith.constant 0 : i32
            %dma_wait3A_581 = tpu.memref_slice %arg7[%dma_wait3A_579, %dma_wait3A_580] : memref<10112x16xf32, #tpu.memory_space<vmem_shared>> -> memref<10112x16xf32, #tpu.memory_space<vmem_shared>>
            tpu.wait_indirect_dma semaphore(%run_scoped3A_562 : memref<!tpu.dma_semaphore, #tpu.memory_space<semaphore_mem>>) src(%arg8 : memref<64x16xf32, #tpu.memory_space<vmem>>) dst(%dma_wait3A_581 : memref<10112x16xf32, #tpu.memory_space<vmem_shared>>)
            tpu.yield
          }) : () -> ()
          "tpu.trace_stop"() : () -> ()
          %ne3A_423 = arith.cmpi ne, %add3A_268, %add3A_286 : i32
          %or3A_424 = arith.constant false
          %or3A_425 = arith.ori %or3A_424, %ne3A_423 : i1
          %or3A_426 = arith.constant false
          %or3A_427 = arith.ori %or3A_425, %or3A_426 : i1
          %or3A_428 = arith.ori %or3A_427, %eq3A_267 : i1
          %convert_element_type3A_429 = arith.extui %or3A_428 : i1 to i32
          %cond3A_430 = arith.constant 0 : i32
          %cond3A_431 = arith.cmpi ne, %convert_element_type3A_429, %cond3A_430 : i32
          scf.if %cond3A_431 {
          } else {
          }
          %and3A_432 = arith.constant false
          %and3A_433 = arith.andi %or3A_428, %and3A_432 : i1
          %ne3A_434 = arith.cmpi ne, %add3A_268, %add3A_286 : i32
          %or3A_435 = arith.constant false
          %or3A_436 = arith.ori %or3A_435, %ne3A_434 : i1
          %or3A_437 = arith.constant false
          %or3A_438 = arith.ori %or3A_436, %or3A_437 : i1
          %or3A_439 = arith.ori %or3A_438, %eq3A_267 : i1
          %convert_element_type3A_440 = arith.extui %or3A_439 : i1 to i32
          %cond3A_441 = arith.constant 0 : i32
          %cond3A_442 = arith.cmpi ne, %convert_element_type3A_440, %cond3A_441 : i32
          scf.if %cond3A_442 {
          } else {
          }
          %and3A_443 = arith.constant false
          %and3A_444 = arith.andi %or3A_439, %and3A_443 : i1
          %ne3A_445 = arith.cmpi ne, %add3A_268, %add3A_286 : i32
          %or3A_446 = arith.constant false
          %or3A_447 = arith.ori %or3A_446, %ne3A_445 : i1
          %or3A_448 = arith.ori %or3A_447, %eq3A_267 : i1
          %convert_element_type3A_449 = arith.extui %or3A_448 : i1 to i32
          %cond3A_450 = arith.constant 0 : i32
          %cond3A_451 = arith.cmpi ne, %convert_element_type3A_449, %cond3A_450 : i32
          scf.if %cond3A_451 {
          } else {
          }
          %and3A_452 = arith.constant false
          %and3A_453 = arith.andi %or3A_448, %and3A_452 : i1
          %add3A_454 = arith.constant 1250 : i32
          %add3A_455 = arith.addi %add3A_268, %add3A_454 : i32
          %add3A_456 = arith.constant 1250 : i32
          %add3A_457 = arith.addi %add3A_286, %add3A_456 : i32
          %ne3A_458 = arith.cmpi ne, %add3A_455, %add3A_457 : i32
          %or3A_459 = arith.constant false
          %or3A_460 = arith.ori %or3A_459, %ne3A_458 : i1
          %or3A_461 = arith.ori %or3A_460, %eq3A_267 : i1
          %convert_element_type3A_462 = arith.extui %or3A_461 : i1 to i32
          %cond3A_463 = arith.constant 0 : i32
          %cond3A_464 = arith.cmpi ne, %convert_element_type3A_462, %cond3A_463 : i32
          scf.if %cond3A_464 {
          } else {
          }
          %and3A_465 = arith.constant false
          %and3A_466 = arith.andi %or3A_461, %and3A_465 : i1
          %ne3A_467 = arith.cmpi ne, %add3A_268, %add3A_278 : i32
          %or3A_468 = arith.constant false
          %or3A_469 = arith.ori %or3A_468, %ne3A_467 : i1
          %or3A_470 = arith.constant false
          %or3A_471 = arith.ori %or3A_469, %or3A_470 : i1
          %not3A_472 = arith.constant true
          %not3A_473 = arith.xori %eq3A_264, %not3A_472 : i1
          %and3A_474 = arith.andi %or3A_471, %not3A_473 : i1
          %convert_element_type3A_475 = arith.extui %and3A_474 : i1 to i32
          %cond3A_476 = arith.constant 0 : i32
          %cond3A_477 = arith.cmpi ne, %convert_element_type3A_475, %cond3A_476 : i32
          scf.if %cond3A_477 {
          } else {
          }
          %and3A_478 = arith.constant false
          %and3A_479 = arith.andi %and3A_474, %and3A_478 : i1
          %ne3A_480 = arith.cmpi ne, %add3A_268, %add3A_278 : i32
          %or3A_481 = arith.constant false
          %or3A_482 = arith.ori %or3A_481, %ne3A_480 : i1
          %or3A_483 = arith.constant false
          %or3A_484 = arith.ori %or3A_482, %or3A_483 : i1
          %not3A_485 = arith.constant true
          %not3A_486 = arith.xori %eq3A_264, %not3A_485 : i1
          %and3A_487 = arith.andi %or3A_484, %not3A_486 : i1
          %convert_element_type3A_488 = arith.extui %and3A_487 : i1 to i32
          %cond3A_489 = arith.constant 0 : i32
          %cond3A_490 = arith.cmpi ne, %convert_element_type3A_488, %cond3A_489 : i32
          scf.if %cond3A_490 {
          } else {
          }
          %and3A_491 = arith.constant false
          %and3A_492 = arith.andi %and3A_487, %and3A_491 : i1
          %ne3A_493 = arith.cmpi ne, %add3A_268, %add3A_278 : i32
          %or3A_494 = arith.constant false
          %or3A_495 = arith.ori %or3A_494, %ne3A_493 : i1
          %not3A_496 = arith.constant true
          %not3A_497 = arith.xori %eq3A_264, %not3A_496 : i1
          %and3A_498 = arith.andi %or3A_495, %not3A_497 : i1
          %convert_element_type3A_499 = arith.extui %and3A_498 : i1 to i32
          %cond3A_500 = arith.constant 0 : i32
          %cond3A_501 = arith.cmpi ne, %convert_element_type3A_499, %cond3A_500 : i32
          scf.if %cond3A_501 {
          } else {
          }
          %and3A_502 = arith.constant false
          %and3A_503 = arith.andi %and3A_498, %and3A_502 : i1
          %add3A_504 = arith.constant 1250 : i32
          %add3A_505 = arith.addi %add3A_268, %add3A_504 : i32
          %add3A_506 = arith.constant 1250 : i32
          %add3A_507 = arith.addi %add3A_278, %add3A_506 : i32
          %ne3A_508 = arith.cmpi ne, %add3A_505, %add3A_507 : i32
          %or3A_509 = arith.constant false
          %or3A_510 = arith.ori %or3A_509, %ne3A_508 : i1
          %not3A_511 = arith.constant true
          %not3A_512 = arith.xori %eq3A_264, %not3A_511 : i1
          %and3A_513 = arith.andi %or3A_510, %not3A_512 : i1
          %convert_element_type3A_514 = arith.extui %and3A_513 : i1 to i32
          %cond3A_515 = arith.constant 0 : i32
          %cond3A_516 = arith.cmpi ne, %convert_element_type3A_514, %cond3A_515 : i32
          scf.if %cond3A_516 {
          } else {
          }
          %and3A_517 = arith.constant false
          %and3A_518 = arith.andi %and3A_513, %and3A_517 : i1
          %ne3A_519 = arith.cmpi ne, %add3A_268, %add3A_286 : i32
          %or3A_520 = arith.constant false
          %or3A_521 = arith.ori %or3A_520, %ne3A_519 : i1
          %or3A_522 = arith.constant false
          %or3A_523 = arith.ori %or3A_521, %or3A_522 : i1
          %or3A_524 = arith.ori %or3A_523, %eq3A_267 : i1
          %add3A_525 = arith.constant 1 : i32
          %add3A_526 = arith.addi %while3A_253, %add3A_525 : i32
          %select_n3A_527 = arith.select %or3A_524, %add3A_526, %while3A_253 : i32
          %ne3A_528 = arith.cmpi ne, %add3A_268, %add3A_286 : i32
          %or3A_529 = arith.constant false
          %or3A_530 = arith.ori %or3A_529, %ne3A_528 : i1
          %or3A_531 = arith.constant false
          %or3A_532 = arith.ori %or3A_530, %or3A_531 : i1
          %or3A_533 = arith.ori %or3A_532, %eq3A_267 : i1
          %add3A_534 = arith.constant 1 : i32
          %add3A_535 = arith.addi %while3A_255, %add3A_534 : i32
          %select_n3A_536 = arith.select %or3A_533, %add3A_535, %while3A_255 : i32
          %ne3A_537 = arith.cmpi ne, %add3A_268, %add3A_286 : i32
          %or3A_538 = arith.constant false
          %or3A_539 = arith.ori %or3A_538, %ne3A_537 : i1
          %or3A_540 = arith.ori %or3A_539, %eq3A_267 : i1
          %add3A_541 = arith.constant 1 : i32
          %add3A_542 = arith.addi %while3A_257, %add3A_541 : i32
          %select_n3A_543 = arith.select %or3A_540, %add3A_542, %while3A_257 : i32
          %add3A_544 = arith.constant 1250 : i32
          %add3A_545 = arith.addi %add3A_268, %add3A_544 : i32
          %add3A_546 = arith.constant 1250 : i32
          %add3A_547 = arith.addi %add3A_286, %add3A_546 : i32
          %ne3A_548 = arith.cmpi ne, %add3A_545, %add3A_547 : i32
          %or3A_549 = arith.constant false
          %or3A_550 = arith.ori %or3A_549, %ne3A_548 : i1
          %or3A_551 = arith.ori %or3A_550, %eq3A_267 : i1
          %add3A_552 = arith.constant 1 : i32
          %add3A_553 = arith.addi %while3A_259, %add3A_552 : i32
          %select_n3A_554 = arith.select %or3A_551, %add3A_553, %while3A_259 : i32
          %add3A_555 = arith.constant 1 : i32
          %add3A_556 = arith.addi %while3A_260, %add3A_555 : i32
          %select_n3A_557 = arith.constant true
          %select_n3A_558 = arith.select %select_n3A_557, %add3A_556, %while3A_260 : i32
          %eq3A_559 = arith.cmpi eq, %select_n3A_558, %select_n3A : i32
          %select_n3A_560 = arith.constant 0 : i32
          %select_n3A_561 = arith.select %eq3A_559, %select_n3A_560, %select_n3A_558 : i32
          scf.yield %select_n3A_311, %select_n3A_527, %select_n3A_332, %select_n3A_536, %select_n3A_351, %select_n3A_543, %select_n3A_374, %select_n3A_554, %select_n3A_561 : i32, i32, i32, i32, i32, i32, i32, i32, i32
        }
        %sub3A_194 = arith.constant 1 : i32
        %sub3A_195 = arith.subi %while3A_193#8, %sub3A_194 : i32
        %select_n3A_196 = arith.constant true
        %select_n3A_197 = arith.select %select_n3A_196, %sub3A_195, %while3A_193#8 : i32
        %eq3A_198 = arith.constant -1 : i32
        %eq3A_199 = arith.cmpi eq, %select_n3A_197, %eq3A_198 : i32
        %sub3A_200 = arith.constant 1 : i32
        %sub3A_201 = arith.subi %select_n3A, %sub3A_200 : i32
        %select_n3A_202 = arith.select %eq3A_199, %sub3A_201, %select_n3A_197 : i32
        %sub3A_203 = arith.constant 1 : i32
        %sub3A_204 = arith.subi %mul3A_27, %sub3A_203 : i32
        %mul3A_205 = arith.constant 1 : i32
        %mul3A_206 = arith.muli %mul3A_205, %select_n3A : i32
        %eq3A_207 = arith.constant 0 : i32
        %eq3A_208 = arith.cmpi eq, %sub3A_204, %eq3A_207 : i32
        %sub3A_209 = arith.constant 1 : i32
        %sub3A_210 = arith.subi %mul3A_206, %sub3A_209 : i32
        %eq3A_211 = arith.cmpi eq, %sub3A_204, %sub3A_210 : i32
        %add3A_212 = arith.addi %select_n3A_202, %select_n3A_25 : i32
        %sub3A_213 = arith.constant 1 : i32
        %sub3A_214 = arith.subi %select_n3A_202, %sub3A_213 : i32
        %select_n3A_215 = arith.constant true
        %select_n3A_216 = arith.select %select_n3A_215, %sub3A_214, %select_n3A_202 : i32
        %eq3A_217 = arith.constant -1 : i32
        %eq3A_218 = arith.cmpi eq, %select_n3A_216, %eq3A_217 : i32
        %sub3A_219 = arith.constant 1 : i32
        %sub3A_220 = arith.subi %select_n3A, %sub3A_219 : i32
        %select_n3A_221 = arith.select %eq3A_218, %sub3A_220, %select_n3A_216 : i32
        %add3A_222 = arith.addi %select_n3A_221, %select_n3A_25 : i32
        %add3A_223 = arith.constant 1 : i32
        %add3A_224 = arith.addi %select_n3A_202, %add3A_223 : i32
        %select_n3A_225 = arith.constant true
        %select_n3A_226 = arith.select %select_n3A_225, %add3A_224, %select_n3A_202 : i32
        %eq3A_227 = arith.cmpi eq, %select_n3A_226, %select_n3A : i32
        %select_n3A_228 = arith.constant 0 : i32
        %select_n3A_229 = arith.select %eq3A_227, %select_n3A_228, %select_n3A_226 : i32
        %add3A_230 = arith.addi %select_n3A_229, %select_n3A_25 : i32
        %add3A_231 = arith.constant 1 : i32
        %add3A_232 = arith.addi %select_n3A_229, %add3A_231 : i32
        %select_n3A_233 = arith.constant true
        %select_n3A_234 = arith.select %select_n3A_233, %add3A_232, %select_n3A_229 : i32
        %eq3A_235 = arith.cmpi eq, %select_n3A_234, %select_n3A : i32
        %select_n3A_236 = arith.constant 0 : i32
        %select_n3A_237 = arith.select %eq3A_235, %select_n3A_236, %select_n3A_234 : i32
        %add3A_238 = arith.addi %select_n3A_237, %select_n3A_25 : i32
        %convert_element_type3A_239 = arith.extui %eq3A_211 : i1 to i32
        %cond3A_240 = arith.constant 0 : i32
        %cond3A_241 = arith.cmpi ne, %convert_element_type3A_239, %cond3A_240 : i32
        scf.if %cond3A_241 {
        } else {
        }
        %convert_element_type3A_242 = arith.extui %eq3A_211 : i1 to i32
        %cond3A_243 = arith.constant 0 : i32
        %cond3A_244 = arith.cmpi ne, %convert_element_type3A_242, %cond3A_243 : i32
        scf.if %cond3A_244 {
        } else {
        }
        %convert_element_type3A_245 = arith.extui %eq3A_211 : i1 to i32
        %cond3A_246 = arith.constant 0 : i32
        %cond3A_247 = arith.cmpi ne, %convert_element_type3A_245, %cond3A_246 : i32
        scf.if %cond3A_247 {
        } else {
        }
        %convert_element_type3A_248 = arith.extui %eq3A_211 : i1 to i32
        %cond3A_249 = arith.constant 0 : i32
        %cond3A_250 = arith.cmpi ne, %convert_element_type3A_248, %cond3A_249 : i32
        scf.if %cond3A_250 {
        } else {
        }
      } else {
      }
      tpu.yield
    }) : () -> ()
    %barrier3A_28 = arith.constant 0 : index
    tpu.barrier barrier_id(%barrier3A_28)
    %lt3A_29 = arith.constant 8 : i32
    %lt3A_30 = arith.cmpi slt, %arg1, %lt3A_29 : i32
    %convert_element_type3A = arith.extui %lt3A_30 : i1 to i32
    %cond3A = arith.constant 0 : i32
    %cond3A_31 = arith.cmpi ne, %convert_element_type3A, %cond3A : i32
    scf.if %cond3A_31 {
      "tpu.region"() ({
        %run_scoped3A = tpu.sem_alloc : memref<!tpu.dma_semaphore, #tpu.memory_space<semaphore_mem>>
        %dma_start3A = arith.constant 0 : i32
        %dma_start3A_36 = tpu.memref_slice %arg4[%arg0, %mul3A_9, %dma_start3A] : memref<2x5056x128xf32, #tpu.memory_space<hbm>> -> memref<1x632x64xf32, #tpu.memory_space<hbm>>
        %dma_start3A_37 = tpu.memref_squeeze %dma_start3A_36 : memref<1x632x64xf32, #tpu.memory_space<hbm>> -> memref<632x64xf32, #tpu.memory_space<hbm>>
        %dma_start3A_38 = arith.constant 0 : i32
        %dma_start3A_39 = tpu.memref_slice %arg6[%mul3A_9, %dma_start3A_38] : memref<10112x64xf32, #tpu.memory_space<vmem_shared>> -> memref<632x64xf32, #tpu.memory_space<vmem_shared>>
        tpu.enqueue_dma source(%dma_start3A_39 : memref<632x64xf32, #tpu.memory_space<vmem_shared>>) target(%dma_start3A_37 : memref<632x64xf32, #tpu.memory_space<hbm>>) target_semaphore(%run_scoped3A : memref<!tpu.dma_semaphore, #tpu.memory_space<semaphore_mem>>)
        %dma_wait3A = arith.constant 0 : i32
        %dma_wait3A_40 = tpu.memref_slice %arg4[%arg0, %mul3A_9, %dma_wait3A] : memref<2x5056x128xf32, #tpu.memory_space<hbm>> -> memref<1x632x64xf32, #tpu.memory_space<hbm>>
        %dma_wait3A_41 = tpu.memref_squeeze %dma_wait3A_40 : memref<1x632x64xf32, #tpu.memory_space<hbm>> -> memref<632x64xf32, #tpu.memory_space<hbm>>
        %dma_wait3A_42 = arith.constant 0 : i32
        %dma_wait3A_43 = tpu.memref_slice %arg6[%mul3A_9, %dma_wait3A_42] : memref<10112x64xf32, #tpu.memory_space<vmem_shared>> -> memref<632x64xf32, #tpu.memory_space<vmem_shared>>
        tpu.wait_dma2 semaphore(%run_scoped3A : memref<!tpu.dma_semaphore, #tpu.memory_space<semaphore_mem>>) src(%dma_wait3A_43 : memref<632x64xf32, #tpu.memory_space<vmem_shared>>) dst(%dma_wait3A_41 : memref<632x64xf32, #tpu.memory_space<hbm>>)
        tpu.yield
      }) : () -> ()
    } else {
    }
    %ge3A = arith.constant 8 : i32
    %ge3A_32 = arith.cmpi sge, %arg1, %ge3A : i32
    %convert_element_type3A_33 = arith.extui %ge3A_32 : i1 to i32
    %cond3A_34 = arith.constant 0 : i32
    %cond3A_35 = arith.cmpi ne, %convert_element_type3A_33, %cond3A_34 : i32
    scf.if %cond3A_35 {
      %sub3A = arith.constant 8 : i32
      %sub3A_36 = arith.subi %arg1, %sub3A : i32
      %mul3A_37 = arith.constant 632 : i32
      %mul3A_38 = arith.muli %sub3A_36, %mul3A_37 : i32
      "tpu.region"() ({
        %run_scoped3A = tpu.sem_alloc : memref<!tpu.dma_semaphore, #tpu.memory_space<semaphore_mem>>
        %dma_start3A = arith.constant 64 : i32
        %dma_start3A_39 = tpu.memref_slice %arg4[%arg0, %mul3A_38, %dma_start3A] : memref<2x5056x128xf32, #tpu.memory_space<hbm>> -> memref<1x632x64xf32, #tpu.memory_space<hbm>>
        %dma_start3A_40 = tpu.memref_squeeze %dma_start3A_39 : memref<1x632x64xf32, #tpu.memory_space<hbm>> -> memref<632x64xf32, #tpu.memory_space<hbm>>
        %dma_start3A_41 = arith.constant 0 : i32
        %dma_start3A_42 = tpu.memref_slice %arg6[%mul3A_9, %dma_start3A_41] : memref<10112x64xf32, #tpu.memory_space<vmem_shared>> -> memref<632x64xf32, #tpu.memory_space<vmem_shared>>
        tpu.enqueue_dma source(%dma_start3A_42 : memref<632x64xf32, #tpu.memory_space<vmem_shared>>) target(%dma_start3A_40 : memref<632x64xf32, #tpu.memory_space<hbm>>) target_semaphore(%run_scoped3A : memref<!tpu.dma_semaphore, #tpu.memory_space<semaphore_mem>>)
        %dma_wait3A = arith.constant 64 : i32
        %dma_wait3A_43 = tpu.memref_slice %arg4[%arg0, %mul3A_38, %dma_wait3A] : memref<2x5056x128xf32, #tpu.memory_space<hbm>> -> memref<1x632x64xf32, #tpu.memory_space<hbm>>
        %dma_wait3A_44 = tpu.memref_squeeze %dma_wait3A_43 : memref<1x632x64xf32, #tpu.memory_space<hbm>> -> memref<632x64xf32, #tpu.memory_space<hbm>>
        %dma_wait3A_45 = arith.constant 0 : i32
        %dma_wait3A_46 = tpu.memref_slice %arg6[%mul3A_9, %dma_wait3A_45] : memref<10112x64xf32, #tpu.memory_space<vmem_shared>> -> memref<632x64xf32, #tpu.memory_space<vmem_shared>>
        tpu.wait_dma2 semaphore(%run_scoped3A : memref<!tpu.dma_semaphore, #tpu.memory_space<semaphore_mem>>) src(%dma_wait3A_46 : memref<632x64xf32, #tpu.memory_space<vmem_shared>>) dst(%dma_wait3A_44 : memref<632x64xf32, #tpu.memory_space<hbm>>)
        tpu.yield
      }) : () -> ()
    } else {
    }
    "tpu.region"() ({
      %run_scoped3A = tpu.sem_alloc : memref<!tpu.dma_semaphore, #tpu.memory_space<semaphore_mem>>
      %dma_start3A = arith.constant 0 : i32
      %dma_start3A_36 = tpu.memref_slice %arg5[%arg0, %mul3A_9, %dma_start3A] : memref<2x10112x16xf32, #tpu.memory_space<hbm>> -> memref<1x632x16xf32, #tpu.memory_space<hbm>>
      %dma_start3A_37 = tpu.memref_squeeze %dma_start3A_36 : memref<1x632x16xf32, #tpu.memory_space<hbm>> -> memref<632x16xf32, #tpu.memory_space<hbm>>
      %dma_start3A_38 = arith.constant 0 : i32
      %dma_start3A_39 = tpu.memref_slice %arg7[%mul3A_9, %dma_start3A_38] : memref<10112x16xf32, #tpu.memory_space<vmem_shared>> -> memref<632x16xf32, #tpu.memory_space<vmem_shared>>
      tpu.enqueue_dma source(%dma_start3A_39 : memref<632x16xf32, #tpu.memory_space<vmem_shared>>) target(%dma_start3A_37 : memref<632x16xf32, #tpu.memory_space<hbm>>) target_semaphore(%run_scoped3A : memref<!tpu.dma_semaphore, #tpu.memory_space<semaphore_mem>>)
      %dma_wait3A = arith.constant 0 : i32
      %dma_wait3A_40 = tpu.memref_slice %arg5[%arg0, %mul3A_9, %dma_wait3A] : memref<2x10112x16xf32, #tpu.memory_space<hbm>> -> memref<1x632x16xf32, #tpu.memory_space<hbm>>
      %dma_wait3A_41 = tpu.memref_squeeze %dma_wait3A_40 : memref<1x632x16xf32, #tpu.memory_space<hbm>> -> memref<632x16xf32, #tpu.memory_space<hbm>>
      %dma_wait3A_42 = arith.constant 0 : i32
      %dma_wait3A_43 = tpu.memref_slice %arg7[%mul3A_9, %dma_wait3A_42] : memref<10112x16xf32, #tpu.memory_space<vmem_shared>> -> memref<632x16xf32, #tpu.memory_space<vmem_shared>>
      tpu.wait_dma2 semaphore(%run_scoped3A : memref<!tpu.dma_semaphore, #tpu.memory_space<semaphore_mem>>) src(%dma_wait3A_43 : memref<632x16xf32, #tpu.memory_space<vmem_shared>>) dst(%dma_wait3A_41 : memref<632x16xf32, #tpu.memory_space<hbm>>)
      tpu.yield
    }) : () -> ()
    return
  }
}

#map = affine_map<(d0, d1) -> (0, 0)>
#map1 = affine_map<(d0, d1) -> (0, 0, 0)>
module attributes {stable_mosaic.version = 14 : i64} {
  func.func @sc_kernel(%arg0: i32, %arg1: i32, %arg2: memref<80000x128xf32, #tpu.memory_space<hbm>>, %arg3: memref<1x160000xi32, #tpu.memory_space<hbm>>, %arg4: memref<2x5056x128xf32, #tpu.memory_space<hbm>>, %arg5: memref<2x10112x16xf32, #tpu.memory_space<hbm>>, %arg6: memref<10112x64xf32, #tpu.memory_space<vmem_shared>>, %arg7: memref<10112x16xf32, #tpu.memory_space<vmem_shared>>, %arg8: memref<64x16xf32, #tpu.memory_space<vmem>>, %arg9: memref<632x64xf32, #tpu.memory_space<vmem>>, %arg10: memref<632x16xf32, #tpu.memory_space<vmem>>) attributes {dimension_semantics = [#tpu.dimension_semantics<core_parallel>, #tpu.dimension_semantics<subcore_parallel>], iteration_bounds = array<i64: 2, 16>, scalar_prefetch = 0 : i64, scratch_operands = 5 : i64, tpu.core_type = #tpu.core_type<sc_vector_subcore>, window_params = [{transform_indices = #map}, {transform_indices = #map}, {transform_indices = #map1}, {transform_indices = #map1}]} {
    %scan3A = arith.constant 0 : i32
    %scan3A_0 = arith.constant 64 : i32
    %scan3A_1 = arith.addi %scan3A, %scan3A_0 : i32
    %scan3A_2 = arith.constant 1 : i32
    scf.for %scan3A_36 = %scan3A to %scan3A_1 step %scan3A_2  : i32 {
      %mul3A_37 = arith.constant 1 : i32
      %mul3A_38 = arith.muli %scan3A_36, %mul3A_37 : i32
      %add3A_39 = arith.constant 0 : i32
      %add3A_40 = arith.addi %add3A_39, %mul3A_38 : i32
      %broadcast_in_dim3A = arith.constant 1.000000e+00 : f32
      %broadcast_in_dim3A_41 = vector.broadcast %broadcast_in_dim3A : f32 to vector<1x16xf32>
      %swap3A = arith.index_cast %add3A_40 : i32 to index
      %swap3A_42 = arith.constant 0 : index
      %swap3A_43 = tpu.vector_load %arg8[%swap3A, %swap3A_42] {strides = array<i32>} : memref<64x16xf32, #tpu.memory_space<vmem>>, vector<1x16xf32>,
      %swap3A_44 = vector.shape_cast %swap3A_43 : vector<1x16xf32> to vector<1x16xf32>
      %swap3A_45 = vector.shape_cast %broadcast_in_dim3A_41 : vector<1x16xf32> to vector<1x16xf32>
      tpu.vector_store %arg8[%swap3A, %swap3A_42], %swap3A_45 {strides = array<i32>} : memref<64x16xf32, #tpu.memory_space<vmem>>, vector<1x16xf32>,
    }
    %scan3A_3 = arith.constant 64 : i32
    %scan3A_4 = arith.constant 0 : i32
    %scan3A_5 = arith.constant 632 : i32
    %scan3A_6 = arith.addi %scan3A_4, %scan3A_5 : i32
    %scan3A_7 = arith.constant 1 : i32
    scf.for %scan3A_36 = %scan3A_4 to %scan3A_6 step %scan3A_7  : i32 {
      %mul3A_37 = arith.constant 1 : i32
      %mul3A_38 = arith.muli %scan3A_36, %mul3A_37 : i32
      %add3A_39 = arith.constant 0 : i32
      %add3A_40 = arith.addi %add3A_39, %mul3A_38 : i32
      %broadcast_in_dim3A = arith.constant 0.000000e+00 : f32
      %broadcast_in_dim3A_41 = vector.broadcast %broadcast_in_dim3A : f32 to vector<1x16xf32>
      %swap3A = arith.index_cast %add3A_40 : i32 to index
      %swap3A_42 = arith.constant 0 : index
      %swap3A_43 = tpu.vector_load %arg9[%swap3A, %swap3A_42] {strides = array<i32>} : memref<632x64xf32, #tpu.memory_space<vmem>>, vector<1x16xf32>,
      %swap3A_44 = vector.shape_cast %swap3A_43 : vector<1x16xf32> to vector<1x16xf32>
      %swap3A_45 = vector.shape_cast %broadcast_in_dim3A_41 : vector<1x16xf32> to vector<1x16xf32>
      tpu.vector_store %arg9[%swap3A, %swap3A_42], %swap3A_45 {strides = array<i32>} : memref<632x64xf32, #tpu.memory_space<vmem>>, vector<1x16xf32>,
      %broadcast_in_dim3A_46 = arith.constant 0.000000e+00 : f32
      %broadcast_in_dim3A_47 = vector.broadcast %broadcast_in_dim3A_46 : f32 to vector<1x16xf32>
      %swap3A_48 = arith.index_cast %add3A_40 : i32 to index
      %swap3A_49 = arith.constant 16 : index
      %swap3A_50 = tpu.vector_load %arg9[%swap3A_48, %swap3A_49] {strides = array<i32>} : memref<632x64xf32, #tpu.memory_space<vmem>>, vector<1x16xf32>,
      %swap3A_51 = vector.shape_cast %swap3A_50 : vector<1x16xf32> to vector<1x16xf32>
      %swap3A_52 = vector.shape_cast %broadcast_in_dim3A_47 : vector<1x16xf32> to vector<1x16xf32>
      tpu.vector_store %arg9[%swap3A_48, %swap3A_49], %swap3A_52 {strides = array<i32>} : memref<632x64xf32, #tpu.memory_space<vmem>>, vector<1x16xf32>,
      %broadcast_in_dim3A_53 = arith.constant 0.000000e+00 : f32
      %broadcast_in_dim3A_54 = vector.broadcast %broadcast_in_dim3A_53 : f32 to vector<1x16xf32>
      %swap3A_55 = arith.index_cast %add3A_40 : i32 to index
      %swap3A_56 = arith.constant 32 : index
      %swap3A_57 = tpu.vector_load %arg9[%swap3A_55, %swap3A_56] {strides = array<i32>} : memref<632x64xf32, #tpu.memory_space<vmem>>, vector<1x16xf32>,
      %swap3A_58 = vector.shape_cast %swap3A_57 : vector<1x16xf32> to vector<1x16xf32>
      %swap3A_59 = vector.shape_cast %broadcast_in_dim3A_54 : vector<1x16xf32> to vector<1x16xf32>
      tpu.vector_store %arg9[%swap3A_55, %swap3A_56], %swap3A_59 {strides = array<i32>} : memref<632x64xf32, #tpu.memory_space<vmem>>, vector<1x16xf32>,
      %broadcast_in_dim3A_60 = arith.constant 0.000000e+00 : f32
      %broadcast_in_dim3A_61 = vector.broadcast %broadcast_in_dim3A_60 : f32 to vector<1x16xf32>
      %swap3A_62 = arith.index_cast %add3A_40 : i32 to index
      %swap3A_63 = arith.constant 48 : index
      %swap3A_64 = tpu.vector_load %arg9[%swap3A_62, %swap3A_63] {strides = array<i32>} : memref<632x64xf32, #tpu.memory_space<vmem>>, vector<1x16xf32>,
      %swap3A_65 = vector.shape_cast %swap3A_64 : vector<1x16xf32> to vector<1x16xf32>
      %swap3A_66 = vector.shape_cast %broadcast_in_dim3A_61 : vector<1x16xf32> to vector<1x16xf32>
      tpu.vector_store %arg9[%swap3A_62, %swap3A_63], %swap3A_66 {strides = array<i32>} : memref<632x64xf32, #tpu.memory_space<vmem>>, vector<1x16xf32>,
      %broadcast_in_dim3A_67 = arith.constant 0.000000e+00 : f32
      %broadcast_in_dim3A_68 = vector.broadcast %broadcast_in_dim3A_67 : f32 to vector<1x16xf32>
      %swap3A_69 = arith.index_cast %add3A_40 : i32 to index
      %swap3A_70 = arith.constant 0 : index
      %swap3A_71 = tpu.vector_load %arg10[%swap3A_69, %swap3A_70] {strides = array<i32>} : memref<632x16xf32, #tpu.memory_space<vmem>>, vector<1x16xf32>,
      %swap3A_72 = vector.shape_cast %swap3A_71 : vector<1x16xf32> to vector<1x16xf32>
      %swap3A_73 = vector.shape_cast %broadcast_in_dim3A_68 : vector<1x16xf32> to vector<1x16xf32>
      tpu.vector_store %arg10[%swap3A_69, %swap3A_70], %swap3A_73 {strides = array<i32>} : memref<632x16xf32, #tpu.memory_space<vmem>>, vector<1x16xf32>,
    }
    %scan3A_8 = arith.constant 632 : i32
    %mul3A = arith.constant 632 : i32
    %mul3A_9 = arith.muli %arg1, %mul3A : i32
    "tpu.region"() ({
      %run_scoped3A = tpu.sem_alloc : memref<!tpu.dma_semaphore, #tpu.memory_space<semaphore_mem>>
      %dma_start3A = arith.constant 0 : i32
      %dma_start3A_36 = tpu.memref_slice %arg6[%mul3A_9, %dma_start3A] : memref<10112x64xf32, #tpu.memory_space<vmem_shared>> -> memref<632x64xf32, #tpu.memory_space<vmem_shared>>
      %dma_start3A_37 = arith.constant 0 : i32
      %dma_start3A_38 = tpu.memref_slice %arg6[%mul3A_9, %dma_start3A_37] : memref<10112x64xf32, #tpu.memory_space<vmem_shared>> -> memref<632x64xf32, #tpu.memory_space<vmem_shared>>
      tpu.enqueue_dma source(%arg9 : memref<632x64xf32, #tpu.memory_space<vmem>>) target(%dma_start3A_38 : memref<632x64xf32, #tpu.memory_space<vmem_shared>>) target_semaphore(%run_scoped3A : memref<!tpu.dma_semaphore, #tpu.memory_space<semaphore_mem>>)
      %dma_wait3A = arith.constant 0 : i32
      %dma_wait3A_39 = tpu.memref_slice %arg6[%mul3A_9, %dma_wait3A] : memref<10112x64xf32, #tpu.memory_space<vmem_shared>> -> memref<632x64xf32, #tpu.memory_space<vmem_shared>>
      %dma_wait3A_40 = arith.constant 0 : i32
      %dma_wait3A_41 = tpu.memref_slice %arg6[%mul3A_9, %dma_wait3A_40] : memref<10112x64xf32, #tpu.memory_space<vmem_shared>> -> memref<632x64xf32, #tpu.memory_space<vmem_shared>>
      tpu.wait_dma2 semaphore(%run_scoped3A : memref<!tpu.dma_semaphore, #tpu.memory_space<semaphore_mem>>) src(%arg9 : memref<632x64xf32, #tpu.memory_space<vmem>>) dst(%dma_wait3A_41 : memref<632x64xf32, #tpu.memory_space<vmem_shared>>)
      tpu.yield
    }) : () -> ()
    "tpu.region"() ({
      %run_scoped3A = tpu.sem_alloc : memref<!tpu.dma_semaphore, #tpu.memory_space<semaphore_mem>>
      %dma_start3A = arith.constant 0 : i32
      %dma_start3A_36 = tpu.memref_slice %arg7[%mul3A_9, %dma_start3A] : memref<10112x16xf32, #tpu.memory_space<vmem_shared>> -> memref<632x16xf32, #tpu.memory_space<vmem_shared>>
      %dma_start3A_37 = arith.constant 0 : i32
      %dma_start3A_38 = tpu.memref_slice %arg7[%mul3A_9, %dma_start3A_37] : memref<10112x16xf32, #tpu.memory_space<vmem_shared>> -> memref<632x16xf32, #tpu.memory_space<vmem_shared>>
      tpu.enqueue_dma source(%arg10 : memref<632x16xf32, #tpu.memory_space<vmem>>) target(%dma_start3A_38 : memref<632x16xf32, #tpu.memory_space<vmem_shared>>) target_semaphore(%run_scoped3A : memref<!tpu.dma_semaphore, #tpu.memory_space<semaphore_mem>>)
      %dma_wait3A = arith.constant 0 : i32
      %dma_wait3A_39 = tpu.memref_slice %arg7[%mul3A_9, %dma_wait3A] : memref<10112x16xf32, #tpu.memory_space<vmem_shared>> -> memref<632x16xf32, #tpu.memory_space<vmem_shared>>
      %dma_wait3A_40 = arith.constant 0 : i32
      %dma_wait3A_41 = tpu.memref_slice %arg7[%mul3A_9, %dma_wait3A_40] : memref<10112x16xf32, #tpu.memory_space<vmem_shared>> -> memref<632x16xf32, #tpu.memory_space<vmem_shared>>
      tpu.wait_dma2 semaphore(%run_scoped3A : memref<!tpu.dma_semaphore, #tpu.memory_space<semaphore_mem>>) src(%arg10 : memref<632x16xf32, #tpu.memory_space<vmem>>) dst(%dma_wait3A_41 : memref<632x16xf32, #tpu.memory_space<vmem_shared>>)
      tpu.yield
    }) : () -> ()
    %barrier3A = arith.constant 0 : index
    tpu.barrier barrier_id(%barrier3A)
    %mul3A_10 = arith.constant 1 : i32
    %mul3A_11 = arith.muli %arg1, %mul3A_10 : i32
    %add3A = arith.constant 0 : i32
    %add3A_12 = arith.addi %add3A, %mul3A_11 : i32
    %mul3A_13 = arith.constant 16 : i32
    %mul3A_14 = arith.muli %arg0, %mul3A_13 : i32
    %add3A_15 = arith.addi %add3A_12, %mul3A_14 : i32
    %lt3A = arith.constant 2 : i32
    %lt3A_16 = arith.cmpi slt, %add3A_15, %lt3A : i32
    %jit3A = arith.constant 40 : i32
    %jit3A_17 = arith.constant 39 : i32
    %select_n3A = arith.select %lt3A_16, %jit3A, %jit3A_17 : i32
    %lt3A_18 = arith.constant 2 : i32
    %lt3A_19 = arith.cmpi slt, %add3A_15, %lt3A_18 : i32
    %mul3A_20 = arith.muli %add3A_15, %select_n3A : i32
    %mul3A_21 = arith.constant 39 : i32
    %mul3A_22 = arith.muli %add3A_15, %mul3A_21 : i32
    %add3A_23 = arith.constant 2 : i32
    %add3A_24 = arith.addi %mul3A_22, %add3A_23 : i32
    %select_n3A_25 = arith.select %lt3A_19, %mul3A_20, %add3A_24 : i32
    %mul3A_26 = arith.constant 1 : i32
    %mul3A_27 = arith.muli %mul3A_26, %select_n3A : i32
    "tpu.region"() ({
      %run_scoped3A = memref.alloca() : memref<2x64x64xf32, #tpu.memory_space<vmem>>
      %run_scoped3A_36 = tpu.sem_alloc : memref<2x!tpu.dma_semaphore, #tpu.memory_space<semaphore_mem>>
      %run_scoped3A_37 = memref.alloca() : memref<2x64x64xf32, #tpu.memory_space<vmem>>
      %run_scoped3A_38 = tpu.sem_alloc : memref<2x!tpu.dma_semaphore, #tpu.memory_space<semaphore_mem>>
      %run_scoped3A_39 = memref.alloca() : memref<2x1x64xi32, #tpu.memory_space<vmem>>
      %run_scoped3A_40 = tpu.sem_alloc : memref<2x!tpu.dma_semaphore, #tpu.memory_space<semaphore_mem>>
      %run_scoped3A_41 = memref.alloca() : memref<2x1x64xi32, #tpu.memory_space<vmem>>
      %run_scoped3A_42 = tpu.sem_alloc : memref<2x!tpu.dma_semaphore, #tpu.memory_space<semaphore_mem>>
      %gt3A = arith.constant 0 : i32
      %gt3A_43 = arith.cmpi sgt, %mul3A_27, %gt3A : i32
      %convert_element_type3A_44 = arith.extui %gt3A_43 : i1 to i32
      %cond3A_45 = arith.constant 0 : i32
      %cond3A_46 = arith.cmpi ne, %convert_element_type3A_44, %cond3A_45 : i32
      scf.if %cond3A_46 {
        %mul3A_47 = arith.constant 1 : i32
        %mul3A_48 = arith.muli %mul3A_47, %select_n3A : i32
        %sub3A = arith.constant 1 : i32
        %sub3A_49 = arith.subi %mul3A_48, %sub3A : i32
        %eq3A = arith.constant 0 : i32
        %eq3A_50 = arith.cmpi eq, %sub3A_49, %eq3A : i32
        %add3A_51 = arith.constant 0 : i32
        %add3A_52 = arith.addi %add3A_51, %select_n3A_25 : i32
        %select_n3A_53 = arith.constant true
        %select_n3A_54 = arith.constant 0 : i32
        %select_n3A_55 = arith.constant -1 : i32
        %select_n3A_56 = arith.select %select_n3A_53, %select_n3A_55, %select_n3A_54 : i32
        %eq3A_57 = arith.constant -1 : i32
        %eq3A_58 = arith.cmpi eq, %select_n3A_56, %eq3A_57 : i32
        %sub3A_59 = arith.constant 1 : i32
        %sub3A_60 = arith.subi %select_n3A, %sub3A_59 : i32
        %select_n3A_61 = arith.select %eq3A_58, %sub3A_60, %select_n3A_56 : i32
        %add3A_62 = arith.addi %select_n3A_61, %select_n3A_25 : i32
        %select_n3A_63 = arith.constant true
        %select_n3A_64 = arith.constant 0 : i32
        %select_n3A_65 = arith.constant 1 : i32
        %select_n3A_66 = arith.select %select_n3A_63, %select_n3A_65, %select_n3A_64 : i32
        %eq3A_67 = arith.cmpi eq, %select_n3A_66, %select_n3A : i32
        %select_n3A_68 = arith.constant 0 : i32
        %select_n3A_69 = arith.select %eq3A_67, %select_n3A_68, %select_n3A_66 : i32
        %add3A_70 = arith.addi %select_n3A_69, %select_n3A_25 : i32
        %add3A_71 = arith.constant 1 : i32
        %add3A_72 = arith.addi %select_n3A_69, %add3A_71 : i32
        %select_n3A_73 = arith.constant true
        %select_n3A_74 = arith.select %select_n3A_73, %add3A_72, %select_n3A_69 : i32
        %eq3A_75 = arith.cmpi eq, %select_n3A_74, %select_n3A : i32
        %select_n3A_76 = arith.constant 0 : i32
        %select_n3A_77 = arith.select %eq3A_75, %select_n3A_76, %select_n3A_74 : i32
        %add3A_78 = arith.addi %select_n3A_77, %select_n3A_25 : i32
        "tpu.trace_start"() <{level = 10 : i32, message = "ep_initialize_0"}> : () -> ()
        %rem3A = arith.constant 0 : i32
        %rem3A_79 = arith.constant 2 : i32
        %rem3A_80 = arith.remui %rem3A, %rem3A_79 : i32
        %mul3A_81 = arith.constant 64 : i32
        %mul3A_82 = arith.muli %mul3A_81, %add3A_52 : i32
        %dma_start3A = arith.constant 0 : i32
        %dma_start3A_83 = arith.constant 0 : i32
        %dma_start3A_84 = tpu.memref_slice %run_scoped3A[%rem3A_80, %dma_start3A, %dma_start3A_83] : memref<2x64x64xf32, #tpu.memory_space<vmem>> -> memref<1x64x64xf32, #tpu.memory_space<vmem>>
        %dma_start3A_85 = tpu.memref_squeeze %dma_start3A_84 : memref<1x64x64xf32, #tpu.memory_space<vmem>> -> memref<64x64xf32, #tpu.memory_space<vmem>>
        %dma_start3A_86 = arith.constant 0 : i32
        %dma_start3A_87 = tpu.memref_slice %arg2[%mul3A_82, %dma_start3A_86] : memref<80000x128xf32, #tpu.memory_space<hbm>> -> memref<64x64xf32, #tpu.memory_space<hbm>>
        %dma_start3A_88 = tpu.memref_slice %run_scoped3A_36[%rem3A_80] : memref<2x!tpu.dma_semaphore, #tpu.memory_space<semaphore_mem>> -> memref<1x!tpu.dma_semaphore, #tpu.memory_space<semaphore_mem>>
        %dma_start3A_89 = tpu.memref_squeeze %dma_start3A_88 : memref<1x!tpu.dma_semaphore, #tpu.memory_space<semaphore_mem>> -> memref<!tpu.dma_semaphore, #tpu.memory_space<semaphore_mem>>
        %dma_start3A_90 = arith.constant 0 : i32
        %dma_start3A_91 = arith.constant 0 : i32
        %dma_start3A_92 = tpu.memref_slice %run_scoped3A[%rem3A_80, %dma_start3A_90, %dma_start3A_91] : memref<2x64x64xf32, #tpu.memory_space<vmem>> -> memref<1x64x64xf32, #tpu.memory_space<vmem>>
        %dma_start3A_93 = tpu.memref_squeeze %dma_start3A_92 : memref<1x64x64xf32, #tpu.memory_space<vmem>> -> memref<64x64xf32, #tpu.memory_space<vmem>>
        %dma_start3A_94 = arith.constant 0 : i32
        %dma_start3A_95 = tpu.memref_slice %arg2[%mul3A_82, %dma_start3A_94] : memref<80000x128xf32, #tpu.memory_space<hbm>> -> memref<64x64xf32, #tpu.memory_space<hbm>>
        tpu.enqueue_dma source(%dma_start3A_95 : memref<64x64xf32, #tpu.memory_space<hbm>>) target(%dma_start3A_93 : memref<64x64xf32, #tpu.memory_space<vmem>>) target_semaphore(%dma_start3A_89 : memref<!tpu.dma_semaphore, #tpu.memory_space<semaphore_mem>>)
        %add3A_96 = arith.constant 0 : i32
        %add3A_97 = arith.constant 1 : i32
        %add3A_98 = arith.addi %add3A_96, %add3A_97 : i32
        %select_n3A_99 = arith.constant true
        %select_n3A_100 = arith.constant 0 : i32
        %select_n3A_101 = arith.select %select_n3A_99, %add3A_98, %select_n3A_100 : i32
        %rem3A_102 = arith.constant 0 : i32
        %rem3A_103 = arith.constant 2 : i32
        %rem3A_104 = arith.remui %rem3A_102, %rem3A_103 : i32
        %mul3A_105 = arith.constant 64 : i32
        %mul3A_106 = arith.muli %mul3A_105, %add3A_52 : i32
        %dma_start3A_107 = arith.constant 0 : i32
        %dma_start3A_108 = arith.constant 0 : i32
        %dma_start3A_109 = tpu.memref_slice %run_scoped3A_37[%rem3A_104, %dma_start3A_107, %dma_start3A_108] : memref<2x64x64xf32, #tpu.memory_space<vmem>> -> memref<1x64x64xf32, #tpu.memory_space<vmem>>
        %dma_start3A_110 = tpu.memref_squeeze %dma_start3A_109 : memref<1x64x64xf32, #tpu.memory_space<vmem>> -> memref<64x64xf32, #tpu.memory_space<vmem>>
        %dma_start3A_111 = arith.constant 64 : i32
        %dma_start3A_112 = tpu.memref_slice %arg2[%mul3A_106, %dma_start3A_111] : memref<80000x128xf32, #tpu.memory_space<hbm>> -> memref<64x64xf32, #tpu.memory_space<hbm>>
        %dma_start3A_113 = tpu.memref_slice %run_scoped3A_38[%rem3A_104] : memref<2x!tpu.dma_semaphore, #tpu.memory_space<semaphore_mem>> -> memref<1x!tpu.dma_semaphore, #tpu.memory_space<semaphore_mem>>
        %dma_start3A_114 = tpu.memref_squeeze %dma_start3A_113 : memref<1x!tpu.dma_semaphore, #tpu.memory_space<semaphore_mem>> -> memref<!tpu.dma_semaphore, #tpu.memory_space<semaphore_mem>>
        %dma_start3A_115 = arith.constant 0 : i32
        %dma_start3A_116 = arith.constant 0 : i32
        %dma_start3A_117 = tpu.memref_slice %run_scoped3A_37[%rem3A_104, %dma_start3A_115, %dma_start3A_116] : memref<2x64x64xf32, #tpu.memory_space<vmem>> -> memref<1x64x64xf32, #tpu.memory_space<vmem>>
        %dma_start3A_118 = tpu.memref_squeeze %dma_start3A_117 : memref<1x64x64xf32, #tpu.memory_space<vmem>> -> memref<64x64xf32, #tpu.memory_space<vmem>>
        %dma_start3A_119 = arith.constant 64 : i32
        %dma_start3A_120 = tpu.memref_slice %arg2[%mul3A_106, %dma_start3A_119] : memref<80000x128xf32, #tpu.memory_space<hbm>> -> memref<64x64xf32, #tpu.memory_space<hbm>>
        tpu.enqueue_dma source(%dma_start3A_120 : memref<64x64xf32, #tpu.memory_space<hbm>>) target(%dma_start3A_118 : memref<64x64xf32, #tpu.memory_space<vmem>>) target_semaphore(%dma_start3A_114 : memref<!tpu.dma_semaphore, #tpu.memory_space<semaphore_mem>>)
        %add3A_121 = arith.constant 0 : i32
        %add3A_122 = arith.constant 1 : i32
        %add3A_123 = arith.addi %add3A_121, %add3A_122 : i32
        %select_n3A_124 = arith.constant true
        %select_n3A_125 = arith.constant 0 : i32
        %select_n3A_126 = arith.select %select_n3A_124, %add3A_123, %select_n3A_125 : i32
        %rem3A_127 = arith.constant 0 : i32
        %rem3A_128 = arith.constant 2 : i32
        %rem3A_129 = arith.remui %rem3A_127, %rem3A_128 : i32
        %mul3A_130 = arith.constant 64 : i32
        %mul3A_131 = arith.muli %mul3A_130, %add3A_52 : i32
        %dma_start3A_132 = arith.constant 0 : i32
        %dma_start3A_133 = arith.constant 0 : i32
        %dma_start3A_134 = tpu.memref_slice %run_scoped3A_39[%rem3A_129, %dma_start3A_132, %dma_start3A_133] : memref<2x1x64xi32, #tpu.memory_space<vmem>> -> memref<1x1x64xi32, #tpu.memory_space<vmem>>
        %dma_start3A_135 = tpu.memref_squeeze %dma_start3A_134 : memref<1x1x64xi32, #tpu.memory_space<vmem>> -> memref<1x64xi32, #tpu.memory_space<vmem>>
        %dma_start3A_136 = arith.constant 0 : i32
        %dma_start3A_137 = tpu.memref_slice %arg3[%dma_start3A_136, %mul3A_131] : memref<1x160000xi32, #tpu.memory_space<hbm>> -> memref<1x64xi32, #tpu.memory_space<hbm>>
        %dma_start3A_138 = tpu.memref_slice %run_scoped3A_40[%rem3A_129] : memref<2x!tpu.dma_semaphore, #tpu.memory_space<semaphore_mem>> -> memref<1x!tpu.dma_semaphore, #tpu.memory_space<semaphore_mem>>
        %dma_start3A_139 = tpu.memref_squeeze %dma_start3A_138 : memref<1x!tpu.dma_semaphore, #tpu.memory_space<semaphore_mem>> -> memref<!tpu.dma_semaphore, #tpu.memory_space<semaphore_mem>>
        %dma_start3A_140 = arith.constant 0 : i32
        %dma_start3A_141 = arith.constant 0 : i32
        %dma_start3A_142 = tpu.memref_slice %run_scoped3A_39[%rem3A_129, %dma_start3A_140, %dma_start3A_141] : memref<2x1x64xi32, #tpu.memory_space<vmem>> -> memref<1x1x64xi32, #tpu.memory_space<vmem>>
        %dma_start3A_143 = tpu.memref_squeeze %dma_start3A_142 : memref<1x1x64xi32, #tpu.memory_space<vmem>> -> memref<1x64xi32, #tpu.memory_space<vmem>>
        %dma_start3A_144 = arith.constant 0 : i32
        %dma_start3A_145 = tpu.memref_slice %arg3[%dma_start3A_144, %mul3A_131] : memref<1x160000xi32, #tpu.memory_space<hbm>> -> memref<1x64xi32, #tpu.memory_space<hbm>>
        tpu.enqueue_dma source(%dma_start3A_145 : memref<1x64xi32, #tpu.memory_space<hbm>>) target(%dma_start3A_143 : memref<1x64xi32, #tpu.memory_space<vmem>>) target_semaphore(%dma_start3A_139 : memref<!tpu.dma_semaphore, #tpu.memory_space<semaphore_mem>>)
        %add3A_146 = arith.constant 0 : i32
        %add3A_147 = arith.constant 1 : i32
        %add3A_148 = arith.addi %add3A_146, %add3A_147 : i32
        %select_n3A_149 = arith.constant true
        %select_n3A_150 = arith.constant 0 : i32
        %select_n3A_151 = arith.select %select_n3A_149, %add3A_148, %select_n3A_150 : i32
        %rem3A_152 = arith.constant 0 : i32
        %rem3A_153 = arith.constant 2 : i32
        %rem3A_154 = arith.remui %rem3A_152, %rem3A_153 : i32
        %add3A_155 = arith.constant 1250 : i32
        %add3A_156 = arith.addi %add3A_52, %add3A_155 : i32
        %mul3A_157 = arith.constant 64 : i32
        %mul3A_158 = arith.muli %mul3A_157, %add3A_156 : i32
        %dma_start3A_159 = arith.constant 0 : i32
        %dma_start3A_160 = arith.constant 0 : i32
        %dma_start3A_161 = tpu.memref_slice %run_scoped3A_41[%rem3A_154, %dma_start3A_159, %dma_start3A_160] : memref<2x1x64xi32, #tpu.memory_space<vmem>> -> memref<1x1x64xi32, #tpu.memory_space<vmem>>
        %dma_start3A_162 = tpu.memref_squeeze %dma_start3A_161 : memref<1x1x64xi32, #tpu.memory_space<vmem>> -> memref<1x64xi32, #tpu.memory_space<vmem>>
        %dma_start3A_163 = arith.constant 0 : i32
        %dma_start3A_164 = tpu.memref_slice %arg3[%dma_start3A_163, %mul3A_158] : memref<1x160000xi32, #tpu.memory_space<hbm>> -> memref<1x64xi32, #tpu.memory_space<hbm>>
        %dma_start3A_165 = tpu.memref_slice %run_scoped3A_42[%rem3A_154] : memref<2x!tpu.dma_semaphore, #tpu.memory_space<semaphore_mem>> -> memref<1x!tpu.dma_semaphore, #tpu.memory_space<semaphore_mem>>
        %dma_start3A_166 = tpu.memref_squeeze %dma_start3A_165 : memref<1x!tpu.dma_semaphore, #tpu.memory_space<semaphore_mem>> -> memref<!tpu.dma_semaphore, #tpu.memory_space<semaphore_mem>>
        %dma_start3A_167 = arith.constant 0 : i32
        %dma_start3A_168 = arith.constant 0 : i32
        %dma_start3A_169 = tpu.memref_slice %run_scoped3A_41[%rem3A_154, %dma_start3A_167, %dma_start3A_168] : memref<2x1x64xi32, #tpu.memory_space<vmem>> -> memref<1x1x64xi32, #tpu.memory_space<vmem>>
        %dma_start3A_170 = tpu.memref_squeeze %dma_start3A_169 : memref<1x1x64xi32, #tpu.memory_space<vmem>> -> memref<1x64xi32, #tpu.memory_space<vmem>>
        %dma_start3A_171 = arith.constant 0 : i32
        %dma_start3A_172 = tpu.memref_slice %arg3[%dma_start3A_171, %mul3A_158] : memref<1x160000xi32, #tpu.memory_space<hbm>> -> memref<1x64xi32, #tpu.memory_space<hbm>>
        tpu.enqueue_dma source(%dma_start3A_172 : memref<1x64xi32, #tpu.memory_space<hbm>>) target(%dma_start3A_170 : memref<1x64xi32, #tpu.memory_space<vmem>>) target_semaphore(%dma_start3A_166 : memref<!tpu.dma_semaphore, #tpu.memory_space<semaphore_mem>>)
        %add3A_173 = arith.constant 0 : i32
        %add3A_174 = arith.constant 1 : i32
        %add3A_175 = arith.addi %add3A_173, %add3A_174 : i32
        %select_n3A_176 = arith.constant true
        %select_n3A_177 = arith.constant 0 : i32
        %select_n3A_178 = arith.select %select_n3A_176, %add3A_175, %select_n3A_177 : i32
        %while3A = arith.constant 0 : i32
        %while3A_179 = arith.constant 0 : i32
        %while3A_180 = arith.constant 0 : i32
        %while3A_181 = arith.constant 0 : i32
        %while3A_182 = arith.constant 0 : i32
        %while3A_183 = arith.constant 0 : i32
        "tpu.trace_stop"() : () -> ()
        %while3A_184 = arith.subi %mul3A_27, %while3A : i32
        %while3A_185 = arith.addi %while3A, %while3A_184 : i32
        %while3A_186 = arith.constant 1 : i32
        %while3A_187 = arith.divsi %while3A_184, %while3A_186 : i32
        %while3A_188 = arith.muli %while3A_187, %while3A_186 : i32
        %while3A_189 = arith.addi %while3A, %while3A_188 : i32
        %while3A_190 = arith.constant 1 : i32
        %while3A_191:9 = scf.for %while3A_251 = %while3A to %while3A_189 step %while3A_190 iter_args(%while3A_252 = %select_n3A_101, %while3A_253 = %while3A_179, %while3A_254 = %select_n3A_126, %while3A_255 = %while3A_180, %while3A_256 = %select_n3A_151, %while3A_257 = %while3A_181, %while3A_258 = %select_n3A_178, %while3A_259 = %while3A_182, %while3A_260 = %while3A_183) -> (i32, i32, i32, i32, i32, i32, i32, i32, i32)  : i32 {
          %mul3A_261 = arith.constant 1 : i32
          %mul3A_262 = arith.muli %mul3A_261, %select_n3A : i32
          %eq3A_263 = arith.constant 0 : i32
          %eq3A_264 = arith.cmpi eq, %while3A_251, %eq3A_263 : i32
          %sub3A_265 = arith.constant 1 : i32
          %sub3A_266 = arith.subi %mul3A_262, %sub3A_265 : i32
          %eq3A_267 = arith.cmpi eq, %while3A_251, %sub3A_266 : i32
          %add3A_268 = arith.addi %while3A_260, %select_n3A_25 : i32
          %sub3A_269 = arith.constant 1 : i32
          %sub3A_270 = arith.subi %while3A_260, %sub3A_269 : i32
          %select_n3A_271 = arith.constant true
          %select_n3A_272 = arith.select %select_n3A_271, %sub3A_270, %while3A_260 : i32
          %eq3A_273 = arith.constant -1 : i32
          %eq3A_274 = arith.cmpi eq, %select_n3A_272, %eq3A_273 : i32
          %sub3A_275 = arith.constant 1 : i32
          %sub3A_276 = arith.subi %select_n3A, %sub3A_275 : i32
          %select_n3A_277 = arith.select %eq3A_274, %sub3A_276, %select_n3A_272 : i32
          %add3A_278 = arith.addi %select_n3A_277, %select_n3A_25 : i32
          %add3A_279 = arith.constant 1 : i32
          %add3A_280 = arith.addi %while3A_260, %add3A_279 : i32
          %select_n3A_281 = arith.constant true
          %select_n3A_282 = arith.select %select_n3A_281, %add3A_280, %while3A_260 : i32
          %eq3A_283 = arith.cmpi eq, %select_n3A_282, %select_n3A : i32
          %select_n3A_284 = arith.constant 0 : i32
          %select_n3A_285 = arith.select %eq3A_283, %select_n3A_284, %select_n3A_282 : i32
          %add3A_286 = arith.addi %select_n3A_285, %select_n3A_25 : i32
          %add3A_287 = arith.constant 1 : i32
          %add3A_288 = arith.addi %select_n3A_285, %add3A_287 : i32
          %select_n3A_289 = arith.constant true
          %select_n3A_290 = arith.select %select_n3A_289, %add3A_288, %select_n3A_285 : i32
          %eq3A_291 = arith.cmpi eq, %select_n3A_290, %select_n3A : i32
          %select_n3A_292 = arith.constant 0 : i32
          %select_n3A_293 = arith.select %eq3A_291, %select_n3A_292, %select_n3A_290 : i32
          %add3A_294 = arith.addi %select_n3A_293, %select_n3A_25 : i32
          %ne3A = arith.cmpi ne, %add3A_268, %add3A_286 : i32
          %or3A = arith.constant false
          %or3A_295 = arith.ori %or3A, %ne3A : i1
          %or3A_296 = arith.constant false
          %or3A_297 = arith.ori %or3A_295, %or3A_296 : i1
          %sub3A_298 = arith.constant 2 : i32
          %sub3A_299 = arith.subi %mul3A_262, %sub3A_298 : i32
          %add3A_300 = arith.constant 1 : i32
          %add3A_301 = arith.addi %sub3A_299, %add3A_300 : i32
          %ge3A_302 = arith.cmpi sge, %while3A_251, %add3A_301 : i32
          %not3A = arith.constant true
          %not3A_303 = arith.xori %ge3A_302, %not3A : i1
          %and3A = arith.andi %or3A_297, %not3A_303 : i1
          %convert_element_type3A_304 = arith.extui %and3A : i1 to i32
          %cond3A_305 = arith.constant 0 : i32
          %cond3A_306 = arith.cmpi ne, %convert_element_type3A_304, %cond3A_305 : i32
          scf.if %cond3A_306 {
            "tpu.trace_start"() <{level = 10 : i32, message = "ep_copy_in"}> : () -> ()
            %rem3A_562 = arith.constant 2 : i32
            %rem3A_563 = arith.remui %while3A_252, %rem3A_562 : i32
            %mul3A_564 = arith.constant 64 : i32
            %mul3A_565 = arith.muli %mul3A_564, %add3A_286 : i32
            %dma_start3A_566 = arith.constant 0 : i32
            %dma_start3A_567 = arith.constant 0 : i32
            %dma_start3A_568 = tpu.memref_slice %run_scoped3A[%rem3A_563, %dma_start3A_566, %dma_start3A_567] : memref<2x64x64xf32, #tpu.memory_space<vmem>> -> memref<1x64x64xf32, #tpu.memory_space<vmem>>
            %dma_start3A_569 = tpu.memref_squeeze %dma_start3A_568 : memref<1x64x64xf32, #tpu.memory_space<vmem>> -> memref<64x64xf32, #tpu.memory_space<vmem>>
            %dma_start3A_570 = arith.constant 0 : i32
            %dma_start3A_571 = tpu.memref_slice %arg2[%mul3A_565, %dma_start3A_570] : memref<80000x128xf32, #tpu.memory_space<hbm>> -> memref<64x64xf32, #tpu.memory_space<hbm>>
            %dma_start3A_572 = tpu.memref_slice %run_scoped3A_36[%rem3A_563] : memref<2x!tpu.dma_semaphore, #tpu.memory_space<semaphore_mem>> -> memref<1x!tpu.dma_semaphore, #tpu.memory_space<semaphore_mem>>
            %dma_start3A_573 = tpu.memref_squeeze %dma_start3A_572 : memref<1x!tpu.dma_semaphore, #tpu.memory_space<semaphore_mem>> -> memref<!tpu.dma_semaphore, #tpu.memory_space<semaphore_mem>>
            %dma_start3A_574 = arith.constant 0 : i32
            %dma_start3A_575 = arith.constant 0 : i32
            %dma_start3A_576 = tpu.memref_slice %run_scoped3A[%rem3A_563, %dma_start3A_574, %dma_start3A_575] : memref<2x64x64xf32, #tpu.memory_space<vmem>> -> memref<1x64x64xf32, #tpu.memory_space<vmem>>
            %dma_start3A_577 = tpu.memref_squeeze %dma_start3A_576 : memref<1x64x64xf32, #tpu.memory_space<vmem>> -> memref<64x64xf32, #tpu.memory_space<vmem>>
            %dma_start3A_578 = arith.constant 0 : i32
            %dma_start3A_579 = tpu.memref_slice %arg2[%mul3A_565, %dma_start3A_578] : memref<80000x128xf32, #tpu.memory_space<hbm>> -> memref<64x64xf32, #tpu.memory_space<hbm>>
            tpu.enqueue_dma source(%dma_start3A_579 : memref<64x64xf32, #tpu.memory_space<hbm>>) target(%dma_start3A_577 : memref<64x64xf32, #tpu.memory_space<vmem>>) target_semaphore(%dma_start3A_573 : memref<!tpu.dma_semaphore, #tpu.memory_space<semaphore_mem>>)
            "tpu.trace_stop"() : () -> ()
          } else {
          }
          %and3A_307 = arith.constant true
          %and3A_308 = arith.andi %and3A, %and3A_307 : i1
          %add3A_309 = arith.constant 1 : i32
          %add3A_310 = arith.addi %while3A_252, %add3A_309 : i32
          %select_n3A_311 = arith.select %and3A_308, %add3A_310, %while3A_252 : i32
          %ne3A_312 = arith.cmpi ne, %add3A_268, %add3A_286 : i32
          %or3A_313 = arith.constant false
          %or3A_314 = arith.ori %or3A_313, %ne3A_312 : i1
          %or3A_315 = arith.constant false
          %or3A_316 = arith.ori %or3A_314, %or3A_315 : i1
          %sub3A_317 = arith.constant 2 : i32
          %sub3A_318 = arith.subi %mul3A_262, %sub3A_317 : i32
          %add3A_319 = arith.constant 1 : i32
          %add3A_320 = arith.addi %sub3A_318, %add3A_319 : i32
          %ge3A_321 = arith.cmpi sge, %while3A_251, %add3A_320 : i32
          %not3A_322 = arith.constant true
          %not3A_323 = arith.xori %ge3A_321, %not3A_322 : i1
          %and3A_324 = arith.andi %or3A_316, %not3A_323 : i1
          %convert_element_type3A_325 = arith.extui %and3A_324 : i1 to i32
          %cond3A_326 = arith.constant 0 : i32
          %cond3A_327 = arith.cmpi ne, %convert_element_type3A_325, %cond3A_326 : i32
          scf.if %cond3A_327 {
            "tpu.trace_start"() <{level = 10 : i32, message = "ep_copy_in"}> : () -> ()
            %rem3A_562 = arith.constant 2 : i32
            %rem3A_563 = arith.remui %while3A_254, %rem3A_562 : i32
            %mul3A_564 = arith.constant 64 : i32
            %mul3A_565 = arith.muli %mul3A_564, %add3A_286 : i32
            %dma_start3A_566 = arith.constant 0 : i32
            %dma_start3A_567 = arith.constant 0 : i32
            %dma_start3A_568 = tpu.memref_slice %run_scoped3A_37[%rem3A_563, %dma_start3A_566, %dma_start3A_567] : memref<2x64x64xf32, #tpu.memory_space<vmem>> -> memref<1x64x64xf32, #tpu.memory_space<vmem>>
            %dma_start3A_569 = tpu.memref_squeeze %dma_start3A_568 : memref<1x64x64xf32, #tpu.memory_space<vmem>> -> memref<64x64xf32, #tpu.memory_space<vmem>>
            %dma_start3A_570 = arith.constant 64 : i32
            %dma_start3A_571 = tpu.memref_slice %arg2[%mul3A_565, %dma_start3A_570] : memref<80000x128xf32, #tpu.memory_space<hbm>> -> memref<64x64xf32, #tpu.memory_space<hbm>>
            %dma_start3A_572 = tpu.memref_slice %run_scoped3A_38[%rem3A_563] : memref<2x!tpu.dma_semaphore, #tpu.memory_space<semaphore_mem>> -> memref<1x!tpu.dma_semaphore, #tpu.memory_space<semaphore_mem>>
            %dma_start3A_573 = tpu.memref_squeeze %dma_start3A_572 : memref<1x!tpu.dma_semaphore, #tpu.memory_space<semaphore_mem>> -> memref<!tpu.dma_semaphore, #tpu.memory_space<semaphore_mem>>
            %dma_start3A_574 = arith.constant 0 : i32
            %dma_start3A_575 = arith.constant 0 : i32
            %dma_start3A_576 = tpu.memref_slice %run_scoped3A_37[%rem3A_563, %dma_start3A_574, %dma_start3A_575] : memref<2x64x64xf32, #tpu.memory_space<vmem>> -> memref<1x64x64xf32, #tpu.memory_space<vmem>>
            %dma_start3A_577 = tpu.memref_squeeze %dma_start3A_576 : memref<1x64x64xf32, #tpu.memory_space<vmem>> -> memref<64x64xf32, #tpu.memory_space<vmem>>
            %dma_start3A_578 = arith.constant 64 : i32
            %dma_start3A_579 = tpu.memref_slice %arg2[%mul3A_565, %dma_start3A_578] : memref<80000x128xf32, #tpu.memory_space<hbm>> -> memref<64x64xf32, #tpu.memory_space<hbm>>
            tpu.enqueue_dma source(%dma_start3A_579 : memref<64x64xf32, #tpu.memory_space<hbm>>) target(%dma_start3A_577 : memref<64x64xf32, #tpu.memory_space<vmem>>) target_semaphore(%dma_start3A_573 : memref<!tpu.dma_semaphore, #tpu.memory_space<semaphore_mem>>)
            "tpu.trace_stop"() : () -> ()
          } else {
          }
          %and3A_328 = arith.constant true
          %and3A_329 = arith.andi %and3A_324, %and3A_328 : i1
          %add3A_330 = arith.constant 1 : i32
          %add3A_331 = arith.addi %while3A_254, %add3A_330 : i32
          %select_n3A_332 = arith.select %and3A_329, %add3A_331, %while3A_254 : i32
          %ne3A_333 = arith.cmpi ne, %add3A_268, %add3A_286 : i32
          %or3A_334 = arith.constant false
          %or3A_335 = arith.ori %or3A_334, %ne3A_333 : i1
          %sub3A_336 = arith.constant 2 : i32
          %sub3A_337 = arith.subi %mul3A_262, %sub3A_336 : i32
          %add3A_338 = arith.constant 1 : i32
          %add3A_339 = arith.addi %sub3A_337, %add3A_338 : i32
          %ge3A_340 = arith.cmpi sge, %while3A_251, %add3A_339 : i32
          %not3A_341 = arith.constant true
          %not3A_342 = arith.xori %ge3A_340, %not3A_341 : i1
          %and3A_343 = arith.andi %or3A_335, %not3A_342 : i1
          %convert_element_type3A_344 = arith.extui %and3A_343 : i1 to i32
          %cond3A_345 = arith.constant 0 : i32
          %cond3A_346 = arith.cmpi ne, %convert_element_type3A_344, %cond3A_345 : i32
          scf.if %cond3A_346 {
            "tpu.trace_start"() <{level = 10 : i32, message = "ep_copy_in"}> : () -> ()
            %rem3A_562 = arith.constant 2 : i32
            %rem3A_563 = arith.remui %while3A_256, %rem3A_562 : i32
            %mul3A_564 = arith.constant 64 : i32
            %mul3A_565 = arith.muli %mul3A_564, %add3A_286 : i32
            %dma_start3A_566 = arith.constant 0 : i32
            %dma_start3A_567 = arith.constant 0 : i32
            %dma_start3A_568 = tpu.memref_slice %run_scoped3A_39[%rem3A_563, %dma_start3A_566, %dma_start3A_567] : memref<2x1x64xi32, #tpu.memory_space<vmem>> -> memref<1x1x64xi32, #tpu.memory_space<vmem>>
            %dma_start3A_569 = tpu.memref_squeeze %dma_start3A_568 : memref<1x1x64xi32, #tpu.memory_space<vmem>> -> memref<1x64xi32, #tpu.memory_space<vmem>>
            %dma_start3A_570 = arith.constant 0 : i32
            %dma_start3A_571 = tpu.memref_slice %arg3[%dma_start3A_570, %mul3A_565] : memref<1x160000xi32, #tpu.memory_space<hbm>> -> memref<1x64xi32, #tpu.memory_space<hbm>>
            %dma_start3A_572 = tpu.memref_slice %run_scoped3A_40[%rem3A_563] : memref<2x!tpu.dma_semaphore, #tpu.memory_space<semaphore_mem>> -> memref<1x!tpu.dma_semaphore, #tpu.memory_space<semaphore_mem>>
            %dma_start3A_573 = tpu.memref_squeeze %dma_start3A_572 : memref<1x!tpu.dma_semaphore, #tpu.memory_space<semaphore_mem>> -> memref<!tpu.dma_semaphore, #tpu.memory_space<semaphore_mem>>
            %dma_start3A_574 = arith.constant 0 : i32
            %dma_start3A_575 = arith.constant 0 : i32
            %dma_start3A_576 = tpu.memref_slice %run_scoped3A_39[%rem3A_563, %dma_start3A_574, %dma_start3A_575] : memref<2x1x64xi32, #tpu.memory_space<vmem>> -> memref<1x1x64xi32, #tpu.memory_space<vmem>>
            %dma_start3A_577 = tpu.memref_squeeze %dma_start3A_576 : memref<1x1x64xi32, #tpu.memory_space<vmem>> -> memref<1x64xi32, #tpu.memory_space<vmem>>
            %dma_start3A_578 = arith.constant 0 : i32
            %dma_start3A_579 = tpu.memref_slice %arg3[%dma_start3A_578, %mul3A_565] : memref<1x160000xi32, #tpu.memory_space<hbm>> -> memref<1x64xi32, #tpu.memory_space<hbm>>
            tpu.enqueue_dma source(%dma_start3A_579 : memref<1x64xi32, #tpu.memory_space<hbm>>) target(%dma_start3A_577 : memref<1x64xi32, #tpu.memory_space<vmem>>) target_semaphore(%dma_start3A_573 : memref<!tpu.dma_semaphore, #tpu.memory_space<semaphore_mem>>)
            "tpu.trace_stop"() : () -> ()
          } else {
          }
          %and3A_347 = arith.constant true
          %and3A_348 = arith.andi %and3A_343, %and3A_347 : i1
          %add3A_349 = arith.constant 1 : i32
          %add3A_350 = arith.addi %while3A_256, %add3A_349 : i32
          %select_n3A_351 = arith.select %and3A_348, %add3A_350, %while3A_256 : i32
          %add3A_352 = arith.constant 1250 : i32
          %add3A_353 = arith.addi %add3A_268, %add3A_352 : i32
          %add3A_354 = arith.constant 1250 : i32
          %add3A_355 = arith.addi %add3A_286, %add3A_354 : i32
          %ne3A_356 = arith.cmpi ne, %add3A_353, %add3A_355 : i32
          %or3A_357 = arith.constant false
          %or3A_358 = arith.ori %or3A_357, %ne3A_356 : i1
          %sub3A_359 = arith.constant 2 : i32
          %sub3A_360 = arith.subi %mul3A_262, %sub3A_359 : i32
          %add3A_361 = arith.constant 1 : i32
          %add3A_362 = arith.addi %sub3A_360, %add3A_361 : i32
          %ge3A_363 = arith.cmpi sge, %while3A_251, %add3A_362 : i32
          %not3A_364 = arith.constant true
          %not3A_365 = arith.xori %ge3A_363, %not3A_364 : i1
          %and3A_366 = arith.andi %or3A_358, %not3A_365 : i1
          %convert_element_type3A_367 = arith.extui %and3A_366 : i1 to i32
          %cond3A_368 = arith.constant 0 : i32
          %cond3A_369 = arith.cmpi ne, %convert_element_type3A_367, %cond3A_368 : i32
          scf.if %cond3A_369 {
            "tpu.trace_start"() <{level = 10 : i32, message = "ep_copy_in"}> : () -> ()
            %rem3A_562 = arith.constant 2 : i32
            %rem3A_563 = arith.remui %while3A_258, %rem3A_562 : i32
            %add3A_564 = arith.constant 1250 : i32
            %add3A_565 = arith.addi %add3A_286, %add3A_564 : i32
            %mul3A_566 = arith.constant 64 : i32
            %mul3A_567 = arith.muli %mul3A_566, %add3A_565 : i32
            %dma_start3A_568 = arith.constant 0 : i32
            %dma_start3A_569 = arith.constant 0 : i32
            %dma_start3A_570 = tpu.memref_slice %run_scoped3A_41[%rem3A_563, %dma_start3A_568, %dma_start3A_569] : memref<2x1x64xi32, #tpu.memory_space<vmem>> -> memref<1x1x64xi32, #tpu.memory_space<vmem>>
            %dma_start3A_571 = tpu.memref_squeeze %dma_start3A_570 : memref<1x1x64xi32, #tpu.memory_space<vmem>> -> memref<1x64xi32, #tpu.memory_space<vmem>>
            %dma_start3A_572 = arith.constant 0 : i32
            %dma_start3A_573 = tpu.memref_slice %arg3[%dma_start3A_572, %mul3A_567] : memref<1x160000xi32, #tpu.memory_space<hbm>> -> memref<1x64xi32, #tpu.memory_space<hbm>>
            %dma_start3A_574 = tpu.memref_slice %run_scoped3A_42[%rem3A_563] : memref<2x!tpu.dma_semaphore, #tpu.memory_space<semaphore_mem>> -> memref<1x!tpu.dma_semaphore, #tpu.memory_space<semaphore_mem>>
            %dma_start3A_575 = tpu.memref_squeeze %dma_start3A_574 : memref<1x!tpu.dma_semaphore, #tpu.memory_space<semaphore_mem>> -> memref<!tpu.dma_semaphore, #tpu.memory_space<semaphore_mem>>
            %dma_start3A_576 = arith.constant 0 : i32
            %dma_start3A_577 = arith.constant 0 : i32
            %dma_start3A_578 = tpu.memref_slice %run_scoped3A_41[%rem3A_563, %dma_start3A_576, %dma_start3A_577] : memref<2x1x64xi32, #tpu.memory_space<vmem>> -> memref<1x1x64xi32, #tpu.memory_space<vmem>>
            %dma_start3A_579 = tpu.memref_squeeze %dma_start3A_578 : memref<1x1x64xi32, #tpu.memory_space<vmem>> -> memref<1x64xi32, #tpu.memory_space<vmem>>
            %dma_start3A_580 = arith.constant 0 : i32
            %dma_start3A_581 = tpu.memref_slice %arg3[%dma_start3A_580, %mul3A_567] : memref<1x160000xi32, #tpu.memory_space<hbm>> -> memref<1x64xi32, #tpu.memory_space<hbm>>
            tpu.enqueue_dma source(%dma_start3A_581 : memref<1x64xi32, #tpu.memory_space<hbm>>) target(%dma_start3A_579 : memref<1x64xi32, #tpu.memory_space<vmem>>) target_semaphore(%dma_start3A_575 : memref<!tpu.dma_semaphore, #tpu.memory_space<semaphore_mem>>)
            "tpu.trace_stop"() : () -> ()
          } else {
          }
          %and3A_370 = arith.constant true
          %and3A_371 = arith.andi %and3A_366, %and3A_370 : i1
          %add3A_372 = arith.constant 1 : i32
          %add3A_373 = arith.addi %while3A_258, %add3A_372 : i32
          %select_n3A_374 = arith.select %and3A_371, %add3A_373, %while3A_258 : i32
          %ne3A_375 = arith.cmpi ne, %add3A_268, %add3A_278 : i32
          %or3A_376 = arith.constant false
          %or3A_377 = arith.ori %or3A_376, %ne3A_375 : i1
          %or3A_378 = arith.constant false
          %or3A_379 = arith.ori %or3A_377, %or3A_378 : i1
          %or3A_380 = arith.ori %or3A_379, %eq3A_264 : i1
          %convert_element_type3A_381 = arith.extui %or3A_380 : i1 to i32
          %cond3A_382 = arith.constant 0 : i32
          %cond3A_383 = arith.cmpi ne, %convert_element_type3A_381, %cond3A_382 : i32
          scf.if %cond3A_383 {
            "tpu.trace_start"() <{level = 10 : i32, message = "ep_wait_in"}> : () -> ()
            %mul3A_562 = arith.constant 64 : i32
            %mul3A_563 = arith.muli %mul3A_562, %add3A_268 : i32
            %rem3A_564 = arith.constant 2 : i32
            %rem3A_565 = arith.remui %while3A_253, %rem3A_564 : i32
            %dma_wait3A = arith.constant 0 : i32
            %dma_wait3A_566 = arith.constant 0 : i32
            %dma_wait3A_567 = tpu.memref_slice %run_scoped3A[%rem3A_565, %dma_wait3A, %dma_wait3A_566] : memref<2x64x64xf32, #tpu.memory_space<vmem>> -> memref<1x64x64xf32, #tpu.memory_space<vmem>>
            %dma_wait3A_568 = tpu.memref_squeeze %dma_wait3A_567 : memref<1x64x64xf32, #tpu.memory_space<vmem>> -> memref<64x64xf32, #tpu.memory_space<vmem>>
            %dma_wait3A_569 = arith.constant 0 : i32
            %dma_wait3A_570 = tpu.memref_slice %arg2[%mul3A_563, %dma_wait3A_569] : memref<80000x128xf32, #tpu.memory_space<hbm>> -> memref<64x64xf32, #tpu.memory_space<hbm>>
            %dma_wait3A_571 = tpu.memref_slice %run_scoped3A_36[%rem3A_565] : memref<2x!tpu.dma_semaphore, #tpu.memory_space<semaphore_mem>> -> memref<1x!tpu.dma_semaphore, #tpu.memory_space<semaphore_mem>>
            %dma_wait3A_572 = tpu.memref_squeeze %dma_wait3A_571 : memref<1x!tpu.dma_semaphore, #tpu.memory_space<semaphore_mem>> -> memref<!tpu.dma_semaphore, #tpu.memory_space<semaphore_mem>>
            %dma_wait3A_573 = arith.constant 0 : i32
            %dma_wait3A_574 = arith.constant 0 : i32
            %dma_wait3A_575 = tpu.memref_slice %run_scoped3A[%rem3A_565, %dma_wait3A_573, %dma_wait3A_574] : memref<2x64x64xf32, #tpu.memory_space<vmem>> -> memref<1x64x64xf32, #tpu.memory_space<vmem>>
            %dma_wait3A_576 = tpu.memref_squeeze %dma_wait3A_575 : memref<1x64x64xf32, #tpu.memory_space<vmem>> -> memref<64x64xf32, #tpu.memory_space<vmem>>
            %dma_wait3A_577 = arith.constant 0 : i32
            %dma_wait3A_578 = tpu.memref_slice %arg2[%mul3A_563, %dma_wait3A_577] : memref<80000x128xf32, #tpu.memory_space<hbm>> -> memref<64x64xf32, #tpu.memory_space<hbm>>
            tpu.wait_dma2 semaphore(%dma_wait3A_572 : memref<!tpu.dma_semaphore, #tpu.memory_space<semaphore_mem>>) src(%dma_wait3A_578 : memref<64x64xf32, #tpu.memory_space<hbm>>) dst(%dma_wait3A_576 : memref<64x64xf32, #tpu.memory_space<vmem>>)
            "tpu.trace_stop"() : () -> ()
          } else {
          }
          %ne3A_384 = arith.cmpi ne, %add3A_268, %add3A_278 : i32
          %or3A_385 = arith.constant false
          %or3A_386 = arith.ori %or3A_385, %ne3A_384 : i1
          %or3A_387 = arith.constant false
          %or3A_388 = arith.ori %or3A_386, %or3A_387 : i1
          %or3A_389 = arith.ori %or3A_388, %eq3A_264 : i1
          %convert_element_type3A_390 = arith.extui %or3A_389 : i1 to i32
          %cond3A_391 = arith.constant 0 : i32
          %cond3A_392 = arith.cmpi ne, %convert_element_type3A_390, %cond3A_391 : i32
          scf.if %cond3A_392 {
            "tpu.trace_start"() <{level = 10 : i32, message = "ep_wait_in"}> : () -> ()
            %mul3A_562 = arith.constant 64 : i32
            %mul3A_563 = arith.muli %mul3A_562, %add3A_268 : i32
            %rem3A_564 = arith.constant 2 : i32
            %rem3A_565 = arith.remui %while3A_255, %rem3A_564 : i32
            %dma_wait3A = arith.constant 0 : i32
            %dma_wait3A_566 = arith.constant 0 : i32
            %dma_wait3A_567 = tpu.memref_slice %run_scoped3A_37[%rem3A_565, %dma_wait3A, %dma_wait3A_566] : memref<2x64x64xf32, #tpu.memory_space<vmem>> -> memref<1x64x64xf32, #tpu.memory_space<vmem>>
            %dma_wait3A_568 = tpu.memref_squeeze %dma_wait3A_567 : memref<1x64x64xf32, #tpu.memory_space<vmem>> -> memref<64x64xf32, #tpu.memory_space<vmem>>
            %dma_wait3A_569 = arith.constant 64 : i32
            %dma_wait3A_570 = tpu.memref_slice %arg2[%mul3A_563, %dma_wait3A_569] : memref<80000x128xf32, #tpu.memory_space<hbm>> -> memref<64x64xf32, #tpu.memory_space<hbm>>
            %dma_wait3A_571 = tpu.memref_slice %run_scoped3A_38[%rem3A_565] : memref<2x!tpu.dma_semaphore, #tpu.memory_space<semaphore_mem>> -> memref<1x!tpu.dma_semaphore, #tpu.memory_space<semaphore_mem>>
            %dma_wait3A_572 = tpu.memref_squeeze %dma_wait3A_571 : memref<1x!tpu.dma_semaphore, #tpu.memory_space<semaphore_mem>> -> memref<!tpu.dma_semaphore, #tpu.memory_space<semaphore_mem>>
            %dma_wait3A_573 = arith.constant 0 : i32
            %dma_wait3A_574 = arith.constant 0 : i32
            %dma_wait3A_575 = tpu.memref_slice %run_scoped3A_37[%rem3A_565, %dma_wait3A_573, %dma_wait3A_574] : memref<2x64x64xf32, #tpu.memory_space<vmem>> -> memref<1x64x64xf32, #tpu.memory_space<vmem>>
            %dma_wait3A_576 = tpu.memref_squeeze %dma_wait3A_575 : memref<1x64x64xf32, #tpu.memory_space<vmem>> -> memref<64x64xf32, #tpu.memory_space<vmem>>
            %dma_wait3A_577 = arith.constant 64 : i32
            %dma_wait3A_578 = tpu.memref_slice %arg2[%mul3A_563, %dma_wait3A_577] : memref<80000x128xf32, #tpu.memory_space<hbm>> -> memref<64x64xf32, #tpu.memory_space<hbm>>
            tpu.wait_dma2 semaphore(%dma_wait3A_572 : memref<!tpu.dma_semaphore, #tpu.memory_space<semaphore_mem>>) src(%dma_wait3A_578 : memref<64x64xf32, #tpu.memory_space<hbm>>) dst(%dma_wait3A_576 : memref<64x64xf32, #tpu.memory_space<vmem>>)
            "tpu.trace_stop"() : () -> ()
          } else {
          }
          %ne3A_393 = arith.cmpi ne, %add3A_268, %add3A_278 : i32
          %or3A_394 = arith.constant false
          %or3A_395 = arith.ori %or3A_394, %ne3A_393 : i1
          %or3A_396 = arith.ori %or3A_395, %eq3A_264 : i1
          %convert_element_type3A_397 = arith.extui %or3A_396 : i1 to i32
          %cond3A_398 = arith.constant 0 : i32
          %cond3A_399 = arith.cmpi ne, %convert_element_type3A_397, %cond3A_398 : i32
          scf.if %cond3A_399 {
            "tpu.trace_start"() <{level = 10 : i32, message = "ep_wait_in"}> : () -> ()
            %mul3A_562 = arith.constant 64 : i32
            %mul3A_563 = arith.muli %mul3A_562, %add3A_268 : i32
            %rem3A_564 = arith.constant 2 : i32
            %rem3A_565 = arith.remui %while3A_257, %rem3A_564 : i32
            %dma_wait3A = arith.constant 0 : i32
            %dma_wait3A_566 = arith.constant 0 : i32
            %dma_wait3A_567 = tpu.memref_slice %run_scoped3A_39[%rem3A_565, %dma_wait3A, %dma_wait3A_566] : memref<2x1x64xi32, #tpu.memory_space<vmem>> -> memref<1x1x64xi32, #tpu.memory_space<vmem>>
            %dma_wait3A_568 = tpu.memref_squeeze %dma_wait3A_567 : memref<1x1x64xi32, #tpu.memory_space<vmem>> -> memref<1x64xi32, #tpu.memory_space<vmem>>
            %dma_wait3A_569 = arith.constant 0 : i32
            %dma_wait3A_570 = tpu.memref_slice %arg3[%dma_wait3A_569, %mul3A_563] : memref<1x160000xi32, #tpu.memory_space<hbm>> -> memref<1x64xi32, #tpu.memory_space<hbm>>
            %dma_wait3A_571 = tpu.memref_slice %run_scoped3A_40[%rem3A_565] : memref<2x!tpu.dma_semaphore, #tpu.memory_space<semaphore_mem>> -> memref<1x!tpu.dma_semaphore, #tpu.memory_space<semaphore_mem>>
            %dma_wait3A_572 = tpu.memref_squeeze %dma_wait3A_571 : memref<1x!tpu.dma_semaphore, #tpu.memory_space<semaphore_mem>> -> memref<!tpu.dma_semaphore, #tpu.memory_space<semaphore_mem>>
            %dma_wait3A_573 = arith.constant 0 : i32
            %dma_wait3A_574 = arith.constant 0 : i32
            %dma_wait3A_575 = tpu.memref_slice %run_scoped3A_39[%rem3A_565, %dma_wait3A_573, %dma_wait3A_574] : memref<2x1x64xi32, #tpu.memory_space<vmem>> -> memref<1x1x64xi32, #tpu.memory_space<vmem>>
            %dma_wait3A_576 = tpu.memref_squeeze %dma_wait3A_575 : memref<1x1x64xi32, #tpu.memory_space<vmem>> -> memref<1x64xi32, #tpu.memory_space<vmem>>
            %dma_wait3A_577 = arith.constant 0 : i32
            %dma_wait3A_578 = tpu.memref_slice %arg3[%dma_wait3A_577, %mul3A_563] : memref<1x160000xi32, #tpu.memory_space<hbm>> -> memref<1x64xi32, #tpu.memory_space<hbm>>
            tpu.wait_dma2 semaphore(%dma_wait3A_572 : memref<!tpu.dma_semaphore, #tpu.memory_space<semaphore_mem>>) src(%dma_wait3A_578 : memref<1x64xi32, #tpu.memory_space<hbm>>) dst(%dma_wait3A_576 : memref<1x64xi32, #tpu.memory_space<vmem>>)
            "tpu.trace_stop"() : () -> ()
          } else {
          }
          %add3A_400 = arith.constant 1250 : i32
          %add3A_401 = arith.addi %add3A_268, %add3A_400 : i32
          %add3A_402 = arith.constant 1250 : i32
          %add3A_403 = arith.addi %add3A_278, %add3A_402 : i32
          %ne3A_404 = arith.cmpi ne, %add3A_401, %add3A_403 : i32
          %or3A_405 = arith.constant false
          %or3A_406 = arith.ori %or3A_405, %ne3A_404 : i1
          %or3A_407 = arith.ori %or3A_406, %eq3A_264 : i1
          %convert_element_type3A_408 = arith.extui %or3A_407 : i1 to i32
          %cond3A_409 = arith.constant 0 : i32
          %cond3A_410 = arith.cmpi ne, %convert_element_type3A_408, %cond3A_409 : i32
          scf.if %cond3A_410 {
            "tpu.trace_start"() <{level = 10 : i32, message = "ep_wait_in"}> : () -> ()
            %add3A_562 = arith.constant 1250 : i32
            %add3A_563 = arith.addi %add3A_268, %add3A_562 : i32
            %mul3A_564 = arith.constant 64 : i32
            %mul3A_565 = arith.muli %mul3A_564, %add3A_563 : i32
            %rem3A_566 = arith.constant 2 : i32
            %rem3A_567 = arith.remui %while3A_259, %rem3A_566 : i32
            %dma_wait3A = arith.constant 0 : i32
            %dma_wait3A_568 = arith.constant 0 : i32
            %dma_wait3A_569 = tpu.memref_slice %run_scoped3A_41[%rem3A_567, %dma_wait3A, %dma_wait3A_568] : memref<2x1x64xi32, #tpu.memory_space<vmem>> -> memref<1x1x64xi32, #tpu.memory_space<vmem>>
            %dma_wait3A_570 = tpu.memref_squeeze %dma_wait3A_569 : memref<1x1x64xi32, #tpu.memory_space<vmem>> -> memref<1x64xi32, #tpu.memory_space<vmem>>
            %dma_wait3A_571 = arith.constant 0 : i32
            %dma_wait3A_572 = tpu.memref_slice %arg3[%dma_wait3A_571, %mul3A_565] : memref<1x160000xi32, #tpu.memory_space<hbm>> -> memref<1x64xi32, #tpu.memory_space<hbm>>
            %dma_wait3A_573 = tpu.memref_slice %run_scoped3A_42[%rem3A_567] : memref<2x!tpu.dma_semaphore, #tpu.memory_space<semaphore_mem>> -> memref<1x!tpu.dma_semaphore, #tpu.memory_space<semaphore_mem>>
            %dma_wait3A_574 = tpu.memref_squeeze %dma_wait3A_573 : memref<1x!tpu.dma_semaphore, #tpu.memory_space<semaphore_mem>> -> memref<!tpu.dma_semaphore, #tpu.memory_space<semaphore_mem>>
            %dma_wait3A_575 = arith.constant 0 : i32
            %dma_wait3A_576 = arith.constant 0 : i32
            %dma_wait3A_577 = tpu.memref_slice %run_scoped3A_41[%rem3A_567, %dma_wait3A_575, %dma_wait3A_576] : memref<2x1x64xi32, #tpu.memory_space<vmem>> -> memref<1x1x64xi32, #tpu.memory_space<vmem>>
            %dma_wait3A_578 = tpu.memref_squeeze %dma_wait3A_577 : memref<1x1x64xi32, #tpu.memory_space<vmem>> -> memref<1x64xi32, #tpu.memory_space<vmem>>
            %dma_wait3A_579 = arith.constant 0 : i32
            %dma_wait3A_580 = tpu.memref_slice %arg3[%dma_wait3A_579, %mul3A_565] : memref<1x160000xi32, #tpu.memory_space<hbm>> -> memref<1x64xi32, #tpu.memory_space<hbm>>
            tpu.wait_dma2 semaphore(%dma_wait3A_574 : memref<!tpu.dma_semaphore, #tpu.memory_space<semaphore_mem>>) src(%dma_wait3A_580 : memref<1x64xi32, #tpu.memory_space<hbm>>) dst(%dma_wait3A_578 : memref<1x64xi32, #tpu.memory_space<vmem>>)
            "tpu.trace_stop"() : () -> ()
          } else {
          }
          %rem3A_411 = arith.constant 2 : i32
          %rem3A_412 = arith.remui %while3A_253, %rem3A_411 : i32
          %rem3A_413 = arith.constant 2 : i32
          %rem3A_414 = arith.remui %while3A_255, %rem3A_413 : i32
          %rem3A_415 = arith.constant 2 : i32
          %rem3A_416 = arith.remui %while3A_257, %rem3A_415 : i32
          %rem3A_417 = arith.constant 2 : i32
          %rem3A_418 = arith.remui %while3A_259, %rem3A_417 : i32
          %run_scoped3A_419 = arith.constant 0 : i32
          "tpu.trace_start"() <{level = 10 : i32, message = "ep_run_kernel"}> : () -> ()
          "tpu.region"() ({
            %run_scoped3A_562 = tpu.sem_alloc : memref<!tpu.dma_semaphore, #tpu.memory_space<semaphore_mem>>
            %dma_start3A_563 = arith.constant 0 : i32
            %dma_start3A_564 = arith.constant 0 : i32
            %dma_start3A_565 = tpu.memref_slice %run_scoped3A[%rem3A_412, %dma_start3A_563, %dma_start3A_564] : memref<2x64x64xf32, #tpu.memory_space<vmem>> -> memref<1x64x64xf32, #tpu.memory_space<vmem>>
            %dma_start3A_566 = tpu.memref_squeeze %dma_start3A_565 : memref<1x64x64xf32, #tpu.memory_space<vmem>> -> memref<64x64xf32, #tpu.memory_space<vmem>>
            %dma_start3A_567 = arith.constant 0 : i32
            %dma_start3A_568 = arith.constant 0 : i32
            %dma_start3A_569 = tpu.memref_slice %run_scoped3A_39[%rem3A_416, %dma_start3A_567, %dma_start3A_568] : memref<2x1x64xi32, #tpu.memory_space<vmem>> -> memref<1x1x64xi32, #tpu.memory_space<vmem>>
            %dma_start3A_570 = tpu.memref_squeeze %dma_start3A_569 : memref<1x1x64xi32, #tpu.memory_space<vmem>> -> memref<1x64xi32, #tpu.memory_space<vmem>>
            %dma_start3A_571 = arith.constant 0 : i32
            %dma_start3A_572 = tpu.memref_slice %dma_start3A_570[%run_scoped3A_419, %dma_start3A_571] : memref<1x64xi32, #tpu.memory_space<vmem>> -> memref<1x64xi32, #tpu.memory_space<vmem>>
            %dma_start3A_573 = tpu.memref_squeeze %dma_start3A_572 : memref<1x64xi32, #tpu.memory_space<vmem>> -> memref<64xi32, #tpu.memory_space<vmem>>
            %dma_start3A_574 = arith.constant 0 : i32
            %dma_start3A_575 = arith.constant 0 : i32
            %dma_start3A_576 = tpu.memref_slice %arg6[%dma_start3A_574, %dma_start3A_575] : memref<10112x64xf32, #tpu.memory_space<vmem_shared>> -> memref<10112x64xf32, #tpu.memory_space<vmem_shared>>
            tpu.enqueue_indirect_dma source(%dma_start3A_566 : memref<64x64xf32, #tpu.memory_space<vmem>>) target(%dma_start3A_576 : memref<10112x64xf32, #tpu.memory_space<vmem_shared>>) offsets(%dma_start3A_573 : memref<64xi32, #tpu.memory_space<vmem>>) semaphore(%run_scoped3A_562 : memref<!tpu.dma_semaphore, #tpu.memory_space<semaphore_mem>>) {add = true}
            %dma_wait3A = arith.constant 0 : i32
            %dma_wait3A_577 = arith.constant 0 : i32
            %dma_wait3A_578 = tpu.memref_slice %run_scoped3A[%rem3A_412, %dma_wait3A, %dma_wait3A_577] : memref<2x64x64xf32, #tpu.memory_space<vmem>> -> memref<1x64x64xf32, #tpu.memory_space<vmem>>
            %dma_wait3A_579 = tpu.memref_squeeze %dma_wait3A_578 : memref<1x64x64xf32, #tpu.memory_space<vmem>> -> memref<64x64xf32, #tpu.memory_space<vmem>>
            %dma_wait3A_580 = arith.constant 0 : i32
            %dma_wait3A_581 = arith.constant 0 : i32
            %dma_wait3A_582 = tpu.memref_slice %run_scoped3A_39[%rem3A_416, %dma_wait3A_580, %dma_wait3A_581] : memref<2x1x64xi32, #tpu.memory_space<vmem>> -> memref<1x1x64xi32, #tpu.memory_space<vmem>>
            %dma_wait3A_583 = tpu.memref_squeeze %dma_wait3A_582 : memref<1x1x64xi32, #tpu.memory_space<vmem>> -> memref<1x64xi32, #tpu.memory_space<vmem>>
            %dma_wait3A_584 = arith.constant 0 : i32
            %dma_wait3A_585 = tpu.memref_slice %dma_wait3A_583[%run_scoped3A_419, %dma_wait3A_584] : memref<1x64xi32, #tpu.memory_space<vmem>> -> memref<1x64xi32, #tpu.memory_space<vmem>>
            %dma_wait3A_586 = tpu.memref_squeeze %dma_wait3A_585 : memref<1x64xi32, #tpu.memory_space<vmem>> -> memref<64xi32, #tpu.memory_space<vmem>>
            %dma_wait3A_587 = arith.constant 0 : i32
            %dma_wait3A_588 = arith.constant 0 : i32
            %dma_wait3A_589 = tpu.memref_slice %arg6[%dma_wait3A_587, %dma_wait3A_588] : memref<10112x64xf32, #tpu.memory_space<vmem_shared>> -> memref<10112x64xf32, #tpu.memory_space<vmem_shared>>
            tpu.wait_indirect_dma semaphore(%run_scoped3A_562 : memref<!tpu.dma_semaphore, #tpu.memory_space<semaphore_mem>>) src(%dma_wait3A_579 : memref<64x64xf32, #tpu.memory_space<vmem>>) dst(%dma_wait3A_589 : memref<10112x64xf32, #tpu.memory_space<vmem_shared>>)
            tpu.yield
          }) : () -> ()
          %run_scoped3A_420 = arith.constant 0 : i32
          "tpu.region"() ({
            %run_scoped3A_562 = tpu.sem_alloc : memref<!tpu.dma_semaphore, #tpu.memory_space<semaphore_mem>>
            %dma_start3A_563 = arith.constant 0 : i32
            %dma_start3A_564 = arith.constant 0 : i32
            %dma_start3A_565 = tpu.memref_slice %run_scoped3A_37[%rem3A_414, %dma_start3A_563, %dma_start3A_564] : memref<2x64x64xf32, #tpu.memory_space<vmem>> -> memref<1x64x64xf32, #tpu.memory_space<vmem>>
            %dma_start3A_566 = tpu.memref_squeeze %dma_start3A_565 : memref<1x64x64xf32, #tpu.memory_space<vmem>> -> memref<64x64xf32, #tpu.memory_space<vmem>>
            %dma_start3A_567 = arith.constant 0 : i32
            %dma_start3A_568 = arith.constant 0 : i32
            %dma_start3A_569 = tpu.memref_slice %run_scoped3A_41[%rem3A_418, %dma_start3A_567, %dma_start3A_568] : memref<2x1x64xi32, #tpu.memory_space<vmem>> -> memref<1x1x64xi32, #tpu.memory_space<vmem>>
            %dma_start3A_570 = tpu.memref_squeeze %dma_start3A_569 : memref<1x1x64xi32, #tpu.memory_space<vmem>> -> memref<1x64xi32, #tpu.memory_space<vmem>>
            %dma_start3A_571 = arith.constant 0 : i32
            %dma_start3A_572 = tpu.memref_slice %dma_start3A_570[%run_scoped3A_420, %dma_start3A_571] : memref<1x64xi32, #tpu.memory_space<vmem>> -> memref<1x64xi32, #tpu.memory_space<vmem>>
            %dma_start3A_573 = tpu.memref_squeeze %dma_start3A_572 : memref<1x64xi32, #tpu.memory_space<vmem>> -> memref<64xi32, #tpu.memory_space<vmem>>
            %dma_start3A_574 = arith.constant 0 : i32
            %dma_start3A_575 = arith.constant 0 : i32
            %dma_start3A_576 = tpu.memref_slice %arg6[%dma_start3A_574, %dma_start3A_575] : memref<10112x64xf32, #tpu.memory_space<vmem_shared>> -> memref<10112x64xf32, #tpu.memory_space<vmem_shared>>
            tpu.enqueue_indirect_dma source(%dma_start3A_566 : memref<64x64xf32, #tpu.memory_space<vmem>>) target(%dma_start3A_576 : memref<10112x64xf32, #tpu.memory_space<vmem_shared>>) offsets(%dma_start3A_573 : memref<64xi32, #tpu.memory_space<vmem>>) semaphore(%run_scoped3A_562 : memref<!tpu.dma_semaphore, #tpu.memory_space<semaphore_mem>>) {add = true}
            %dma_wait3A = arith.constant 0 : i32
            %dma_wait3A_577 = arith.constant 0 : i32
            %dma_wait3A_578 = tpu.memref_slice %run_scoped3A_37[%rem3A_414, %dma_wait3A, %dma_wait3A_577] : memref<2x64x64xf32, #tpu.memory_space<vmem>> -> memref<1x64x64xf32, #tpu.memory_space<vmem>>
            %dma_wait3A_579 = tpu.memref_squeeze %dma_wait3A_578 : memref<1x64x64xf32, #tpu.memory_space<vmem>> -> memref<64x64xf32, #tpu.memory_space<vmem>>
            %dma_wait3A_580 = arith.constant 0 : i32
            %dma_wait3A_581 = arith.constant 0 : i32
            %dma_wait3A_582 = tpu.memref_slice %run_scoped3A_41[%rem3A_418, %dma_wait3A_580, %dma_wait3A_581] : memref<2x1x64xi32, #tpu.memory_space<vmem>> -> memref<1x1x64xi32, #tpu.memory_space<vmem>>
            %dma_wait3A_583 = tpu.memref_squeeze %dma_wait3A_582 : memref<1x1x64xi32, #tpu.memory_space<vmem>> -> memref<1x64xi32, #tpu.memory_space<vmem>>
            %dma_wait3A_584 = arith.constant 0 : i32
            %dma_wait3A_585 = tpu.memref_slice %dma_wait3A_583[%run_scoped3A_420, %dma_wait3A_584] : memref<1x64xi32, #tpu.memory_space<vmem>> -> memref<1x64xi32, #tpu.memory_space<vmem>>
            %dma_wait3A_586 = tpu.memref_squeeze %dma_wait3A_585 : memref<1x64xi32, #tpu.memory_space<vmem>> -> memref<64xi32, #tpu.memory_space<vmem>>
            %dma_wait3A_587 = arith.constant 0 : i32
            %dma_wait3A_588 = arith.constant 0 : i32
            %dma_wait3A_589 = tpu.memref_slice %arg6[%dma_wait3A_587, %dma_wait3A_588] : memref<10112x64xf32, #tpu.memory_space<vmem_shared>> -> memref<10112x64xf32, #tpu.memory_space<vmem_shared>>
            tpu.wait_indirect_dma semaphore(%run_scoped3A_562 : memref<!tpu.dma_semaphore, #tpu.memory_space<semaphore_mem>>) src(%dma_wait3A_579 : memref<64x64xf32, #tpu.memory_space<vmem>>) dst(%dma_wait3A_589 : memref<10112x64xf32, #tpu.memory_space<vmem_shared>>)
            tpu.yield
          }) : () -> ()
          %run_scoped3A_421 = arith.constant 0 : i32
          "tpu.region"() ({
            %run_scoped3A_562 = tpu.sem_alloc : memref<!tpu.dma_semaphore, #tpu.memory_space<semaphore_mem>>
            %dma_start3A_563 = arith.constant 0 : i32
            %dma_start3A_564 = arith.constant 0 : i32
            %dma_start3A_565 = tpu.memref_slice %run_scoped3A_39[%rem3A_416, %dma_start3A_563, %dma_start3A_564] : memref<2x1x64xi32, #tpu.memory_space<vmem>> -> memref<1x1x64xi32, #tpu.memory_space<vmem>>
            %dma_start3A_566 = tpu.memref_squeeze %dma_start3A_565 : memref<1x1x64xi32, #tpu.memory_space<vmem>> -> memref<1x64xi32, #tpu.memory_space<vmem>>
            %dma_start3A_567 = arith.constant 0 : i32
            %dma_start3A_568 = tpu.memref_slice %dma_start3A_566[%run_scoped3A_421, %dma_start3A_567] : memref<1x64xi32, #tpu.memory_space<vmem>> -> memref<1x64xi32, #tpu.memory_space<vmem>>
            %dma_start3A_569 = tpu.memref_squeeze %dma_start3A_568 : memref<1x64xi32, #tpu.memory_space<vmem>> -> memref<64xi32, #tpu.memory_space<vmem>>
            %dma_start3A_570 = arith.constant 0 : i32
            %dma_start3A_571 = arith.constant 0 : i32
            %dma_start3A_572 = tpu.memref_slice %arg7[%dma_start3A_570, %dma_start3A_571] : memref<10112x16xf32, #tpu.memory_space<vmem_shared>> -> memref<10112x16xf32, #tpu.memory_space<vmem_shared>>
            tpu.enqueue_indirect_dma source(%arg8 : memref<64x16xf32, #tpu.memory_space<vmem>>) target(%dma_start3A_572 : memref<10112x16xf32, #tpu.memory_space<vmem_shared>>) offsets(%dma_start3A_569 : memref<64xi32, #tpu.memory_space<vmem>>) semaphore(%run_scoped3A_562 : memref<!tpu.dma_semaphore, #tpu.memory_space<semaphore_mem>>) {add = true}
            %dma_wait3A = arith.constant 0 : i32
            %dma_wait3A_573 = arith.constant 0 : i32
            %dma_wait3A_574 = tpu.memref_slice %run_scoped3A_39[%rem3A_416, %dma_wait3A, %dma_wait3A_573] : memref<2x1x64xi32, #tpu.memory_space<vmem>> -> memref<1x1x64xi32, #tpu.memory_space<vmem>>
            %dma_wait3A_575 = tpu.memref_squeeze %dma_wait3A_574 : memref<1x1x64xi32, #tpu.memory_space<vmem>> -> memref<1x64xi32, #tpu.memory_space<vmem>>
            %dma_wait3A_576 = arith.constant 0 : i32
            %dma_wait3A_577 = tpu.memref_slice %dma_wait3A_575[%run_scoped3A_421, %dma_wait3A_576] : memref<1x64xi32, #tpu.memory_space<vmem>> -> memref<1x64xi32, #tpu.memory_space<vmem>>
            %dma_wait3A_578 = tpu.memref_squeeze %dma_wait3A_577 : memref<1x64xi32, #tpu.memory_space<vmem>> -> memref<64xi32, #tpu.memory_space<vmem>>
            %dma_wait3A_579 = arith.constant 0 : i32
            %dma_wait3A_580 = arith.constant 0 : i32
            %dma_wait3A_581 = tpu.memref_slice %arg7[%dma_wait3A_579, %dma_wait3A_580] : memref<10112x16xf32, #tpu.memory_space<vmem_shared>> -> memref<10112x16xf32, #tpu.memory_space<vmem_shared>>
            tpu.wait_indirect_dma semaphore(%run_scoped3A_562 : memref<!tpu.dma_semaphore, #tpu.memory_space<semaphore_mem>>) src(%arg8 : memref<64x16xf32, #tpu.memory_space<vmem>>) dst(%dma_wait3A_581 : memref<10112x16xf32, #tpu.memory_space<vmem_shared>>)
            tpu.yield
          }) : () -> ()
          %run_scoped3A_422 = arith.constant 0 : i32
          "tpu.region"() ({
            %run_scoped3A_562 = tpu.sem_alloc : memref<!tpu.dma_semaphore, #tpu.memory_space<semaphore_mem>>
            %dma_start3A_563 = arith.constant 0 : i32
            %dma_start3A_564 = arith.constant 0 : i32
            %dma_start3A_565 = tpu.memref_slice %run_scoped3A_41[%rem3A_418, %dma_start3A_563, %dma_start3A_564] : memref<2x1x64xi32, #tpu.memory_space<vmem>> -> memref<1x1x64xi32, #tpu.memory_space<vmem>>
            %dma_start3A_566 = tpu.memref_squeeze %dma_start3A_565 : memref<1x1x64xi32, #tpu.memory_space<vmem>> -> memref<1x64xi32, #tpu.memory_space<vmem>>
            %dma_start3A_567 = arith.constant 0 : i32
            %dma_start3A_568 = tpu.memref_slice %dma_start3A_566[%run_scoped3A_422, %dma_start3A_567] : memref<1x64xi32, #tpu.memory_space<vmem>> -> memref<1x64xi32, #tpu.memory_space<vmem>>
            %dma_start3A_569 = tpu.memref_squeeze %dma_start3A_568 : memref<1x64xi32, #tpu.memory_space<vmem>> -> memref<64xi32, #tpu.memory_space<vmem>>
            %dma_start3A_570 = arith.constant 0 : i32
            %dma_start3A_571 = arith.constant 0 : i32
            %dma_start3A_572 = tpu.memref_slice %arg7[%dma_start3A_570, %dma_start3A_571] : memref<10112x16xf32, #tpu.memory_space<vmem_shared>> -> memref<10112x16xf32, #tpu.memory_space<vmem_shared>>
            tpu.enqueue_indirect_dma source(%arg8 : memref<64x16xf32, #tpu.memory_space<vmem>>) target(%dma_start3A_572 : memref<10112x16xf32, #tpu.memory_space<vmem_shared>>) offsets(%dma_start3A_569 : memref<64xi32, #tpu.memory_space<vmem>>) semaphore(%run_scoped3A_562 : memref<!tpu.dma_semaphore, #tpu.memory_space<semaphore_mem>>) {add = true}
            %dma_wait3A = arith.constant 0 : i32
            %dma_wait3A_573 = arith.constant 0 : i32
            %dma_wait3A_574 = tpu.memref_slice %run_scoped3A_41[%rem3A_418, %dma_wait3A, %dma_wait3A_573] : memref<2x1x64xi32, #tpu.memory_space<vmem>> -> memref<1x1x64xi32, #tpu.memory_space<vmem>>
            %dma_wait3A_575 = tpu.memref_squeeze %dma_wait3A_574 : memref<1x1x64xi32, #tpu.memory_space<vmem>> -> memref<1x64xi32, #tpu.memory_space<vmem>>
            %dma_wait3A_576 = arith.constant 0 : i32
            %dma_wait3A_577 = tpu.memref_slice %dma_wait3A_575[%run_scoped3A_422, %dma_wait3A_576] : memref<1x64xi32, #tpu.memory_space<vmem>> -> memref<1x64xi32, #tpu.memory_space<vmem>>
            %dma_wait3A_578 = tpu.memref_squeeze %dma_wait3A_577 : memref<1x64xi32, #tpu.memory_space<vmem>> -> memref<64xi32, #tpu.memory_space<vmem>>
            %dma_wait3A_579 = arith.constant 0 : i32
            %dma_wait3A_580 = arith.constant 0 : i32
            %dma_wait3A_581 = tpu.memref_slice %arg7[%dma_wait3A_579, %dma_wait3A_580] : memref<10112x16xf32, #tpu.memory_space<vmem_shared>> -> memref<10112x16xf32, #tpu.memory_space<vmem_shared>>
            tpu.wait_indirect_dma semaphore(%run_scoped3A_562 : memref<!tpu.dma_semaphore, #tpu.memory_space<semaphore_mem>>) src(%arg8 : memref<64x16xf32, #tpu.memory_space<vmem>>) dst(%dma_wait3A_581 : memref<10112x16xf32, #tpu.memory_space<vmem_shared>>)
            tpu.yield
          }) : () -> ()
          "tpu.trace_stop"() : () -> ()
          %ne3A_423 = arith.cmpi ne, %add3A_268, %add3A_286 : i32
          %or3A_424 = arith.constant false
          %or3A_425 = arith.ori %or3A_424, %ne3A_423 : i1
          %or3A_426 = arith.constant false
          %or3A_427 = arith.ori %or3A_425, %or3A_426 : i1
          %or3A_428 = arith.ori %or3A_427, %eq3A_267 : i1
          %convert_element_type3A_429 = arith.extui %or3A_428 : i1 to i32
          %cond3A_430 = arith.constant 0 : i32
          %cond3A_431 = arith.cmpi ne, %convert_element_type3A_429, %cond3A_430 : i32
          scf.if %cond3A_431 {
          } else {
          }
          %and3A_432 = arith.constant false
          %and3A_433 = arith.andi %or3A_428, %and3A_432 : i1
          %ne3A_434 = arith.cmpi ne, %add3A_268, %add3A_286 : i32
          %or3A_435 = arith.constant false
          %or3A_436 = arith.ori %or3A_435, %ne3A_434 : i1
          %or3A_437 = arith.constant false
          %or3A_438 = arith.ori %or3A_436, %or3A_437 : i1
          %or3A_439 = arith.ori %or3A_438, %eq3A_267 : i1
          %convert_element_type3A_440 = arith.extui %or3A_439 : i1 to i32
          %cond3A_441 = arith.constant 0 : i32
          %cond3A_442 = arith.cmpi ne, %convert_element_type3A_440, %cond3A_441 : i32
          scf.if %cond3A_442 {
          } else {
          }
          %and3A_443 = arith.constant false
          %and3A_444 = arith.andi %or3A_439, %and3A_443 : i1
          %ne3A_445 = arith.cmpi ne, %add3A_268, %add3A_286 : i32
          %or3A_446 = arith.constant false
          %or3A_447 = arith.ori %or3A_446, %ne3A_445 : i1
          %or3A_448 = arith.ori %or3A_447, %eq3A_267 : i1
          %convert_element_type3A_449 = arith.extui %or3A_448 : i1 to i32
          %cond3A_450 = arith.constant 0 : i32
          %cond3A_451 = arith.cmpi ne, %convert_element_type3A_449, %cond3A_450 : i32
          scf.if %cond3A_451 {
          } else {
          }
          %and3A_452 = arith.constant false
          %and3A_453 = arith.andi %or3A_448, %and3A_452 : i1
          %add3A_454 = arith.constant 1250 : i32
          %add3A_455 = arith.addi %add3A_268, %add3A_454 : i32
          %add3A_456 = arith.constant 1250 : i32
          %add3A_457 = arith.addi %add3A_286, %add3A_456 : i32
          %ne3A_458 = arith.cmpi ne, %add3A_455, %add3A_457 : i32
          %or3A_459 = arith.constant false
          %or3A_460 = arith.ori %or3A_459, %ne3A_458 : i1
          %or3A_461 = arith.ori %or3A_460, %eq3A_267 : i1
          %convert_element_type3A_462 = arith.extui %or3A_461 : i1 to i32
          %cond3A_463 = arith.constant 0 : i32
          %cond3A_464 = arith.cmpi ne, %convert_element_type3A_462, %cond3A_463 : i32
          scf.if %cond3A_464 {
          } else {
          }
          %and3A_465 = arith.constant false
          %and3A_466 = arith.andi %or3A_461, %and3A_465 : i1
          %ne3A_467 = arith.cmpi ne, %add3A_268, %add3A_278 : i32
          %or3A_468 = arith.constant false
          %or3A_469 = arith.ori %or3A_468, %ne3A_467 : i1
          %or3A_470 = arith.constant false
          %or3A_471 = arith.ori %or3A_469, %or3A_470 : i1
          %not3A_472 = arith.constant true
          %not3A_473 = arith.xori %eq3A_264, %not3A_472 : i1
          %and3A_474 = arith.andi %or3A_471, %not3A_473 : i1
          %convert_element_type3A_475 = arith.extui %and3A_474 : i1 to i32
          %cond3A_476 = arith.constant 0 : i32
          %cond3A_477 = arith.cmpi ne, %convert_element_type3A_475, %cond3A_476 : i32
          scf.if %cond3A_477 {
          } else {
          }
          %and3A_478 = arith.constant false
          %and3A_479 = arith.andi %and3A_474, %and3A_478 : i1
          %ne3A_480 = arith.cmpi ne, %add3A_268, %add3A_278 : i32
          %or3A_481 = arith.constant false
          %or3A_482 = arith.ori %or3A_481, %ne3A_480 : i1
          %or3A_483 = arith.constant false
          %or3A_484 = arith.ori %or3A_482, %or3A_483 : i1
          %not3A_485 = arith.constant true
          %not3A_486 = arith.xori %eq3A_264, %not3A_485 : i1
          %and3A_487 = arith.andi %or3A_484, %not3A_486 : i1
          %convert_element_type3A_488 = arith.extui %and3A_487 : i1 to i32
          %cond3A_489 = arith.constant 0 : i32
          %cond3A_490 = arith.cmpi ne, %convert_element_type3A_488, %cond3A_489 : i32
          scf.if %cond3A_490 {
          } else {
          }
          %and3A_491 = arith.constant false
          %and3A_492 = arith.andi %and3A_487, %and3A_491 : i1
          %ne3A_493 = arith.cmpi ne, %add3A_268, %add3A_278 : i32
          %or3A_494 = arith.constant false
          %or3A_495 = arith.ori %or3A_494, %ne3A_493 : i1
          %not3A_496 = arith.constant true
          %not3A_497 = arith.xori %eq3A_264, %not3A_496 : i1
          %and3A_498 = arith.andi %or3A_495, %not3A_497 : i1
          %convert_element_type3A_499 = arith.extui %and3A_498 : i1 to i32
          %cond3A_500 = arith.constant 0 : i32
          %cond3A_501 = arith.cmpi ne, %convert_element_type3A_499, %cond3A_500 : i32
          scf.if %cond3A_501 {
          } else {
          }
          %and3A_502 = arith.constant false
          %and3A_503 = arith.andi %and3A_498, %and3A_502 : i1
          %add3A_504 = arith.constant 1250 : i32
          %add3A_505 = arith.addi %add3A_268, %add3A_504 : i32
          %add3A_506 = arith.constant 1250 : i32
          %add3A_507 = arith.addi %add3A_278, %add3A_506 : i32
          %ne3A_508 = arith.cmpi ne, %add3A_505, %add3A_507 : i32
          %or3A_509 = arith.constant false
          %or3A_510 = arith.ori %or3A_509, %ne3A_508 : i1
          %not3A_511 = arith.constant true
          %not3A_512 = arith.xori %eq3A_264, %not3A_511 : i1
          %and3A_513 = arith.andi %or3A_510, %not3A_512 : i1
          %convert_element_type3A_514 = arith.extui %and3A_513 : i1 to i32
          %cond3A_515 = arith.constant 0 : i32
          %cond3A_516 = arith.cmpi ne, %convert_element_type3A_514, %cond3A_515 : i32
          scf.if %cond3A_516 {
          } else {
          }
          %and3A_517 = arith.constant false
          %and3A_518 = arith.andi %and3A_513, %and3A_517 : i1
          %ne3A_519 = arith.cmpi ne, %add3A_268, %add3A_286 : i32
          %or3A_520 = arith.constant false
          %or3A_521 = arith.ori %or3A_520, %ne3A_519 : i1
          %or3A_522 = arith.constant false
          %or3A_523 = arith.ori %or3A_521, %or3A_522 : i1
          %or3A_524 = arith.ori %or3A_523, %eq3A_267 : i1
          %add3A_525 = arith.constant 1 : i32
          %add3A_526 = arith.addi %while3A_253, %add3A_525 : i32
          %select_n3A_527 = arith.select %or3A_524, %add3A_526, %while3A_253 : i32
          %ne3A_528 = arith.cmpi ne, %add3A_268, %add3A_286 : i32
          %or3A_529 = arith.constant false
          %or3A_530 = arith.ori %or3A_529, %ne3A_528 : i1
          %or3A_531 = arith.constant false
          %or3A_532 = arith.ori %or3A_530, %or3A_531 : i1
          %or3A_533 = arith.ori %or3A_532, %eq3A_267 : i1
          %add3A_534 = arith.constant 1 : i32
          %add3A_535 = arith.addi %while3A_255, %add3A_534 : i32
          %select_n3A_536 = arith.select %or3A_533, %add3A_535, %while3A_255 : i32
          %ne3A_537 = arith.cmpi ne, %add3A_268, %add3A_286 : i32
          %or3A_538 = arith.constant false
          %or3A_539 = arith.ori %or3A_538, %ne3A_537 : i1
          %or3A_540 = arith.ori %or3A_539, %eq3A_267 : i1
          %add3A_541 = arith.constant 1 : i32
          %add3A_542 = arith.addi %while3A_257, %add3A_541 : i32
          %select_n3A_543 = arith.select %or3A_540, %add3A_542, %while3A_257 : i32
          %add3A_544 = arith.constant 1250 : i32
          %add3A_545 = arith.addi %add3A_268, %add3A_544 : i32
          %add3A_546 = arith.constant 1250 : i32
          %add3A_547 = arith.addi %add3A_286, %add3A_546 : i32
          %ne3A_548 = arith.cmpi ne, %add3A_545, %add3A_547 : i32
          %or3A_549 = arith.constant false
          %or3A_550 = arith.ori %or3A_549, %ne3A_548 : i1
          %or3A_551 = arith.ori %or3A_550, %eq3A_267 : i1
          %add3A_552 = arith.constant 1 : i32
          %add3A_553 = arith.addi %while3A_259, %add3A_552 : i32
          %select_n3A_554 = arith.select %or3A_551, %add3A_553, %while3A_259 : i32
          %add3A_555 = arith.constant 1 : i32
          %add3A_556 = arith.addi %while3A_260, %add3A_555 : i32
          %select_n3A_557 = arith.constant true
          %select_n3A_558 = arith.select %select_n3A_557, %add3A_556, %while3A_260 : i32
          %eq3A_559 = arith.cmpi eq, %select_n3A_558, %select_n3A : i32
          %select_n3A_560 = arith.constant 0 : i32
          %select_n3A_561 = arith.select %eq3A_559, %select_n3A_560, %select_n3A_558 : i32
          scf.yield %select_n3A_311, %select_n3A_527, %select_n3A_332, %select_n3A_536, %select_n3A_351, %select_n3A_543, %select_n3A_374, %select_n3A_554, %select_n3A_561 : i32, i32, i32, i32, i32, i32, i32, i32, i32
        }
        %while3A_192 = arith.constant 1 : i32
        %while3A_193:9 = scf.for %while3A_251 = %while3A_189 to %while3A_185 step %while3A_192 iter_args(%while3A_252 = %while3A_191#0, %while3A_253 = %while3A_191#1, %while3A_254 = %while3A_191#2, %while3A_255 = %while3A_191#3, %while3A_256 = %while3A_191#4, %while3A_257 = %while3A_191#5, %while3A_258 = %while3A_191#6, %while3A_259 = %while3A_191#7, %while3A_260 = %while3A_191#8) -> (i32, i32, i32, i32, i32, i32, i32, i32, i32)  : i32 {
          %mul3A_261 = arith.constant 1 : i32
          %mul3A_262 = arith.muli %mul3A_261, %select_n3A : i32
          %eq3A_263 = arith.constant 0 : i32
          %eq3A_264 = arith.cmpi eq, %while3A_251, %eq3A_263 : i32
          %sub3A_265 = arith.constant 1 : i32
          %sub3A_266 = arith.subi %mul3A_262, %sub3A_265 : i32
          %eq3A_267 = arith.cmpi eq, %while3A_251, %sub3A_266 : i32
          %add3A_268 = arith.addi %while3A_260, %select_n3A_25 : i32
          %sub3A_269 = arith.constant 1 : i32
          %sub3A_270 = arith.subi %while3A_260, %sub3A_269 : i32
          %select_n3A_271 = arith.constant true
          %select_n3A_272 = arith.select %select_n3A_271, %sub3A_270, %while3A_260 : i32
          %eq3A_273 = arith.constant -1 : i32
          %eq3A_274 = arith.cmpi eq, %select_n3A_272, %eq3A_273 : i32
          %sub3A_275 = arith.constant 1 : i32
          %sub3A_276 = arith.subi %select_n3A, %sub3A_275 : i32
          %select_n3A_277 = arith.select %eq3A_274, %sub3A_276, %select_n3A_272 : i32
          %add3A_278 = arith.addi %select_n3A_277, %select_n3A_25 : i32
          %add3A_279 = arith.constant 1 : i32
          %add3A_280 = arith.addi %while3A_260, %add3A_279 : i32
          %select_n3A_281 = arith.constant true
          %select_n3A_282 = arith.select %select_n3A_281, %add3A_280, %while3A_260 : i32
          %eq3A_283 = arith.cmpi eq, %select_n3A_282, %select_n3A : i32
          %select_n3A_284 = arith.constant 0 : i32
          %select_n3A_285 = arith.select %eq3A_283, %select_n3A_284, %select_n3A_282 : i32
          %add3A_286 = arith.addi %select_n3A_285, %select_n3A_25 : i32
          %add3A_287 = arith.constant 1 : i32
          %add3A_288 = arith.addi %select_n3A_285, %add3A_287 : i32
          %select_n3A_289 = arith.constant true
          %select_n3A_290 = arith.select %select_n3A_289, %add3A_288, %select_n3A_285 : i32
          %eq3A_291 = arith.cmpi eq, %select_n3A_290, %select_n3A : i32
          %select_n3A_292 = arith.constant 0 : i32
          %select_n3A_293 = arith.select %eq3A_291, %select_n3A_292, %select_n3A_290 : i32
          %add3A_294 = arith.addi %select_n3A_293, %select_n3A_25 : i32
          %ne3A = arith.cmpi ne, %add3A_268, %add3A_286 : i32
          %or3A = arith.constant false
          %or3A_295 = arith.ori %or3A, %ne3A : i1
          %or3A_296 = arith.constant false
          %or3A_297 = arith.ori %or3A_295, %or3A_296 : i1
          %sub3A_298 = arith.constant 2 : i32
          %sub3A_299 = arith.subi %mul3A_262, %sub3A_298 : i32
          %add3A_300 = arith.constant 1 : i32
          %add3A_301 = arith.addi %sub3A_299, %add3A_300 : i32
          %ge3A_302 = arith.cmpi sge, %while3A_251, %add3A_301 : i32
          %not3A = arith.constant true
          %not3A_303 = arith.xori %ge3A_302, %not3A : i1
          %and3A = arith.andi %or3A_297, %not3A_303 : i1
          %convert_element_type3A_304 = arith.extui %and3A : i1 to i32
          %cond3A_305 = arith.constant 0 : i32
          %cond3A_306 = arith.cmpi ne, %convert_element_type3A_304, %cond3A_305 : i32
          scf.if %cond3A_306 {
            "tpu.trace_start"() <{level = 10 : i32, message = "ep_copy_in"}> : () -> ()
            %rem3A_562 = arith.constant 2 : i32
            %rem3A_563 = arith.remui %while3A_252, %rem3A_562 : i32
            %mul3A_564 = arith.constant 64 : i32
            %mul3A_565 = arith.muli %mul3A_564, %add3A_286 : i32
            %dma_start3A_566 = arith.constant 0 : i32
            %dma_start3A_567 = arith.constant 0 : i32
            %dma_start3A_568 = tpu.memref_slice %run_scoped3A[%rem3A_563, %dma_start3A_566, %dma_start3A_567] : memref<2x64x64xf32, #tpu.memory_space<vmem>> -> memref<1x64x64xf32, #tpu.memory_space<vmem>>
            %dma_start3A_569 = tpu.memref_squeeze %dma_start3A_568 : memref<1x64x64xf32, #tpu.memory_space<vmem>> -> memref<64x64xf32, #tpu.memory_space<vmem>>
            %dma_start3A_570 = arith.constant 0 : i32
            %dma_start3A_571 = tpu.memref_slice %arg2[%mul3A_565, %dma_start3A_570] : memref<80000x128xf32, #tpu.memory_space<hbm>> -> memref<64x64xf32, #tpu.memory_space<hbm>>
            %dma_start3A_572 = tpu.memref_slice %run_scoped3A_36[%rem3A_563] : memref<2x!tpu.dma_semaphore, #tpu.memory_space<semaphore_mem>> -> memref<1x!tpu.dma_semaphore, #tpu.memory_space<semaphore_mem>>
            %dma_start3A_573 = tpu.memref_squeeze %dma_start3A_572 : memref<1x!tpu.dma_semaphore, #tpu.memory_space<semaphore_mem>> -> memref<!tpu.dma_semaphore, #tpu.memory_space<semaphore_mem>>
            %dma_start3A_574 = arith.constant 0 : i32
            %dma_start3A_575 = arith.constant 0 : i32
            %dma_start3A_576 = tpu.memref_slice %run_scoped3A[%rem3A_563, %dma_start3A_574, %dma_start3A_575] : memref<2x64x64xf32, #tpu.memory_space<vmem>> -> memref<1x64x64xf32, #tpu.memory_space<vmem>>
            %dma_start3A_577 = tpu.memref_squeeze %dma_start3A_576 : memref<1x64x64xf32, #tpu.memory_space<vmem>> -> memref<64x64xf32, #tpu.memory_space<vmem>>
            %dma_start3A_578 = arith.constant 0 : i32
            %dma_start3A_579 = tpu.memref_slice %arg2[%mul3A_565, %dma_start3A_578] : memref<80000x128xf32, #tpu.memory_space<hbm>> -> memref<64x64xf32, #tpu.memory_space<hbm>>
            tpu.enqueue_dma source(%dma_start3A_579 : memref<64x64xf32, #tpu.memory_space<hbm>>) target(%dma_start3A_577 : memref<64x64xf32, #tpu.memory_space<vmem>>) target_semaphore(%dma_start3A_573 : memref<!tpu.dma_semaphore, #tpu.memory_space<semaphore_mem>>)
            "tpu.trace_stop"() : () -> ()
          } else {
          }
          %and3A_307 = arith.constant true
          %and3A_308 = arith.andi %and3A, %and3A_307 : i1
          %add3A_309 = arith.constant 1 : i32
          %add3A_310 = arith.addi %while3A_252, %add3A_309 : i32
          %select_n3A_311 = arith.select %and3A_308, %add3A_310, %while3A_252 : i32
          %ne3A_312 = arith.cmpi ne, %add3A_268, %add3A_286 : i32
          %or3A_313 = arith.constant false
          %or3A_314 = arith.ori %or3A_313, %ne3A_312 : i1
          %or3A_315 = arith.constant false
          %or3A_316 = arith.ori %or3A_314, %or3A_315 : i1
          %sub3A_317 = arith.constant 2 : i32
          %sub3A_318 = arith.subi %mul3A_262, %sub3A_317 : i32
          %add3A_319 = arith.constant 1 : i32
          %add3A_320 = arith.addi %sub3A_318, %add3A_319 : i32
          %ge3A_321 = arith.cmpi sge, %while3A_251, %add3A_320 : i32
          %not3A_322 = arith.constant true
          %not3A_323 = arith.xori %ge3A_321, %not3A_322 : i1
          %and3A_324 = arith.andi %or3A_316, %not3A_323 : i1
          %convert_element_type3A_325 = arith.extui %and3A_324 : i1 to i32
          %cond3A_326 = arith.constant 0 : i32
          %cond3A_327 = arith.cmpi ne, %convert_element_type3A_325, %cond3A_326 : i32
          scf.if %cond3A_327 {
            "tpu.trace_start"() <{level = 10 : i32, message = "ep_copy_in"}> : () -> ()
            %rem3A_562 = arith.constant 2 : i32
            %rem3A_563 = arith.remui %while3A_254, %rem3A_562 : i32
            %mul3A_564 = arith.constant 64 : i32
            %mul3A_565 = arith.muli %mul3A_564, %add3A_286 : i32
            %dma_start3A_566 = arith.constant 0 : i32
            %dma_start3A_567 = arith.constant 0 : i32
            %dma_start3A_568 = tpu.memref_slice %run_scoped3A_37[%rem3A_563, %dma_start3A_566, %dma_start3A_567] : memref<2x64x64xf32, #tpu.memory_space<vmem>> -> memref<1x64x64xf32, #tpu.memory_space<vmem>>
            %dma_start3A_569 = tpu.memref_squeeze %dma_start3A_568 : memref<1x64x64xf32, #tpu.memory_space<vmem>> -> memref<64x64xf32, #tpu.memory_space<vmem>>
            %dma_start3A_570 = arith.constant 64 : i32
            %dma_start3A_571 = tpu.memref_slice %arg2[%mul3A_565, %dma_start3A_570] : memref<80000x128xf32, #tpu.memory_space<hbm>> -> memref<64x64xf32, #tpu.memory_space<hbm>>
            %dma_start3A_572 = tpu.memref_slice %run_scoped3A_38[%rem3A_563] : memref<2x!tpu.dma_semaphore, #tpu.memory_space<semaphore_mem>> -> memref<1x!tpu.dma_semaphore, #tpu.memory_space<semaphore_mem>>
            %dma_start3A_573 = tpu.memref_squeeze %dma_start3A_572 : memref<1x!tpu.dma_semaphore, #tpu.memory_space<semaphore_mem>> -> memref<!tpu.dma_semaphore, #tpu.memory_space<semaphore_mem>>
            %dma_start3A_574 = arith.constant 0 : i32
            %dma_start3A_575 = arith.constant 0 : i32
            %dma_start3A_576 = tpu.memref_slice %run_scoped3A_37[%rem3A_563, %dma_start3A_574, %dma_start3A_575] : memref<2x64x64xf32, #tpu.memory_space<vmem>> -> memref<1x64x64xf32, #tpu.memory_space<vmem>>
            %dma_start3A_577 = tpu.memref_squeeze %dma_start3A_576 : memref<1x64x64xf32, #tpu.memory_space<vmem>> -> memref<64x64xf32, #tpu.memory_space<vmem>>
            %dma_start3A_578 = arith.constant 64 : i32
            %dma_start3A_579 = tpu.memref_slice %arg2[%mul3A_565, %dma_start3A_578] : memref<80000x128xf32, #tpu.memory_space<hbm>> -> memref<64x64xf32, #tpu.memory_space<hbm>>
            tpu.enqueue_dma source(%dma_start3A_579 : memref<64x64xf32, #tpu.memory_space<hbm>>) target(%dma_start3A_577 : memref<64x64xf32, #tpu.memory_space<vmem>>) target_semaphore(%dma_start3A_573 : memref<!tpu.dma_semaphore, #tpu.memory_space<semaphore_mem>>)
            "tpu.trace_stop"() : () -> ()
          } else {
          }
          %and3A_328 = arith.constant true
          %and3A_329 = arith.andi %and3A_324, %and3A_328 : i1
          %add3A_330 = arith.constant 1 : i32
          %add3A_331 = arith.addi %while3A_254, %add3A_330 : i32
          %select_n3A_332 = arith.select %and3A_329, %add3A_331, %while3A_254 : i32
          %ne3A_333 = arith.cmpi ne, %add3A_268, %add3A_286 : i32
          %or3A_334 = arith.constant false
          %or3A_335 = arith.ori %or3A_334, %ne3A_333 : i1
          %sub3A_336 = arith.constant 2 : i32
          %sub3A_337 = arith.subi %mul3A_262, %sub3A_336 : i32
          %add3A_338 = arith.constant 1 : i32
          %add3A_339 = arith.addi %sub3A_337, %add3A_338 : i32
          %ge3A_340 = arith.cmpi sge, %while3A_251, %add3A_339 : i32
          %not3A_341 = arith.constant true
          %not3A_342 = arith.xori %ge3A_340, %not3A_341 : i1
          %and3A_343 = arith.andi %or3A_335, %not3A_342 : i1
          %convert_element_type3A_344 = arith.extui %and3A_343 : i1 to i32
          %cond3A_345 = arith.constant 0 : i32
          %cond3A_346 = arith.cmpi ne, %convert_element_type3A_344, %cond3A_345 : i32
          scf.if %cond3A_346 {
            "tpu.trace_start"() <{level = 10 : i32, message = "ep_copy_in"}> : () -> ()
            %rem3A_562 = arith.constant 2 : i32
            %rem3A_563 = arith.remui %while3A_256, %rem3A_562 : i32
            %mul3A_564 = arith.constant 64 : i32
            %mul3A_565 = arith.muli %mul3A_564, %add3A_286 : i32
            %dma_start3A_566 = arith.constant 0 : i32
            %dma_start3A_567 = arith.constant 0 : i32
            %dma_start3A_568 = tpu.memref_slice %run_scoped3A_39[%rem3A_563, %dma_start3A_566, %dma_start3A_567] : memref<2x1x64xi32, #tpu.memory_space<vmem>> -> memref<1x1x64xi32, #tpu.memory_space<vmem>>
            %dma_start3A_569 = tpu.memref_squeeze %dma_start3A_568 : memref<1x1x64xi32, #tpu.memory_space<vmem>> -> memref<1x64xi32, #tpu.memory_space<vmem>>
            %dma_start3A_570 = arith.constant 0 : i32
            %dma_start3A_571 = tpu.memref_slice %arg3[%dma_start3A_570, %mul3A_565] : memref<1x160000xi32, #tpu.memory_space<hbm>> -> memref<1x64xi32, #tpu.memory_space<hbm>>
            %dma_start3A_572 = tpu.memref_slice %run_scoped3A_40[%rem3A_563] : memref<2x!tpu.dma_semaphore, #tpu.memory_space<semaphore_mem>> -> memref<1x!tpu.dma_semaphore, #tpu.memory_space<semaphore_mem>>
            %dma_start3A_573 = tpu.memref_squeeze %dma_start3A_572 : memref<1x!tpu.dma_semaphore, #tpu.memory_space<semaphore_mem>> -> memref<!tpu.dma_semaphore, #tpu.memory_space<semaphore_mem>>
            %dma_start3A_574 = arith.constant 0 : i32
            %dma_start3A_575 = arith.constant 0 : i32
            %dma_start3A_576 = tpu.memref_slice %run_scoped3A_39[%rem3A_563, %dma_start3A_574, %dma_start3A_575] : memref<2x1x64xi32, #tpu.memory_space<vmem>> -> memref<1x1x64xi32, #tpu.memory_space<vmem>>
            %dma_start3A_577 = tpu.memref_squeeze %dma_start3A_576 : memref<1x1x64xi32, #tpu.memory_space<vmem>> -> memref<1x64xi32, #tpu.memory_space<vmem>>
            %dma_start3A_578 = arith.constant 0 : i32
            %dma_start3A_579 = tpu.memref_slice %arg3[%dma_start3A_578, %mul3A_565] : memref<1x160000xi32, #tpu.memory_space<hbm>> -> memref<1x64xi32, #tpu.memory_space<hbm>>
            tpu.enqueue_dma source(%dma_start3A_579 : memref<1x64xi32, #tpu.memory_space<hbm>>) target(%dma_start3A_577 : memref<1x64xi32, #tpu.memory_space<vmem>>) target_semaphore(%dma_start3A_573 : memref<!tpu.dma_semaphore, #tpu.memory_space<semaphore_mem>>)
            "tpu.trace_stop"() : () -> ()
          } else {
          }
          %and3A_347 = arith.constant true
          %and3A_348 = arith.andi %and3A_343, %and3A_347 : i1
          %add3A_349 = arith.constant 1 : i32
          %add3A_350 = arith.addi %while3A_256, %add3A_349 : i32
          %select_n3A_351 = arith.select %and3A_348, %add3A_350, %while3A_256 : i32
          %add3A_352 = arith.constant 1250 : i32
          %add3A_353 = arith.addi %add3A_268, %add3A_352 : i32
          %add3A_354 = arith.constant 1250 : i32
          %add3A_355 = arith.addi %add3A_286, %add3A_354 : i32
          %ne3A_356 = arith.cmpi ne, %add3A_353, %add3A_355 : i32
          %or3A_357 = arith.constant false
          %or3A_358 = arith.ori %or3A_357, %ne3A_356 : i1
          %sub3A_359 = arith.constant 2 : i32
          %sub3A_360 = arith.subi %mul3A_262, %sub3A_359 : i32
          %add3A_361 = arith.constant 1 : i32
          %add3A_362 = arith.addi %sub3A_360, %add3A_361 : i32
          %ge3A_363 = arith.cmpi sge, %while3A_251, %add3A_362 : i32
          %not3A_364 = arith.constant true
          %not3A_365 = arith.xori %ge3A_363, %not3A_364 : i1
          %and3A_366 = arith.andi %or3A_358, %not3A_365 : i1
          %convert_element_type3A_367 = arith.extui %and3A_366 : i1 to i32
          %cond3A_368 = arith.constant 0 : i32
          %cond3A_369 = arith.cmpi ne, %convert_element_type3A_367, %cond3A_368 : i32
          scf.if %cond3A_369 {
            "tpu.trace_start"() <{level = 10 : i32, message = "ep_copy_in"}> : () -> ()
            %rem3A_562 = arith.constant 2 : i32
            %rem3A_563 = arith.remui %while3A_258, %rem3A_562 : i32
            %add3A_564 = arith.constant 1250 : i32
            %add3A_565 = arith.addi %add3A_286, %add3A_564 : i32
            %mul3A_566 = arith.constant 64 : i32
            %mul3A_567 = arith.muli %mul3A_566, %add3A_565 : i32
            %dma_start3A_568 = arith.constant 0 : i32
            %dma_start3A_569 = arith.constant 0 : i32
            %dma_start3A_570 = tpu.memref_slice %run_scoped3A_41[%rem3A_563, %dma_start3A_568, %dma_start3A_569] : memref<2x1x64xi32, #tpu.memory_space<vmem>> -> memref<1x1x64xi32, #tpu.memory_space<vmem>>
            %dma_start3A_571 = tpu.memref_squeeze %dma_start3A_570 : memref<1x1x64xi32, #tpu.memory_space<vmem>> -> memref<1x64xi32, #tpu.memory_space<vmem>>
            %dma_start3A_572 = arith.constant 0 : i32
            %dma_start3A_573 = tpu.memref_slice %arg3[%dma_start3A_572, %mul3A_567] : memref<1x160000xi32, #tpu.memory_space<hbm>> -> memref<1x64xi32, #tpu.memory_space<hbm>>
            %dma_start3A_574 = tpu.memref_slice %run_scoped3A_42[%rem3A_563] : memref<2x!tpu.dma_semaphore, #tpu.memory_space<semaphore_mem>> -> memref<1x!tpu.dma_semaphore, #tpu.memory_space<semaphore_mem>>
            %dma_start3A_575 = tpu.memref_squeeze %dma_start3A_574 : memref<1x!tpu.dma_semaphore, #tpu.memory_space<semaphore_mem>> -> memref<!tpu.dma_semaphore, #tpu.memory_space<semaphore_mem>>
            %dma_start3A_576 = arith.constant 0 : i32
            %dma_start3A_577 = arith.constant 0 : i32
            %dma_start3A_578 = tpu.memref_slice %run_scoped3A_41[%rem3A_563, %dma_start3A_576, %dma_start3A_577] : memref<2x1x64xi32, #tpu.memory_space<vmem>> -> memref<1x1x64xi32, #tpu.memory_space<vmem>>
            %dma_start3A_579 = tpu.memref_squeeze %dma_start3A_578 : memref<1x1x64xi32, #tpu.memory_space<vmem>> -> memref<1x64xi32, #tpu.memory_space<vmem>>
            %dma_start3A_580 = arith.constant 0 : i32
            %dma_start3A_581 = tpu.memref_slice %arg3[%dma_start3A_580, %mul3A_567] : memref<1x160000xi32, #tpu.memory_space<hbm>> -> memref<1x64xi32, #tpu.memory_space<hbm>>
            tpu.enqueue_dma source(%dma_start3A_581 : memref<1x64xi32, #tpu.memory_space<hbm>>) target(%dma_start3A_579 : memref<1x64xi32, #tpu.memory_space<vmem>>) target_semaphore(%dma_start3A_575 : memref<!tpu.dma_semaphore, #tpu.memory_space<semaphore_mem>>)
            "tpu.trace_stop"() : () -> ()
          } else {
          }
          %and3A_370 = arith.constant true
          %and3A_371 = arith.andi %and3A_366, %and3A_370 : i1
          %add3A_372 = arith.constant 1 : i32
          %add3A_373 = arith.addi %while3A_258, %add3A_372 : i32
          %select_n3A_374 = arith.select %and3A_371, %add3A_373, %while3A_258 : i32
          %ne3A_375 = arith.cmpi ne, %add3A_268, %add3A_278 : i32
          %or3A_376 = arith.constant false
          %or3A_377 = arith.ori %or3A_376, %ne3A_375 : i1
          %or3A_378 = arith.constant false
          %or3A_379 = arith.ori %or3A_377, %or3A_378 : i1
          %or3A_380 = arith.ori %or3A_379, %eq3A_264 : i1
          %convert_element_type3A_381 = arith.extui %or3A_380 : i1 to i32
          %cond3A_382 = arith.constant 0 : i32
          %cond3A_383 = arith.cmpi ne, %convert_element_type3A_381, %cond3A_382 : i32
          scf.if %cond3A_383 {
            "tpu.trace_start"() <{level = 10 : i32, message = "ep_wait_in"}> : () -> ()
            %mul3A_562 = arith.constant 64 : i32
            %mul3A_563 = arith.muli %mul3A_562, %add3A_268 : i32
            %rem3A_564 = arith.constant 2 : i32
            %rem3A_565 = arith.remui %while3A_253, %rem3A_564 : i32
            %dma_wait3A = arith.constant 0 : i32
            %dma_wait3A_566 = arith.constant 0 : i32
            %dma_wait3A_567 = tpu.memref_slice %run_scoped3A[%rem3A_565, %dma_wait3A, %dma_wait3A_566] : memref<2x64x64xf32, #tpu.memory_space<vmem>> -> memref<1x64x64xf32, #tpu.memory_space<vmem>>
            %dma_wait3A_568 = tpu.memref_squeeze %dma_wait3A_567 : memref<1x64x64xf32, #tpu.memory_space<vmem>> -> memref<64x64xf32, #tpu.memory_space<vmem>>
            %dma_wait3A_569 = arith.constant 0 : i32
            %dma_wait3A_570 = tpu.memref_slice %arg2[%mul3A_563, %dma_wait3A_569] : memref<80000x128xf32, #tpu.memory_space<hbm>> -> memref<64x64xf32, #tpu.memory_space<hbm>>
            %dma_wait3A_571 = tpu.memref_slice %run_scoped3A_36[%rem3A_565] : memref<2x!tpu.dma_semaphore, #tpu.memory_space<semaphore_mem>> -> memref<1x!tpu.dma_semaphore, #tpu.memory_space<semaphore_mem>>
            %dma_wait3A_572 = tpu.memref_squeeze %dma_wait3A_571 : memref<1x!tpu.dma_semaphore, #tpu.memory_space<semaphore_mem>> -> memref<!tpu.dma_semaphore, #tpu.memory_space<semaphore_mem>>
            %dma_wait3A_573 = arith.constant 0 : i32
            %dma_wait3A_574 = arith.constant 0 : i32
            %dma_wait3A_575 = tpu.memref_slice %run_scoped3A[%rem3A_565, %dma_wait3A_573, %dma_wait3A_574] : memref<2x64x64xf32, #tpu.memory_space<vmem>> -> memref<1x64x64xf32, #tpu.memory_space<vmem>>
            %dma_wait3A_576 = tpu.memref_squeeze %dma_wait3A_575 : memref<1x64x64xf32, #tpu.memory_space<vmem>> -> memref<64x64xf32, #tpu.memory_space<vmem>>
            %dma_wait3A_577 = arith.constant 0 : i32
            %dma_wait3A_578 = tpu.memref_slice %arg2[%mul3A_563, %dma_wait3A_577] : memref<80000x128xf32, #tpu.memory_space<hbm>> -> memref<64x64xf32, #tpu.memory_space<hbm>>
            tpu.wait_dma2 semaphore(%dma_wait3A_572 : memref<!tpu.dma_semaphore, #tpu.memory_space<semaphore_mem>>) src(%dma_wait3A_578 : memref<64x64xf32, #tpu.memory_space<hbm>>) dst(%dma_wait3A_576 : memref<64x64xf32, #tpu.memory_space<vmem>>)
            "tpu.trace_stop"() : () -> ()
          } else {
          }
          %ne3A_384 = arith.cmpi ne, %add3A_268, %add3A_278 : i32
          %or3A_385 = arith.constant false
          %or3A_386 = arith.ori %or3A_385, %ne3A_384 : i1
          %or3A_387 = arith.constant false
          %or3A_388 = arith.ori %or3A_386, %or3A_387 : i1
          %or3A_389 = arith.ori %or3A_388, %eq3A_264 : i1
          %convert_element_type3A_390 = arith.extui %or3A_389 : i1 to i32
          %cond3A_391 = arith.constant 0 : i32
          %cond3A_392 = arith.cmpi ne, %convert_element_type3A_390, %cond3A_391 : i32
          scf.if %cond3A_392 {
            "tpu.trace_start"() <{level = 10 : i32, message = "ep_wait_in"}> : () -> ()
            %mul3A_562 = arith.constant 64 : i32
            %mul3A_563 = arith.muli %mul3A_562, %add3A_268 : i32
            %rem3A_564 = arith.constant 2 : i32
            %rem3A_565 = arith.remui %while3A_255, %rem3A_564 : i32
            %dma_wait3A = arith.constant 0 : i32
            %dma_wait3A_566 = arith.constant 0 : i32
            %dma_wait3A_567 = tpu.memref_slice %run_scoped3A_37[%rem3A_565, %dma_wait3A, %dma_wait3A_566] : memref<2x64x64xf32, #tpu.memory_space<vmem>> -> memref<1x64x64xf32, #tpu.memory_space<vmem>>
            %dma_wait3A_568 = tpu.memref_squeeze %dma_wait3A_567 : memref<1x64x64xf32, #tpu.memory_space<vmem>> -> memref<64x64xf32, #tpu.memory_space<vmem>>
            %dma_wait3A_569 = arith.constant 64 : i32
            %dma_wait3A_570 = tpu.memref_slice %arg2[%mul3A_563, %dma_wait3A_569] : memref<80000x128xf32, #tpu.memory_space<hbm>> -> memref<64x64xf32, #tpu.memory_space<hbm>>
            %dma_wait3A_571 = tpu.memref_slice %run_scoped3A_38[%rem3A_565] : memref<2x!tpu.dma_semaphore, #tpu.memory_space<semaphore_mem>> -> memref<1x!tpu.dma_semaphore, #tpu.memory_space<semaphore_mem>>
            %dma_wait3A_572 = tpu.memref_squeeze %dma_wait3A_571 : memref<1x!tpu.dma_semaphore, #tpu.memory_space<semaphore_mem>> -> memref<!tpu.dma_semaphore, #tpu.memory_space<semaphore_mem>>
            %dma_wait3A_573 = arith.constant 0 : i32
            %dma_wait3A_574 = arith.constant 0 : i32
            %dma_wait3A_575 = tpu.memref_slice %run_scoped3A_37[%rem3A_565, %dma_wait3A_573, %dma_wait3A_574] : memref<2x64x64xf32, #tpu.memory_space<vmem>> -> memref<1x64x64xf32, #tpu.memory_space<vmem>>
            %dma_wait3A_576 = tpu.memref_squeeze %dma_wait3A_575 : memref<1x64x64xf32, #tpu.memory_space<vmem>> -> memref<64x64xf32, #tpu.memory_space<vmem>>
            %dma_wait3A_577 = arith.constant 64 : i32
            %dma_wait3A_578 = tpu.memref_slice %arg2[%mul3A_563, %dma_wait3A_577] : memref<80000x128xf32, #tpu.memory_space<hbm>> -> memref<64x64xf32, #tpu.memory_space<hbm>>
            tpu.wait_dma2 semaphore(%dma_wait3A_572 : memref<!tpu.dma_semaphore, #tpu.memory_space<semaphore_mem>>) src(%dma_wait3A_578 : memref<64x64xf32, #tpu.memory_space<hbm>>) dst(%dma_wait3A_576 : memref<64x64xf32, #tpu.memory_space<vmem>>)
            "tpu.trace_stop"() : () -> ()
          } else {
          }
          %ne3A_393 = arith.cmpi ne, %add3A_268, %add3A_278 : i32
          %or3A_394 = arith.constant false
          %or3A_395 = arith.ori %or3A_394, %ne3A_393 : i1
          %or3A_396 = arith.ori %or3A_395, %eq3A_264 : i1
          %convert_element_type3A_397 = arith.extui %or3A_396 : i1 to i32
          %cond3A_398 = arith.constant 0 : i32
          %cond3A_399 = arith.cmpi ne, %convert_element_type3A_397, %cond3A_398 : i32
          scf.if %cond3A_399 {
            "tpu.trace_start"() <{level = 10 : i32, message = "ep_wait_in"}> : () -> ()
            %mul3A_562 = arith.constant 64 : i32
            %mul3A_563 = arith.muli %mul3A_562, %add3A_268 : i32
            %rem3A_564 = arith.constant 2 : i32
            %rem3A_565 = arith.remui %while3A_257, %rem3A_564 : i32
            %dma_wait3A = arith.constant 0 : i32
            %dma_wait3A_566 = arith.constant 0 : i32
            %dma_wait3A_567 = tpu.memref_slice %run_scoped3A_39[%rem3A_565, %dma_wait3A, %dma_wait3A_566] : memref<2x1x64xi32, #tpu.memory_space<vmem>> -> memref<1x1x64xi32, #tpu.memory_space<vmem>>
            %dma_wait3A_568 = tpu.memref_squeeze %dma_wait3A_567 : memref<1x1x64xi32, #tpu.memory_space<vmem>> -> memref<1x64xi32, #tpu.memory_space<vmem>>
            %dma_wait3A_569 = arith.constant 0 : i32
            %dma_wait3A_570 = tpu.memref_slice %arg3[%dma_wait3A_569, %mul3A_563] : memref<1x160000xi32, #tpu.memory_space<hbm>> -> memref<1x64xi32, #tpu.memory_space<hbm>>
            %dma_wait3A_571 = tpu.memref_slice %run_scoped3A_40[%rem3A_565] : memref<2x!tpu.dma_semaphore, #tpu.memory_space<semaphore_mem>> -> memref<1x!tpu.dma_semaphore, #tpu.memory_space<semaphore_mem>>
            %dma_wait3A_572 = tpu.memref_squeeze %dma_wait3A_571 : memref<1x!tpu.dma_semaphore, #tpu.memory_space<semaphore_mem>> -> memref<!tpu.dma_semaphore, #tpu.memory_space<semaphore_mem>>
            %dma_wait3A_573 = arith.constant 0 : i32
            %dma_wait3A_574 = arith.constant 0 : i32
            %dma_wait3A_575 = tpu.memref_slice %run_scoped3A_39[%rem3A_565, %dma_wait3A_573, %dma_wait3A_574] : memref<2x1x64xi32, #tpu.memory_space<vmem>> -> memref<1x1x64xi32, #tpu.memory_space<vmem>>
            %dma_wait3A_576 = tpu.memref_squeeze %dma_wait3A_575 : memref<1x1x64xi32, #tpu.memory_space<vmem>> -> memref<1x64xi32, #tpu.memory_space<vmem>>
            %dma_wait3A_577 = arith.constant 0 : i32
            %dma_wait3A_578 = tpu.memref_slice %arg3[%dma_wait3A_577, %mul3A_563] : memref<1x160000xi32, #tpu.memory_space<hbm>> -> memref<1x64xi32, #tpu.memory_space<hbm>>
            tpu.wait_dma2 semaphore(%dma_wait3A_572 : memref<!tpu.dma_semaphore, #tpu.memory_space<semaphore_mem>>) src(%dma_wait3A_578 : memref<1x64xi32, #tpu.memory_space<hbm>>) dst(%dma_wait3A_576 : memref<1x64xi32, #tpu.memory_space<vmem>>)
            "tpu.trace_stop"() : () -> ()
          } else {
          }
          %add3A_400 = arith.constant 1250 : i32
          %add3A_401 = arith.addi %add3A_268, %add3A_400 : i32
          %add3A_402 = arith.constant 1250 : i32
          %add3A_403 = arith.addi %add3A_278, %add3A_402 : i32
          %ne3A_404 = arith.cmpi ne, %add3A_401, %add3A_403 : i32
          %or3A_405 = arith.constant false
          %or3A_406 = arith.ori %or3A_405, %ne3A_404 : i1
          %or3A_407 = arith.ori %or3A_406, %eq3A_264 : i1
          %convert_element_type3A_408 = arith.extui %or3A_407 : i1 to i32
          %cond3A_409 = arith.constant 0 : i32
          %cond3A_410 = arith.cmpi ne, %convert_element_type3A_408, %cond3A_409 : i32
          scf.if %cond3A_410 {
            "tpu.trace_start"() <{level = 10 : i32, message = "ep_wait_in"}> : () -> ()
            %add3A_562 = arith.constant 1250 : i32
            %add3A_563 = arith.addi %add3A_268, %add3A_562 : i32
            %mul3A_564 = arith.constant 64 : i32
            %mul3A_565 = arith.muli %mul3A_564, %add3A_563 : i32
            %rem3A_566 = arith.constant 2 : i32
            %rem3A_567 = arith.remui %while3A_259, %rem3A_566 : i32
            %dma_wait3A = arith.constant 0 : i32
            %dma_wait3A_568 = arith.constant 0 : i32
            %dma_wait3A_569 = tpu.memref_slice %run_scoped3A_41[%rem3A_567, %dma_wait3A, %dma_wait3A_568] : memref<2x1x64xi32, #tpu.memory_space<vmem>> -> memref<1x1x64xi32, #tpu.memory_space<vmem>>
            %dma_wait3A_570 = tpu.memref_squeeze %dma_wait3A_569 : memref<1x1x64xi32, #tpu.memory_space<vmem>> -> memref<1x64xi32, #tpu.memory_space<vmem>>
            %dma_wait3A_571 = arith.constant 0 : i32
            %dma_wait3A_572 = tpu.memref_slice %arg3[%dma_wait3A_571, %mul3A_565] : memref<1x160000xi32, #tpu.memory_space<hbm>> -> memref<1x64xi32, #tpu.memory_space<hbm>>
            %dma_wait3A_573 = tpu.memref_slice %run_scoped3A_42[%rem3A_567] : memref<2x!tpu.dma_semaphore, #tpu.memory_space<semaphore_mem>> -> memref<1x!tpu.dma_semaphore, #tpu.memory_space<semaphore_mem>>
            %dma_wait3A_574 = tpu.memref_squeeze %dma_wait3A_573 : memref<1x!tpu.dma_semaphore, #tpu.memory_space<semaphore_mem>> -> memref<!tpu.dma_semaphore, #tpu.memory_space<semaphore_mem>>
            %dma_wait3A_575 = arith.constant 0 : i32
            %dma_wait3A_576 = arith.constant 0 : i32
            %dma_wait3A_577 = tpu.memref_slice %run_scoped3A_41[%rem3A_567, %dma_wait3A_575, %dma_wait3A_576] : memref<2x1x64xi32, #tpu.memory_space<vmem>> -> memref<1x1x64xi32, #tpu.memory_space<vmem>>
            %dma_wait3A_578 = tpu.memref_squeeze %dma_wait3A_577 : memref<1x1x64xi32, #tpu.memory_space<vmem>> -> memref<1x64xi32, #tpu.memory_space<vmem>>
            %dma_wait3A_579 = arith.constant 0 : i32
            %dma_wait3A_580 = tpu.memref_slice %arg3[%dma_wait3A_579, %mul3A_565] : memref<1x160000xi32, #tpu.memory_space<hbm>> -> memref<1x64xi32, #tpu.memory_space<hbm>>
            tpu.wait_dma2 semaphore(%dma_wait3A_574 : memref<!tpu.dma_semaphore, #tpu.memory_space<semaphore_mem>>) src(%dma_wait3A_580 : memref<1x64xi32, #tpu.memory_space<hbm>>) dst(%dma_wait3A_578 : memref<1x64xi32, #tpu.memory_space<vmem>>)
            "tpu.trace_stop"() : () -> ()
          } else {
          }
          %rem3A_411 = arith.constant 2 : i32
          %rem3A_412 = arith.remui %while3A_253, %rem3A_411 : i32
          %rem3A_413 = arith.constant 2 : i32
          %rem3A_414 = arith.remui %while3A_255, %rem3A_413 : i32
          %rem3A_415 = arith.constant 2 : i32
          %rem3A_416 = arith.remui %while3A_257, %rem3A_415 : i32
          %rem3A_417 = arith.constant 2 : i32
          %rem3A_418 = arith.remui %while3A_259, %rem3A_417 : i32
          %run_scoped3A_419 = arith.constant 0 : i32
          "tpu.trace_start"() <{level = 10 : i32, message = "ep_run_kernel"}> : () -> ()
          "tpu.region"() ({
            %run_scoped3A_562 = tpu.sem_alloc : memref<!tpu.dma_semaphore, #tpu.memory_space<semaphore_mem>>
            %dma_start3A_563 = arith.constant 0 : i32
            %dma_start3A_564 = arith.constant 0 : i32
            %dma_start3A_565 = tpu.memref_slice %run_scoped3A[%rem3A_412, %dma_start3A_563, %dma_start3A_564] : memref<2x64x64xf32, #tpu.memory_space<vmem>> -> memref<1x64x64xf32, #tpu.memory_space<vmem>>
            %dma_start3A_566 = tpu.memref_squeeze %dma_start3A_565 : memref<1x64x64xf32, #tpu.memory_space<vmem>> -> memref<64x64xf32, #tpu.memory_space<vmem>>
            %dma_start3A_567 = arith.constant 0 : i32
            %dma_start3A_568 = arith.constant 0 : i32
            %dma_start3A_569 = tpu.memref_slice %run_scoped3A_39[%rem3A_416, %dma_start3A_567, %dma_start3A_568] : memref<2x1x64xi32, #tpu.memory_space<vmem>> -> memref<1x1x64xi32, #tpu.memory_space<vmem>>
            %dma_start3A_570 = tpu.memref_squeeze %dma_start3A_569 : memref<1x1x64xi32, #tpu.memory_space<vmem>> -> memref<1x64xi32, #tpu.memory_space<vmem>>
            %dma_start3A_571 = arith.constant 0 : i32
            %dma_start3A_572 = tpu.memref_slice %dma_start3A_570[%run_scoped3A_419, %dma_start3A_571] : memref<1x64xi32, #tpu.memory_space<vmem>> -> memref<1x64xi32, #tpu.memory_space<vmem>>
            %dma_start3A_573 = tpu.memref_squeeze %dma_start3A_572 : memref<1x64xi32, #tpu.memory_space<vmem>> -> memref<64xi32, #tpu.memory_space<vmem>>
            %dma_start3A_574 = arith.constant 0 : i32
            %dma_start3A_575 = arith.constant 0 : i32
            %dma_start3A_576 = tpu.memref_slice %arg6[%dma_start3A_574, %dma_start3A_575] : memref<10112x64xf32, #tpu.memory_space<vmem_shared>> -> memref<10112x64xf32, #tpu.memory_space<vmem_shared>>
            tpu.enqueue_indirect_dma source(%dma_start3A_566 : memref<64x64xf32, #tpu.memory_space<vmem>>) target(%dma_start3A_576 : memref<10112x64xf32, #tpu.memory_space<vmem_shared>>) offsets(%dma_start3A_573 : memref<64xi32, #tpu.memory_space<vmem>>) semaphore(%run_scoped3A_562 : memref<!tpu.dma_semaphore, #tpu.memory_space<semaphore_mem>>) {add = true}
            %dma_wait3A = arith.constant 0 : i32
            %dma_wait3A_577 = arith.constant 0 : i32
            %dma_wait3A_578 = tpu.memref_slice %run_scoped3A[%rem3A_412, %dma_wait3A, %dma_wait3A_577] : memref<2x64x64xf32, #tpu.memory_space<vmem>> -> memref<1x64x64xf32, #tpu.memory_space<vmem>>
            %dma_wait3A_579 = tpu.memref_squeeze %dma_wait3A_578 : memref<1x64x64xf32, #tpu.memory_space<vmem>> -> memref<64x64xf32, #tpu.memory_space<vmem>>
            %dma_wait3A_580 = arith.constant 0 : i32
            %dma_wait3A_581 = arith.constant 0 : i32
            %dma_wait3A_582 = tpu.memref_slice %run_scoped3A_39[%rem3A_416, %dma_wait3A_580, %dma_wait3A_581] : memref<2x1x64xi32, #tpu.memory_space<vmem>> -> memref<1x1x64xi32, #tpu.memory_space<vmem>>
            %dma_wait3A_583 = tpu.memref_squeeze %dma_wait3A_582 : memref<1x1x64xi32, #tpu.memory_space<vmem>> -> memref<1x64xi32, #tpu.memory_space<vmem>>
            %dma_wait3A_584 = arith.constant 0 : i32
            %dma_wait3A_585 = tpu.memref_slice %dma_wait3A_583[%run_scoped3A_419, %dma_wait3A_584] : memref<1x64xi32, #tpu.memory_space<vmem>> -> memref<1x64xi32, #tpu.memory_space<vmem>>
            %dma_wait3A_586 = tpu.memref_squeeze %dma_wait3A_585 : memref<1x64xi32, #tpu.memory_space<vmem>> -> memref<64xi32, #tpu.memory_space<vmem>>
            %dma_wait3A_587 = arith.constant 0 : i32
            %dma_wait3A_588 = arith.constant 0 : i32
            %dma_wait3A_589 = tpu.memref_slice %arg6[%dma_wait3A_587, %dma_wait3A_588] : memref<10112x64xf32, #tpu.memory_space<vmem_shared>> -> memref<10112x64xf32, #tpu.memory_space<vmem_shared>>
            tpu.wait_indirect_dma semaphore(%run_scoped3A_562 : memref<!tpu.dma_semaphore, #tpu.memory_space<semaphore_mem>>) src(%dma_wait3A_579 : memref<64x64xf32, #tpu.memory_space<vmem>>) dst(%dma_wait3A_589 : memref<10112x64xf32, #tpu.memory_space<vmem_shared>>)
            tpu.yield
          }) : () -> ()
          %run_scoped3A_420 = arith.constant 0 : i32
          "tpu.region"() ({
            %run_scoped3A_562 = tpu.sem_alloc : memref<!tpu.dma_semaphore, #tpu.memory_space<semaphore_mem>>
            %dma_start3A_563 = arith.constant 0 : i32
            %dma_start3A_564 = arith.constant 0 : i32
            %dma_start3A_565 = tpu.memref_slice %run_scoped3A_37[%rem3A_414, %dma_start3A_563, %dma_start3A_564] : memref<2x64x64xf32, #tpu.memory_space<vmem>> -> memref<1x64x64xf32, #tpu.memory_space<vmem>>
            %dma_start3A_566 = tpu.memref_squeeze %dma_start3A_565 : memref<1x64x64xf32, #tpu.memory_space<vmem>> -> memref<64x64xf32, #tpu.memory_space<vmem>>
            %dma_start3A_567 = arith.constant 0 : i32
            %dma_start3A_568 = arith.constant 0 : i32
            %dma_start3A_569 = tpu.memref_slice %run_scoped3A_41[%rem3A_418, %dma_start3A_567, %dma_start3A_568] : memref<2x1x64xi32, #tpu.memory_space<vmem>> -> memref<1x1x64xi32, #tpu.memory_space<vmem>>
            %dma_start3A_570 = tpu.memref_squeeze %dma_start3A_569 : memref<1x1x64xi32, #tpu.memory_space<vmem>> -> memref<1x64xi32, #tpu.memory_space<vmem>>
            %dma_start3A_571 = arith.constant 0 : i32
            %dma_start3A_572 = tpu.memref_slice %dma_start3A_570[%run_scoped3A_420, %dma_start3A_571] : memref<1x64xi32, #tpu.memory_space<vmem>> -> memref<1x64xi32, #tpu.memory_space<vmem>>
            %dma_start3A_573 = tpu.memref_squeeze %dma_start3A_572 : memref<1x64xi32, #tpu.memory_space<vmem>> -> memref<64xi32, #tpu.memory_space<vmem>>
            %dma_start3A_574 = arith.constant 0 : i32
            %dma_start3A_575 = arith.constant 0 : i32
            %dma_start3A_576 = tpu.memref_slice %arg6[%dma_start3A_574, %dma_start3A_575] : memref<10112x64xf32, #tpu.memory_space<vmem_shared>> -> memref<10112x64xf32, #tpu.memory_space<vmem_shared>>
            tpu.enqueue_indirect_dma source(%dma_start3A_566 : memref<64x64xf32, #tpu.memory_space<vmem>>) target(%dma_start3A_576 : memref<10112x64xf32, #tpu.memory_space<vmem_shared>>) offsets(%dma_start3A_573 : memref<64xi32, #tpu.memory_space<vmem>>) semaphore(%run_scoped3A_562 : memref<!tpu.dma_semaphore, #tpu.memory_space<semaphore_mem>>) {add = true}
            %dma_wait3A = arith.constant 0 : i32
            %dma_wait3A_577 = arith.constant 0 : i32
            %dma_wait3A_578 = tpu.memref_slice %run_scoped3A_37[%rem3A_414, %dma_wait3A, %dma_wait3A_577] : memref<2x64x64xf32, #tpu.memory_space<vmem>> -> memref<1x64x64xf32, #tpu.memory_space<vmem>>
            %dma_wait3A_579 = tpu.memref_squeeze %dma_wait3A_578 : memref<1x64x64xf32, #tpu.memory_space<vmem>> -> memref<64x64xf32, #tpu.memory_space<vmem>>
            %dma_wait3A_580 = arith.constant 0 : i32
            %dma_wait3A_581 = arith.constant 0 : i32
            %dma_wait3A_582 = tpu.memref_slice %run_scoped3A_41[%rem3A_418, %dma_wait3A_580, %dma_wait3A_581] : memref<2x1x64xi32, #tpu.memory_space<vmem>> -> memref<1x1x64xi32, #tpu.memory_space<vmem>>
            %dma_wait3A_583 = tpu.memref_squeeze %dma_wait3A_582 : memref<1x1x64xi32, #tpu.memory_space<vmem>> -> memref<1x64xi32, #tpu.memory_space<vmem>>
            %dma_wait3A_584 = arith.constant 0 : i32
            %dma_wait3A_585 = tpu.memref_slice %dma_wait3A_583[%run_scoped3A_420, %dma_wait3A_584] : memref<1x64xi32, #tpu.memory_space<vmem>> -> memref<1x64xi32, #tpu.memory_space<vmem>>
            %dma_wait3A_586 = tpu.memref_squeeze %dma_wait3A_585 : memref<1x64xi32, #tpu.memory_space<vmem>> -> memref<64xi32, #tpu.memory_space<vmem>>
            %dma_wait3A_587 = arith.constant 0 : i32
            %dma_wait3A_588 = arith.constant 0 : i32
            %dma_wait3A_589 = tpu.memref_slice %arg6[%dma_wait3A_587, %dma_wait3A_588] : memref<10112x64xf32, #tpu.memory_space<vmem_shared>> -> memref<10112x64xf32, #tpu.memory_space<vmem_shared>>
            tpu.wait_indirect_dma semaphore(%run_scoped3A_562 : memref<!tpu.dma_semaphore, #tpu.memory_space<semaphore_mem>>) src(%dma_wait3A_579 : memref<64x64xf32, #tpu.memory_space<vmem>>) dst(%dma_wait3A_589 : memref<10112x64xf32, #tpu.memory_space<vmem_shared>>)
            tpu.yield
          }) : () -> ()
          %run_scoped3A_421 = arith.constant 0 : i32
          "tpu.region"() ({
            %run_scoped3A_562 = tpu.sem_alloc : memref<!tpu.dma_semaphore, #tpu.memory_space<semaphore_mem>>
            %dma_start3A_563 = arith.constant 0 : i32
            %dma_start3A_564 = arith.constant 0 : i32
            %dma_start3A_565 = tpu.memref_slice %run_scoped3A_39[%rem3A_416, %dma_start3A_563, %dma_start3A_564] : memref<2x1x64xi32, #tpu.memory_space<vmem>> -> memref<1x1x64xi32, #tpu.memory_space<vmem>>
            %dma_start3A_566 = tpu.memref_squeeze %dma_start3A_565 : memref<1x1x64xi32, #tpu.memory_space<vmem>> -> memref<1x64xi32, #tpu.memory_space<vmem>>
            %dma_start3A_567 = arith.constant 0 : i32
            %dma_start3A_568 = tpu.memref_slice %dma_start3A_566[%run_scoped3A_421, %dma_start3A_567] : memref<1x64xi32, #tpu.memory_space<vmem>> -> memref<1x64xi32, #tpu.memory_space<vmem>>
            %dma_start3A_569 = tpu.memref_squeeze %dma_start3A_568 : memref<1x64xi32, #tpu.memory_space<vmem>> -> memref<64xi32, #tpu.memory_space<vmem>>
            %dma_start3A_570 = arith.constant 0 : i32
            %dma_start3A_571 = arith.constant 0 : i32
            %dma_start3A_572 = tpu.memref_slice %arg7[%dma_start3A_570, %dma_start3A_571] : memref<10112x16xf32, #tpu.memory_space<vmem_shared>> -> memref<10112x16xf32, #tpu.memory_space<vmem_shared>>
            tpu.enqueue_indirect_dma source(%arg8 : memref<64x16xf32, #tpu.memory_space<vmem>>) target(%dma_start3A_572 : memref<10112x16xf32, #tpu.memory_space<vmem_shared>>) offsets(%dma_start3A_569 : memref<64xi32, #tpu.memory_space<vmem>>) semaphore(%run_scoped3A_562 : memref<!tpu.dma_semaphore, #tpu.memory_space<semaphore_mem>>) {add = true}
            %dma_wait3A = arith.constant 0 : i32
            %dma_wait3A_573 = arith.constant 0 : i32
            %dma_wait3A_574 = tpu.memref_slice %run_scoped3A_39[%rem3A_416, %dma_wait3A, %dma_wait3A_573] : memref<2x1x64xi32, #tpu.memory_space<vmem>> -> memref<1x1x64xi32, #tpu.memory_space<vmem>>
            %dma_wait3A_575 = tpu.memref_squeeze %dma_wait3A_574 : memref<1x1x64xi32, #tpu.memory_space<vmem>> -> memref<1x64xi32, #tpu.memory_space<vmem>>
            %dma_wait3A_576 = arith.constant 0 : i32
            %dma_wait3A_577 = tpu.memref_slice %dma_wait3A_575[%run_scoped3A_421, %dma_wait3A_576] : memref<1x64xi32, #tpu.memory_space<vmem>> -> memref<1x64xi32, #tpu.memory_space<vmem>>
            %dma_wait3A_578 = tpu.memref_squeeze %dma_wait3A_577 : memref<1x64xi32, #tpu.memory_space<vmem>> -> memref<64xi32, #tpu.memory_space<vmem>>
            %dma_wait3A_579 = arith.constant 0 : i32
            %dma_wait3A_580 = arith.constant 0 : i32
            %dma_wait3A_581 = tpu.memref_slice %arg7[%dma_wait3A_579, %dma_wait3A_580] : memref<10112x16xf32, #tpu.memory_space<vmem_shared>> -> memref<10112x16xf32, #tpu.memory_space<vmem_shared>>
            tpu.wait_indirect_dma semaphore(%run_scoped3A_562 : memref<!tpu.dma_semaphore, #tpu.memory_space<semaphore_mem>>) src(%arg8 : memref<64x16xf32, #tpu.memory_space<vmem>>) dst(%dma_wait3A_581 : memref<10112x16xf32, #tpu.memory_space<vmem_shared>>)
            tpu.yield
          }) : () -> ()
          %run_scoped3A_422 = arith.constant 0 : i32
          "tpu.region"() ({
            %run_scoped3A_562 = tpu.sem_alloc : memref<!tpu.dma_semaphore, #tpu.memory_space<semaphore_mem>>
            %dma_start3A_563 = arith.constant 0 : i32
            %dma_start3A_564 = arith.constant 0 : i32
            %dma_start3A_565 = tpu.memref_slice %run_scoped3A_41[%rem3A_418, %dma_start3A_563, %dma_start3A_564] : memref<2x1x64xi32, #tpu.memory_space<vmem>> -> memref<1x1x64xi32, #tpu.memory_space<vmem>>
            %dma_start3A_566 = tpu.memref_squeeze %dma_start3A_565 : memref<1x1x64xi32, #tpu.memory_space<vmem>> -> memref<1x64xi32, #tpu.memory_space<vmem>>
            %dma_start3A_567 = arith.constant 0 : i32
            %dma_start3A_568 = tpu.memref_slice %dma_start3A_566[%run_scoped3A_422, %dma_start3A_567] : memref<1x64xi32, #tpu.memory_space<vmem>> -> memref<1x64xi32, #tpu.memory_space<vmem>>
            %dma_start3A_569 = tpu.memref_squeeze %dma_start3A_568 : memref<1x64xi32, #tpu.memory_space<vmem>> -> memref<64xi32, #tpu.memory_space<vmem>>
            %dma_start3A_570 = arith.constant 0 : i32
            %dma_start3A_571 = arith.constant 0 : i32
            %dma_start3A_572 = tpu.memref_slice %arg7[%dma_start3A_570, %dma_start3A_571] : memref<10112x16xf32, #tpu.memory_space<vmem_shared>> -> memref<10112x16xf32, #tpu.memory_space<vmem_shared>>
            tpu.enqueue_indirect_dma source(%arg8 : memref<64x16xf32, #tpu.memory_space<vmem>>) target(%dma_start3A_572 : memref<10112x16xf32, #tpu.memory_space<vmem_shared>>) offsets(%dma_start3A_569 : memref<64xi32, #tpu.memory_space<vmem>>) semaphore(%run_scoped3A_562 : memref<!tpu.dma_semaphore, #tpu.memory_space<semaphore_mem>>) {add = true}
            %dma_wait3A = arith.constant 0 : i32
            %dma_wait3A_573 = arith.constant 0 : i32
            %dma_wait3A_574 = tpu.memref_slice %run_scoped3A_41[%rem3A_418, %dma_wait3A, %dma_wait3A_573] : memref<2x1x64xi32, #tpu.memory_space<vmem>> -> memref<1x1x64xi32, #tpu.memory_space<vmem>>
            %dma_wait3A_575 = tpu.memref_squeeze %dma_wait3A_574 : memref<1x1x64xi32, #tpu.memory_space<vmem>> -> memref<1x64xi32, #tpu.memory_space<vmem>>
            %dma_wait3A_576 = arith.constant 0 : i32
            %dma_wait3A_577 = tpu.memref_slice %dma_wait3A_575[%run_scoped3A_422, %dma_wait3A_576] : memref<1x64xi32, #tpu.memory_space<vmem>> -> memref<1x64xi32, #tpu.memory_space<vmem>>
            %dma_wait3A_578 = tpu.memref_squeeze %dma_wait3A_577 : memref<1x64xi32, #tpu.memory_space<vmem>> -> memref<64xi32, #tpu.memory_space<vmem>>
            %dma_wait3A_579 = arith.constant 0 : i32
            %dma_wait3A_580 = arith.constant 0 : i32
            %dma_wait3A_581 = tpu.memref_slice %arg7[%dma_wait3A_579, %dma_wait3A_580] : memref<10112x16xf32, #tpu.memory_space<vmem_shared>> -> memref<10112x16xf32, #tpu.memory_space<vmem_shared>>
            tpu.wait_indirect_dma semaphore(%run_scoped3A_562 : memref<!tpu.dma_semaphore, #tpu.memory_space<semaphore_mem>>) src(%arg8 : memref<64x16xf32, #tpu.memory_space<vmem>>) dst(%dma_wait3A_581 : memref<10112x16xf32, #tpu.memory_space<vmem_shared>>)
            tpu.yield
          }) : () -> ()
          "tpu.trace_stop"() : () -> ()
          %ne3A_423 = arith.cmpi ne, %add3A_268, %add3A_286 : i32
          %or3A_424 = arith.constant false
          %or3A_425 = arith.ori %or3A_424, %ne3A_423 : i1
          %or3A_426 = arith.constant false
          %or3A_427 = arith.ori %or3A_425, %or3A_426 : i1
          %or3A_428 = arith.ori %or3A_427, %eq3A_267 : i1
          %convert_element_type3A_429 = arith.extui %or3A_428 : i1 to i32
          %cond3A_430 = arith.constant 0 : i32
          %cond3A_431 = arith.cmpi ne, %convert_element_type3A_429, %cond3A_430 : i32
          scf.if %cond3A_431 {
          } else {
          }
          %and3A_432 = arith.constant false
          %and3A_433 = arith.andi %or3A_428, %and3A_432 : i1
          %ne3A_434 = arith.cmpi ne, %add3A_268, %add3A_286 : i32
          %or3A_435 = arith.constant false
          %or3A_436 = arith.ori %or3A_435, %ne3A_434 : i1
          %or3A_437 = arith.constant false
          %or3A_438 = arith.ori %or3A_436, %or3A_437 : i1
          %or3A_439 = arith.ori %or3A_438, %eq3A_267 : i1
          %convert_element_type3A_440 = arith.extui %or3A_439 : i1 to i32
          %cond3A_441 = arith.constant 0 : i32
          %cond3A_442 = arith.cmpi ne, %convert_element_type3A_440, %cond3A_441 : i32
          scf.if %cond3A_442 {
          } else {
          }
          %and3A_443 = arith.constant false
          %and3A_444 = arith.andi %or3A_439, %and3A_443 : i1
          %ne3A_445 = arith.cmpi ne, %add3A_268, %add3A_286 : i32
          %or3A_446 = arith.constant false
          %or3A_447 = arith.ori %or3A_446, %ne3A_445 : i1
          %or3A_448 = arith.ori %or3A_447, %eq3A_267 : i1
          %convert_element_type3A_449 = arith.extui %or3A_448 : i1 to i32
          %cond3A_450 = arith.constant 0 : i32
          %cond3A_451 = arith.cmpi ne, %convert_element_type3A_449, %cond3A_450 : i32
          scf.if %cond3A_451 {
          } else {
          }
          %and3A_452 = arith.constant false
          %and3A_453 = arith.andi %or3A_448, %and3A_452 : i1
          %add3A_454 = arith.constant 1250 : i32
          %add3A_455 = arith.addi %add3A_268, %add3A_454 : i32
          %add3A_456 = arith.constant 1250 : i32
          %add3A_457 = arith.addi %add3A_286, %add3A_456 : i32
          %ne3A_458 = arith.cmpi ne, %add3A_455, %add3A_457 : i32
          %or3A_459 = arith.constant false
          %or3A_460 = arith.ori %or3A_459, %ne3A_458 : i1
          %or3A_461 = arith.ori %or3A_460, %eq3A_267 : i1
          %convert_element_type3A_462 = arith.extui %or3A_461 : i1 to i32
          %cond3A_463 = arith.constant 0 : i32
          %cond3A_464 = arith.cmpi ne, %convert_element_type3A_462, %cond3A_463 : i32
          scf.if %cond3A_464 {
          } else {
          }
          %and3A_465 = arith.constant false
          %and3A_466 = arith.andi %or3A_461, %and3A_465 : i1
          %ne3A_467 = arith.cmpi ne, %add3A_268, %add3A_278 : i32
          %or3A_468 = arith.constant false
          %or3A_469 = arith.ori %or3A_468, %ne3A_467 : i1
          %or3A_470 = arith.constant false
          %or3A_471 = arith.ori %or3A_469, %or3A_470 : i1
          %not3A_472 = arith.constant true
          %not3A_473 = arith.xori %eq3A_264, %not3A_472 : i1
          %and3A_474 = arith.andi %or3A_471, %not3A_473 : i1
          %convert_element_type3A_475 = arith.extui %and3A_474 : i1 to i32
          %cond3A_476 = arith.constant 0 : i32
          %cond3A_477 = arith.cmpi ne, %convert_element_type3A_475, %cond3A_476 : i32
          scf.if %cond3A_477 {
          } else {
          }
          %and3A_478 = arith.constant false
          %and3A_479 = arith.andi %and3A_474, %and3A_478 : i1
          %ne3A_480 = arith.cmpi ne, %add3A_268, %add3A_278 : i32
          %or3A_481 = arith.constant false
          %or3A_482 = arith.ori %or3A_481, %ne3A_480 : i1
          %or3A_483 = arith.constant false
          %or3A_484 = arith.ori %or3A_482, %or3A_483 : i1
          %not3A_485 = arith.constant true
          %not3A_486 = arith.xori %eq3A_264, %not3A_485 : i1
          %and3A_487 = arith.andi %or3A_484, %not3A_486 : i1
          %convert_element_type3A_488 = arith.extui %and3A_487 : i1 to i32
          %cond3A_489 = arith.constant 0 : i32
          %cond3A_490 = arith.cmpi ne, %convert_element_type3A_488, %cond3A_489 : i32
          scf.if %cond3A_490 {
          } else {
          }
          %and3A_491 = arith.constant false
          %and3A_492 = arith.andi %and3A_487, %and3A_491 : i1
          %ne3A_493 = arith.cmpi ne, %add3A_268, %add3A_278 : i32
          %or3A_494 = arith.constant false
          %or3A_495 = arith.ori %or3A_494, %ne3A_493 : i1
          %not3A_496 = arith.constant true
          %not3A_497 = arith.xori %eq3A_264, %not3A_496 : i1
          %and3A_498 = arith.andi %or3A_495, %not3A_497 : i1
          %convert_element_type3A_499 = arith.extui %and3A_498 : i1 to i32
          %cond3A_500 = arith.constant 0 : i32
          %cond3A_501 = arith.cmpi ne, %convert_element_type3A_499, %cond3A_500 : i32
          scf.if %cond3A_501 {
          } else {
          }
          %and3A_502 = arith.constant false
          %and3A_503 = arith.andi %and3A_498, %and3A_502 : i1
          %add3A_504 = arith.constant 1250 : i32
          %add3A_505 = arith.addi %add3A_268, %add3A_504 : i32
          %add3A_506 = arith.constant 1250 : i32
          %add3A_507 = arith.addi %add3A_278, %add3A_506 : i32
          %ne3A_508 = arith.cmpi ne, %add3A_505, %add3A_507 : i32
          %or3A_509 = arith.constant false
          %or3A_510 = arith.ori %or3A_509, %ne3A_508 : i1
          %not3A_511 = arith.constant true
          %not3A_512 = arith.xori %eq3A_264, %not3A_511 : i1
          %and3A_513 = arith.andi %or3A_510, %not3A_512 : i1
          %convert_element_type3A_514 = arith.extui %and3A_513 : i1 to i32
          %cond3A_515 = arith.constant 0 : i32
          %cond3A_516 = arith.cmpi ne, %convert_element_type3A_514, %cond3A_515 : i32
          scf.if %cond3A_516 {
          } else {
          }
          %and3A_517 = arith.constant false
          %and3A_518 = arith.andi %and3A_513, %and3A_517 : i1
          %ne3A_519 = arith.cmpi ne, %add3A_268, %add3A_286 : i32
          %or3A_520 = arith.constant false
          %or3A_521 = arith.ori %or3A_520, %ne3A_519 : i1
          %or3A_522 = arith.constant false
          %or3A_523 = arith.ori %or3A_521, %or3A_522 : i1
          %or3A_524 = arith.ori %or3A_523, %eq3A_267 : i1
          %add3A_525 = arith.constant 1 : i32
          %add3A_526 = arith.addi %while3A_253, %add3A_525 : i32
          %select_n3A_527 = arith.select %or3A_524, %add3A_526, %while3A_253 : i32
          %ne3A_528 = arith.cmpi ne, %add3A_268, %add3A_286 : i32
          %or3A_529 = arith.constant false
          %or3A_530 = arith.ori %or3A_529, %ne3A_528 : i1
          %or3A_531 = arith.constant false
          %or3A_532 = arith.ori %or3A_530, %or3A_531 : i1
          %or3A_533 = arith.ori %or3A_532, %eq3A_267 : i1
          %add3A_534 = arith.constant 1 : i32
          %add3A_535 = arith.addi %while3A_255, %add3A_534 : i32
          %select_n3A_536 = arith.select %or3A_533, %add3A_535, %while3A_255 : i32
          %ne3A_537 = arith.cmpi ne, %add3A_268, %add3A_286 : i32
          %or3A_538 = arith.constant false
          %or3A_539 = arith.ori %or3A_538, %ne3A_537 : i1
          %or3A_540 = arith.ori %or3A_539, %eq3A_267 : i1
          %add3A_541 = arith.constant 1 : i32
          %add3A_542 = arith.addi %while3A_257, %add3A_541 : i32
          %select_n3A_543 = arith.select %or3A_540, %add3A_542, %while3A_257 : i32
          %add3A_544 = arith.constant 1250 : i32
          %add3A_545 = arith.addi %add3A_268, %add3A_544 : i32
          %add3A_546 = arith.constant 1250 : i32
          %add3A_547 = arith.addi %add3A_286, %add3A_546 : i32
          %ne3A_548 = arith.cmpi ne, %add3A_545, %add3A_547 : i32
          %or3A_549 = arith.constant false
          %or3A_550 = arith.ori %or3A_549, %ne3A_548 : i1
          %or3A_551 = arith.ori %or3A_550, %eq3A_267 : i1
          %add3A_552 = arith.constant 1 : i32
          %add3A_553 = arith.addi %while3A_259, %add3A_552 : i32
          %select_n3A_554 = arith.select %or3A_551, %add3A_553, %while3A_259 : i32
          %add3A_555 = arith.constant 1 : i32
          %add3A_556 = arith.addi %while3A_260, %add3A_555 : i32
          %select_n3A_557 = arith.constant true
          %select_n3A_558 = arith.select %select_n3A_557, %add3A_556, %while3A_260 : i32
          %eq3A_559 = arith.cmpi eq, %select_n3A_558, %select_n3A : i32
          %select_n3A_560 = arith.constant 0 : i32
          %select_n3A_561 = arith.select %eq3A_559, %select_n3A_560, %select_n3A_558 : i32
          scf.yield %select_n3A_311, %select_n3A_527, %select_n3A_332, %select_n3A_536, %select_n3A_351, %select_n3A_543, %select_n3A_374, %select_n3A_554, %select_n3A_561 : i32, i32, i32, i32, i32, i32, i32, i32, i32
        }
        %sub3A_194 = arith.constant 1 : i32
        %sub3A_195 = arith.subi %while3A_193#8, %sub3A_194 : i32
        %select_n3A_196 = arith.constant true
        %select_n3A_197 = arith.select %select_n3A_196, %sub3A_195, %while3A_193#8 : i32
        %eq3A_198 = arith.constant -1 : i32
        %eq3A_199 = arith.cmpi eq, %select_n3A_197, %eq3A_198 : i32
        %sub3A_200 = arith.constant 1 : i32
        %sub3A_201 = arith.subi %select_n3A, %sub3A_200 : i32
        %select_n3A_202 = arith.select %eq3A_199, %sub3A_201, %select_n3A_197 : i32
        %sub3A_203 = arith.constant 1 : i32
        %sub3A_204 = arith.subi %mul3A_27, %sub3A_203 : i32
        %mul3A_205 = arith.constant 1 : i32
        %mul3A_206 = arith.muli %mul3A_205, %select_n3A : i32
        %eq3A_207 = arith.constant 0 : i32
        %eq3A_208 = arith.cmpi eq, %sub3A_204, %eq3A_207 : i32
        %sub3A_209 = arith.constant 1 : i32
        %sub3A_210 = arith.subi %mul3A_206, %sub3A_209 : i32
        %eq3A_211 = arith.cmpi eq, %sub3A_204, %sub3A_210 : i32
        %add3A_212 = arith.addi %select_n3A_202, %select_n3A_25 : i32
        %sub3A_213 = arith.constant 1 : i32
        %sub3A_214 = arith.subi %select_n3A_202, %sub3A_213 : i32
        %select_n3A_215 = arith.constant true
        %select_n3A_216 = arith.select %select_n3A_215, %sub3A_214, %select_n3A_202 : i32
        %eq3A_217 = arith.constant -1 : i32
        %eq3A_218 = arith.cmpi eq, %select_n3A_216, %eq3A_217 : i32
        %sub3A_219 = arith.constant 1 : i32
        %sub3A_220 = arith.subi %select_n3A, %sub3A_219 : i32
        %select_n3A_221 = arith.select %eq3A_218, %sub3A_220, %select_n3A_216 : i32
        %add3A_222 = arith.addi %select_n3A_221, %select_n3A_25 : i32
        %add3A_223 = arith.constant 1 : i32
        %add3A_224 = arith.addi %select_n3A_202, %add3A_223 : i32
        %select_n3A_225 = arith.constant true
        %select_n3A_226 = arith.select %select_n3A_225, %add3A_224, %select_n3A_202 : i32
        %eq3A_227 = arith.cmpi eq, %select_n3A_226, %select_n3A : i32
        %select_n3A_228 = arith.constant 0 : i32
        %select_n3A_229 = arith.select %eq3A_227, %select_n3A_228, %select_n3A_226 : i32
        %add3A_230 = arith.addi %select_n3A_229, %select_n3A_25 : i32
        %add3A_231 = arith.constant 1 : i32
        %add3A_232 = arith.addi %select_n3A_229, %add3A_231 : i32
        %select_n3A_233 = arith.constant true
        %select_n3A_234 = arith.select %select_n3A_233, %add3A_232, %select_n3A_229 : i32
        %eq3A_235 = arith.cmpi eq, %select_n3A_234, %select_n3A : i32
        %select_n3A_236 = arith.constant 0 : i32
        %select_n3A_237 = arith.select %eq3A_235, %select_n3A_236, %select_n3A_234 : i32
        %add3A_238 = arith.addi %select_n3A_237, %select_n3A_25 : i32
        %convert_element_type3A_239 = arith.extui %eq3A_211 : i1 to i32
        %cond3A_240 = arith.constant 0 : i32
        %cond3A_241 = arith.cmpi ne, %convert_element_type3A_239, %cond3A_240 : i32
        scf.if %cond3A_241 {
        } else {
        }
        %convert_element_type3A_242 = arith.extui %eq3A_211 : i1 to i32
        %cond3A_243 = arith.constant 0 : i32
        %cond3A_244 = arith.cmpi ne, %convert_element_type3A_242, %cond3A_243 : i32
        scf.if %cond3A_244 {
        } else {
        }
        %convert_element_type3A_245 = arith.extui %eq3A_211 : i1 to i32
        %cond3A_246 = arith.constant 0 : i32
        %cond3A_247 = arith.cmpi ne, %convert_element_type3A_245, %cond3A_246 : i32
        scf.if %cond3A_247 {
        } else {
        }
        %convert_element_type3A_248 = arith.extui %eq3A_211 : i1 to i32
        %cond3A_249 = arith.constant 0 : i32
        %cond3A_250 = arith.cmpi ne, %convert_element_type3A_248, %cond3A_249 : i32
        scf.if %cond3A_250 {
        } else {
        }
      } else {
      }
      tpu.yield
    }) : () -> ()
    %barrier3A_28 = arith.constant 0 : index
    tpu.barrier barrier_id(%barrier3A_28)
    %lt3A_29 = arith.constant 8 : i32
    %lt3A_30 = arith.cmpi slt, %arg1, %lt3A_29 : i32
    %convert_element_type3A = arith.extui %lt3A_30 : i1 to i32
    %cond3A = arith.constant 0 : i32
    %cond3A_31 = arith.cmpi ne, %convert_element_type3A, %cond3A : i32
    scf.if %cond3A_31 {
      "tpu.region"() ({
        %run_scoped3A = tpu.sem_alloc : memref<!tpu.dma_semaphore, #tpu.memory_space<semaphore_mem>>
        %dma_start3A = arith.constant 0 : i32
        %dma_start3A_36 = tpu.memref_slice %arg4[%arg0, %mul3A_9, %dma_start3A] : memref<2x5056x128xf32, #tpu.memory_space<hbm>> -> memref<1x632x64xf32, #tpu.memory_space<hbm>>
        %dma_start3A_37 = tpu.memref_squeeze %dma_start3A_36 : memref<1x632x64xf32, #tpu.memory_space<hbm>> -> memref<632x64xf32, #tpu.memory_space<hbm>>
        %dma_start3A_38 = arith.constant 0 : i32
        %dma_start3A_39 = tpu.memref_slice %arg6[%mul3A_9, %dma_start3A_38] : memref<10112x64xf32, #tpu.memory_space<vmem_shared>> -> memref<632x64xf32, #tpu.memory_space<vmem_shared>>
        tpu.enqueue_dma source(%dma_start3A_39 : memref<632x64xf32, #tpu.memory_space<vmem_shared>>) target(%dma_start3A_37 : memref<632x64xf32, #tpu.memory_space<hbm>>) target_semaphore(%run_scoped3A : memref<!tpu.dma_semaphore, #tpu.memory_space<semaphore_mem>>)
        %dma_wait3A = arith.constant 0 : i32
        %dma_wait3A_40 = tpu.memref_slice %arg4[%arg0, %mul3A_9, %dma_wait3A] : memref<2x5056x128xf32, #tpu.memory_space<hbm>> -> memref<1x632x64xf32, #tpu.memory_space<hbm>>
        %dma_wait3A_41 = tpu.memref_squeeze %dma_wait3A_40 : memref<1x632x64xf32, #tpu.memory_space<hbm>> -> memref<632x64xf32, #tpu.memory_space<hbm>>
        %dma_wait3A_42 = arith.constant 0 : i32
        %dma_wait3A_43 = tpu.memref_slice %arg6[%mul3A_9, %dma_wait3A_42] : memref<10112x64xf32, #tpu.memory_space<vmem_shared>> -> memref<632x64xf32, #tpu.memory_space<vmem_shared>>
        tpu.wait_dma2 semaphore(%run_scoped3A : memref<!tpu.dma_semaphore, #tpu.memory_space<semaphore_mem>>) src(%dma_wait3A_43 : memref<632x64xf32, #tpu.memory_space<vmem_shared>>) dst(%dma_wait3A_41 : memref<632x64xf32, #tpu.memory_space<hbm>>)
        tpu.yield
      }) : () -> ()
    } else {
    }
    %ge3A = arith.constant 8 : i32
    %ge3A_32 = arith.cmpi sge, %arg1, %ge3A : i32
    %convert_element_type3A_33 = arith.extui %ge3A_32 : i1 to i32
    %cond3A_34 = arith.constant 0 : i32
    %cond3A_35 = arith.cmpi ne, %convert_element_type3A_33, %cond3A_34 : i32
    scf.if %cond3A_35 {
      %sub3A = arith.constant 8 : i32
      %sub3A_36 = arith.subi %arg1, %sub3A : i32
      %mul3A_37 = arith.constant 632 : i32
      %mul3A_38 = arith.muli %sub3A_36, %mul3A_37 : i32
      "tpu.region"() ({
        %run_scoped3A = tpu.sem_alloc : memref<!tpu.dma_semaphore, #tpu.memory_space<semaphore_mem>>
        %dma_start3A = arith.constant 64 : i32
        %dma_start3A_39 = tpu.memref_slice %arg4[%arg0, %mul3A_38, %dma_start3A] : memref<2x5056x128xf32, #tpu.memory_space<hbm>> -> memref<1x632x64xf32, #tpu.memory_space<hbm>>
        %dma_start3A_40 = tpu.memref_squeeze %dma_start3A_39 : memref<1x632x64xf32, #tpu.memory_space<hbm>> -> memref<632x64xf32, #tpu.memory_space<hbm>>
        %dma_start3A_41 = arith.constant 0 : i32
        %dma_start3A_42 = tpu.memref_slice %arg6[%mul3A_9, %dma_start3A_41] : memref<10112x64xf32, #tpu.memory_space<vmem_shared>> -> memref<632x64xf32, #tpu.memory_space<vmem_shared>>
        tpu.enqueue_dma source(%dma_start3A_42 : memref<632x64xf32, #tpu.memory_space<vmem_shared>>) target(%dma_start3A_40 : memref<632x64xf32, #tpu.memory_space<hbm>>) target_semaphore(%run_scoped3A : memref<!tpu.dma_semaphore, #tpu.memory_space<semaphore_mem>>)
        %dma_wait3A = arith.constant 64 : i32
        %dma_wait3A_43 = tpu.memref_slice %arg4[%arg0, %mul3A_38, %dma_wait3A] : memref<2x5056x128xf32, #tpu.memory_space<hbm>> -> memref<1x632x64xf32, #tpu.memory_space<hbm>>
        %dma_wait3A_44 = tpu.memref_squeeze %dma_wait3A_43 : memref<1x632x64xf32, #tpu.memory_space<hbm>> -> memref<632x64xf32, #tpu.memory_space<hbm>>
        %dma_wait3A_45 = arith.constant 0 : i32
        %dma_wait3A_46 = tpu.memref_slice %arg6[%mul3A_9, %dma_wait3A_45] : memref<10112x64xf32, #tpu.memory_space<vmem_shared>> -> memref<632x64xf32, #tpu.memory_space<vmem_shared>>
        tpu.wait_dma2 semaphore(%run_scoped3A : memref<!tpu.dma_semaphore, #tpu.memory_space<semaphore_mem>>) src(%dma_wait3A_46 : memref<632x64xf32, #tpu.memory_space<vmem_shared>>) dst(%dma_wait3A_44 : memref<632x64xf32, #tpu.memory_space<hbm>>)
        tpu.yield
      }) : () -> ()
    } else {
    }
    "tpu.region"() ({
      %run_scoped3A = tpu.sem_alloc : memref<!tpu.dma_semaphore, #tpu.memory_space<semaphore_mem>>
      %dma_start3A = arith.constant 0 : i32
      %dma_start3A_36 = tpu.memref_slice %arg5[%arg0, %mul3A_9, %dma_start3A] : memref<2x10112x16xf32, #tpu.memory_space<hbm>> -> memref<1x632x16xf32, #tpu.memory_space<hbm>>
      %dma_start3A_37 = tpu.memref_squeeze %dma_start3A_36 : memref<1x632x16xf32, #tpu.memory_space<hbm>> -> memref<632x16xf32, #tpu.memory_space<hbm>>
      %dma_start3A_38 = arith.constant 0 : i32
      %dma_start3A_39 = tpu.memref_slice %arg7[%mul3A_9, %dma_start3A_38] : memref<10112x16xf32, #tpu.memory_space<vmem_shared>> -> memref<632x16xf32, #tpu.memory_space<vmem_shared>>
      tpu.enqueue_dma source(%dma_start3A_39 : memref<632x16xf32, #tpu.memory_space<vmem_shared>>) target(%dma_start3A_37 : memref<632x16xf32, #tpu.memory_space<hbm>>) target_semaphore(%run_scoped3A : memref<!tpu.dma_semaphore, #tpu.memory_space<semaphore_mem>>)
      %dma_wait3A = arith.constant 0 : i32
      %dma_wait3A_40 = tpu.memref_slice %arg5[%arg0, %mul3A_9, %dma_wait3A] : memref<2x10112x16xf32, #tpu.memory_space<hbm>> -> memref<1x632x16xf32, #tpu.memory_space<hbm>>
      %dma_wait3A_41 = tpu.memref_squeeze %dma_wait3A_40 : memref<1x632x16xf32, #tpu.memory_space<hbm>> -> memref<632x16xf32, #tpu.memory_space<hbm>>
      %dma_wait3A_42 = arith.constant 0 : i32
      %dma_wait3A_43 = tpu.memref_slice %arg7[%mul3A_9, %dma_wait3A_42] : memref<10112x16xf32, #tpu.memory_space<vmem_shared>> -> memref<632x16xf32, #tpu.memory_space<vmem_shared>>
      tpu.wait_dma2 semaphore(%run_scoped3A : memref<!tpu.dma_semaphore, #tpu.memory_space<semaphore_mem>>) src(%dma_wait3A_43 : memref<632x16xf32, #tpu.memory_space<vmem_shared>>) dst(%dma_wait3A_41 : memref<632x16xf32, #tpu.memory_space<hbm>>)
      tpu.yield
    }) : () -> ()
    return
  }
}

module attributes {stable_mosaic.version = 14 : i64} {
  func.func @_enc2_body(%arg0: i32, %arg1: memref<8000x128xf32, #tpu.memory_space<vmem>>, %arg2: memref<8000x128xf32, #tpu.memory_space<vmem>>, %arg3: memref<128x64xf32, #tpu.memory_space<vmem>>, %arg4: memref<1x64xf32, #tpu.memory_space<vmem>>, %arg5: memref<64x64xf32, #tpu.memory_space<vmem>>, %arg6: memref<1x64xf32, #tpu.memory_space<vmem>>, %arg7: memref<8000x128xf32, #tpu.memory_space<vmem>>) attributes {dimension_semantics = [#tpu.dimension_semantics<arbitrary>], iteration_bounds = array<i64: 10>, scalar_prefetch = 0 : i64, scratch_operands = 0 : i64, tpu.core_type = #tpu.core_type<tc>, window_params = [{transform_indices = @transform_0, window_bounds = array<i64: 8000, 128>}, {transform_indices = @transform_1, window_bounds = array<i64: 8000, 128>}, {pipeline_mode = #tpu.pipeline_mode<synchronous>, transform_indices = @transform_2, window_bounds = array<i64: 128, 64>}, {pipeline_mode = #tpu.pipeline_mode<synchronous>, transform_indices = @transform_3, window_bounds = array<i64: 1, 64>}, {pipeline_mode = #tpu.pipeline_mode<synchronous>, transform_indices = @transform_4, window_bounds = array<i64: 64, 64>}, {pipeline_mode = #tpu.pipeline_mode<synchronous>, transform_indices = @transform_5, window_bounds = array<i64: 1, 64>}, {transform_indices = @transform_6, window_bounds = array<i64: 8000, 128>}]} {
    %get3A = arith.constant 0 : index
    %get3A_0 = arith.constant 0 : index
    %get3A_1 = vector.load %arg1[%get3A, %get3A_0] : memref<8000x128xf32, #tpu.memory_space<vmem>>, vector<8000x128xf32>
    %get3A_2 = arith.constant 0 : index
    %get3A_3 = arith.constant 0 : index
    %get3A_4 = vector.load %arg3[%get3A_2, %get3A_3] : memref<128x64xf32, #tpu.memory_space<vmem>>, vector<128x64xf32>
    %convert_element_type3A = arith.truncf %get3A_1 : vector<8000x128xf32> to vector<8000x128xbf16>
    %convert_element_type3A_5 = arith.truncf %get3A_4 : vector<128x64xf32> to vector<128x64xbf16>
    %dot_general3A = arith.constant dense<0.000000e+00> : vector<8000x64xf32>
    %dot_general3A_6 = tpu.matmul %convert_element_type3A, %convert_element_type3A_5, %dot_general3A {dimension_numbers = #tpu.dot_dimension_numbers<[1], [0], [0], [1], [0, 0, 1, 1], [], []>, transpose_lhs_hint = false} : vector<8000x128xbf16>, vector<128x64xbf16>, vector<8000x64xf32> -> vector<8000x64xf32>
    %get3A_7 = arith.constant 0 : index
    %get3A_8 = arith.constant 0 : index
    %get3A_9 = vector.load %arg4[%get3A_7, %get3A_8] : memref<1x64xf32, #tpu.memory_space<vmem>>, vector<1x64xf32>
    %add3A = vector.broadcast %get3A_9 : vector<1x64xf32> to vector<8000x64xf32>
    %add3A_10 = arith.addf %dot_general3A_6, %add3A : vector<8000x64xf32>
    %max3A = arith.constant 0.000000e+00 : f32
    %max3A_11 = vector.broadcast %max3A : f32 to vector<8000x64xf32>
    %max3A_12 = arith.maximumf %add3A_10, %max3A_11 : vector<8000x64xf32>
    %get3A_13 = arith.constant 0 : index
    %get3A_14 = arith.constant 0 : index
    %get3A_15 = vector.load %arg5[%get3A_13, %get3A_14] : memref<64x64xf32, #tpu.memory_space<vmem>>, vector<64x64xf32>
    %convert_element_type3A_16 = arith.truncf %max3A_12 : vector<8000x64xf32> to vector<8000x64xbf16>
    %convert_element_type3A_17 = arith.truncf %get3A_15 : vector<64x64xf32> to vector<64x64xbf16>
    %dot_general3A_18 = arith.constant dense<0.000000e+00> : vector<8000x64xf32>
    %dot_general3A_19 = tpu.matmul %convert_element_type3A_16, %convert_element_type3A_17, %dot_general3A_18 {dimension_numbers = #tpu.dot_dimension_numbers<[1], [0], [0], [1], [0, 0, 1, 1], [], []>, transpose_lhs_hint = false} : vector<8000x64xbf16>, vector<64x64xbf16>, vector<8000x64xf32> -> vector<8000x64xf32>
    %get3A_20 = arith.constant 0 : index
    %get3A_21 = arith.constant 0 : index
    %get3A_22 = vector.load %arg6[%get3A_20, %get3A_21] : memref<1x64xf32, #tpu.memory_space<vmem>>, vector<1x64xf32>
    %add3A_23 = vector.broadcast %get3A_22 : vector<1x64xf32> to vector<8000x64xf32>
    %add3A_24 = arith.addf %dot_general3A_19, %add3A_23 : vector<8000x64xf32>
    %max3A_25 = arith.constant 0.000000e+00 : f32
    %max3A_26 = vector.broadcast %max3A_25 : f32 to vector<8000x64xf32>
    %max3A_27 = arith.maximumf %add3A_24, %max3A_26 : vector<8000x64xf32>
    %get3A_28 = arith.constant 0 : index
    %get3A_29 = arith.constant 0 : index
    %get3A_30 = vector.load %arg2[%get3A_28, %get3A_29] : memref<8000x128xf32, #tpu.memory_space<vmem>>, vector<8000x128xf32>
    %get3A_31 = arith.constant 0 : index
    %get3A_32 = arith.constant 0 : index
    %get3A_33 = vector.load %arg3[%get3A_31, %get3A_32] : memref<128x64xf32, #tpu.memory_space<vmem>>, vector<128x64xf32>
    %convert_element_type3A_34 = arith.truncf %get3A_30 : vector<8000x128xf32> to vector<8000x128xbf16>
    %convert_element_type3A_35 = arith.truncf %get3A_33 : vector<128x64xf32> to vector<128x64xbf16>
    %dot_general3A_36 = arith.constant dense<0.000000e+00> : vector<8000x64xf32>
    %dot_general3A_37 = tpu.matmul %convert_element_type3A_34, %convert_element_type3A_35, %dot_general3A_36 {dimension_numbers = #tpu.dot_dimension_numbers<[1], [0], [0], [1], [0, 0, 1, 1], [], []>, transpose_lhs_hint = false} : vector<8000x128xbf16>, vector<128x64xbf16>, vector<8000x64xf32> -> vector<8000x64xf32>
    %get3A_38 = arith.constant 0 : index
    %get3A_39 = arith.constant 0 : index
    %get3A_40 = vector.load %arg4[%get3A_38, %get3A_39] : memref<1x64xf32, #tpu.memory_space<vmem>>, vector<1x64xf32>
    %add3A_41 = vector.broadcast %get3A_40 : vector<1x64xf32> to vector<8000x64xf32>
    %add3A_42 = arith.addf %dot_general3A_37, %add3A_41 : vector<8000x64xf32>
    %max3A_43 = arith.constant 0.000000e+00 : f32
    %max3A_44 = vector.broadcast %max3A_43 : f32 to vector<8000x64xf32>
    %max3A_45 = arith.maximumf %add3A_42, %max3A_44 : vector<8000x64xf32>
    %get3A_46 = arith.constant 0 : index
    %get3A_47 = arith.constant 0 : index
    %get3A_48 = vector.load %arg5[%get3A_46, %get3A_47] : memref<64x64xf32, #tpu.memory_space<vmem>>, vector<64x64xf32>
    %convert_element_type3A_49 = arith.truncf %max3A_45 : vector<8000x64xf32> to vector<8000x64xbf16>
    %convert_element_type3A_50 = arith.truncf %get3A_48 : vector<64x64xf32> to vector<64x64xbf16>
    %dot_general3A_51 = arith.constant dense<0.000000e+00> : vector<8000x64xf32>
    %dot_general3A_52 = tpu.matmul %convert_element_type3A_49, %convert_element_type3A_50, %dot_general3A_51 {dimension_numbers = #tpu.dot_dimension_numbers<[1], [0], [0], [1], [0, 0, 1, 1], [], []>, transpose_lhs_hint = false} : vector<8000x64xbf16>, vector<64x64xbf16>, vector<8000x64xf32> -> vector<8000x64xf32>
    %get3A_53 = arith.constant 0 : index
    %get3A_54 = arith.constant 0 : index
    %get3A_55 = vector.load %arg6[%get3A_53, %get3A_54] : memref<1x64xf32, #tpu.memory_space<vmem>>, vector<1x64xf32>
    %add3A_56 = vector.broadcast %get3A_55 : vector<1x64xf32> to vector<8000x64xf32>
    %add3A_57 = arith.addf %dot_general3A_52, %add3A_56 : vector<8000x64xf32>
    %max3A_58 = arith.constant 0.000000e+00 : f32
    %max3A_59 = vector.broadcast %max3A_58 : f32 to vector<8000x64xf32>
    %max3A_60 = arith.maximumf %add3A_57, %max3A_59 : vector<8000x64xf32>
    %concatenate3A = tpu.concatenate %max3A_27, %max3A_60 in 1 : vector<8000x64xf32>, vector<8000x64xf32> -> vector<8000x128xf32>
    %swap3A = arith.constant 0 : index
    %swap3A_61 = arith.constant 0 : index
    %swap3A_62 = vector.load %arg7[%swap3A, %swap3A_61] : memref<8000x128xf32, #tpu.memory_space<vmem>>, vector<8000x128xf32>
    tpu.vector_store %arg7[%swap3A, %swap3A_61], %concatenate3A {strides = array<i32>} : memref<8000x128xf32, #tpu.memory_space<vmem>>, vector<8000x128xf32>,
    return
  }
  func.func @transform_0(%arg0: i32) -> (i32, i32) {
    %add3A = arith.constant 0 : i32
    %add3A_0 = arith.addi %arg0, %add3A : i32
    %c0_i32 = arith.constant 0 : i32
    %c0_i32_1 = arith.constant 0 : i32
    return %add3A_0, %c0_i32 : i32, i32
  }
  func.func @transform_1(%arg0: i32) -> (i32, i32) {
    %add3A = arith.constant 10 : i32
    %add3A_0 = arith.addi %arg0, %add3A : i32
    %c0_i32 = arith.constant 0 : i32
    %c0_i32_1 = arith.constant 0 : i32
    return %add3A_0, %c0_i32 : i32, i32
  }
  func.func @transform_2(%arg0: i32) -> (i32, i32) {
    %c0_i32 = arith.constant 0 : i32
    %c0_i32_0 = arith.constant 0 : i32
    %c0_i32_1 = arith.constant 0 : i32
    return %c0_i32, %c0_i32_0 : i32, i32
  }
  func.func @transform_3(%arg0: i32) -> (i32, i32) {
    %c0_i32 = arith.constant 0 : i32
    %c0_i32_0 = arith.constant 0 : i32
    %c0_i32_1 = arith.constant 0 : i32
    return %c0_i32, %c0_i32_0 : i32, i32
  }
  func.func @transform_4(%arg0: i32) -> (i32, i32) {
    %c0_i32 = arith.constant 0 : i32
    %c0_i32_0 = arith.constant 0 : i32
    %c0_i32_1 = arith.constant 0 : i32
    return %c0_i32, %c0_i32_0 : i32, i32
  }
  func.func @transform_5(%arg0: i32) -> (i32, i32) {
    %c0_i32 = arith.constant 0 : i32
    %c0_i32_0 = arith.constant 0 : i32
    %c0_i32_1 = arith.constant 0 : i32
    return %c0_i32, %c0_i32_0 : i32, i32
  }
  func.func @transform_6(%arg0: i32) -> (i32, i32) {
    %c0_i32 = arith.constant 0 : i32
    %c0_i32_0 = arith.constant 0 : i32
    return %arg0, %c0_i32 : i32, i32
  }
}

module attributes {stable_mosaic.version = 14 : i64} {
  func.func @_enc2_body(%arg0: i32, %arg1: memref<8000x128xf32, #tpu.memory_space<vmem>>, %arg2: memref<8000x128xf32, #tpu.memory_space<vmem>>, %arg3: memref<128x64xf32, #tpu.memory_space<vmem>>, %arg4: memref<1x64xf32, #tpu.memory_space<vmem>>, %arg5: memref<64x64xf32, #tpu.memory_space<vmem>>, %arg6: memref<1x64xf32, #tpu.memory_space<vmem>>, %arg7: memref<8000x128xf32, #tpu.memory_space<vmem>>) attributes {dimension_semantics = [#tpu.dimension_semantics<arbitrary>], iteration_bounds = array<i64: 10>, scalar_prefetch = 0 : i64, scratch_operands = 0 : i64, tpu.core_type = #tpu.core_type<tc>, window_params = [{transform_indices = @transform_0, window_bounds = array<i64: 8000, 128>}, {transform_indices = @transform_1, window_bounds = array<i64: 8000, 128>}, {pipeline_mode = #tpu.pipeline_mode<synchronous>, transform_indices = @transform_2, window_bounds = array<i64: 128, 64>}, {pipeline_mode = #tpu.pipeline_mode<synchronous>, transform_indices = @transform_3, window_bounds = array<i64: 1, 64>}, {pipeline_mode = #tpu.pipeline_mode<synchronous>, transform_indices = @transform_4, window_bounds = array<i64: 64, 64>}, {pipeline_mode = #tpu.pipeline_mode<synchronous>, transform_indices = @transform_5, window_bounds = array<i64: 1, 64>}, {transform_indices = @transform_6, window_bounds = array<i64: 8000, 128>}]} {
    %get3A = arith.constant 0 : index
    %get3A_0 = arith.constant 0 : index
    %get3A_1 = vector.load %arg1[%get3A, %get3A_0] : memref<8000x128xf32, #tpu.memory_space<vmem>>, vector<8000x128xf32>
    %get3A_2 = arith.constant 0 : index
    %get3A_3 = arith.constant 0 : index
    %get3A_4 = vector.load %arg3[%get3A_2, %get3A_3] : memref<128x64xf32, #tpu.memory_space<vmem>>, vector<128x64xf32>
    %convert_element_type3A = arith.truncf %get3A_1 : vector<8000x128xf32> to vector<8000x128xbf16>
    %convert_element_type3A_5 = arith.truncf %get3A_4 : vector<128x64xf32> to vector<128x64xbf16>
    %dot_general3A = arith.constant dense<0.000000e+00> : vector<8000x64xf32>
    %dot_general3A_6 = tpu.matmul %convert_element_type3A, %convert_element_type3A_5, %dot_general3A {dimension_numbers = #tpu.dot_dimension_numbers<[1], [0], [0], [1], [0, 0, 1, 1], [], []>, transpose_lhs_hint = false} : vector<8000x128xbf16>, vector<128x64xbf16>, vector<8000x64xf32> -> vector<8000x64xf32>
    %get3A_7 = arith.constant 0 : index
    %get3A_8 = arith.constant 0 : index
    %get3A_9 = vector.load %arg4[%get3A_7, %get3A_8] : memref<1x64xf32, #tpu.memory_space<vmem>>, vector<1x64xf32>
    %add3A = vector.broadcast %get3A_9 : vector<1x64xf32> to vector<8000x64xf32>
    %add3A_10 = arith.addf %dot_general3A_6, %add3A : vector<8000x64xf32>
    %max3A = arith.constant 0.000000e+00 : f32
    %max3A_11 = vector.broadcast %max3A : f32 to vector<8000x64xf32>
    %max3A_12 = arith.maximumf %add3A_10, %max3A_11 : vector<8000x64xf32>
    %get3A_13 = arith.constant 0 : index
    %get3A_14 = arith.constant 0 : index
    %get3A_15 = vector.load %arg5[%get3A_13, %get3A_14] : memref<64x64xf32, #tpu.memory_space<vmem>>, vector<64x64xf32>
    %convert_element_type3A_16 = arith.truncf %max3A_12 : vector<8000x64xf32> to vector<8000x64xbf16>
    %convert_element_type3A_17 = arith.truncf %get3A_15 : vector<64x64xf32> to vector<64x64xbf16>
    %dot_general3A_18 = arith.constant dense<0.000000e+00> : vector<8000x64xf32>
    %dot_general3A_19 = tpu.matmul %convert_element_type3A_16, %convert_element_type3A_17, %dot_general3A_18 {dimension_numbers = #tpu.dot_dimension_numbers<[1], [0], [0], [1], [0, 0, 1, 1], [], []>, transpose_lhs_hint = false} : vector<8000x64xbf16>, vector<64x64xbf16>, vector<8000x64xf32> -> vector<8000x64xf32>
    %get3A_20 = arith.constant 0 : index
    %get3A_21 = arith.constant 0 : index
    %get3A_22 = vector.load %arg6[%get3A_20, %get3A_21] : memref<1x64xf32, #tpu.memory_space<vmem>>, vector<1x64xf32>
    %add3A_23 = vector.broadcast %get3A_22 : vector<1x64xf32> to vector<8000x64xf32>
    %add3A_24 = arith.addf %dot_general3A_19, %add3A_23 : vector<8000x64xf32>
    %max3A_25 = arith.constant 0.000000e+00 : f32
    %max3A_26 = vector.broadcast %max3A_25 : f32 to vector<8000x64xf32>
    %max3A_27 = arith.maximumf %add3A_24, %max3A_26 : vector<8000x64xf32>
    %get3A_28 = arith.constant 0 : index
    %get3A_29 = arith.constant 0 : index
    %get3A_30 = vector.load %arg2[%get3A_28, %get3A_29] : memref<8000x128xf32, #tpu.memory_space<vmem>>, vector<8000x128xf32>
    %get3A_31 = arith.constant 0 : index
    %get3A_32 = arith.constant 0 : index
    %get3A_33 = vector.load %arg3[%get3A_31, %get3A_32] : memref<128x64xf32, #tpu.memory_space<vmem>>, vector<128x64xf32>
    %convert_element_type3A_34 = arith.truncf %get3A_30 : vector<8000x128xf32> to vector<8000x128xbf16>
    %convert_element_type3A_35 = arith.truncf %get3A_33 : vector<128x64xf32> to vector<128x64xbf16>
    %dot_general3A_36 = arith.constant dense<0.000000e+00> : vector<8000x64xf32>
    %dot_general3A_37 = tpu.matmul %convert_element_type3A_34, %convert_element_type3A_35, %dot_general3A_36 {dimension_numbers = #tpu.dot_dimension_numbers<[1], [0], [0], [1], [0, 0, 1, 1], [], []>, transpose_lhs_hint = false} : vector<8000x128xbf16>, vector<128x64xbf16>, vector<8000x64xf32> -> vector<8000x64xf32>
    %get3A_38 = arith.constant 0 : index
    %get3A_39 = arith.constant 0 : index
    %get3A_40 = vector.load %arg4[%get3A_38, %get3A_39] : memref<1x64xf32, #tpu.memory_space<vmem>>, vector<1x64xf32>
    %add3A_41 = vector.broadcast %get3A_40 : vector<1x64xf32> to vector<8000x64xf32>
    %add3A_42 = arith.addf %dot_general3A_37, %add3A_41 : vector<8000x64xf32>
    %max3A_43 = arith.constant 0.000000e+00 : f32
    %max3A_44 = vector.broadcast %max3A_43 : f32 to vector<8000x64xf32>
    %max3A_45 = arith.maximumf %add3A_42, %max3A_44 : vector<8000x64xf32>
    %get3A_46 = arith.constant 0 : index
    %get3A_47 = arith.constant 0 : index
    %get3A_48 = vector.load %arg5[%get3A_46, %get3A_47] : memref<64x64xf32, #tpu.memory_space<vmem>>, vector<64x64xf32>
    %convert_element_type3A_49 = arith.truncf %max3A_45 : vector<8000x64xf32> to vector<8000x64xbf16>
    %convert_element_type3A_50 = arith.truncf %get3A_48 : vector<64x64xf32> to vector<64x64xbf16>
    %dot_general3A_51 = arith.constant dense<0.000000e+00> : vector<8000x64xf32>
    %dot_general3A_52 = tpu.matmul %convert_element_type3A_49, %convert_element_type3A_50, %dot_general3A_51 {dimension_numbers = #tpu.dot_dimension_numbers<[1], [0], [0], [1], [0, 0, 1, 1], [], []>, transpose_lhs_hint = false} : vector<8000x64xbf16>, vector<64x64xbf16>, vector<8000x64xf32> -> vector<8000x64xf32>
    %get3A_53 = arith.constant 0 : index
    %get3A_54 = arith.constant 0 : index
    %get3A_55 = vector.load %arg6[%get3A_53, %get3A_54] : memref<1x64xf32, #tpu.memory_space<vmem>>, vector<1x64xf32>
    %add3A_56 = vector.broadcast %get3A_55 : vector<1x64xf32> to vector<8000x64xf32>
    %add3A_57 = arith.addf %dot_general3A_52, %add3A_56 : vector<8000x64xf32>
    %max3A_58 = arith.constant 0.000000e+00 : f32
    %max3A_59 = vector.broadcast %max3A_58 : f32 to vector<8000x64xf32>
    %max3A_60 = arith.maximumf %add3A_57, %max3A_59 : vector<8000x64xf32>
    %concatenate3A = tpu.concatenate %max3A_27, %max3A_60 in 1 : vector<8000x64xf32>, vector<8000x64xf32> -> vector<8000x128xf32>
    %swap3A = arith.constant 0 : index
    %swap3A_61 = arith.constant 0 : index
    %swap3A_62 = vector.load %arg7[%swap3A, %swap3A_61] : memref<8000x128xf32, #tpu.memory_space<vmem>>, vector<8000x128xf32>
    tpu.vector_store %arg7[%swap3A, %swap3A_61], %concatenate3A {strides = array<i32>} : memref<8000x128xf32, #tpu.memory_space<vmem>>, vector<8000x128xf32>,
    return
  }
  func.func @transform_0(%arg0: i32) -> (i32, i32) {
    %add3A = arith.constant 20 : i32
    %add3A_0 = arith.addi %arg0, %add3A : i32
    %c0_i32 = arith.constant 0 : i32
    %c0_i32_1 = arith.constant 0 : i32
    return %add3A_0, %c0_i32 : i32, i32
  }
  func.func @transform_1(%arg0: i32) -> (i32, i32) {
    %add3A = arith.constant 30 : i32
    %add3A_0 = arith.addi %arg0, %add3A : i32
    %c0_i32 = arith.constant 0 : i32
    %c0_i32_1 = arith.constant 0 : i32
    return %add3A_0, %c0_i32 : i32, i32
  }
  func.func @transform_2(%arg0: i32) -> (i32, i32) {
    %c0_i32 = arith.constant 0 : i32
    %c0_i32_0 = arith.constant 0 : i32
    %c0_i32_1 = arith.constant 0 : i32
    return %c0_i32, %c0_i32_0 : i32, i32
  }
  func.func @transform_3(%arg0: i32) -> (i32, i32) {
    %c0_i32 = arith.constant 0 : i32
    %c0_i32_0 = arith.constant 0 : i32
    %c0_i32_1 = arith.constant 0 : i32
    return %c0_i32, %c0_i32_0 : i32, i32
  }
  func.func @transform_4(%arg0: i32) -> (i32, i32) {
    %c0_i32 = arith.constant 0 : i32
    %c0_i32_0 = arith.constant 0 : i32
    %c0_i32_1 = arith.constant 0 : i32
    return %c0_i32, %c0_i32_0 : i32, i32
  }
  func.func @transform_5(%arg0: i32) -> (i32, i32) {
    %c0_i32 = arith.constant 0 : i32
    %c0_i32_0 = arith.constant 0 : i32
    %c0_i32_1 = arith.constant 0 : i32
    return %c0_i32, %c0_i32_0 : i32, i32
  }
  func.func @transform_6(%arg0: i32) -> (i32, i32) {
    %c0_i32 = arith.constant 0 : i32
    %c0_i32_0 = arith.constant 0 : i32
    return %arg0, %c0_i32 : i32, i32
  }
}

module attributes {stable_mosaic.version = 14 : i64} {
  func.func @_card_body(%arg0: i32, %arg1: memref<2x1264x128xf32, #tpu.memory_space<vmem>>, %arg2: memref<2x1264x16xf32, #tpu.memory_space<vmem>>, %arg3: memref<2x1264x128xf32, #tpu.memory_space<vmem>>, %arg4: memref<2x1264x16xf32, #tpu.memory_space<vmem>>, %arg5: memref<1264x5xf32, #tpu.memory_space<vmem>>, %arg6: memref<5x64xf32, #tpu.memory_space<vmem>>, %arg7: memref<64x64xf32, #tpu.memory_space<vmem>>, %arg8: memref<1x64xf32, #tpu.memory_space<vmem>>, %arg9: memref<64x64xf32, #tpu.memory_space<vmem>>, %arg10: memref<1x64xf32, #tpu.memory_space<vmem>>, %arg11: memref<1264x128xf32, #tpu.memory_space<vmem>>) attributes {dimension_semantics = [#tpu.dimension_semantics<arbitrary>], iteration_bounds = array<i64: 8>, scalar_prefetch = 0 : i64, scratch_operands = 0 : i64, tpu.core_type = #tpu.core_type<tc>, window_params = [{transform_indices = @transform_0, window_bounds = array<i64: 2, 1264, 128>}, {transform_indices = @transform_1, window_bounds = array<i64: 2, 1264, 16>}, {transform_indices = @transform_2, window_bounds = array<i64: 2, 1264, 128>}, {transform_indices = @transform_3, window_bounds = array<i64: 2, 1264, 16>}, {transform_indices = @transform_4, window_bounds = array<i64: 1264, 5>}, {pipeline_mode = #tpu.pipeline_mode<synchronous>, transform_indices = @transform_5, window_bounds = array<i64: 5, 64>}, {pipeline_mode = #tpu.pipeline_mode<synchronous>, transform_indices = @transform_6, window_bounds = array<i64: 64, 64>}, {pipeline_mode = #tpu.pipeline_mode<synchronous>, transform_indices = @transform_7, window_bounds = array<i64: 1, 64>}, {pipeline_mode = #tpu.pipeline_mode<synchronous>, transform_indices = @transform_8, window_bounds = array<i64: 64, 64>}, {pipeline_mode = #tpu.pipeline_mode<synchronous>, transform_indices = @transform_9, window_bounds = array<i64: 1, 64>}, {transform_indices = @transform_10, window_bounds = array<i64: 1264, 128>}]} {
    %lt3A = arith.constant 4 : i32
    %lt3A_0 = arith.cmpi slt, %arg0, %lt3A : i32
    %get3A = arith.constant 0 : index
    %get3A_1 = arith.constant 0 : index
    %get3A_2 = arith.constant 0 : index
    %get3A_3 = vector.load %arg1[%get3A, %get3A_1, %get3A_2] : memref<2x1264x128xf32, #tpu.memory_space<vmem>>, vector<1x1264x128xf32>
    %get3A_4 = vector.shape_cast %get3A_3 : vector<1x1264x128xf32> to vector<1264x128xf32>
    %get3A_5 = arith.constant 1 : index
    %get3A_6 = arith.constant 0 : index
    %get3A_7 = arith.constant 0 : index
    %get3A_8 = vector.load %arg1[%get3A_5, %get3A_6, %get3A_7] : memref<2x1264x128xf32, #tpu.memory_space<vmem>>, vector<1x1264x128xf32>
    %get3A_9 = vector.shape_cast %get3A_8 : vector<1x1264x128xf32> to vector<1264x128xf32>
    %add3A = arith.addf %get3A_4, %get3A_9 : vector<1264x128xf32>
    %get3A_10 = arith.constant 0 : index
    %get3A_11 = arith.constant 0 : index
    %get3A_12 = arith.constant 0 : index
    %get3A_13 = vector.load %arg3[%get3A_10, %get3A_11, %get3A_12] : memref<2x1264x128xf32, #tpu.memory_space<vmem>>, vector<1x1264x128xf32>
    %get3A_14 = vector.shape_cast %get3A_13 : vector<1x1264x128xf32> to vector<1264x128xf32>
    %add3A_15 = arith.addf %add3A, %get3A_14 : vector<1264x128xf32>
    %get3A_16 = arith.constant 1 : index
    %get3A_17 = arith.constant 0 : index
    %get3A_18 = arith.constant 0 : index
    %get3A_19 = vector.load %arg3[%get3A_16, %get3A_17, %get3A_18] : memref<2x1264x128xf32, #tpu.memory_space<vmem>>, vector<1x1264x128xf32>
    %get3A_20 = vector.shape_cast %get3A_19 : vector<1x1264x128xf32> to vector<1264x128xf32>
    %add3A_21 = arith.addf %add3A_15, %get3A_20 : vector<1264x128xf32>
    %slice3A = vector.extract_strided_slice %add3A_21 {offsets = [0, 0], sizes = [1264, 64], strides = [1, 1]} : vector<1264x128xf32> to vector<1264x64xf32>
    %slice3A_22 = vector.extract_strided_slice %add3A_21 {offsets = [0, 64], sizes = [1264, 64], strides = [1, 1]} : vector<1264x128xf32> to vector<1264x64xf32>
    %select_n3A = arith.select %lt3A_0, %slice3A, %slice3A_22 : vector<1264x64xf32>
    %get3A_23 = arith.constant 0 : index
    %get3A_24 = arith.constant 0 : index
    %get3A_25 = arith.constant 0 : index
    %get3A_26 = vector.load %arg2[%get3A_23, %get3A_24, %get3A_25] : memref<2x1264x16xf32, #tpu.memory_space<vmem>>, vector<1x1264x1xf32>
    %get3A_27 = vector.shape_cast %get3A_26 : vector<1x1264x1xf32> to vector<1264x1xf32>
    %get3A_28 = arith.constant 1 : index
    %get3A_29 = arith.constant 0 : index
    %get3A_30 = arith.constant 0 : index
    %get3A_31 = vector.load %arg2[%get3A_28, %get3A_29, %get3A_30] : memref<2x1264x16xf32, #tpu.memory_space<vmem>>, vector<1x1264x1xf32>
    %get3A_32 = vector.shape_cast %get3A_31 : vector<1x1264x1xf32> to vector<1264x1xf32>
    %add3A_33 = arith.addf %get3A_27, %get3A_32 : vector<1264x1xf32>
    %get3A_34 = arith.constant 0 : index
    %get3A_35 = arith.constant 0 : index
    %get3A_36 = arith.constant 0 : index
    %get3A_37 = vector.load %arg4[%get3A_34, %get3A_35, %get3A_36] : memref<2x1264x16xf32, #tpu.memory_space<vmem>>, vector<1x1264x1xf32>
    %get3A_38 = vector.shape_cast %get3A_37 : vector<1x1264x1xf32> to vector<1264x1xf32>
    %add3A_39 = arith.addf %add3A_33, %get3A_38 : vector<1264x1xf32>
    %get3A_40 = arith.constant 1 : index
    %get3A_41 = arith.constant 0 : index
    %get3A_42 = arith.constant 0 : index
    %get3A_43 = vector.load %arg4[%get3A_40, %get3A_41, %get3A_42] : memref<2x1264x16xf32, #tpu.memory_space<vmem>>, vector<1x1264x1xf32>
    %get3A_44 = vector.shape_cast %get3A_43 : vector<1x1264x1xf32> to vector<1264x1xf32>
    %add3A_45 = arith.addf %add3A_39, %get3A_44 : vector<1264x1xf32>
    %max3A = arith.constant 1.000000e+00 : f32
    %max3A_46 = vector.broadcast %max3A : f32 to vector<1264x1xf32>
    %max3A_47 = arith.maximumf %add3A_45, %max3A_46 : vector<1264x1xf32>
    %div3A = vector.broadcast %max3A_47 : vector<1264x1xf32> to vector<1264x64xf32>
    %div3A_48 = arith.divf %select_n3A, %div3A : vector<1264x64xf32>
    %get3A_49 = arith.constant 0 : index
    %get3A_50 = arith.constant 0 : index
    %get3A_51 = vector.load %arg7[%get3A_49, %get3A_50] : memref<64x64xf32, #tpu.memory_space<vmem>>, vector<64x64xf32>
    %convert_element_type3A = arith.truncf %div3A_48 : vector<1264x64xf32> to vector<1264x64xbf16>
    %convert_element_type3A_52 = arith.truncf %get3A_51 : vector<64x64xf32> to vector<64x64xbf16>
    %dot_general3A = arith.constant dense<0.000000e+00> : vector<1264x64xf32>
    %dot_general3A_53 = tpu.matmul %convert_element_type3A, %convert_element_type3A_52, %dot_general3A {dimension_numbers = #tpu.dot_dimension_numbers<[1], [0], [0], [1], [0, 0, 1, 1], [], []>, transpose_lhs_hint = false} : vector<1264x64xbf16>, vector<64x64xbf16>, vector<1264x64xf32> -> vector<1264x64xf32>
    %get3A_54 = arith.constant 0 : index
    %get3A_55 = arith.constant 0 : index
    %get3A_56 = vector.load %arg8[%get3A_54, %get3A_55] : memref<1x64xf32, #tpu.memory_space<vmem>>, vector<1x64xf32>
    %add3A_57 = vector.broadcast %get3A_56 : vector<1x64xf32> to vector<1264x64xf32>
    %add3A_58 = arith.addf %dot_general3A_53, %add3A_57 : vector<1264x64xf32>
    %get3A_59 = arith.constant 0 : index
    %get3A_60 = arith.constant 0 : index
    %get3A_61 = vector.load %arg5[%get3A_59, %get3A_60] : memref<1264x5xf32, #tpu.memory_space<vmem>>, vector<1264x1xf32>
    %get3A_62 = arith.constant 0 : index
    %get3A_63 = arith.constant 0 : index
    %get3A_64 = vector.load %arg6[%get3A_62, %get3A_63] : memref<5x64xf32, #tpu.memory_space<vmem>>, vector<1x64xf32>
    %mul3A = vector.broadcast %get3A_61 : vector<1264x1xf32> to vector<1264x64xf32>
    %mul3A_65 = vector.broadcast %get3A_64 : vector<1x64xf32> to vector<1264x64xf32>
    %mul3A_66 = arith.mulf %mul3A, %mul3A_65 : vector<1264x64xf32>
    %add3A_67 = arith.addf %add3A_58, %mul3A_66 : vector<1264x64xf32>
    %get3A_68 = arith.constant 0 : index
    %get3A_69 = arith.constant 1 : index
    %get3A_70 = vector.load %arg5[%get3A_68, %get3A_69] : memref<1264x5xf32, #tpu.memory_space<vmem>>, vector<1264x1xf32>
    %get3A_71 = arith.constant 1 : index
    %get3A_72 = arith.constant 0 : index
    %get3A_73 = vector.load %arg6[%get3A_71, %get3A_72] : memref<5x64xf32, #tpu.memory_space<vmem>>, vector<1x64xf32>
    %mul3A_74 = vector.broadcast %get3A_70 : vector<1264x1xf32> to vector<1264x64xf32>
    %mul3A_75 = vector.broadcast %get3A_73 : vector<1x64xf32> to vector<1264x64xf32>
    %mul3A_76 = arith.mulf %mul3A_74, %mul3A_75 : vector<1264x64xf32>
    %add3A_77 = arith.addf %add3A_67, %mul3A_76 : vector<1264x64xf32>
    %get3A_78 = arith.constant 0 : index
    %get3A_79 = arith.constant 2 : index
    %get3A_80 = vector.load %arg5[%get3A_78, %get3A_79] : memref<1264x5xf32, #tpu.memory_space<vmem>>, vector<1264x1xf32>
    %get3A_81 = arith.constant 2 : index
    %get3A_82 = arith.constant 0 : index
    %get3A_83 = vector.load %arg6[%get3A_81, %get3A_82] : memref<5x64xf32, #tpu.memory_space<vmem>>, vector<1x64xf32>
    %mul3A_84 = vector.broadcast %get3A_80 : vector<1264x1xf32> to vector<1264x64xf32>
    %mul3A_85 = vector.broadcast %get3A_83 : vector<1x64xf32> to vector<1264x64xf32>
    %mul3A_86 = arith.mulf %mul3A_84, %mul3A_85 : vector<1264x64xf32>
    %add3A_87 = arith.addf %add3A_77, %mul3A_86 : vector<1264x64xf32>
    %get3A_88 = arith.constant 0 : index
    %get3A_89 = arith.constant 3 : index
    %get3A_90 = vector.load %arg5[%get3A_88, %get3A_89] : memref<1264x5xf32, #tpu.memory_space<vmem>>, vector<1264x1xf32>
    %get3A_91 = arith.constant 3 : index
    %get3A_92 = arith.constant 0 : index
    %get3A_93 = vector.load %arg6[%get3A_91, %get3A_92] : memref<5x64xf32, #tpu.memory_space<vmem>>, vector<1x64xf32>
    %mul3A_94 = vector.broadcast %get3A_90 : vector<1264x1xf32> to vector<1264x64xf32>
    %mul3A_95 = vector.broadcast %get3A_93 : vector<1x64xf32> to vector<1264x64xf32>
    %mul3A_96 = arith.mulf %mul3A_94, %mul3A_95 : vector<1264x64xf32>
    %add3A_97 = arith.addf %add3A_87, %mul3A_96 : vector<1264x64xf32>
    %get3A_98 = arith.constant 0 : index
    %get3A_99 = arith.constant 4 : index
    %get3A_100 = vector.load %arg5[%get3A_98, %get3A_99] : memref<1264x5xf32, #tpu.memory_space<vmem>>, vector<1264x1xf32>
    %get3A_101 = arith.constant 4 : index
    %get3A_102 = arith.constant 0 : index
    %get3A_103 = vector.load %arg6[%get3A_101, %get3A_102] : memref<5x64xf32, #tpu.memory_space<vmem>>, vector<1x64xf32>
    %mul3A_104 = vector.broadcast %get3A_100 : vector<1264x1xf32> to vector<1264x64xf32>
    %mul3A_105 = vector.broadcast %get3A_103 : vector<1x64xf32> to vector<1264x64xf32>
    %mul3A_106 = arith.mulf %mul3A_104, %mul3A_105 : vector<1264x64xf32>
    %add3A_107 = arith.addf %add3A_97, %mul3A_106 : vector<1264x64xf32>
    %max3A_108 = arith.constant 0.000000e+00 : f32
    %max3A_109 = vector.broadcast %max3A_108 : f32 to vector<1264x64xf32>
    %max3A_110 = arith.maximumf %add3A_107, %max3A_109 : vector<1264x64xf32>
    %get3A_111 = arith.constant 0 : index
    %get3A_112 = arith.constant 0 : index
    %get3A_113 = vector.load %arg9[%get3A_111, %get3A_112] : memref<64x64xf32, #tpu.memory_space<vmem>>, vector<64x64xf32>
    %convert_element_type3A_114 = arith.truncf %max3A_110 : vector<1264x64xf32> to vector<1264x64xbf16>
    %convert_element_type3A_115 = arith.truncf %get3A_113 : vector<64x64xf32> to vector<64x64xbf16>
    %dot_general3A_116 = arith.constant dense<0.000000e+00> : vector<1264x64xf32>
    %dot_general3A_117 = tpu.matmul %convert_element_type3A_114, %convert_element_type3A_115, %dot_general3A_116 {dimension_numbers = #tpu.dot_dimension_numbers<[1], [0], [0], [1], [0, 0, 1, 1], [], []>, transpose_lhs_hint = false} : vector<1264x64xbf16>, vector<64x64xbf16>, vector<1264x64xf32> -> vector<1264x64xf32>
    %get3A_118 = arith.constant 0 : index
    %get3A_119 = arith.constant 0 : index
    %get3A_120 = vector.load %arg10[%get3A_118, %get3A_119] : memref<1x64xf32, #tpu.memory_space<vmem>>, vector<1x64xf32>
    %add3A_121 = vector.broadcast %get3A_120 : vector<1x64xf32> to vector<1264x64xf32>
    %add3A_122 = arith.addf %dot_general3A_117, %add3A_121 : vector<1264x64xf32>
    %max3A_123 = arith.constant 0.000000e+00 : f32
    %max3A_124 = vector.broadcast %max3A_123 : f32 to vector<1264x64xf32>
    %max3A_125 = arith.maximumf %add3A_122, %max3A_124 : vector<1264x64xf32>
    %broadcast_in_dim3A = arith.constant 0.000000e+00 : f32
    %broadcast_in_dim3A_126 = vector.broadcast %broadcast_in_dim3A : f32 to vector<1264x64xf32>
    %concatenate3A = tpu.concatenate %max3A_125, %broadcast_in_dim3A_126 in 1 : vector<1264x64xf32>, vector<1264x64xf32> -> vector<1264x128xf32>
    %swap3A = arith.constant 0 : index
    %swap3A_127 = arith.constant 0 : index
    %swap3A_128 = vector.load %arg11[%swap3A, %swap3A_127] : memref<1264x128xf32, #tpu.memory_space<vmem>>, vector<1264x128xf32>
    tpu.vector_store %arg11[%swap3A, %swap3A_127], %concatenate3A {strides = array<i32>} : memref<1264x128xf32, #tpu.memory_space<vmem>>, vector<1264x128xf32>,
    return
  }
  func.func @transform_0(%arg0: i32) -> (i32, i32, i32) {
    %lt3A = arith.constant 4 : i32
    %lt3A_0 = arith.cmpi slt, %arg0, %lt3A : i32
    %sub3A = arith.constant 4 : i32
    %sub3A_1 = arith.subi %arg0, %sub3A : i32
    %select_n3A = arith.select %lt3A_0, %arg0, %sub3A_1 : i32
    %c0_i32 = arith.constant 0 : i32
    %c0_i32_2 = arith.constant 0 : i32
    %c0_i32_3 = arith.constant 0 : i32
    return %c0_i32, %select_n3A, %c0_i32_2 : i32, i32, i32
  }
  func.func @transform_1(%arg0: i32) -> (i32, i32, i32) {
    %c0_i32 = arith.constant 0 : i32
    %c0_i32_0 = arith.constant 0 : i32
    %c0_i32_1 = arith.constant 0 : i32
    return %c0_i32, %arg0, %c0_i32_0 : i32, i32, i32
  }
  func.func @transform_2(%arg0: i32) -> (i32, i32, i32) {
    %lt3A = arith.constant 4 : i32
    %lt3A_0 = arith.cmpi slt, %arg0, %lt3A : i32
    %sub3A = arith.constant 4 : i32
    %sub3A_1 = arith.subi %arg0, %sub3A : i32
    %select_n3A = arith.select %lt3A_0, %arg0, %sub3A_1 : i32
    %c0_i32 = arith.constant 0 : i32
    %c0_i32_2 = arith.constant 0 : i32
    %c0_i32_3 = arith.constant 0 : i32
    return %c0_i32, %select_n3A, %c0_i32_2 : i32, i32, i32
  }
  func.func @transform_3(%arg0: i32) -> (i32, i32, i32) {
    %c0_i32 = arith.constant 0 : i32
    %c0_i32_0 = arith.constant 0 : i32
    %c0_i32_1 = arith.constant 0 : i32
    return %c0_i32, %arg0, %c0_i32_0 : i32, i32, i32
  }
  func.func @transform_4(%arg0: i32) -> (i32, i32) {
    %c0_i32 = arith.constant 0 : i32
    %c0_i32_0 = arith.constant 0 : i32
    return %arg0, %c0_i32 : i32, i32
  }
  func.func @transform_5(%arg0: i32) -> (i32, i32) {
    %c0_i32 = arith.constant 0 : i32
    %c0_i32_0 = arith.constant 0 : i32
    %c0_i32_1 = arith.constant 0 : i32
    return %c0_i32, %c0_i32_0 : i32, i32
  }
  func.func @transform_6(%arg0: i32) -> (i32, i32) {
    %c0_i32 = arith.constant 0 : i32
    %c0_i32_0 = arith.constant 0 : i32
    %c0_i32_1 = arith.constant 0 : i32
    return %c0_i32, %c0_i32_0 : i32, i32
  }
  func.func @transform_7(%arg0: i32) -> (i32, i32) {
    %c0_i32 = arith.constant 0 : i32
    %c0_i32_0 = arith.constant 0 : i32
    %c0_i32_1 = arith.constant 0 : i32
    return %c0_i32, %c0_i32_0 : i32, i32
  }
  func.func @transform_8(%arg0: i32) -> (i32, i32) {
    %c0_i32 = arith.constant 0 : i32
    %c0_i32_0 = arith.constant 0 : i32
    %c0_i32_1 = arith.constant 0 : i32
    return %c0_i32, %c0_i32_0 : i32, i32
  }
  func.func @transform_9(%arg0: i32) -> (i32, i32) {
    %c0_i32 = arith.constant 0 : i32
    %c0_i32_0 = arith.constant 0 : i32
    %c0_i32_1 = arith.constant 0 : i32
    return %c0_i32, %c0_i32_0 : i32, i32
  }
  func.func @transform_10(%arg0: i32) -> (i32, i32) {
    %c0_i32 = arith.constant 0 : i32
    %c0_i32_0 = arith.constant 0 : i32
    return %arg0, %c0_i32 : i32, i32
  }
}

module attributes {stable_mosaic.version = 14 : i64} {
  func.func @_head_body(%arg0: i32, %arg1: memref<4096x128xf32, #tpu.memory_space<vmem>>, %arg2: memref<4096x128xf32, #tpu.memory_space<vmem>>, %arg3: memref<128x64xf32, #tpu.memory_space<vmem>>, %arg4: memref<1x64xf32, #tpu.memory_space<vmem>>, %arg5: memref<64x64xf32, #tpu.memory_space<vmem>>, %arg6: memref<1x64xf32, #tpu.memory_space<vmem>>, %arg7: memref<128x64xf32, #tpu.memory_space<vmem>>, %arg8: memref<1x64xf32, #tpu.memory_space<vmem>>, %arg9: memref<64x1xf32, #tpu.memory_space<vmem>>, %arg10: memref<1x1xf32, #tpu.memory_space<vmem>>, %arg11: memref<4096xf32, #tpu.memory_space<vmem>>) attributes {dimension_semantics = [#tpu.dimension_semantics<arbitrary>], iteration_bounds = array<i64: 13>, scalar_prefetch = 0 : i64, scratch_operands = 0 : i64, tpu.core_type = #tpu.core_type<tc>, window_params = [{transform_indices = @transform_0, window_bounds = array<i64: 4096, 128>}, {transform_indices = @transform_1, window_bounds = array<i64: 4096, 128>}, {pipeline_mode = #tpu.pipeline_mode<synchronous>, transform_indices = @transform_2, window_bounds = array<i64: 128, 64>}, {pipeline_mode = #tpu.pipeline_mode<synchronous>, transform_indices = @transform_3, window_bounds = array<i64: 1, 64>}, {pipeline_mode = #tpu.pipeline_mode<synchronous>, transform_indices = @transform_4, window_bounds = array<i64: 64, 64>}, {pipeline_mode = #tpu.pipeline_mode<synchronous>, transform_indices = @transform_5, window_bounds = array<i64: 1, 64>}, {pipeline_mode = #tpu.pipeline_mode<synchronous>, transform_indices = @transform_6, window_bounds = array<i64: 128, 64>}, {pipeline_mode = #tpu.pipeline_mode<synchronous>, transform_indices = @transform_7, window_bounds = array<i64: 1, 64>}, {pipeline_mode = #tpu.pipeline_mode<synchronous>, transform_indices = @transform_8, window_bounds = array<i64: 64, 1>}, {pipeline_mode = #tpu.pipeline_mode<synchronous>, transform_indices = @transform_9, window_bounds = array<i64: 1, 1>}, {transform_indices = @transform_10, window_bounds = array<i64: 4096>}]} {
    %get3A = arith.constant 0 : index
    %get3A_0 = arith.constant 0 : index
    %get3A_1 = vector.load %arg1[%get3A, %get3A_0] : memref<4096x128xf32, #tpu.memory_space<vmem>>, vector<4096x128xf32>
    %get3A_2 = arith.constant 0 : index
    %get3A_3 = arith.constant 0 : index
    %get3A_4 = vector.load %arg3[%get3A_2, %get3A_3] : memref<128x64xf32, #tpu.memory_space<vmem>>, vector<128x64xf32>
    %convert_element_type3A = arith.truncf %get3A_1 : vector<4096x128xf32> to vector<4096x128xbf16>
    %convert_element_type3A_5 = arith.truncf %get3A_4 : vector<128x64xf32> to vector<128x64xbf16>
    %dot_general3A = arith.constant dense<0.000000e+00> : vector<4096x64xf32>
    %dot_general3A_6 = tpu.matmul %convert_element_type3A, %convert_element_type3A_5, %dot_general3A {dimension_numbers = #tpu.dot_dimension_numbers<[1], [0], [0], [1], [0, 0, 1, 1], [], []>, transpose_lhs_hint = false} : vector<4096x128xbf16>, vector<128x64xbf16>, vector<4096x64xf32> -> vector<4096x64xf32>
    %get3A_7 = arith.constant 0 : index
    %get3A_8 = arith.constant 0 : index
    %get3A_9 = vector.load %arg4[%get3A_7, %get3A_8] : memref<1x64xf32, #tpu.memory_space<vmem>>, vector<1x64xf32>
    %add3A = vector.broadcast %get3A_9 : vector<1x64xf32> to vector<4096x64xf32>
    %add3A_10 = arith.addf %dot_general3A_6, %add3A : vector<4096x64xf32>
    %max3A = arith.constant 0.000000e+00 : f32
    %max3A_11 = vector.broadcast %max3A : f32 to vector<4096x64xf32>
    %max3A_12 = arith.maximumf %add3A_10, %max3A_11 : vector<4096x64xf32>
    %get3A_13 = arith.constant 0 : index
    %get3A_14 = arith.constant 0 : index
    %get3A_15 = vector.load %arg5[%get3A_13, %get3A_14] : memref<64x64xf32, #tpu.memory_space<vmem>>, vector<64x64xf32>
    %convert_element_type3A_16 = arith.truncf %max3A_12 : vector<4096x64xf32> to vector<4096x64xbf16>
    %convert_element_type3A_17 = arith.truncf %get3A_15 : vector<64x64xf32> to vector<64x64xbf16>
    %dot_general3A_18 = arith.constant dense<0.000000e+00> : vector<4096x64xf32>
    %dot_general3A_19 = tpu.matmul %convert_element_type3A_16, %convert_element_type3A_17, %dot_general3A_18 {dimension_numbers = #tpu.dot_dimension_numbers<[1], [0], [0], [1], [0, 0, 1, 1], [], []>, transpose_lhs_hint = false} : vector<4096x64xbf16>, vector<64x64xbf16>, vector<4096x64xf32> -> vector<4096x64xf32>
    %get3A_20 = arith.constant 0 : index
    %get3A_21 = arith.constant 0 : index
    %get3A_22 = vector.load %arg6[%get3A_20, %get3A_21] : memref<1x64xf32, #tpu.memory_space<vmem>>, vector<1x64xf32>
    %add3A_23 = vector.broadcast %get3A_22 : vector<1x64xf32> to vector<4096x64xf32>
    %add3A_24 = arith.addf %dot_general3A_19, %add3A_23 : vector<4096x64xf32>
    %max3A_25 = arith.constant 0.000000e+00 : f32
    %max3A_26 = vector.broadcast %max3A_25 : f32 to vector<4096x64xf32>
    %max3A_27 = arith.maximumf %add3A_24, %max3A_26 : vector<4096x64xf32>
    %get3A_28 = arith.constant 0 : index
    %get3A_29 = arith.constant 0 : index
    %get3A_30 = vector.load %arg2[%get3A_28, %get3A_29] : memref<4096x128xf32, #tpu.memory_space<vmem>>, vector<4096x128xf32>
    %slice3A = vector.extract_strided_slice %get3A_30 {offsets = [0, 0], sizes = [4096, 64], strides = [1, 1]} : vector<4096x128xf32> to vector<4096x64xf32>
    %concatenate3A = tpu.concatenate %max3A_27, %slice3A in 1 : vector<4096x64xf32>, vector<4096x64xf32> -> vector<4096x128xf32>
    %get3A_31 = arith.constant 0 : index
    %get3A_32 = arith.constant 0 : index
    %get3A_33 = vector.load %arg7[%get3A_31, %get3A_32] : memref<128x64xf32, #tpu.memory_space<vmem>>, vector<128x64xf32>
    %convert_element_type3A_34 = arith.truncf %concatenate3A : vector<4096x128xf32> to vector<4096x128xbf16>
    %convert_element_type3A_35 = arith.truncf %get3A_33 : vector<128x64xf32> to vector<128x64xbf16>
    %dot_general3A_36 = arith.constant dense<0.000000e+00> : vector<4096x64xf32>
    %dot_general3A_37 = tpu.matmul %convert_element_type3A_34, %convert_element_type3A_35, %dot_general3A_36 {dimension_numbers = #tpu.dot_dimension_numbers<[1], [0], [0], [1], [0, 0, 1, 1], [], []>, transpose_lhs_hint = false} : vector<4096x128xbf16>, vector<128x64xbf16>, vector<4096x64xf32> -> vector<4096x64xf32>
    %get3A_38 = arith.constant 0 : index
    %get3A_39 = arith.constant 0 : index
    %get3A_40 = vector.load %arg8[%get3A_38, %get3A_39] : memref<1x64xf32, #tpu.memory_space<vmem>>, vector<1x64xf32>
    %add3A_41 = vector.broadcast %get3A_40 : vector<1x64xf32> to vector<4096x64xf32>
    %add3A_42 = arith.addf %dot_general3A_37, %add3A_41 : vector<4096x64xf32>
    %max3A_43 = arith.constant 0.000000e+00 : f32
    %max3A_44 = vector.broadcast %max3A_43 : f32 to vector<4096x64xf32>
    %max3A_45 = arith.maximumf %add3A_42, %max3A_44 : vector<4096x64xf32>
    %get3A_46 = arith.constant 0 : index
    %get3A_47 = arith.constant 0 : index
    %get3A_48 = vector.load %arg9[%get3A_46, %get3A_47] : memref<64x1xf32, #tpu.memory_space<vmem>>, vector<64x1xf32>
    %convert_element_type3A_49 = arith.truncf %max3A_45 : vector<4096x64xf32> to vector<4096x64xbf16>
    %convert_element_type3A_50 = arith.truncf %get3A_48 : vector<64x1xf32> to vector<64x1xbf16>
    %dot_general3A_51 = arith.constant dense<0.000000e+00> : vector<4096x1xf32>
    %dot_general3A_52 = tpu.matmul %convert_element_type3A_49, %convert_element_type3A_50, %dot_general3A_51 {dimension_numbers = #tpu.dot_dimension_numbers<[1], [0], [0], [1], [0, 0, 1, 1], [], []>, transpose_lhs_hint = false} : vector<4096x64xbf16>, vector<64x1xbf16>, vector<4096x1xf32> -> vector<4096x1xf32>
    %get3A_53 = arith.constant 0 : index
    %get3A_54 = arith.constant 0 : index
    %get3A_55 = vector.load %arg10[%get3A_53, %get3A_54] : memref<1x1xf32, #tpu.memory_space<vmem>>, vector<1x1xf32>
    %add3A_56 = vector.broadcast %get3A_55 : vector<1x1xf32> to vector<4096x1xf32>
    %add3A_57 = arith.addf %dot_general3A_52, %add3A_56 : vector<4096x1xf32>
    %reshape3A = vector.shape_cast %add3A_57 : vector<4096x1xf32> to vector<4096xf32>
    %swap3A = arith.constant 0 : index
    %swap3A_58 = vector.load %arg11[%swap3A] : memref<4096xf32, #tpu.memory_space<vmem>>, vector<4096xf32>
    tpu.vector_store %arg11[%swap3A], %reshape3A {strides = array<i32>} : memref<4096xf32, #tpu.memory_space<vmem>>, vector<4096xf32>,
    return
  }
  func.func @transform_0(%arg0: i32) -> (i32, i32) {
    %c0_i32 = arith.constant 0 : i32
    %c0_i32_0 = arith.constant 0 : i32
    return %arg0, %c0_i32 : i32, i32
  }
  func.func @transform_1(%arg0: i32) -> (i32, i32) {
    %c0_i32 = arith.constant 0 : i32
    %c0_i32_0 = arith.constant 0 : i32
    return %arg0, %c0_i32 : i32, i32
  }
  func.func @transform_2(%arg0: i32) -> (i32, i32) {
    %c0_i32 = arith.constant 0 : i32
    %c0_i32_0 = arith.constant 0 : i32
    %c0_i32_1 = arith.constant 0 : i32
    return %c0_i32, %c0_i32_0 : i32, i32
  }
  func.func @transform_3(%arg0: i32) -> (i32, i32) {
    %c0_i32 = arith.constant 0 : i32
    %c0_i32_0 = arith.constant 0 : i32
    %c0_i32_1 = arith.constant 0 : i32
    return %c0_i32, %c0_i32_0 : i32, i32
  }
  func.func @transform_4(%arg0: i32) -> (i32, i32) {
    %c0_i32 = arith.constant 0 : i32
    %c0_i32_0 = arith.constant 0 : i32
    %c0_i32_1 = arith.constant 0 : i32
    return %c0_i32, %c0_i32_0 : i32, i32
  }
  func.func @transform_5(%arg0: i32) -> (i32, i32) {
    %c0_i32 = arith.constant 0 : i32
    %c0_i32_0 = arith.constant 0 : i32
    %c0_i32_1 = arith.constant 0 : i32
    return %c0_i32, %c0_i32_0 : i32, i32
  }
  func.func @transform_6(%arg0: i32) -> (i32, i32) {
    %c0_i32 = arith.constant 0 : i32
    %c0_i32_0 = arith.constant 0 : i32
    %c0_i32_1 = arith.constant 0 : i32
    return %c0_i32, %c0_i32_0 : i32, i32
  }
  func.func @transform_7(%arg0: i32) -> (i32, i32) {
    %c0_i32 = arith.constant 0 : i32
    %c0_i32_0 = arith.constant 0 : i32
    %c0_i32_1 = arith.constant 0 : i32
    return %c0_i32, %c0_i32_0 : i32, i32
  }
  func.func @transform_8(%arg0: i32) -> (i32, i32) {
    %c0_i32 = arith.constant 0 : i32
    %c0_i32_0 = arith.constant 0 : i32
    %c0_i32_1 = arith.constant 0 : i32
    return %c0_i32, %c0_i32_0 : i32, i32
  }
  func.func @transform_9(%arg0: i32) -> (i32, i32) {
    %c0_i32 = arith.constant 0 : i32
    %c0_i32_0 = arith.constant 0 : i32
    %c0_i32_1 = arith.constant 0 : i32
    return %c0_i32, %c0_i32_0 : i32, i32
  }
  func.func @transform_10(%arg0: i32) -> i32 {
    %c0_i32 = arith.constant 0 : i32
    return %arg0 : i32
  }
}

</mosaic_0001>

<sc_bundles>
// kernel: kernel.12.cloned.1.call-start
scs
__scs_entry_jumppad:
0x0: {  	(pc) =	sbr.rel $0x88, $3  }
0x1: {  	(tag) =	ssettag $0x0;
	lr =	simm.s32 $0x1  }
0x2: {  	[smem:$0x3F90] =	sst lr;
	_ =	strace $0xD0000000  }
0x3: {  	_ = 	snop  }
0x4: {  	_ = 	snop  }
0x5: {  	_ = 	snop  }
0x6: {  	_ = 	snop  }
0x7: {  	_ = 	snop  }
__scs_overlays_trampoline_lowered:
0x8: {  	[smem:$0x3F9F] =	sst s0  }
0x9: {  	[smem:$0x3FA0] =	sst s1  }
0xa: {  	[smem:$0x3FA1] =	sst s2  }
0xb: {  	[smem:$0x3FA2] =	sst s3  }
0xc: {  	[smem:$0x3FA3] =	sst s4  }
0xd: {  	[smem:$0x3FA4] =	sst s5  }
0xe: {  	[smem:$0x3FA5] =	sst s6  }
0xf: {  	[smem:$0x3FA6] =	sst s7  }
0x10: {  	[smem:$0x3FA7] =	sst s8  }
0x11: {  	[smem:$0x3FA8] =	sst s9;
	s0 =	simm.s32 @!p0 $0x0  }
0x12: {  	s1 =	sld [smem:$0x3F8E];
	s0 =	simm.s32 @p0 $0x1  }
0x13: {  	[smem:$0x3FA9] =	sst s0;
	s0 =	simm.s32 @!p1 $0x0  }
0x14: {  	s2 =	sld [smem:$0x3F8D];
	s0 =	simm.s32 @p1 $0x1  }
0x15: {  	[smem:$0x3FAA] =	sst s0;
	s0 =	simm.s32 @!p2 $0x0  }
0x16: {  	s3 =	sld [smem:$0x3FDB];
	s0 =	simm.s32 @p2 $0x1  }
0x17: {  	s4 =	simm.s32 $0x1BF5;
	[smem:$0x3FAC] =	sst s0  }
0x18: {  	s0 =	sld [smem:$0x3F8F];
	_ =	swait.ge [sflag:s4], $0x0  }
0x19: {  	s7 =	sld [smem:$0x3F90]  }
0x1a: {  	s8 =	sadd.s32 $0xFFFFE003, lr  }
0x1b: {  	s9 =	sadd.s32 $0xFFFFFEF7, lr;
	s5 =	simm.s32 $0xFFFFFFFF;
	p2 =	slt.u32 s8, $0xFFFFF086  }
0x1c: {  	p1 =	slt.u32 s9, $0xF7A;
	s5 =	simm.s32 @!p2 $0x0  }
0x1d: {  	s5 =	simm.s32 @p1 $0x1;
	p0 =	seq.s32 s7, s2  }
0x1e: {  	s7 =	smul.u32 @!p0 $0xF7A, s2;
	p2 =	seq.s32 @!p0 s5, $0x0  }
0x1f: {  	s9 =	smul.u32 $0xF7A, s1;
	s8 =	simm.s32 @!p0 $0x1BF5;
	p2 =	por !p2, p0  }
0x20: {  	[sflag:s8] =	ssyncset.s32 @!p0 $0xFFFFF086;
	s6 =	sadd.s32 @!p0 s3, s7;
	s7 =	simm.s32 @!p0 $0x108  }
0x21: {  	s3 =	sadd.s32 s3, s9;
	s6 =	sadd.s32 @!p0 $0x88, s6;
	s7 =	simm.s32 @p2 $0x1082  }
0x22: {  	[simem:s7], [sflag:s8] =	dma.local @!p0 [hbm:s6], $0xF7A  }
0x23: {  	s9 =	sor.u32 $0xD0000000, s2;
	s6 =	simm.s32 $0x108;
	_ =	swait.ge @!p0 [sflag:s8], $0x0  }
0x24: {  	s3 =	sadd.s32 $0x88, s3;
	s6 =	simm.s32 @!p1 $0x1082;
	[sflag:s4] =	ssyncset.s32 $0xFFFFF086  }
0x25: {  	[simem:s6], [sflag:s4] =	dma.local [hbm:s3], $0xF7A  }
0x26: {  	[smem:$0x3F90] =	sst s1;
	(tag) =	ssettag s2;
	_ =	strace s9  }
0x27: {  	s1 =	sld [smem:$0x3FA0]  }
0x28: {  	s2 =	sld [smem:$0x3FA1]  }
0x29: {  	s4 =	sld [smem:$0x3FA3]  }
0x2a: {  	p0 =	seq.s32 s5, $0x0;
	s5 =	sld [smem:$0x3FA4]  }
0x2b: {  	s6 =	sld [smem:$0x3FA5]  }
0x2c: {  	s7 =	sld [smem:$0x3FA6]  }
0x2d: {  	s3 =	simm.s32 $0x108;
	s8 =	sld [smem:$0x3FA7]  }
0x2e: {  	s3 =	simm.s32 @!p0 $0x1082;
	s9 =	sld [smem:$0x3FA8]  }
0x2f: {  	lr =	sadd.s32 s0, s3;
	s0 =	sld [smem:$0x3F9F]  }
0x30: {  	s3 =	sld [smem:$0x3FA2]  }
0x31: {  	[smem:$0x3FAB] =	sst s10  }
0x32: {  	s10 =	sld [smem:$0x3FA9];
	_ =	sdelay $0x3  }
0x33: {  	p0 =	seq.s32 s10, $0x1;
	s10 =	sld [smem:$0x3FAB];
	_ =	sdelay $0x3  }
0x34: {  	[smem:$0x3FAB] =	sst s10  }
0x35: {  	s10 =	sld [smem:$0x3FAA];
	_ =	sdelay $0x3  }
0x36: {  	p1 =	seq.s32 s10, $0x1;
	s10 =	sld [smem:$0x3FAB];
	_ =	sdelay $0x3  }
0x37: {  	[smem:$0x3FAB] =	sst s10  }
0x38: {  	s10 =	sld [smem:$0x3FAC]  }
0x39: {  	_ = 	snop;
	(pc) =	sbr.ind lr, $3  }
0x3a: {  	_ = 	snop  }
0x3b: {  	_ = 	snop  }
0x3c: {  	p2 =	seq.s32 s10, $0x1;
	s10 =	sld [smem:$0x3FAB]  }
0x3d: {  	_ =	shalt  }
0x3e: {  	_ =	shalt  }
0x3f: {  	_ =	shalt  }
0x40: {  	_ =	shalt  }
0x41: {  	_ =	shalt  }
0x42: {  	_ =	shalt  }
0x43: {  	_ =	shalt  }
0x44: {  	_ =	shalt  }
0x45: {  	_ =	shalt  }
0x46: {  	_ =	shalt  }
0x47: {  	_ =	shalt  }
0x48: {  	_ =	shalt  }
0x49: {  	_ =	shalt  }
0x4a: {  	_ =	shalt  }
0x4b: {  	_ =	shalt  }
0x4c: {  	_ =	shalt  }
0x4d: {  	_ =	shalt  }
0x4e: {  	_ =	shalt  }
0x4f: {  	_ =	shalt  }
0x50: {  	_ =	shalt  }
0x51: {  	_ =	shalt  }
0x52: {  	_ =	shalt  }
0x53: {  	_ =	shalt  }
0x54: {  	_ =	shalt  }
0x55: {  	_ =	shalt  }
0x56: {  	_ =	shalt  }
0x57: {  	_ =	shalt  }
0x58: {  	_ =	shalt  }
0x59: {  	_ =	shalt  }
0x5a: {  	_ =	shalt  }
0x5b: {  	_ =	shalt  }
0x5c: {  	_ =	shalt  }
0x5d: {  	_ =	shalt  }
0x5e: {  	_ =	shalt  }
0x5f: {  	_ =	shalt  }
0x60: {  	_ =	shalt  }
0x61: {  	_ =	shalt  }
0x62: {  	_ =	shalt  }
0x63: {  	_ =	shalt  }
0x64: {  	_ =	shalt  }
0x65: {  	_ =	shalt  }
0x66: {  	_ =	shalt  }
0x67: {  	_ =	shalt  }
0x68: {  	_ =	shalt  }
0x69: {  	_ =	shalt  }
0x6a: {  	_ =	shalt  }
0x6b: {  	_ =	shalt  }
0x6c: {  	_ =	shalt  }
0x6d: {  	_ =	shalt  }
0x6e: {  	_ =	shalt  }
0x6f: {  	_ =	shalt  }
0x70: {  	_ =	shalt  }
0x71: {  	_ =	shalt  }
0x72: {  	_ =	shalt  }
0x73: {  	_ =	shalt  }
0x74: {  	_ =	shalt  }
0x75: {  	_ =	shalt  }
0x76: {  	_ =	shalt  }
0x77: {  	_ =	shalt  }
0x78: {  	_ =	shalt  }
0x79: {  	_ =	shalt  }
0x7a: {  	_ =	shalt  }
0x7b: {  	_ =	shalt  }
0x7c: {  	_ =	shalt  }
0x7d: {  	_ =	shalt  }
0x7e: {  	_ =	shalt  }
0x7f: {  	_ =	shalt  }
0x80: {  	_ =	shalt  }
0x81: {  	_ =	shalt  }
0x82: {  	_ =	shalt  }
0x83: {  	_ =	shalt  }
0x84: {  	_ =	shalt  }
0x85: {  	_ =	shalt  }
0x86: {  	_ =	shalt  }
0x87: {  	_ =	shalt  }
.Lfunc_end0:
.L_simem_size_0:
called_computation.1_lowered:
.L_overlay_start_0:
0x88: {  	s2 =	sld [smem:$0x3FD9]  }
0x89: {  	s3 =	sld [smem:$0x3FFE];
	_ =	sdelay $0x1  }
0x8a: {  	s1 =	srdreg.scid  }
0x8b: {  	s0 =	sand.u32 $0x1, s1  }
0x8c: {  	s17 =	sshll.u32 s0, $0xA;
	s2 =	sadd.s32 s3, s2  }
0x8d: {  	s2 =	sadd.s32 s2, s17  }
0x8e: {  	[smem:$0x3FB7] =	sst s2  }
0x8f: {  	_ = 	snop  }
0x90: {  	(tm) =	ssettm $0x1  }
0x91: {  	s18 =	sld [smem:$0x3FFB];
	_ =	sdelay $0x3  }
0x92: {  	_ =	strace s18  }
0x93: {  	s2 =	sld [smem:$0x3FFC];
	_ =	sdelay $0x3  }
0x94: {  	_ =	strace s2  }
0x95: {  	s2 =	sld [smem:$0x3FFD];
	_ =	sdelay $0x3  }
0x96: {  	_ =	strace s2  }
0x97: {  	_ =	strace $0x8FFFFFFF  }
0x98: {  	s19 =	sld [smem:$0x3FDB];
	_ =	sdelay $0x1  }
0x99: {  	s20 =	simm.s32 $_scs_section_size  }
0x9a: {  	s4 =	simm.s32 $_size__tile_overlayer_lowered;
	s5 =	simm.s32 $_tile_overlayer_lowered  }
0x9b: {  	s6 =	simm.s32 $0x1BFF;
	s21 =	sshll.u32 s5, $0x1;
	s3 =	sadd.s32 s20, s19  }
0x9c: {  	s22 =	simm.s32 $0x0;
	s4 =	sshll.u32 s4, $0x1;
	s5 =	sadd.s32 s21, s3  }
0x9d: {  	[timem:s22], [sflag:s6] =	dma.local [hbm:s5], s4  }
0x9e: {  	_ =	swait.ge [sflag:s6], s4  }
0x9f: {  	s4 =	ssub.s32 $0x0, s4;
	[sflag:s6] =	ssyncset.done $0x0  }
0xa0: {  	[sflag:s6] =	ssyncadd.s32 s4;
	_ =	sdelay $0x1  }
0xa1: {  	s23 =	simm.s32 $0x1B8B  }
0xa2: {  	_ =	swait.ge [sflag:s23], $0x1  }
0xa3: {  	[sflag:s23] =	ssyncset.done $0x0  }
0xa4: {  	[sflag:s23] =	ssyncadd.s32 $0xFFFFFFFF  }
0xa5: {  	s4 =	sld [smem:$0x0]  }
0xa6: {  	s5 =	sand.u32 $0xFFFFFFFE, s1  }
0xa7: {  	p0 =	sne.s32 s1, s5  }
0xa8: {  	s5 =	sshll.u32 @p0 s5, $0xE  }
0xa9: {  	s5 =	sadd.s32 @p0 $0x11B8D, s5;
	s6 =	sshll.u32 @p0 s4, $0x11  }
0xaa: {  	s5 =	sor.u32 @p0 s6, s5  }
0xab: {  	[sflag:s5] =	ssyncadd.remote.s32 @p0 $0x1;
	_ =	sdelay $0x1  }
0xac: {  	s5 =	simm.s32 @p0 $0x1B8D  }
0xad: {  	_ =	swait.eq @p0 [sflag:s5], $0x1  }
0xae: {  	[sflag:s5] =	ssyncadd.s32 @p0 $0xFFFFFFFF  }
0xaf: {  	s6 =	sshll.u32 @!p0 s1, $0xE  }
0xb0: {  	s6 =	sor.u32 @!p0 $0x4000, s6;
	s5 =	simm.s32 @!p0 $0x1B8D  }
0xb1: {  	s4 =	sshll.u32 @!p0 s4, $0x11;
	s6 =	sadd.s32 @!p0 $0x11B8D, s6;
	_ =	swait.eq @!p0 [sflag:s5], $0x1  }
0xb2: {  	s4 =	sor.u32 @!p0 s4, s6;
	[sflag:s5] =	ssyncadd.s32 @!p0 $0xFFFFFFFF  }
0xb3: {  	s25 =	simm.s32 $0x1B8E;
	s24 =	sld [smem:$0x3FFE];
	[sflag:s4] =	ssyncadd.remote.s32 @!p0 $0x1  }
0xb4: {  	s26 =	simm.s32 $execute0_lowered;
	[smem:$0x3FD2] =	sst s25  }
0xb5: {  	s5 =	sshll.u32 s26, $0x1;
	_ =	strace $0x80000053;
	[dreg:$0x1] =	wrdreg $0xFFFFFFFF  }
0xb6: {  	s28 =	simm.s32 $_size_execute0_lowered;
	s3 =	sadd.s32 s3, s5;
	[dreg:$0x0] =	wrdreg $0x0  }
0xb7: {  	s5 =	sshll.u32 s28, $0x1;
	[dreg:$0x2] =	wrdreg s3  }
0xb8: {  	[dreg:$0x3] =	wrdreg s5  }
0xb9: {  	[dreg:$0x4] =	wrdreg $0xC0  }
0xba: {  	_ =	task [dreg:s22], $0x5FFFF  }
0xbb: {  	[dreg:$0x1] =	wrdreg $0xFFFFFFFF  }
0xbc: {  	[dreg:$0x0] =	wrdreg $0x60  }
0xbd: {  	[dreg:$0x2] =	wrdreg s24  }
0xbe: {  	[dreg:$0x3] =	wrdreg $0x0  }
0xbf: {  	[dreg:$0x4] =	wrdreg $0x9E000  }
0xc0: {  	[dreg:$0x5] =	wrdreg $0xA  }
0xc1: {  	_ =	task.clear_ibuf [dreg:s22], $0x6FFFF;
	_ =	strace $0x90000053  }
0xc2: {  	s29 =	simm.s32 $0xA;
	_ =	strace $0x8000005F  }
0xc3: {  	_ =	swait.ge [sflag:s29], $0x1  }
0xc4: {  	[sflag:s29] =	ssyncadd.s32 $0xFFFFFFFF  }
0xc5: {  	_ =	strace $0x9000005F  }
0xc6: {  	_ =	sfence  }
0xc7: {  	s30 =	sld [smem:$0x0];
	_ =	sdelay $0x2  }
0xc8: {  	s31 =	sshll.u32 s1, $0xD;
	s1 =	sshrl.u32 s1, $0x2  }
0xc9: {  	s4 =	sand.u32 $0x4000, s31;
	s1 =	sadd.s32 s1, s30  }
0xca: {  	s0 =	sor.u32 s4, s0;
	s1 =	sshll.u32 s1, $0x11  }
0xcb: {  	s0 =	sor.u32 s1, s0  }
0xcc: {  	s0 =	sadd.s32 $0x8F2B, s0  }
0xcd: {  	[sflag:s0] =	ssyncadd.remote.s32 $0x1  }
0xce: {  	_ =	sfence.sel $0xFFFF  }
0xcf: {  	[dreg:$0x0] =	wrdreg $0xFFFFFFFF;
	(pc) =	sbr.abs _section_cstart, $3  }
0xd0: {  	[dreg:$0x1] =	wrdreg $0xFFFFFFFF  }
0xd1: {  	_ =	task.clear_ibuf [dreg:s22], $0x2FFFF;
	_ =	strace $0x9FFFFFFF  }
0xd2: {  	(tm) =	ssettm $0x7FFFFFFF  }
0xd3: {  	_ =	shalt  }
tec
execute0_lowered:
.L_overlay_start_1:
0x0: {  	(tag) =	ssettag $0x1  }
0x1: {  	s0 =	rddreg [dreg:$0x0]  }
0x2: {  	s16 =	rddreg [dreg:$0x1]  }
0x3: {  	s11 =	rddreg [dreg:$0x2]  }
0x4: {  	s1 =	srdreg.scid;
	s6 =	stileid.u32  }
0x5: {  	s21 =	simm.s32 $0x0;
	s28 =	simm.s32 $0x40;
	s2 =	smul.u32 $0x2780, s6  }
0x6: {  	s1 =	sand.u32 $0x1, s1;
	s17 =	sadd.s32 $0x177800, s0;
	s5 =	smul.u32 $0x27800, s6  }
0x7: {  	[smem:$0x7FF] =	sst s21;
	s4 =	sadd.s32 $0x2B9E00, s0;
	s13 =	smul.u32 $0x13C00, s6  }
0x8: {  	s12 =	sadd.s32 $0x8A00, s0;
	s18 =	sadd.s32 $0x177808, s0;
	s3 =	smul.u32 $0x27800, s1  }
0x9: {  	_ =	strace $0x80000054;
	s7 =	sshll.u32 s1, $0x4;
	s8 =	ssub.s32 $0x2, s1  }
0xa: {  	s1 =	smul.u32 $0x9E000, s1;
	[dreg:$0x4] =	wrdreg s17;
	s7 =	sor.u32 s6, s7  }
0xb: {  	s9 =	sshrl.u32 s8, $0x1;
	s5 =	sshrl.u32 s5, $0x2;
	s11 =	sadd.s32 s2, s11  }
0xc: {  	s3 =	sadd.s32 s2, s3;
	s10 =	smul.u32 $0x27, s7;
	s8 =	ssub.s32 s8, s9  }
0xd: {  	s14 =	sadd.s32 s5, s16;
	s5 =	smul.u32 $0x28, s7;
	p0 =	slt.u32 s7, $0x2  }
0xe: {  	s9 =	simm.s32 $0x28;
	s1 =	sadd.s32 s13, s1;
	[dreg:$0x10] =	wrdreg s11  }
0xf: {  	s3 =	sshrl.u32 s3, $0x3;
	s9 =	simm.s32 @!p0 $0x27;
	s24 =	sadd.s32 $0xFFF62000, s1  }
0x10: {  	s1 =	sshrl.u32 s1, $0x3;
	s31 =	smax.u32 s8, $0x1;
	[dreg:$0xf] =	wrdreg s14  }
0x11: {  	s3 =	sadd.s32 s3, s0;
	s22 =	sadd.s32 $0x2, s10;
	s26 =	sadd.s32 $0xFFFFFFFF, s9  }
0x12: {  	s29 =	sshrl.u32 s24, $0x3;
	[dreg:$0x17] =	wrdreg s31;
	s22 =	smov.u32 @p0 s5  }
0x13: {  	[dreg:$0x5] =	wrdreg s26;
	p0 =	slt.u32 s6, $0x8;
	s30 =	sadd.s32 $0x2B0000, s3  }
0x14: {  	s10 =	sshll.u32 s22, $0xA;
	s19 =	sshll.u32 s22, $0x3;
	[dreg:$0x16] =	wrdreg s30  }
0x15: {  	s15 =	sadd.s32 s17, s10;
	s2 =	sadd.s32 s10, s18;
	s0 =	sadd.s32 s19, s12  }
0x16: {  	s20 =	sand.u32 $0x1FFFFFF8, s19;
	[dreg:$0x12] =	wrdreg s2;
	s0 =	sadd.s32 $0x2710, s0  }
0x17: {  	s2 =	sadd.s32 s12, s20;
	[dreg:$0x14] =	wrdreg s0;
	s0 =	sadd.s32 s29, s4  }
0x18: {  	[dreg:$0x13] =	wrdreg s2;
	s2 =	sadd.s32 $0x8, s0;
	s0 =	sadd.s32 s4, s1  }
0x19: {  	s23 =	smov.u32 s18;
	[dreg:$0x11] =	wrdreg s15;
	s2 =	smov.u32 @p0 s0  }
0x1a: {  	v0 =	vimm.f32 $1.000000000e+00;
	v1 =	vimm.f32 $0.0e+00;
	s25 =	smov.u32 s12;
	s7 =	simm.s32 $0x9;
	[dreg:$0x15] =	wrdreg s2  }
.LBB2_1:
0x1b: {  	s0 =	simm.s32 $0x0  }
.LBB2_2:
0x1c: {  	p0 =	sne.s32 s0, $0xFC0  }
.Ltmp0:
0x1d: {  	_ = 	snop;
	(pc) =	sbr.rel @p0 .LBB2_2-.Ltmp0, $3  }
0x1e: {  	_ =	sdelay $0x1  }
0x1f: {  	s1 =	sshra.s32 s0, $0x2  }
0x20: {  	s0 =	sadd.s32 $0x40, s0;
	[tilespmem:s1+$0xC580] =	vst v0  }
0x21: {  	s0 =	simm.s32 $0xC9A0  }
0x22: {  	[tilespmem:s0+$0x0] =	vst v1  }
0x23: {  	[tilespmem:s0+$0xFFFFFFE0] =	vst v1  }
0x24: {  	[tilespmem:s0+$0x10] =	vst v1  }
0x25: {  	s1 =	simm.s32 $0x40;
	s2 =	simm.s32 $0x0;
	[tilespmem:s0+$0xFFFFFFF0] =	vst v1  }
.LBB2_4:
0x26: {  	p0 =	sne.s32 s1, $0x9DC0  }
0x27: {  	[tilespmem:s2+$0x16780] =	vst v1;
	s0 =	sadd.s32 $0x40, s0;
	s2 =	smov.u32 s1;
	s1 =	sadd.s32 $0x40, s1  }
.Ltmp1:
0x28: {  	[tilespmem:s0+$0x0] =	vst v1;
	(pc) =	sbr.rel @p0 .LBB2_4-.Ltmp1, $4  }
0x29: {  	_ = 	snop  }
0x2a: {  	[tilespmem:s0+$0xFFFFFFE0] =	vst v1  }
0x2b: {  	[tilespmem:s0+$0x10] =	vst v1  }
0x2c: {  	s2 =	sshra.s32 s2, $0x2;
	[tilespmem:s0+$0xFFFFFFF0] =	vst v1  }
0x2d: {  	[tilespmem:s2+$0x16780] =	vst v1;
	s0 =	simm.s32 $0xC980;
	s6 =	simm.s32 $0x1  }
0x2e: {  	[spmem:s14] =	stream.linear.scatter [tilespmem:s0], [sflag:$0x1], $0x9E00, $0x38;
	[tilespmem:$0x1D000] =	vst v63  }
0x2f: {  	_ =	swait.ge [sflag:s6], $0x9E00  }
0x30: {  	[sflag:s6] =	ssyncset.done $0x0  }
0x31: {  	s12 =	simm.s32 $0x16780;
	[sflag:s6] =	ssyncadd.s32 $0xFFFF6200  }
0x32: {  	[spmem:s11] =	stream.linear.scatter [tilespmem:s12], [sflag:$0x1], $0x2780, $0x38;
	[tilespmem:$0x1D000] =	vst v63  }
0x33: {  	_ =	swait.ge [sflag:s6], $0x2780  }
0x34: {  	[sflag:s6] =	ssyncset.done $0x0  }
0x35: {  	[sflag:s6] =	ssyncadd.s32 $0xFFFFD880  }
0x36: {  	[bflag:$0x0] =	sbarrier.arrive $0xFFFF  }
0x37: {  	_ =	strace $0x80000055  }
0x38: {  	s1 =	simm.s32 $0x80;
	s15 =	simm.s32 $0x18F00;
	s13 =	rddreg [dreg:$0x11]  }
0x39: {  	[tilespmem:s15], [sflag:$0x1] =	stream.strided.gather [hbm4b:s13+s28], $0x1000, s1, s28, $0x200038;
	[tilespmem:$0x1D000] =	vst v63  }
0x3a: {  	s19 =	simm.s32 $0x1AF00;
	s18 =	rddreg [dreg:$0x12]  }
0x3b: {  	[tilespmem:s19], [sflag:$0x3] =	stream.strided.gather [hbm4b:s18+s28], $0x1000, s1, s28, $0x200038;
	[tilespmem:$0x1D000] =	vst v63  }
0x3c: {  	s30 =	simm.s32 $0x0;
	s24 =	simm.s32 $0x1CF00;
	s20 =	rddreg [dreg:$0x13]  }
0x3d: {  	[tilespmem:s24], [sflag:$0x5] =	stream.linear.gather [hbm4b:s20+s30], $0x40, $0x200038;
	[tilespmem:$0x1D000] =	vst v63  }
0x3e: {  	s29 =	simm.s32 $0x1CF80;
	p2 =	sne.s32 s9, $0x1;
	s26 =	rddreg [dreg:$0x14]  }
0x3f: {  	[tilespmem:s29], [sflag:$0x7] =	stream.linear.gather [hbm4b:s26+s30], $0x40, $0x200038;
	[tilespmem:$0x1D000] =	vst v63  }
.Ltmp2:
0x40: {  	_ = 	snop;
	(pc) =	sbr.rel @!p2 .LBB2_6-.Ltmp2, $4  }
0x41: {  	_ =	strace $0x90000055  }
0x42: {  	s31 =	rddreg [dreg:$0x5]  }
0x43: {  	p3 =	seq.s32 s9, $0x1;
	s10 =	simm.s32 $0x1;
	p0 =	sle.u32 s31, $0x0  }
0x44: {  	s10 =	simm.s32 @p3 $0x0;
	p1 =	por p0, p0;
	p0 =	por $0x0, $0x0  }
0x45: {  	[dreg:$0xe] =	wrdreg s21  }
0x46: {  	p2 =	seq.s32 @!p1 s10, $0x0;
	s1 =	sand.u32 $0x1, s30;
	s30 =	simm.s32 $0x1  }
0x47: {  	s20 =	simm.s32 $0x0;
	s21 =	simm.s32 $0x0;
	p3 =	sne.s32 s10, $0x0  }
0x48: {  	p0 =	por p2, p1;
	p2 =	por !p2, p1;
	s26 =	sadd.s32 $0x3, s1  }
0x49: {  	s29 =	sadd.s32 $0x5, s1;
	s2 =	sadd.s32 @!p0 s22, s10;
	s3 =	sand.u32 @!p0 $0x1, s6  }
0x4a: {  	s14 =	simm.s32 @!p0 $0x40;
	s15 =	simm.s32 @!p0 $0x80;
	_ =	strace @!p0 $0x80000056  }
0x4b: {  	s4 =	sshll.u32 @!p0 s2, $0xA;
	s5 =	sadd.s32 @!p0 $0x1, s3;
	s8 =	sshll.u32 @!p0 s3, $0xC  }
0x4c: {  	s11 =	sadd.s32 @!p0 $0x3, s3;
	s12 =	sshll.u32 @!p0 s2, $0x3;
	s4 =	sand.u32 @!p0 $0x1FFFFC00, s4  }
0x4d: {  	s2 =	sshll.u32 @!p0 s2, $0x6;
	s0 =	sor.u32 @!p0 $0x1AF00, s8;
	s12 =	sand.u32 @!p0 $0x1FFFFFF8, s12  }
0x4e: {  	s8 =	sor.u32 @!p0 $0x18F00, s8;
	s2 =	sadd.s32 @!p0 $0x13880, s2;
	s13 =	sadd.s32 @!p0 s4, s23  }
0x4f: {  	s12 =	sadd.s32 @!p0 s25, s12;
	s4 =	sadd.s32 @!p0 s17, s4;
	s2 =	sshrl.u32 @!p0 s2, $0x3  }
0x50: {  	[tilespmem:s8], [sflag:s5] =	stream.strided.gather @!p0 [hbm4b:s4+s14], $0x1000, s15, s14, $0x200038;
	[tilespmem:$0x1D000] =	vst v63  }
0x51: {  	s17 =	sadd.s32 $0x1, s1;
	s4 =	sshll.u32 @!p0 s3, $0x6;
	s5 =	sadd.s32 @!p0 $0x5, s3  }
0x52: {  	s2 =	sadd.s32 @!p0 s25, s2;
	s3 =	sadd.s32 @!p0 $0x7, s3;
	_ =	strace @!p0 $0x90000056  }
0x53: {  	s8 =	sor.u32 @!p0 $0x1CF00, s4;
	s4 =	sor.u32 @!p0 $0x1CF80, s4;
	_ =	strace @!p0 $0x80000057  }
0x54: {  	[tilespmem:s0], [sflag:s11] =	stream.strided.gather @!p0 [hbm4b:s13+s14], $0x1000, s15, s14, $0x200038;
	[tilespmem:$0x1D000] =	vst v63  }
0x55: {  	s0 =	simm.s32 @!p0 $0x0;
	s13 =	simm.s32 $0x1;
	_ =	strace @!p0 $0x90000057  }
0x56: {  	s14 =	simm.s32 $0x2;
	s15 =	sadd.s32 $0x1, s10;
	_ =	strace @!p0 $0x80000058  }
0x57: {  	[tilespmem:s8], [sflag:s5] =	stream.linear.gather @!p0 [hbm4b:s12+s0], $0x40, $0x200038;
	[tilespmem:$0x1D000] =	vst v63  }
0x58: {  	s11 =	simm.s32 $0x0;
	p4 =	seq.s32 s15, s9;
	_ =	strace @!p0 $0x90000058  }
0x59: {  	s15 =	simm.s32 @p4 $0x0;
	s8 =	simm.s32 $0x0;
	_ =	strace @!p0 $0x80000059  }
0x5a: {  	[tilespmem:s4], [sflag:s3] =	stream.linear.gather @!p0 [hbm4b:s2+s0], $0x40, $0x200038;
	[tilespmem:$0x1D000] =	vst v63  }
0x5b: {  	s5 =	simm.s32 @!p0 $0x2;
	s8 =	simm.s32 @p2 $0x1;
	_ =	strace @!p0 $0x90000059  }
0x5c: {  	s13 =	smov.u32 @p2 s5;
	p2 =	sne.s32 s9, $0x2;
	_ =	strace $0x8000005A  }
0x5d: {  	s5 =	sadd.s32 $0x7, s1;
	s1 =	simm.s32 $0x0;
	_ =	swait.ge [sflag:s17], $0x1000  }
0x5e: {  	s8 =	simm.s32 @p1 $0x0;
	s24 =	smov.u32 s13;
	[sflag:s17] =	ssyncset.done $0x0  }
0x5f: {  	s28 =	smov.u32 s13;
	s13 =	smov.u32 @p1 s6;
	[sflag:s17] =	ssyncadd.s32 $0xFFFFF000  }
0x60: {  	s24 =	smov.u32 @p1 s6;
	s19 =	rddreg [dreg:$0x5];
	_ =	strace $0x9000005A  }
0x61: {  	s18 =	sadd.s32 $0x1, s8;
	s3 =	sand.u32 $0x40, s20;
	_ =	strace $0x8000005B  }
0x62: {  	s28 =	smov.u32 @p1 s6;
	s2 =	sand.u32 $0x1000, s21;
	_ =	swait.ge [sflag:s26], $0x1000  }
0x63: {  	s20 =	simm.s32 $0x0;
	s0 =	simm.s32 $0x0;
	[sflag:s26] =	ssyncset.done $0x0  }
0x64: {  	s31 =	sor.u32 $0x1AF00, s2;
	s2 =	sor.u32 $0x18F00, s2;
	[sflag:s26] =	ssyncadd.s32 $0xFFFFF000  }
.Ltmp3:
0x65: {  	s8 =	sor.u32 $0x1CF00, s3;
	_ =	strace $0x9000005B;
	(pc) =	sbr.rel @!p2 .LBB2_8-.Ltmp3, $4  }
0x66: {  	p5 =	sle.u32 s19, $0x1;
	p6 =	seq.s32 s19, $0x0;
	_ =	strace $0x8000005C  }
0x67: {  	s17 =	sor.u32 $0x1CF80, s3;
	s19 =	simm.s32 $0x1;
	_ =	swait.ge [sflag:s29], $0x40  }
0x68: {  	p1 =	por p5, p5;
	p0 =	por p6, p3;
	[sflag:s29] =	ssyncset.done $0x0  }
0x69: {  	s19 =	simm.s32 @!p0 $0x0;
	p0 =	por $0x1, $0x1;
	[sflag:s29] =	ssyncadd.s32 $0xFFFFFFC0  }
.LBB2_9:
0x6a: {  	s3 =	smov.u32 s24;
	s6 =	smov.u32 s30  }
0x6b: {  	_ =	strace $0x9000005C;
	s12 =	smov.u32 s14;
	[dreg:$0x7] =	wrdreg s6  }
0x6c: {  	s11 =	sadd.s32 s19, s11;
	[dreg:$0x9] =	wrdreg s12;
	s6 =	smov.u32 s10  }
0x6d: {  	s26 =	sand.u32 $0x1, s11;
	[dreg:$0x6] =	wrdreg s6;
	p3 =	seq.s32 @!p1 s6, s15  }
0x6e: {  	s4 =	smov.u32 s13;
	[dreg:$0x8] =	wrdreg s26;
	p2 =	por p3, p1  }
0x6f: {  	s21 =	smov.u32 s28;
	_ =	strace $0x8000005D;
	s10 =	sand.u32 @!p2 $0x1, s28  }
0x70: {  	_ =	swait.ge [sflag:s5], $0x40;
	s6 =	sadd.s32 @!p2 s22, s15;
	s12 =	sadd.s32 @!p2 $0x1, s10  }
0x71: {  	[sflag:s5] =	ssyncset.done $0x0;
	[dreg:$0xa] =	wrdreg s12;
	s12 =	sshll.u32 @!p2 s6, $0xA  }
0x72: {  	[sflag:s5] =	ssyncadd.s32 $0xFFFFFFC0;
	s30 =	sand.u32 @!p2 $0x1FFFFC00, s12;
	s12 =	sand.u32 @!p2 $0x1, s13  }
0x73: {  	s20 =	sadd.s32 s19, s20;
	_ =	strace $0x9000005D;
	s5 =	sshll.u32 @!p2 s12, $0xC  }
0x74: {  	s0 =	sadd.s32 s19, s0;
	_ =	strace $0x8000005E;
	s5 =	sor.u32 @!p2 $0x1AF00, s5  }
0x75: {  	[dreg:$0xb] =	wrdreg s5;
	s5 =	sadd.s32 @!p2 $0x3, s12;
	s12 =	simm.s32 $0x40  }
0x76: {  	[spmem:s16] =	stream.indirect.scatter.add.f32 [tilespmem:s2], [sflag:$0x9], $0x40, s8, s12, $0x2000b8;
	[tilespmem:$0x1D000] =	vst v63  }
0x77: {  	s1 =	sadd.s32 s19, s1;
	[dreg:$0xc] =	wrdreg s5;
	s2 =	sshll.u32 @!p2 s6, $0x3  }
0x78: {  	s29 =	simm.s32 $0xC580;
	_ =	swait.ge [sflag:s7], $0x1000;
	s2 =	sand.u32 @!p2 $0x1FFFFFF8, s2  }
0x79: {  	s19 =	smov.u32 s9;
	[sflag:s7] =	ssyncset.done $0x0;
	s2 =	sadd.s32 @!p2 s25, s2  }
0x7a: {  	s26 =	smov.u32 s23;
	[dreg:$0xd] =	wrdreg s2;
	[sflag:s7] =	ssyncadd.s32 $0xFFFFF000  }
0x7b: {  	[spmem:s16] =	stream.indirect.scatter.add.f32 [tilespmem:s31], [sflag:$0x9], $0x40, s17, s12, $0x2000b8;
	[tilespmem:$0x1D000] =	vst v63  }
0x7c: {  	p3 =	por !p3, p1;
	s10 =	sshll.u32 @!p2 s10, $0xC;
	_ =	swait.ge [sflag:s7], $0x1000  }
0x7d: {  	s10 =	sor.u32 @!p2 $0x18F00, s10;
	s6 =	sshll.u32 @!p2 s6, $0x6;
	[sflag:s7] =	ssyncset.done $0x0  }
0x7e: {  	s5 =	sadd.s32 @!p2 s30, s23;
	s6 =	sadd.s32 @!p2 $0x13880, s6;
	[sflag:s7] =	ssyncadd.s32 $0xFFFFF000  }
0x7f: {  	s23 =	smov.u32 s25;
	s6 =	sshrl.u32 @!p2 s6, $0x3;
	s25 =	rddreg [dreg:$0x2]  }
0x80: {  	[spmem:s25] =	stream.indirect.scatter.add.f32 [tilespmem:s29], [sflag:$0x9], $0x10, s8, s12, $0x2000b8;
	[tilespmem:$0x1D000] =	vst v63  }
0x81: {  	s2 =	smov.u32 s22;
	s31 =	sand.u32 @!p2 $0x1, s24;
	_ =	swait.ge [sflag:s7], $0x400  }
0x82: {  	s6 =	sadd.s32 @!p2 s23, s6;
	s16 =	sshll.u32 @!p2 s31, $0x6;
	[sflag:s7] =	ssyncset.done $0x0  }
0x83: {  	s31 =	sadd.s32 @!p2 $0x5, s31;
	s8 =	sand.u32 @!p2 $0x1, s18;
	[sflag:s7] =	ssyncadd.s32 $0xFFFFFC00  }
0x84: {  	[spmem:s25] =	stream.indirect.scatter.add.f32 [tilespmem:s29], [sflag:$0x9], $0x10, s17, s12, $0x2000b8;
	[tilespmem:$0x1D000] =	vst v63  }
0x85: {  	s16 =	sor.u32 @!p2 $0x1CF00, s16;
	s22 =	sshll.u32 @!p2 s8, $0x6;
	_ =	swait.ge [sflag:s7], $0x400  }
0x86: {  	s17 =	sadd.s32 @!p2 $0x1, s24;
	s29 =	simm.s32 $0x0;
	[sflag:s7] =	ssyncset.done $0x0  }
0x87: {  	s12 =	smov.u32 s0;
	s0 =	simm.s32 @!p2 $0x80;
	[sflag:s7] =	ssyncadd.s32 $0xFFFFFC00  }
0x88: {  	s25 =	smov.u32 s23;
	s7 =	rddreg [dreg:$0x4];
	_ =	strace $0x9000005E  }
0x89: {  	s24 =	smov.u32 @p3 s17;
	s17 =	simm.s32 @!p2 $0x40;
	_ =	strace @!p2 $0x80000056  }
0x8a: {  	s24 =	smov.u32 @p1 s3;
	s30 =	sadd.s32 @!p2 s7, s30;
	s3 =	rddreg [dreg:$0xa]  }
0x8b: {  	[tilespmem:s10], [sflag:s3] =	stream.strided.gather @!p2 [hbm4b:s30+s17], $0x1000, s0, s17, $0x200038;
	[tilespmem:$0x1D000] =	vst v63  }
0x8c: {  	s23 =	smov.u32 s26;
	s30 =	rddreg [dreg:$0x9];
	_ =	strace @!p2 $0x90000056  }
0x8d: {  	s29 =	simm.s32 @p3 $0x1;
	s26 =	rddreg [dreg:$0x5];
	_ =	strace @!p2 $0x80000057  }
0x8e: {  	s8 =	sadd.s32 @!p2 $0x7, s8;
	s29 =	simm.s32 @p1 $0x0;
	s9 =	rddreg [dreg:$0xb]  }
0x8f: {  	s22 =	sor.u32 @!p2 $0x1CF80, s22;
	s18 =	sadd.s32 s18, s29;
	s10 =	rddreg [dreg:$0xc]  }
0x90: {  	[tilespmem:s9], [sflag:s10] =	stream.strided.gather @!p2 [hbm4b:s5+s17], $0x1000, s0, s17, $0x200038;
	[tilespmem:$0x1D000] =	vst v63  }
0x91: {  	s29 =	sshll.u32 s1, $0x6;
	s7 =	sadd.s32 @!p2 $0x1, s28;
	_ =	strace @!p2 $0x90000057  }
0x92: {  	s28 =	smov.u32 @p3 s7;
	s7 =	sand.u32 $0x40, s29;
	_ =	strace @!p2 $0x80000058  }
0x93: {  	s29 =	sand.u32 $0x1, s20;
	s5 =	simm.s32 @!p2 $0x0;
	s9 =	rddreg [dreg:$0xd]  }
0x94: {  	[tilespmem:s16], [sflag:s31] =	stream.linear.gather @!p2 [hbm4b:s9+s5], $0x40, $0x200038;
	[tilespmem:$0x1D000] =	vst v63  }
0x95: {  	s28 =	smov.u32 @p1 s21;
	s16 =	rddreg [dreg:$0x1];
	_ =	strace @!p2 $0x90000058  }
0x96: {  	s3 =	sand.u32 $0x1, s12;
	p4 =	sge.u32 s14, s26;
	_ =	strace @!p2 $0x80000059  }
0x97: {  	[tilespmem:s22], [sflag:s8] =	stream.linear.gather @!p2 [hbm4b:s6+s5], $0x40, $0x200038;
	[tilespmem:$0x1D000] =	vst v63  }
0x98: {  	s14 =	sadd.s32 $0x1, s14;
	s0 =	sadd.s32 @!p2 $0x1, s13;
	_ =	strace @!p2 $0x90000059  }
0x99: {  	s10 =	sshll.u32 s11, $0xC;
	s13 =	smov.u32 @p3 s0;
	_ =	strace $0x8000005A  }
0x9a: {  	s17 =	sshll.u32 s20, $0xC;
	s13 =	smov.u32 @p1 s4;
	s21 =	rddreg [dreg:$0x8]  }
0x9b: {  	s4 =	sand.u32 $0x1000, s17;
	p1 =	por p4, p4;
	s5 =	sadd.s32 $0x1, s21  }
0x9c: {  	s9 =	sshll.u32 s12, $0x6;
	s31 =	sor.u32 $0x1AF00, s4;
	_ =	swait.ge [sflag:s5], $0x1000  }
0x9d: {  	s0 =	sand.u32 $0x40, s9;
	s9 =	smov.u32 s19;
	[sflag:s5] =	ssyncset.done $0x0  }
0x9e: {  	s22 =	smov.u32 s2;
	s2 =	sand.u32 $0x1000, s10;
	[sflag:s5] =	ssyncadd.s32 $0xFFFFF000  }
0x9f: {  	s8 =	sadd.s32 $0x3, s29;
	s10 =	smov.u32 s15;
	_ =	strace $0x9000005A  }
0xa0: {  	p2 =	sne.s32 s19, s14;
	s21 =	sand.u32 $0x1, s1;
	_ =	strace $0x8000005B  }
0xa1: {  	s2 =	sor.u32 $0x18F00, s2;
	s6 =	sadd.s32 $0x5, s21;
	_ =	swait.ge [sflag:s8], $0x1000  }
0xa2: {  	s5 =	sadd.s32 $0x7, s3;
	s17 =	rddreg [dreg:$0x7];
	[sflag:s8] =	ssyncset.done $0x0  }
0xa3: {  	p4 =	seq.s32 s26, s17;
	[sflag:s8] =	ssyncadd.s32 $0xFFFFF000;
	s17 =	sor.u32 $0x1CF80, s0  }
0xa4: {  	s8 =	sor.u32 $0x1CF00, s7;
	s7 =	simm.s32 $0x9;
	_ =	strace $0x9000005B  }
.Ltmp4:
0xa5: {  	s26 =	sadd.s32 $0x1, s15;
	_ =	strace $0x8000005C;
	(pc) =	sbr.rel @p2 .LBB2_9-.Ltmp4, $4  }
0xa6: {  	s0 =	smov.u32 s12;
	p5 =	seq.s32 s26, s19;
	s29 =	rddreg [dreg:$0x6]  }
0xa7: {  	s19 =	simm.s32 $0x1;
	_ =	swait.ge [sflag:s6], $0x40;
	p6 =	sne.s32 s29, s15  }
0xa8: {  	[sflag:s6] =	ssyncset.done $0x0;
	s15 =	smov.u32 s26;
	p3 =	por p4, p6  }
0xa9: {  	s15 =	simm.s32 @p5 $0x0;
	[sflag:s6] =	ssyncadd.s32 $0xFFFFFFC0;
	s19 =	simm.s32 @!p3 $0x0  }
0xaa: {  	s21 =	rddreg [dreg:$0xe]  }
0xab: {  	s0 =	smov.u32 s10;
	s10 =	smov.u32 s15;
	s15 =	rddreg [dreg:$0x4]  }
0xac: {  	s6 =	smov.u32 s28;
	s14 =	rddreg [dreg:$0xf]  }
0xad: {  	s29 =	rddreg [dreg:$0x10];
	s28 =	simm.s32 $0x40;
	s30 =	simm.s32 $0x0  }
.LBB2_11:
0xae: {  	_ =	strace @p0 $0x9000005C  }
0xaf: {  	_ =	strace @p0 $0x8000005D  }
0xb0: {  	_ =	swait.ge @p0 [sflag:s5], $0x40  }
0xb1: {  	[sflag:s5] =	ssyncset.done @p0 $0x0  }
0xb2: {  	[sflag:s5] =	ssyncadd.s32 @p0 $0xFFFFFFC0  }
0xb3: {  	_ =	strace @p0 $0x9000005D  }
0xb4: {  	_ =	strace @p0 $0x8000005E  }
0xb5: {  	[spmem:s16] =	stream.indirect.scatter.add.f32 @p0 [tilespmem:s2], [sflag:$0x9], $0x40, s8, s28, $0x2000b8;
	[tilespmem:$0x1D000] =	vst v63  }
0xb6: {  	_ =	swait.ge @p0 [sflag:s7], $0x1000  }
0xb7: {  	[sflag:s7] =	ssyncset.done @p0 $0x0  }
0xb8: {  	[sflag:s7] =	ssyncadd.s32 @p0 $0xFFFFF000  }
0xb9: {  	[spmem:s16] =	stream.indirect.scatter.add.f32 @p0 [tilespmem:s31], [sflag:$0x9], $0x40, s17, s28, $0x2000b8;
	[tilespmem:$0x1D000] =	vst v63  }
0xba: {  	_ =	swait.ge @p0 [sflag:s7], $0x1000  }
0xbb: {  	[sflag:s7] =	ssyncset.done @p0 $0x0  }
0xbc: {  	[sflag:s7] =	ssyncadd.s32 @p0 $0xFFFFF000  }
0xbd: {  	s2 =	simm.s32 $0xC580;
	s26 =	rddreg [dreg:$0x2]  }
0xbe: {  	[spmem:s26] =	stream.indirect.scatter.add.f32 @p0 [tilespmem:s2], [sflag:$0x9], $0x10, s8, s28, $0x2000b8;
	[tilespmem:$0x1D000] =	vst v63  }
0xbf: {  	p2 =	seq.s32 @!p1 s0, s10;
	_ =	swait.ge @p0 [sflag:s7], $0x400  }
0xc0: {  	p1 =	por p2, p1;
	[sflag:s7] =	ssyncset.done @p0 $0x0  }
0xc1: {  	s0 =	sadd.s32 @!p1 s22, s10;
	s8 =	simm.s32 $0xC580;
	[sflag:s7] =	ssyncadd.s32 @p0 $0xFFFFFC00  }
0xc2: {  	[spmem:s26] =	stream.indirect.scatter.add.f32 @p0 [tilespmem:s8], [sflag:$0x9], $0x10, s17, s28, $0x2000b8;
	[tilespmem:$0x1D000] =	vst v63  }
0xc3: {  	s4 =	sshll.u32 @!p1 s0, $0xA;
	_ =	swait.ge @p0 [sflag:s7], $0x400  }
0xc4: {  	s4 =	sand.u32 @!p1 $0x1FFFFC00, s4;
	s5 =	simm.s32 @!p1 $0x40;
	[sflag:s7] =	ssyncset.done @p0 $0x0  }
0xc5: {  	s2 =	sand.u32 @!p1 $0x1, s6;
	s6 =	simm.s32 @!p1 $0x80;
	[sflag:s7] =	ssyncadd.s32 @p0 $0xFFFFFC00  }
0xc6: {  	s3 =	sadd.s32 @!p1 $0x1, s2;
	s2 =	sshll.u32 @!p1 s2, $0xC;
	_ =	strace @p0 $0x9000005E  }
0xc7: {  	s2 =	sor.u32 @!p1 $0x18F00, s2;
	s7 =	sadd.s32 @!p1 s15, s4;
	_ =	strace @!p1 $0x80000056  }
0xc8: {  	[tilespmem:s2], [sflag:s3] =	stream.strided.gather @!p1 [hbm4b:s7+s5], $0x1000, s6, s5, $0x200038;
	[tilespmem:$0x1D000] =	vst v63  }
0xc9: {  	s2 =	sand.u32 @!p1 $0x1, s13  }
0xca: {  	s4 =	sadd.s32 @!p1 s4, s23;
	s3 =	sshll.u32 @!p1 s2, $0xC;
	_ =	strace @!p1 $0x90000056  }
0xcb: {  	s2 =	sadd.s32 @!p1 $0x3, s2;
	s3 =	sor.u32 @!p1 $0x1AF00, s3;
	_ =	strace @!p1 $0x80000057  }
0xcc: {  	[tilespmem:s3], [sflag:s2] =	stream.strided.gather @!p1 [hbm4b:s4+s5], $0x1000, s6, s5, $0x200038;
	[tilespmem:$0x1D000] =	vst v63  }
0xcd: {  	s2 =	sshll.u32 @!p1 s0, $0x3;
	s3 =	sand.u32 @!p1 $0x1, s24;
	s5 =	simm.s32 @!p1 $0x0  }
0xce: {  	s0 =	sshll.u32 @!p1 s0, $0x6;
	s2 =	sand.u32 @!p1 $0x1FFFFFF8, s2;
	s4 =	sshll.u32 @!p1 s3, $0x6  }
0xcf: {  	s3 =	sadd.s32 @!p1 $0x5, s3;
	_ =	strace @!p1 $0x90000057;
	s0 =	sadd.s32 @!p1 $0x13880, s0  }
0xd0: {  	s2 =	sadd.s32 @!p1 s25, s2;
	s4 =	sor.u32 @!p1 $0x1CF00, s4;
	_ =	strace @!p1 $0x80000058  }
0xd1: {  	[tilespmem:s4], [sflag:s3] =	stream.linear.gather @!p1 [hbm4b:s2+s5], $0x40, $0x200038;
	[tilespmem:$0x1D000] =	vst v63  }
0xd2: {  	s0 =	sshrl.u32 @!p1 s0, $0x3;
	s2 =	sand.u32 @!p1 $0x1, s18  }
0xd3: {  	s0 =	sadd.s32 @!p1 s25, s0;
	s3 =	sshll.u32 @!p1 s2, $0x6;
	_ =	strace @!p1 $0x90000058  }
0xd4: {  	s2 =	sadd.s32 @!p1 $0x7, s2;
	s3 =	sor.u32 @!p1 $0x1CF80, s3;
	_ =	strace @!p1 $0x80000059  }
0xd5: {  	[tilespmem:s3], [sflag:s2] =	stream.linear.gather @!p1 [hbm4b:s0+s5], $0x40, $0x200038;
	[tilespmem:$0x1D000] =	vst v63  }
0xd6: {  	s0 =	sadd.s32 @p0 s19, s11;
	s2 =	simm.s32 $0x0  }
0xd7: {  	s2 =	smov.u32 @p0 s0  }
0xd8: {  	_ =	strace @!p1 $0x90000059;
	s0 =	sand.u32 $0x1, s2  }
0xd9: {  	_ =	strace $0x8000005A;
	s0 =	sadd.s32 $0x1, s0  }
0xda: {  	_ =	swait.ge [sflag:s0], $0x1000  }
0xdb: {  	s3 =	sadd.s32 @p0 s19, s20;
	[sflag:s0] =	ssyncset.done $0x0  }
0xdc: {  	s30 =	smov.u32 @p0 s3;
	[sflag:s0] =	ssyncadd.s32 $0xFFFFF000  }
0xdd: {  	s3 =	sand.u32 $0x1, s30;
	_ =	strace $0x9000005A  }
0xde: {  	s0 =	sadd.s32 $0x3, s3;
	_ =	strace $0x8000005B  }
0xdf: {  	_ =	swait.ge [sflag:s0], $0x1000  }
0xe0: {  	s1 =	sadd.s32 @p0 s19, s1;
	s3 =	simm.s32 $0x0;
	[sflag:s0] =	ssyncset.done $0x0  }
0xe1: {  	s3 =	smov.u32 @p0 s1;
	[sflag:s0] =	ssyncadd.s32 $0xFFFFF000  }
0xe2: {  	s4 =	sand.u32 $0x1, s3;
	_ =	strace $0x9000005B  }
0xe3: {  	s0 =	sadd.s32 $0x5, s4;
	_ =	strace $0x8000005C  }
0xe4: {  	_ =	swait.ge [sflag:s0], $0x40  }
0xe5: {  	s1 =	sadd.s32 @p0 s19, s12;
	s4 =	simm.s32 $0x0;
	[sflag:s0] =	ssyncset.done $0x0  }
0xe6: {  	s4 =	smov.u32 @p0 s1;
	[sflag:s0] =	ssyncadd.s32 $0xFFFFFFC0  }
0xe7: {  	s5 =	sand.u32 $0x1, s4;
	_ =	strace $0x9000005C  }
0xe8: {  	s0 =	sadd.s32 $0x7, s5;
	_ =	strace $0x8000005D  }
0xe9: {  	_ =	swait.ge [sflag:s0], $0x40  }
0xea: {  	s7 =	simm.s32 $0x9;
	[sflag:s0] =	ssyncset.done $0x0  }
0xeb: {  	s10 =	sshll.u32 s2, $0xC;
	s6 =	sshll.u32 s3, $0x6;
	[sflag:s0] =	ssyncadd.s32 $0xFFFFFFC0  }
0xec: {  	s1 =	sand.u32 $0x1000, s10;
	s0 =	sand.u32 $0x40, s6;
	_ =	strace $0x9000005D  }
0xed: {  	s1 =	sor.u32 $0x18F00, s1;
	s0 =	sor.u32 $0x1CF00, s0;
	_ =	strace $0x8000005E  }
0xee: {  	[spmem:s16] =	stream.indirect.scatter.add.f32 [tilespmem:s1], [sflag:$0x9], $0x40, s0, s28, $0x2000b8;
	[tilespmem:$0x1D000] =	vst v63  }
0xef: {  	s12 =	sshll.u32 s30, $0xC;
	s11 =	sshll.u32 s4, $0x6;
	_ =	swait.ge [sflag:s7], $0x1000  }
0xf0: {  	s2 =	sand.u32 $0x1000, s12;
	s1 =	sand.u32 $0x40, s11;
	[sflag:s7] =	ssyncset.done $0x0  }
0xf1: {  	s2 =	sor.u32 $0x1AF00, s2;
	s1 =	sor.u32 $0x1CF80, s1;
	[sflag:s7] =	ssyncadd.s32 $0xFFFFF000  }
0xf2: {  	[spmem:s16] =	stream.indirect.scatter.add.f32 [tilespmem:s2], [sflag:$0x9], $0x40, s1, s28, $0x2000b8;
	[tilespmem:$0x1D000] =	vst v63  }
0xf3: {  	_ =	swait.ge [sflag:s7], $0x1000  }
0xf4: {  	[sflag:s7] =	ssyncset.done $0x0  }
0xf5: {  	[sflag:s7] =	ssyncadd.s32 $0xFFFFF000  }
0xf6: {  	[spmem:s26] =	stream.indirect.scatter.add.f32 [tilespmem:s8], [sflag:$0x9], $0x10, s0, s28, $0x2000b8;
	[tilespmem:$0x1D000] =	vst v63  }
0xf7: {  	_ =	swait.ge [sflag:s7], $0x400  }
0xf8: {  	[sflag:s7] =	ssyncset.done $0x0  }
0xf9: {  	[sflag:s7] =	ssyncadd.s32 $0xFFFFFC00  }
0xfa: {  	[spmem:s26] =	stream.indirect.scatter.add.f32 [tilespmem:s8], [sflag:$0x9], $0x10, s1, s28, $0x2000b8;
	[tilespmem:$0x1D000] =	vst v63  }
0xfb: {  	_ =	swait.ge [sflag:s7], $0x400  }
0xfc: {  	[sflag:s7] =	ssyncset.done $0x0  }
0xfd: {  	s17 =	sshrl.u32 s14, $0x3;
	[sflag:s7] =	ssyncadd.s32 $0xFFFFFC00  }
0xfe: {  	s13 =	stileid.u32;
	s24 =	simm.s32 $0x8;
	_ =	strace $0x9000005E  }
0xff: {  	s20 =	simm.s32 $0x10;
	s0 =	sshll.u32 s13, $0x6;
	[bflag:$0x0] =	sbarrier.arrive $0xFFFF  }
0x100: {  	s19 =	simm.s32 $0x1;
	s0 =	sor.u32 $0x1C01, s0;
	s18 =	rddreg [dreg:$0x15]  }
0x101: {  	[hbm:s18@s20], [sflag:s0] =	dma.strided [spmem:s17@s24], $0x13C0, s19, $0x8   }
0x102: {  	_ =	swait.ge [sflag:s19], $0x13C0  }
0x103: {  	[sflag:s19] =	ssyncset.done $0x0  }
0x104: {  	s26 =	sshrl.u32 s29, $0x3;
	s30 =	rddreg [dreg:$0x16];
	[sflag:s19] =	ssyncadd.s32 $0xFFFFEC40  }
0x105: {  	[hbm:s30], [sflag:s0] =	dma.local [spmem:s26], $0x4F0  }
0x106: {  	_ =	swait.ge [sflag:s19], $0x4F0  }
0x107: {  	s21 =	sadd.s32 $0x1, s21;
	s31 =	rddreg [dreg:$0x17]  }
0x108: {  	p0 =	sne.s32 s21, s31  }
.Ltmp5:
0x109: {  	_ = 	snop;
	(pc) =	sbr.rel @p0 .LBB2_1-.Ltmp5, $4  }
.Ltmp6:
0x10a: {  	_ = 	snop;
	(pc) =	sbr.rel @!p0 .LBB2_12-.Ltmp6, $4  }
0x10b: {  	_ = 	snop  }
0x10c: {  	[sflag:s19] =	ssyncset.done $0x0  }
0x10d: {  	s11 =	smov.u32 s29;
	s17 =	smov.u32 s15;
	[sflag:s19] =	ssyncadd.s32 $0xFFFFFB10  }
0x10e: {  	_ = 	snop  }
.LBB2_6:
.Ltmp7:
0x10f: {  	(pc) =	sbr.rel .LBB2_11-.Ltmp7, $4  }
0x110: {  	s29 =	smov.u32 s11  }
0x111: {  	s11 =	simm.s32 $0x0;
	s20 =	simm.s32 $0x0;
	s0 =	simm.s32 $0x0  }
0x112: {  	s13 =	simm.s32 $0x1;
	s12 =	simm.s32 $0x0;
	s1 =	simm.s32 $0x0  }
0x113: {  	s15 =	smov.u32 s17;
	s24 =	simm.s32 $0x1;
	s18 =	simm.s32 $0x1  }
.LBB2_8:
.Ltmp8:
0x114: {  	s11 =	simm.s32 $0x0;
	(pc) =	sbr.rel .LBB2_11-.Ltmp8, $4  }
0x115: {  	s0 =	smov.u32 s10;
	s20 =	simm.s32 $0x0;
	s21 =	rddreg [dreg:$0xe]  }
0x116: {  	s10 =	smov.u32 s15;
	s6 =	smov.u32 s28;
	s15 =	rddreg [dreg:$0x4]  }
0x117: {  	s12 =	simm.s32 $0x0;
	s1 =	simm.s32 $0x0;
	s14 =	rddreg [dreg:$0xf]  }
0x118: {  	s29 =	rddreg [dreg:$0x10];
	s28 =	simm.s32 $0x40;
	s30 =	simm.s32 $0x0  }
.LBB2_12:
0x119: {  	_ =	sfence.sel $0x180000  }
0x11a: {  	[bflag:$0x0] =	sbarrier.arrive $0xFFFF  }
0x11b: {  	_ =	strace $0x90000054  }
0x11c: {  	s0 =	stileid.u32;
	[bflag:$0x2] =	sbarrier.arrive $0xFFFF  }
0x11d: {  	p0 =	sne.s32 s0, $0x0;
	s0 =	rddreg [dreg:$0x3]  }
0x11e: {  	s0 =	sadd.s32 @!p0 $0x100000, s0  }
0x11f: {  	[sflag:s0] =	ssyncadd.tile.s32 @!p0 $0x1;
	_ =	shalt  }
.Lfunc_end2:
_tile_overlayer_lowered:
.L_overlay_start_2:
0x120: {  	(tag) =	ssettag $0x2  }
0x121: {  	s0 =	rddreg [dreg:$0x0];
	s2 =	stileid.u32  }
0x122: {  	s1 =	rddreg [dreg:$0x1];
	p0 =	sne.s32 s2, $0x0  }
0x123: {  	s3 =	rddreg [dreg:$0x2];
	[bflag:$0x3] =	sbarrier.arrive $0xFFFF;
	s2 =	simm.s32 @!p0 $0x1C01  }
0x124: {  	[timem:s3], [sflag:s2] =	dma.local @!p0 [hbm:s0], s1  }
0x125: {  	s0 =	simm.s32 @!p0 $0x1  }
0x126: {  	_ =	swait.ge @!p0 [sflag:s0], s1  }
0x127: {  	s1 =	ssub.s32 @!p0 $0x0, s1;
	[sflag:s0] =	ssyncset.done @!p0 $0x0  }
0x128: {  	[sflag:s0] =	ssyncadd.s32 @!p0 s1  }
0x129: {  	[bflag:$0x3] =	sbarrier.arrive $0xFFFF  }
0x12a: {  	_ =	shalt  }

// kernel: kernel.15.cloned.1.call-start
scs
__scs_entry_jumppad:
0x0: {  	(pc) =	sbr.rel $0x88, $3  }
0x1: {  	(tag) =	ssettag $0x0;
	lr =	simm.s32 $0x1  }
0x2: {  	[smem:$0x3F90] =	sst lr;
	_ =	strace $0xD0000000  }
0x3: {  	_ = 	snop  }
0x4: {  	_ = 	snop  }
0x5: {  	_ = 	snop  }
0x6: {  	_ = 	snop  }
0x7: {  	_ = 	snop  }
__scs_overlays_trampoline_lowered:
0x8: {  	[smem:$0x3F9F] =	sst s0  }
0x9: {  	[smem:$0x3FA0] =	sst s1  }
0xa: {  	[smem:$0x3FA1] =	sst s2  }
0xb: {  	[smem:$0x3FA2] =	sst s3  }
0xc: {  	[smem:$0x3FA3] =	sst s4  }
0xd: {  	[smem:$0x3FA4] =	sst s5  }
0xe: {  	[smem:$0x3FA5] =	sst s6  }
0xf: {  	[smem:$0x3FA6] =	sst s7  }
0x10: {  	[smem:$0x3FA7] =	sst s8  }
0x11: {  	[smem:$0x3FA8] =	sst s9;
	s0 =	simm.s32 @!p0 $0x0  }
0x12: {  	s1 =	sld [smem:$0x3F8E];
	s0 =	simm.s32 @p0 $0x1  }
0x13: {  	[smem:$0x3FA9] =	sst s0;
	s0 =	simm.s32 @!p1 $0x0  }
0x14: {  	s2 =	sld [smem:$0x3F8D];
	s0 =	simm.s32 @p1 $0x1  }
0x15: {  	[smem:$0x3FAA] =	sst s0;
	s0 =	simm.s32 @!p2 $0x0  }
0x16: {  	s3 =	sld [smem:$0x3FDB];
	s0 =	simm.s32 @p2 $0x1  }
0x17: {  	s4 =	simm.s32 $0x1BF5;
	[smem:$0x3FAC] =	sst s0  }
0x18: {  	s0 =	sld [smem:$0x3F8F];
	_ =	swait.ge [sflag:s4], $0x0  }
0x19: {  	s7 =	sld [smem:$0x3F90]  }
0x1a: {  	s8 =	sadd.s32 $0xFFFFE003, lr  }
0x1b: {  	s9 =	sadd.s32 $0xFFFFFEF7, lr;
	s5 =	simm.s32 $0xFFFFFFFF;
	p2 =	slt.u32 s8, $0xFFFFF086  }
0x1c: {  	p1 =	slt.u32 s9, $0xF7A;
	s5 =	simm.s32 @!p2 $0x0  }
0x1d: {  	s5 =	simm.s32 @p1 $0x1;
	p0 =	seq.s32 s7, s2  }
0x1e: {  	s7 =	smul.u32 @!p0 $0xF7A, s2;
	p2 =	seq.s32 @!p0 s5, $0x0  }
0x1f: {  	s9 =	smul.u32 $0xF7A, s1;
	s8 =	simm.s32 @!p0 $0x1BF5;
	p2 =	por !p2, p0  }
0x20: {  	[sflag:s8] =	ssyncset.s32 @!p0 $0xFFFFF086;
	s6 =	sadd.s32 @!p0 s3, s7;
	s7 =	simm.s32 @!p0 $0x108  }
0x21: {  	s3 =	sadd.s32 s3, s9;
	s6 =	sadd.s32 @!p0 $0x88, s6;
	s7 =	simm.s32 @p2 $0x1082  }
0x22: {  	[simem:s7], [sflag:s8] =	dma.local @!p0 [hbm:s6], $0xF7A  }
0x23: {  	s9 =	sor.u32 $0xD0000000, s2;
	s6 =	simm.s32 $0x108;
	_ =	swait.ge @!p0 [sflag:s8], $0x0  }
0x24: {  	s3 =	sadd.s32 $0x88, s3;
	s6 =	simm.s32 @!p1 $0x1082;
	[sflag:s4] =	ssyncset.s32 $0xFFFFF086  }
0x25: {  	[simem:s6], [sflag:s4] =	dma.local [hbm:s3], $0xF7A  }
0x26: {  	[smem:$0x3F90] =	sst s1;
	(tag) =	ssettag s2;
	_ =	strace s9  }
0x27: {  	s1 =	sld [smem:$0x3FA0]  }
0x28: {  	s2 =	sld [smem:$0x3FA1]  }
0x29: {  	s4 =	sld [smem:$0x3FA3]  }
0x2a: {  	p0 =	seq.s32 s5, $0x0;
	s5 =	sld [smem:$0x3FA4]  }
0x2b: {  	s6 =	sld [smem:$0x3FA5]  }
0x2c: {  	s7 =	sld [smem:$0x3FA6]  }
0x2d: {  	s3 =	simm.s32 $0x108;
	s8 =	sld [smem:$0x3FA7]  }
0x2e: {  	s3 =	simm.s32 @!p0 $0x1082;
	s9 =	sld [smem:$0x3FA8]  }
0x2f: {  	lr =	sadd.s32 s0, s3;
	s0 =	sld [smem:$0x3F9F]  }
0x30: {  	s3 =	sld [smem:$0x3FA2]  }
0x31: {  	[smem:$0x3FAB] =	sst s10  }
0x32: {  	s10 =	sld [smem:$0x3FA9];
	_ =	sdelay $0x3  }
0x33: {  	p0 =	seq.s32 s10, $0x1;
	s10 =	sld [smem:$0x3FAB];
	_ =	sdelay $0x3  }
0x34: {  	[smem:$0x3FAB] =	sst s10  }
0x35: {  	s10 =	sld [smem:$0x3FAA];
	_ =	sdelay $0x3  }
0x36: {  	p1 =	seq.s32 s10, $0x1;
	s10 =	sld [smem:$0x3FAB];
	_ =	sdelay $0x3  }
0x37: {  	[smem:$0x3FAB] =	sst s10  }
0x38: {  	s10 =	sld [smem:$0x3FAC]  }
0x39: {  	_ = 	snop;
	(pc) =	sbr.ind lr, $3  }
0x3a: {  	_ = 	snop  }
0x3b: {  	_ = 	snop  }
0x3c: {  	p2 =	seq.s32 s10, $0x1;
	s10 =	sld [smem:$0x3FAB]  }
0x3d: {  	_ =	shalt  }
0x3e: {  	_ =	shalt  }
0x3f: {  	_ =	shalt  }
0x40: {  	_ =	shalt  }
0x41: {  	_ =	shalt  }
0x42: {  	_ =	shalt  }
0x43: {  	_ =	shalt  }
0x44: {  	_ =	shalt  }
0x45: {  	_ =	shalt  }
0x46: {  	_ =	shalt  }
0x47: {  	_ =	shalt  }
0x48: {  	_ =	shalt  }
0x49: {  	_ =	shalt  }
0x4a: {  	_ =	shalt  }
0x4b: {  	_ =	shalt  }
0x4c: {  	_ =	shalt  }
0x4d: {  	_ =	shalt  }
0x4e: {  	_ =	shalt  }
0x4f: {  	_ =	shalt  }
0x50: {  	_ =	shalt  }
0x51: {  	_ =	shalt  }
0x52: {  	_ =	shalt  }
0x53: {  	_ =	shalt  }
0x54: {  	_ =	shalt  }
0x55: {  	_ =	shalt  }
0x56: {  	_ =	shalt  }
0x57: {  	_ =	shalt  }
0x58: {  	_ =	shalt  }
0x59: {  	_ =	shalt  }
0x5a: {  	_ =	shalt  }
0x5b: {  	_ =	shalt  }
0x5c: {  	_ =	shalt  }
0x5d: {  	_ =	shalt  }
0x5e: {  	_ =	shalt  }
0x5f: {  	_ =	shalt  }
0x60: {  	_ =	shalt  }
0x61: {  	_ =	shalt  }
0x62: {  	_ =	shalt  }
0x63: {  	_ =	shalt  }
0x64: {  	_ =	shalt  }
0x65: {  	_ =	shalt  }
0x66: {  	_ =	shalt  }
0x67: {  	_ =	shalt  }
0x68: {  	_ =	shalt  }
0x69: {  	_ =	shalt  }
0x6a: {  	_ =	shalt  }
0x6b: {  	_ =	shalt  }
0x6c: {  	_ =	shalt  }
0x6d: {  	_ =	shalt  }
0x6e: {  	_ =	shalt  }
0x6f: {  	_ =	shalt  }
0x70: {  	_ =	shalt  }
0x71: {  	_ =	shalt  }
0x72: {  	_ =	shalt  }
0x73: {  	_ =	shalt  }
0x74: {  	_ =	shalt  }
0x75: {  	_ =	shalt  }
0x76: {  	_ =	shalt  }
0x77: {  	_ =	shalt  }
0x78: {  	_ =	shalt  }
0x79: {  	_ =	shalt  }
0x7a: {  	_ =	shalt  }
0x7b: {  	_ =	shalt  }
0x7c: {  	_ =	shalt  }
0x7d: {  	_ =	shalt  }
0x7e: {  	_ =	shalt  }
0x7f: {  	_ =	shalt  }
0x80: {  	_ =	shalt  }
0x81: {  	_ =	shalt  }
0x82: {  	_ =	shalt  }
0x83: {  	_ =	shalt  }
0x84: {  	_ =	shalt  }
0x85: {  	_ =	shalt  }
0x86: {  	_ =	shalt  }
0x87: {  	_ =	shalt  }
.Lfunc_end0:
.L_simem_size_0:
called_computation.2_lowered:
.L_overlay_start_0:
0x88: {  	s2 =	sld [smem:$0x3FD9]  }
0x89: {  	s3 =	sld [smem:$0x3FFE];
	_ =	sdelay $0x1  }
0x8a: {  	s1 =	srdreg.scid  }
0x8b: {  	s0 =	sand.u32 $0x1, s1  }
0x8c: {  	s17 =	sshll.u32 s0, $0xA;
	s2 =	sadd.s32 s3, s2  }
0x8d: {  	s2 =	sadd.s32 s2, s17  }
0x8e: {  	[smem:$0x3FB7] =	sst s2  }
0x8f: {  	_ = 	snop  }
0x90: {  	s2 =	sld [smem:$0x3FD0];
	(tm) =	ssettm $0x1  }
0x91: {  	s18 =	sld [smem:$0x3FFB];
	_ =	sdelay $0x3  }
0x92: {  	_ =	strace s18  }
0x93: {  	s3 =	sld [smem:$0x3FFC];
	_ =	sdelay $0x3  }
0x94: {  	_ =	strace s3  }
0x95: {  	s3 =	sld [smem:$0x3FFD];
	_ =	sdelay $0x3  }
0x96: {  	_ =	strace s3  }
0x97: {  	_ =	strace $0x8FFFFFFF  }
0x98: {  	s19 =	sld [smem:$0x3FDB];
	_ =	sdelay $0x1  }
0x99: {  	s4 =	simm.s32 $_scs_section_size  }
0x9a: {  	s5 =	simm.s32 $_size__tile_overlayer_lowered;
	s6 =	simm.s32 $_tile_overlayer_lowered  }
0x9b: {  	s22 =	simm.s32 $0x1BFF;
	s21 =	sshll.u32 s6, $0x1;
	s3 =	sadd.s32 s4, s19  }
0x9c: {  	s7 =	simm.s32 $0x0;
	s20 =	sshll.u32 s5, $0x1;
	s5 =	sadd.s32 s21, s3  }
0x9d: {  	[timem:s7], [sflag:s22] =	dma.local [hbm:s5], s20  }
0x9e: {  	_ =	swait.ge [sflag:s22], s20  }
0x9f: {  	s4 =	ssub.s32 $0x0, s20;
	[sflag:s22] =	ssyncset.done $0x0  }
0xa0: {  	[sflag:s22] =	ssyncadd.s32 s4;
	_ =	sdelay $0x1  }
0xa1: {  	s23 =	simm.s32 $0x1B8B  }
0xa2: {  	_ =	swait.ge [sflag:s23], $0x1  }
0xa3: {  	[sflag:s23] =	ssyncset.done $0x0  }
0xa4: {  	s25 =	simm.s32 $0x1B8E;
	s24 =	sld [smem:$0x3FFE];
	[sflag:s23] =	ssyncadd.s32 $0xFFFFFFFF  }
0xa5: {  	s26 =	simm.s32 $execute0_lowered;
	[smem:$0x3FD2] =	sst s25  }
0xa6: {  	s5 =	sshll.u32 s26, $0x1;
	_ =	strace $0x80000060;
	[dreg:$0x1] =	wrdreg $0xFFFFFFFF  }
0xa7: {  	s28 =	simm.s32 $_size_execute0_lowered;
	s3 =	sadd.s32 s3, s5;
	[dreg:$0x0] =	wrdreg $0x0  }
0xa8: {  	s5 =	sshll.u32 s28, $0x1;
	[dreg:$0x2] =	wrdreg s3  }
0xa9: {  	[dreg:$0x3] =	wrdreg s5  }
0xaa: {  	[dreg:$0x4] =	wrdreg $0xC0  }
0xab: {  	_ =	task [dreg:s7], $0x5FFFF  }
0xac: {  	[dreg:$0x1] =	wrdreg $0xFFFFFFFF  }
0xad: {  	[dreg:$0x0] =	wrdreg $0x60  }
0xae: {  	[dreg:$0x2] =	wrdreg s24  }
0xaf: {  	[dreg:$0x3] =	wrdreg s2  }
0xb0: {  	[dreg:$0x4] =	wrdreg $0x9  }
0xb1: {  	_ =	task.clear_ibuf [dreg:s7], $0x5FFFF;
	_ =	strace $0x90000060  }
0xb2: {  	s29 =	simm.s32 $0x9;
	_ =	strace $0x80000069  }
0xb3: {  	_ =	swait.ge [sflag:s29], $0x1  }
0xb4: {  	[sflag:s29] =	ssyncadd.s32 $0xFFFFFFFF  }
0xb5: {  	_ =	strace $0x90000069  }
0xb6: {  	_ =	sfence  }
0xb7: {  	s30 =	sld [smem:$0x0];
	_ =	sdelay $0x2  }
0xb8: {  	s31 =	sshll.u32 s1, $0xD;
	s1 =	sshrl.u32 s1, $0x2  }
0xb9: {  	s3 =	sand.u32 $0x4000, s31;
	s1 =	sadd.s32 s1, s30  }
0xba: {  	s0 =	sor.u32 s3, s0;
	s1 =	sshll.u32 s1, $0x11  }
0xbb: {  	s0 =	sor.u32 s1, s0  }
0xbc: {  	s0 =	sadd.s32 $0x8F2B, s0  }
0xbd: {  	[sflag:s0] =	ssyncadd.remote.s32 $0x1  }
0xbe: {  	_ =	sfence.sel $0xFFFF  }
0xbf: {  	[dreg:$0x0] =	wrdreg $0xFFFFFFFF;
	(pc) =	sbr.abs _section_cstart, $3  }
0xc0: {  	[dreg:$0x1] =	wrdreg $0xFFFFFFFF  }
0xc1: {  	_ =	task.clear_ibuf [dreg:s7], $0x2FFFF;
	_ =	strace $0x9FFFFFFF  }
0xc2: {  	(tm) =	ssettm $0x7FFFFFFF  }
0xc3: {  	_ =	shalt  }
tec
execute0_lowered:
.L_overlay_start_1:
0x0: {  	(tag) =	ssettag $0x1  }
0x1: {  	s4 =	rddreg [dreg:$0x0]  }
0x2: {  	s1 =	rddreg [dreg:$0x1]  }
0x3: {  	s2 =	srdreg.scid;
	s0 =	rddreg [dreg:$0x2];
	s3 =	simm.s32 $0x0  }
0x4: {  	s10 =	simm.s32 $0x80;
	s11 =	simm.s32 $0x0;
	s5 =	sand.u32 $0x1, s2  }
0x5: {  	s2 =	stileid.u32;
	[smem:$0x7FF] =	sst s3;
	s6 =	sshll.u32 s5, $0x4  }
0x6: {  	s7 =	sadd.s32 $0x3A00, s4;
	s9 =	sadd.s32 $0x2B200, s4;
	s6 =	sor.u32 s2, s6  }
0x7: {  	_ =	strace $0x80000061;
	[dreg:$0x3] =	wrdreg s7;
	s8 =	smul.u32 $0xC, s6  }
0x8: {  	[dreg:$0x5] =	wrdreg s9;
	s30 =	ssub.s32 $0x2, s5;
	s7 =	smul.u32 $0xD, s6  }
0x9: {  	s5 =	simm.s32 $0xD;
	p0 =	slt.u32 s6, $0x7;
	s4 =	sadd.s32 $0x7, s8  }
0xa: {  	s9 =	simm.s32 $0x1;
	[dreg:$0x4] =	wrdreg s10;
	s4 =	smov.u32 @p0 s7  }
0xb: {  	s10 =	simm.s32 $0x5;
	s31 =	sshrl.u32 s30, $0x1;
	s7 =	sshll.u32 s4, $0x4  }
0xc: {  	s5 =	simm.s32 @!p0 $0xC;
	s8 =	ssub.s32 s30, s31;
	s7 =	sand.u32 $0x1FFFFFF0, s7  }
0xd: {  	s8 =	smax.u32 s8, $0x1;
	s6 =	sadd.s32 s1, s7;
	s7 =	sadd.s32 $0xFFFFFFFF, s5  }
.LBB2_1:
0xe: {  	_ =	strace $0x80000062;
	p2 =	sne.s32 s5, $0x1  }
.Ltmp0:
0xf: {  	p0 =	seq.s32 s5, $0x1;
	s13 =	simm.s32 $0x1;
	(pc) =	sbr.rel @!p2 .LBB2_2-.Ltmp0, $4  }
0x10: {  	[tilespmem:s3], [sflag:$0x1] =	stream.linear.gather [hbm4b:s6+s3], $0x80, $0x200038;
	[tilespmem:$0x8100] =	vst v63  }
0x11: {  	s12 =	simm.s32 $0x1;
	p1 =	por $0x1, $0x1;
	s13 =	simm.s32 @p0 $0x0  }
0x12: {  	p6 =	sgt.u32 s7, $0x0;
	p4 =	por p1, p1;
	p3 =	sne.s32 s13, $0x0  }
0x13: {  	_ =	strace $0x90000062;
	p5 =	por !p6, !p3;
	p6 =	por $0x0, $0x0  }
0x14: {  	p2 =	por !p5, !p5  }
0x15: {  	s21 =	sand.u32 $0x1, s3;
	s19 =	simm.s32 $0x2;
	s14 =	sadd.s32 @p2 s4, s13  }
0x16: {  	p1 =	por p3, p3;
	s15 =	sand.u32 @p2 $0x1, s9;
	s14 =	sshll.u32 @p2 s14, $0x4  }
0x17: {  	_ =	strace @p2 $0x80000063;
	s17 =	simm.s32 @p2 $0x0;
	s14 =	sand.u32 @p2 $0x1FFFFFF0, s14  }
0x18: {  	s16 =	sshll.u32 @p2 s15, $0x7;
	s15 =	sadd.s32 @p2 $0x1, s15;
	s14 =	sadd.s32 @p2 s1, s14  }
0x19: {  	[tilespmem:s16], [sflag:s15] =	stream.linear.gather @p2 [hbm4b:s14+s17], $0x80, $0x200038;
	[tilespmem:$0x8100] =	vst v63  }
0x1a: {  	s30 =	simm.s32 $0x0;
	p6 =	por $0x0, $0x0;
	_ =	strace @p2 $0x90000063  }
0x1b: {  	p0 =	sne.s32 s5, $0x2;
	s29 =	sadd.s32 $0x1, s21;
	_ =	strace $0x80000064  }
0x1c: {  	s24 =	sadd.s32 $0x0, s4;
	p5 =	sgt.u32 s7, $0x1;
	_ =	swait.ge [sflag:s29], $0x80  }
0x1d: {  	s23 =	simm.s32 $0x1;
	s22 =	sshll.u32 s21, $0xE;
	[sflag:s29] =	ssyncset.done $0x0  }
0x1e: {  	s22 =	sor.u32 $0x100, s22;
	s16 =	sand.u32 @!p4 $0x1, s3;
	[sflag:s29] =	ssyncadd.s32 $0xFFFFFF80  }
0x1f: {  	s15 =	simm.s32 $0x1;
	s17 =	sadd.s32 $0x1, s13;
	_ =	strace $0x90000064  }
0x20: {  	s14 =	sand.u32 $0x80, s30;
	s15 =	simm.s32 @!p2 $0x0;
	_ =	strace $0x80000065  }
0x21: {  	p2 =	por p4, p4;
	p4 =	por p6, p6;
	s20 =	rddreg [dreg:$0x4]  }
0x22: {  	p3 =	seq.s32 s17, s5;
	p6 =	seq.s32 s7, $0x0;
	s31 =	rddreg [dreg:$0x3]  }
0x23: {  	[tilespmem:s22], [sflag:$0x5] =	stream.indirect.gather [hbm4b:s31+s20], $0x80, s14, s20, $0x2000b8;
	[tilespmem:$0x8100] =	vst v63  }
.Ltmp1:
0x24: {  	s18 =	sadd.s32 $0x1, s15;
	s17 =	simm.s32 @p3 $0x0;
	(pc) =	sbr.rel @!p0 .LBB2_4-.Ltmp1, $4  }
0x25: {  	p1 =	por p6, p1;
	p6 =	por $0x0, $0x0;
	_ =	swait.ge [sflag:s10], $0x4000  }
0x26: {  	s15 =	simm.s32 $0x0;
	p3 =	sne.s32 s13, s17;
	[sflag:s10] =	ssyncset.done $0x0  }
0x27: {  	s23 =	simm.s32 @!p6 $0x0;
	p5 =	por !p5, !p3;
	[sflag:s10] =	ssyncadd.s32 $0xFFFFC000  }
0x28: {  	s14 =	simm.s32 $0x0;
	s20 =	simm.s32 $0x0;
	_ =	strace $0x90000065  }
.LBB2_5:
0x29: {  	_ =	strace @p1 $0x80000066;
	s14 =	sadd.s32 s23, s14;
	s23 =	smov.u32 s12  }
0x2a: {  	s12 =	smov.u32 s19;
	s19 =	sadd.s32 $0x1, s19;
	p0 =	por p3, p3  }
0x2b: {  	s29 =	sshll.u32 @p1 s24, $0xB;
	s21 =	sadd.s32 @p1 $0x3, s21;
	s25 =	simm.s32 @!p0 $0x0  }
0x2c: {  	s26 =	rddreg [dreg:$0x5];
	s29 =	sand.u32 @p1 $0x1FFFF800, s29;
	s25 =	simm.s32 @p0 $0x1  }
0x2d: {  	s26 =	sadd.s32 @p1 s26, s29;
	s29 =	simm.s32 @p1 $0x0;
	p0 =	sne.s32 s5, s19  }
0x2e: {  	[hbm4b:s26+s29] =	stream.linear.scatter @p1 [tilespmem:s22], [sflag:s21], $0x4000, $0x200038;
	[tilespmem:$0x8100] =	vst v63  }
0x2f: {  	s21 =	sadd.s32 @!p2 $0x3, s16;
	s16 =	simm.s32 @!p0 $0x0  }
0x30: {  	s28 =	simm.s32 $0x1;
	[smem:$0x7FC] =	sst s25;
	s16 =	simm.s32 @p0 $0x1  }
0x31: {  	s28 =	simm.s32 @!p1 $0x0;
	_ =	strace @p1 $0x90000066;
	[smem:$0x7FD] =	sst s16  }
0x32: {  	s20 =	sadd.s32 s28, s20;
	s25 =	sand.u32 @!p4 $0x1, s14;
	_ =	strace @!p2 $0x80000067  }
0x33: {  	p1 =	por !p5, !p5;
	s16 =	smov.u32 s25;
	_ =	swait.ge @!p2 [sflag:s21], $0x4000  }
0x34: {  	s22 =	sand.u32 @p1 $0x1, s18;
	s25 =	sadd.s32 @p1 s4, s17;
	[sflag:s21] =	ssyncset.done @!p2 $0x0  }
0x35: {  	s26 =	sshll.u32 @p1 s22, $0x7;
	s25 =	sshll.u32 @p1 s25, $0x4;
	[sflag:s21] =	ssyncadd.s32 @!p2 $0xFFFFC000  }
0x36: {  	s21 =	sadd.s32 @p1 $0x1, s22;
	s22 =	sand.u32 @p1 $0x1FFFFFF0, s25;
	_ =	strace @!p2 $0x90000067  }
0x37: {  	s25 =	simm.s32 @p1 $0x0;
	s22 =	sadd.s32 @p1 s1, s22;
	_ =	strace @p1 $0x80000063  }
0x38: {  	[tilespmem:s26], [sflag:s21] =	stream.linear.gather @p1 [hbm4b:s22+s25], $0x80, $0x200038;
	[tilespmem:$0x8100] =	vst v63  }
0x39: {  	s15 =	sadd.s32 s28, s15;
	s28 =	sand.u32 $0x1, s20;
	_ =	strace @p1 $0x90000063  }
0x3a: {  	s28 =	sadd.s32 $0x1, s28;
	_ =	strace $0x80000064  }
0x3b: {  	_ =	swait.ge [sflag:s28], $0x80  }
0x3c: {  	[sflag:s28] =	ssyncset.done $0x0  }
0x3d: {  	s21 =	simm.s32 $0x1;
	[sflag:s28] =	ssyncadd.s32 $0xFFFFFF80  }
0x3e: {  	s21 =	simm.s32 @!p1 $0x0;
	_ =	strace $0x90000064  }
0x3f: {  	s18 =	sadd.s32 s21, s18;
	s21 =	sand.u32 $0x1, s15;
	_ =	strace $0x80000065  }
0x40: {  	s31 =	sshll.u32 s20, $0x7;
	s29 =	sshll.u32 s21, $0xE;
	s25 =	rddreg [dreg:$0x4]  }
0x41: {  	s31 =	sand.u32 $0x80, s31;
	s22 =	sor.u32 $0x100, s29;
	s26 =	rddreg [dreg:$0x3]  }
0x42: {  	[tilespmem:s22], [sflag:$0x5] =	stream.indirect.gather [hbm4b:s26+s25], $0x80, s31, s25, $0x2000b8;
	[tilespmem:$0x8100] =	vst v63  }
0x43: {  	_ =	swait.ge [sflag:s10], $0x4000  }
0x44: {  	[sflag:s10] =	ssyncset.done $0x0  }
0x45: {  	[sflag:s10] =	ssyncadd.s32 $0xFFFFC000  }
0x46: {  	s30 =	sadd.s32 $0x1, s17;
	_ =	strace $0x90000065  }
0x47: {  	s24 =	sadd.s32 s4, s13;
	s13 =	smov.u32 s17;
	s31 =	sld [smem:$0x7FD]  }
0x48: {  	p0 =	sne.s32 s23, $0x0;
	s17 =	smov.u32 s30;
	p1 =	seq.s32 s30, s5  }
0x49: {  	s17 =	simm.s32 @p1 $0x0;
	p1 =	seq.s32 s7, s23;
	s23 =	simm.s32 $0x1  }
0x4a: {  	s23 =	simm.s32 @!p0 $0x0;
	p0 =	seq.s32 s31, $0x1  }
.Ltmp2:
0x4b: {  	s30 =	sld [smem:$0x7FC];
	(pc) =	sbr.rel @p0 .LBB2_5-.Ltmp2, $4  }
0x4c: {  	p3 =	seq.s32 s12, $0x0  }
0x4d: {  	p6 =	por p3, p3;
	p5 =	slt.u32 s12, s7  }
0x4e: {  	p2 =	por p4, p4;
	p3 =	sne.s32 s13, s17;
	p4 =	seq.s32 s30, $0x1  }
0x4f: {  	p5 =	por !p5, !p3;
	p1 =	por p1, p4;
	p4 =	por p6, p6  }
0x50: {  	p6 =	por $0x1, $0x1  }
.LBB2_7:
0x51: {  	p0 =	por !p1, !p6  }
0x52: {  	s25 =	simm.s32 $0x1;
	_ =	strace @!p0 $0x80000066;
	s24 =	sshll.u32 @!p0 s24, $0xB  }
0x53: {  	p2 =	por p2, !p6;
	s19 =	rddreg [dreg:$0x5];
	s24 =	sand.u32 @!p0 $0x1FFFF800, s24  }
0x54: {  	s21 =	sadd.s32 @!p0 $0x3, s21;
	s19 =	sadd.s32 @!p0 s19, s24;
	s24 =	simm.s32 @!p0 $0x0  }
0x55: {  	[hbm4b:s19+s24] =	stream.linear.scatter @!p0 [tilespmem:s22], [sflag:s21], $0x4000, $0x200038;
	[tilespmem:$0x8100] =	vst v63  }
0x56: {  	p1 =	por !p5, !p5;
	s25 =	simm.s32 @p0 $0x0;
	_ =	strace @!p0 $0x90000066  }
0x57: {  	s16 =	sadd.s32 @!p2 $0x3, s16;
	s17 =	sadd.s32 @p1 s4, s17;
	_ =	strace @!p2 $0x80000067  }
0x58: {  	s18 =	sand.u32 @p1 $0x1, s18;
	s17 =	sshll.u32 @p1 s17, $0x4;
	_ =	swait.ge @!p2 [sflag:s16], $0x4000  }
0x59: {  	s17 =	sand.u32 @p1 $0x1FFFFFF0, s17;
	s19 =	sadd.s32 @p6 s25, s20;
	[sflag:s16] =	ssyncset.done @!p2 $0x0  }
0x5a: {  	s20 =	simm.s32 $0x0;
	s17 =	sadd.s32 @p1 s1, s17;
	[sflag:s16] =	ssyncadd.s32 @!p2 $0xFFFFC000  }
0x5b: {  	s20 =	smov.u32 @p6 s19;
	s19 =	sshll.u32 @p1 s18, $0x7;
	_ =	strace @!p2 $0x90000067  }
0x5c: {  	s16 =	sadd.s32 @p1 $0x1, s18;
	s18 =	simm.s32 @p1 $0x0;
	_ =	strace @p1 $0x80000063  }
0x5d: {  	[tilespmem:s19], [sflag:s16] =	stream.linear.gather @p1 [hbm4b:s17+s18], $0x80, $0x200038;
	[tilespmem:$0x8100] =	vst v63  }
0x5e: {  	s26 =	sand.u32 $0x1, s20;
	_ =	strace @p1 $0x90000063  }
0x5f: {  	s16 =	sadd.s32 $0x1, s26;
	_ =	strace $0x80000064  }
0x60: {  	_ =	swait.ge [sflag:s16], $0x80  }
0x61: {  	[sflag:s16] =	ssyncset.done $0x0  }
0x62: {  	s15 =	sadd.s32 @p6 s25, s15;
	[sflag:s16] =	ssyncadd.s32 $0xFFFFFF80;
	s16 =	simm.s32 $0x0  }
0x63: {  	_ =	strace $0x90000064;
	s16 =	smov.u32 @p6 s15  }
0x64: {  	_ =	strace $0x80000065;
	s16 =	sand.u32 $0x1, s16  }
0x65: {  	s30 =	sshll.u32 s20, $0x7;
	s28 =	rddreg [dreg:$0x4];
	s31 =	sshll.u32 s16, $0xE  }
0x66: {  	s18 =	sand.u32 $0x80, s30;
	s29 =	rddreg [dreg:$0x3];
	s19 =	sor.u32 $0x100, s31  }
0x67: {  	[tilespmem:s19], [sflag:$0x5] =	stream.indirect.gather [hbm4b:s29+s28], $0x80, s18, s28, $0x2000b8;
	[tilespmem:$0x8100] =	vst v63  }
0x68: {  	_ =	swait.ge [sflag:s10], $0x4000  }
0x69: {  	p3 =	por p3, p3;
	[sflag:s10] =	ssyncset.done $0x0  }
0x6a: {  	p5 =	seq.s32 s7, s12;
	s13 =	sadd.s32 s4, s13;
	[sflag:s10] =	ssyncadd.s32 $0xFFFFC000  }
0x6b: {  	s14 =	sadd.s32 @p6 s23, s14;
	p1 =	por p5, p3;
	_ =	strace $0x90000065  }
0x6c: {  	s17 =	simm.s32 $0x0;
	s13 =	sshll.u32 @p1 s13, $0xB;
	_ =	strace @p1 $0x80000066  }
0x6d: {  	s17 =	smov.u32 @p6 s14;
	s13 =	sand.u32 @p1 $0x1FFFF800, s13;
	s15 =	rddreg [dreg:$0x5]  }
0x6e: {  	s14 =	sadd.s32 @p1 $0x3, s16;
	s13 =	sadd.s32 @p1 s15, s13;
	s15 =	simm.s32 @p1 $0x0  }
0x6f: {  	[hbm4b:s13+s15] =	stream.linear.scatter @p1 [tilespmem:s19], [sflag:s14], $0x4000, $0x200038;
	[tilespmem:$0x8100] =	vst v63  }
0x70: {  	p0 =	por p4, p4;
	s13 =	sand.u32 @!p4 $0x1, s17;
	_ =	strace @p1 $0x90000066  }
0x71: {  	s13 =	sadd.s32 @!p0 $0x3, s13;
	_ =	strace @!p0 $0x80000067  }
0x72: {  	p1 =	sne.s32 s12, $0x0;
	s12 =	simm.s32 $0x1;
	_ =	swait.ge @!p0 [sflag:s13], $0x4000  }
0x73: {  	s12 =	simm.s32 @!p1 $0x0;
	[sflag:s13] =	ssyncset.done @!p0 $0x0  }
0x74: {  	s11 =	sadd.s32 $0x1, s11;
	s12 =	sadd.s32 s12, s17;
	[sflag:s13] =	ssyncadd.s32 @!p0 $0xFFFFC000  }
0x75: {  	s12 =	sand.u32 $0x1, s12;
	_ =	strace @!p0 $0x90000067;
	p0 =	sne.s32 s11, s8  }
.Ltmp3:
0x76: {  	s12 =	sadd.s32 $0x3, s12;
	_ =	strace $0x80000068;
	(pc) =	sbr.rel @p0 .LBB2_1-.Ltmp3, $4  }
.Ltmp4:
0x77: {  	_ =	swait.ge [sflag:s12], $0x4000;
	(pc) =	sbr.rel @!p0 .LBB2_8-.Ltmp4, $4  }
0x78: {  	[sflag:s12] =	ssyncset.done $0x0  }
0x79: {  	[sflag:s12] =	ssyncadd.s32 $0xFFFFC000  }
0x7a: {  	_ =	strace $0x90000068  }
0x7b: {  	_ = 	snop  }
.LBB2_2:
.Ltmp5:
0x7c: {  	(pc) =	sbr.rel .LBB2_7-.Ltmp5, $4  }
0x7d: {  	_ = 	snop  }
0x7e: {  	s14 =	simm.s32 $0x0  }
0x7f: {  	s12 =	simm.s32 $0x0;
	s15 =	simm.s32 $0x0;
	s17 =	smov.u32 s13  }
0x80: {  	s20 =	simm.s32 $0x0;
	s18 =	simm.s32 $0x1;
	s13 =	simm.s32 $0x0  }
.LBB2_4:
.Ltmp6:
0x81: {  	(pc) =	sbr.rel .LBB2_7-.Ltmp6, $3  }
0x82: {  	_ =	sdelay $0x1  }
0x83: {  	s14 =	simm.s32 $0x0  }
0x84: {  	s15 =	simm.s32 $0x0;
	s20 =	simm.s32 $0x0;
	p6 =	por $0x1, $0x1  }
.LBB2_8:
0x85: {  	_ =	sfence.sel $0x180000  }
0x86: {  	[bflag:$0x0] =	sbarrier.arrive $0xFFFF  }
0x87: {  	p0 =	sne.s32 s2, $0x0;
	_ =	strace $0x90000061  }
0x88: {  	s0 =	sadd.s32 @!p0 $0x100000, s0;
	[bflag:$0x2] =	sbarrier.arrive $0xFFFF  }
0x89: {  	[sflag:s0] =	ssyncadd.tile.s32 @!p0 $0x1;
	_ =	shalt  }
.Lfunc_end2:
_tile_overlayer_lowered:
.L_overlay_start_2:
0x8a: {  	(tag) =	ssettag $0x2  }
0x8b: {  	s0 =	rddreg [dreg:$0x0];
	s2 =	stileid.u32  }
0x8c: {  	s1 =	rddreg [dreg:$0x1];
	p0 =	sne.s32 s2, $0x0  }
0x8d: {  	s3 =	rddreg [dreg:$0x2];
	[bflag:$0x3] =	sbarrier.arrive $0xFFFF;
	s2 =	simm.s32 @!p0 $0x1C01  }
0x8e: {  	[timem:s3], [sflag:s2] =	dma.local @!p0 [hbm:s0], s1  }
0x8f: {  	s0 =	simm.s32 @!p0 $0x1  }
0x90: {  	_ =	swait.ge @!p0 [sflag:s0], s1  }
0x91: {  	s1 =	ssub.s32 @!p0 $0x0, s1;
	[sflag:s0] =	ssyncset.done @!p0 $0x0  }
0x92: {  	[sflag:s0] =	ssyncadd.s32 @!p0 s1  }
0x93: {  	[bflag:$0x3] =	sbarrier.arrive $0xFFFF  }
0x94: {  	_ =	shalt  }

// kernel: kernel.9.cloned.1.call-start
scs
__scs_entry_jumppad:
0x0: {  	(pc) =	sbr.rel $0x88, $3  }
0x1: {  	(tag) =	ssettag $0x0;
	lr =	simm.s32 $0x1  }
0x2: {  	[smem:$0x3F90] =	sst lr;
	_ =	strace $0xD0000000  }
0x3: {  	_ = 	snop  }
0x4: {  	_ = 	snop  }
0x5: {  	_ = 	snop  }
0x6: {  	_ = 	snop  }
0x7: {  	_ = 	snop  }
__scs_overlays_trampoline_lowered:
0x8: {  	[smem:$0x3F9F] =	sst s0  }
0x9: {  	[smem:$0x3FA0] =	sst s1  }
0xa: {  	[smem:$0x3FA1] =	sst s2  }
0xb: {  	[smem:$0x3FA2] =	sst s3  }
0xc: {  	[smem:$0x3FA3] =	sst s4  }
0xd: {  	[smem:$0x3FA4] =	sst s5  }
0xe: {  	[smem:$0x3FA5] =	sst s6  }
0xf: {  	[smem:$0x3FA6] =	sst s7  }
0x10: {  	[smem:$0x3FA7] =	sst s8  }
0x11: {  	[smem:$0x3FA8] =	sst s9;
	s0 =	simm.s32 @!p0 $0x0  }
0x12: {  	s1 =	sld [smem:$0x3F8E];
	s0 =	simm.s32 @p0 $0x1  }
0x13: {  	[smem:$0x3FA9] =	sst s0;
	s0 =	simm.s32 @!p1 $0x0  }
0x14: {  	s2 =	sld [smem:$0x3F8D];
	s0 =	simm.s32 @p1 $0x1  }
0x15: {  	[smem:$0x3FAA] =	sst s0;
	s0 =	simm.s32 @!p2 $0x0  }
0x16: {  	s3 =	sld [smem:$0x3FDB];
	s0 =	simm.s32 @p2 $0x1  }
0x17: {  	s4 =	simm.s32 $0x1BF5;
	[smem:$0x3FAC] =	sst s0  }
0x18: {  	s0 =	sld [smem:$0x3F8F];
	_ =	swait.ge [sflag:s4], $0x0  }
0x19: {  	s7 =	sld [smem:$0x3F90]  }
0x1a: {  	s8 =	sadd.s32 $0xFFFFE003, lr  }
0x1b: {  	s9 =	sadd.s32 $0xFFFFFEF7, lr;
	s5 =	simm.s32 $0xFFFFFFFF;
	p2 =	slt.u32 s8, $0xFFFFF086  }
0x1c: {  	p1 =	slt.u32 s9, $0xF7A;
	s5 =	simm.s32 @!p2 $0x0  }
0x1d: {  	s5 =	simm.s32 @p1 $0x1;
	p0 =	seq.s32 s7, s2  }
0x1e: {  	s7 =	smul.u32 @!p0 $0xF7A, s2;
	p2 =	seq.s32 @!p0 s5, $0x0  }
0x1f: {  	s9 =	smul.u32 $0xF7A, s1;
	s8 =	simm.s32 @!p0 $0x1BF5;
	p2 =	por !p2, p0  }
0x20: {  	[sflag:s8] =	ssyncset.s32 @!p0 $0xFFFFF086;
	s6 =	sadd.s32 @!p0 s3, s7;
	s7 =	simm.s32 @!p0 $0x108  }
0x21: {  	s3 =	sadd.s32 s3, s9;
	s6 =	sadd.s32 @!p0 $0x88, s6;
	s7 =	simm.s32 @p2 $0x1082  }
0x22: {  	[simem:s7], [sflag:s8] =	dma.local @!p0 [hbm:s6], $0xF7A  }
0x23: {  	s9 =	sor.u32 $0xD0000000, s2;
	s6 =	simm.s32 $0x108;
	_ =	swait.ge @!p0 [sflag:s8], $0x0  }
0x24: {  	s3 =	sadd.s32 $0x88, s3;
	s6 =	simm.s32 @!p1 $0x1082;
	[sflag:s4] =	ssyncset.s32 $0xFFFFF086  }
0x25: {  	[simem:s6], [sflag:s4] =	dma.local [hbm:s3], $0xF7A  }
0x26: {  	[smem:$0x3F90] =	sst s1;
	(tag) =	ssettag s2;
	_ =	strace s9  }
0x27: {  	s1 =	sld [smem:$0x3FA0]  }
0x28: {  	s2 =	sld [smem:$0x3FA1]  }
0x29: {  	s4 =	sld [smem:$0x3FA3]  }
0x2a: {  	p0 =	seq.s32 s5, $0x0;
	s5 =	sld [smem:$0x3FA4]  }
0x2b: {  	s6 =	sld [smem:$0x3FA5]  }
0x2c: {  	s7 =	sld [smem:$0x3FA6]  }
0x2d: {  	s3 =	simm.s32 $0x108;
	s8 =	sld [smem:$0x3FA7]  }
0x2e: {  	s3 =	simm.s32 @!p0 $0x1082;
	s9 =	sld [smem:$0x3FA8]  }
0x2f: {  	lr =	sadd.s32 s0, s3;
	s0 =	sld [smem:$0x3F9F]  }
0x30: {  	s3 =	sld [smem:$0x3FA2]  }
0x31: {  	[smem:$0x3FAB] =	sst s10  }
0x32: {  	s10 =	sld [smem:$0x3FA9];
	_ =	sdelay $0x3  }
0x33: {  	p0 =	seq.s32 s10, $0x1;
	s10 =	sld [smem:$0x3FAB];
	_ =	sdelay $0x3  }
0x34: {  	[smem:$0x3FAB] =	sst s10  }
0x35: {  	s10 =	sld [smem:$0x3FAA];
	_ =	sdelay $0x3  }
0x36: {  	p1 =	seq.s32 s10, $0x1;
	s10 =	sld [smem:$0x3FAB];
	_ =	sdelay $0x3  }
0x37: {  	[smem:$0x3FAB] =	sst s10  }
0x38: {  	s10 =	sld [smem:$0x3FAC]  }
0x39: {  	_ = 	snop;
	(pc) =	sbr.ind lr, $3  }
0x3a: {  	_ = 	snop  }
0x3b: {  	_ = 	snop  }
0x3c: {  	p2 =	seq.s32 s10, $0x1;
	s10 =	sld [smem:$0x3FAB]  }
0x3d: {  	_ =	shalt  }
0x3e: {  	_ =	shalt  }
0x3f: {  	_ =	shalt  }
0x40: {  	_ =	shalt  }
0x41: {  	_ =	shalt  }
0x42: {  	_ =	shalt  }
0x43: {  	_ =	shalt  }
0x44: {  	_ =	shalt  }
0x45: {  	_ =	shalt  }
0x46: {  	_ =	shalt  }
0x47: {  	_ =	shalt  }
0x48: {  	_ =	shalt  }
0x49: {  	_ =	shalt  }
0x4a: {  	_ =	shalt  }
0x4b: {  	_ =	shalt  }
0x4c: {  	_ =	shalt  }
0x4d: {  	_ =	shalt  }
0x4e: {  	_ =	shalt  }
0x4f: {  	_ =	shalt  }
0x50: {  	_ =	shalt  }
0x51: {  	_ =	shalt  }
0x52: {  	_ =	shalt  }
0x53: {  	_ =	shalt  }
0x54: {  	_ =	shalt  }
0x55: {  	_ =	shalt  }
0x56: {  	_ =	shalt  }
0x57: {  	_ =	shalt  }
0x58: {  	_ =	shalt  }
0x59: {  	_ =	shalt  }
0x5a: {  	_ =	shalt  }
0x5b: {  	_ =	shalt  }
0x5c: {  	_ =	shalt  }
0x5d: {  	_ =	shalt  }
0x5e: {  	_ =	shalt  }
0x5f: {  	_ =	shalt  }
0x60: {  	_ =	shalt  }
0x61: {  	_ =	shalt  }
0x62: {  	_ =	shalt  }
0x63: {  	_ =	shalt  }
0x64: {  	_ =	shalt  }
0x65: {  	_ =	shalt  }
0x66: {  	_ =	shalt  }
0x67: {  	_ =	shalt  }
0x68: {  	_ =	shalt  }
0x69: {  	_ =	shalt  }
0x6a: {  	_ =	shalt  }
0x6b: {  	_ =	shalt  }
0x6c: {  	_ =	shalt  }
0x6d: {  	_ =	shalt  }
0x6e: {  	_ =	shalt  }
0x6f: {  	_ =	shalt  }
0x70: {  	_ =	shalt  }
0x71: {  	_ =	shalt  }
0x72: {  	_ =	shalt  }
0x73: {  	_ =	shalt  }
0x74: {  	_ =	shalt  }
0x75: {  	_ =	shalt  }
0x76: {  	_ =	shalt  }
0x77: {  	_ =	shalt  }
0x78: {  	_ =	shalt  }
0x79: {  	_ =	shalt  }
0x7a: {  	_ =	shalt  }
0x7b: {  	_ =	shalt  }
0x7c: {  	_ =	shalt  }
0x7d: {  	_ =	shalt  }
0x7e: {  	_ =	shalt  }
0x7f: {  	_ =	shalt  }
0x80: {  	_ =	shalt  }
0x81: {  	_ =	shalt  }
0x82: {  	_ =	shalt  }
0x83: {  	_ =	shalt  }
0x84: {  	_ =	shalt  }
0x85: {  	_ =	shalt  }
0x86: {  	_ =	shalt  }
0x87: {  	_ =	shalt  }
.Lfunc_end0:
.L_simem_size_0:
called_computation_lowered:
.L_overlay_start_0:
0x88: {  	s2 =	sld [smem:$0x3FD9]  }
0x89: {  	s3 =	sld [smem:$0x3FFE];
	_ =	sdelay $0x1  }
0x8a: {  	s1 =	srdreg.scid  }
0x8b: {  	s0 =	sand.u32 $0x1, s1  }
0x8c: {  	s16 =	sshll.u32 s0, $0xA;
	s2 =	sadd.s32 s3, s2  }
0x8d: {  	s2 =	sadd.s32 s2, s16  }
0x8e: {  	[smem:$0x3FB7] =	sst s2  }
0x8f: {  	_ = 	snop  }
0x90: {  	(tm) =	ssettm $0x1  }
0x91: {  	s17 =	sld [smem:$0x3FFB];
	_ =	sdelay $0x3  }
0x92: {  	_ =	strace s17  }
0x93: {  	s2 =	sld [smem:$0x3FFC];
	_ =	sdelay $0x3  }
0x94: {  	_ =	strace s2  }
0x95: {  	s2 =	sld [smem:$0x3FFD];
	_ =	sdelay $0x3  }
0x96: {  	_ =	strace s2  }
0x97: {  	_ =	strace $0x8FFFFFFF  }
0x98: {  	s18 =	sld [smem:$0x3FDB];
	_ =	sdelay $0x1  }
0x99: {  	s19 =	simm.s32 $_scs_section_size  }
0x9a: {  	s4 =	simm.s32 $_size__tile_overlayer_lowered;
	s5 =	simm.s32 $_tile_overlayer_lowered  }
0x9b: {  	s22 =	simm.s32 $0x1BFF;
	s21 =	sshll.u32 s5, $0x1;
	s2 =	sadd.s32 s19, s18  }
0x9c: {  	s6 =	simm.s32 $0x0;
	s20 =	sshll.u32 s4, $0x1;
	s4 =	sadd.s32 s21, s2  }
0x9d: {  	[timem:s6], [sflag:s22] =	dma.local [hbm:s4], s20  }
0x9e: {  	_ =	swait.ge [sflag:s22], s20  }
0x9f: {  	s3 =	ssub.s32 $0x0, s20;
	[sflag:s22] =	ssyncset.done $0x0  }
0xa0: {  	[sflag:s22] =	ssyncadd.s32 s3;
	_ =	sdelay $0x1  }
0xa1: {  	s23 =	simm.s32 $0x1B8B  }
0xa2: {  	_ =	swait.ge [sflag:s23], $0x1  }
0xa3: {  	[sflag:s23] =	ssyncset.done $0x0  }
0xa4: {  	s25 =	simm.s32 $0x1B8E;
	s24 =	sld [smem:$0x3FFE];
	[sflag:s23] =	ssyncadd.s32 $0xFFFFFFFF  }
0xa5: {  	s26 =	simm.s32 $execute0_lowered;
	[smem:$0x3FD2] =	sst s25  }
0xa6: {  	s4 =	sshll.u32 s26, $0x1;
	_ =	strace $0x80000046;
	[dreg:$0x1] =	wrdreg $0xFFFFFFFF  }
0xa7: {  	s28 =	simm.s32 $_size_execute0_lowered;
	s2 =	sadd.s32 s2, s4;
	[dreg:$0x0] =	wrdreg $0x0  }
0xa8: {  	s4 =	sshll.u32 s28, $0x1;
	[dreg:$0x2] =	wrdreg s2  }
0xa9: {  	[dreg:$0x3] =	wrdreg s4  }
0xaa: {  	[dreg:$0x4] =	wrdreg $0xC0  }
0xab: {  	_ =	task [dreg:s6], $0x5FFFF  }
0xac: {  	[dreg:$0x1] =	wrdreg $0xFFFFFFFF  }
0xad: {  	[dreg:$0x0] =	wrdreg $0x60  }
0xae: {  	[dreg:$0x2] =	wrdreg s24  }
0xaf: {  	[dreg:$0x3] =	wrdreg $0x0  }
0xb0: {  	[dreg:$0x4] =	wrdreg $0x9E000  }
0xb1: {  	[dreg:$0x5] =	wrdreg $0x9  }
0xb2: {  	_ =	task.clear_ibuf [dreg:s6], $0x6FFFF;
	_ =	strace $0x90000046  }
0xb3: {  	s29 =	simm.s32 $0x9;
	_ =	strace $0x80000052  }
0xb4: {  	_ =	swait.ge [sflag:s29], $0x1  }
0xb5: {  	[sflag:s29] =	ssyncadd.s32 $0xFFFFFFFF  }
0xb6: {  	_ =	strace $0x90000052  }
0xb7: {  	_ =	sfence  }
0xb8: {  	s30 =	sld [smem:$0x0];
	_ =	sdelay $0x2  }
0xb9: {  	s31 =	sshll.u32 s1, $0xD;
	s1 =	sshrl.u32 s1, $0x2  }
0xba: {  	s3 =	sand.u32 $0x4000, s31;
	s1 =	sadd.s32 s1, s30  }
0xbb: {  	s0 =	sor.u32 s3, s0;
	s1 =	sshll.u32 s1, $0x11  }
0xbc: {  	s0 =	sor.u32 s1, s0  }
0xbd: {  	s0 =	sadd.s32 $0x8F2B, s0  }
0xbe: {  	[sflag:s0] =	ssyncadd.remote.s32 $0x1  }
0xbf: {  	_ =	sfence.sel $0xFFFF  }
0xc0: {  	[dreg:$0x0] =	wrdreg $0xFFFFFFFF;
	(pc) =	sbr.abs _section_cstart, $3  }
0xc1: {  	[dreg:$0x1] =	wrdreg $0xFFFFFFFF  }
0xc2: {  	_ =	task.clear_ibuf [dreg:s6], $0x2FFFF;
	_ =	strace $0x9FFFFFFF  }
0xc3: {  	(tm) =	ssettm $0x7FFFFFFF  }
tec
execute0_lowered:
.L_overlay_start_1:
0x0: {  	(tag) =	ssettag $0x1  }
0x1: {  	s0 =	rddreg [dreg:$0x0]  }
0x2: {  	s16 =	rddreg [dreg:$0x1]  }
0x3: {  	s11 =	rddreg [dreg:$0x2]  }
0x4: {  	s1 =	srdreg.scid;
	s6 =	stileid.u32  }
0x5: {  	s21 =	simm.s32 $0x0;
	s28 =	simm.s32 $0x40;
	s2 =	smul.u32 $0x2780, s6  }
0x6: {  	s1 =	sand.u32 $0x1, s1;
	[smem:$0x7FF] =	sst s21;
	s5 =	smul.u32 $0x27800, s6  }
0x7: {  	s17 =	sadd.s32 $0xDA00, s0;
	s12 =	sadd.s32 $0x3A00, s0;
	s13 =	smul.u32 $0x13C00, s6  }
0x8: {  	s4 =	sadd.s32 $0x150000, s0;
	s18 =	sadd.s32 $0xDA08, s0;
	s3 =	smul.u32 $0x27800, s1  }
0x9: {  	_ =	strace $0x80000047;
	s7 =	sshll.u32 s1, $0x4;
	s8 =	ssub.s32 $0x2, s1  }
0xa: {  	s1 =	smul.u32 $0x9E000, s1;
	[dreg:$0x4] =	wrdreg s17;
	s7 =	sor.u32 s6, s7  }
0xb: {  	s9 =	sshrl.u32 s8, $0x1;
	s5 =	sshrl.u32 s5, $0x2;
	s11 =	sadd.s32 s2, s11  }
0xc: {  	s3 =	sadd.s32 s2, s3;
	s10 =	smul.u32 $0x27, s7;
	s8 =	ssub.s32 s8, s9  }
0xd: {  	s14 =	sadd.s32 s5, s16;
	s5 =	smul.u32 $0x28, s7;
	p0 =	slt.u32 s7, $0x2  }
0xe: {  	s9 =	simm.s32 $0x28;
	s1 =	sadd.s32 s13, s1;
	[dreg:$0x10] =	wrdreg s11  }
0xf: {  	s3 =	sshrl.u32 s3, $0x3;
	s9 =	simm.s32 @!p0 $0x27;
	s24 =	sadd.s32 $0xFFF62000, s1  }
0x10: {  	s1 =	sshrl.u32 s1, $0x3;
	s31 =	smax.u32 s8, $0x1;
	[dreg:$0xf] =	wrdreg s14  }
0x11: {  	s3 =	sadd.s32 s3, s0;
	s22 =	sadd.s32 $0x2, s10;
	s26 =	sadd.s32 $0xFFFFFFFF, s9  }
0x12: {  	s29 =	sshrl.u32 s24, $0x3;
	[dreg:$0x17] =	wrdreg s31;
	s22 =	smov.u32 @p0 s5  }
0x13: {  	[dreg:$0x5] =	wrdreg s26;
	p0 =	slt.u32 s6, $0x8;
	s30 =	sadd.s32 $0x146200, s3  }
0x14: {  	s10 =	sshll.u32 s22, $0xA;
	s19 =	sshll.u32 s22, $0x3;
	[dreg:$0x16] =	wrdreg s30  }
0x15: {  	s15 =	sadd.s32 s17, s10;
	s2 =	sadd.s32 s10, s18;
	s0 =	sadd.s32 s19, s12  }
0x16: {  	s20 =	sand.u32 $0x1FFFFFF8, s19;
	[dreg:$0x12] =	wrdreg s2;
	s0 =	sadd.s32 $0x2710, s0  }
0x17: {  	s2 =	sadd.s32 s12, s20;
	[dreg:$0x14] =	wrdreg s0;
	s0 =	sadd.s32 s29, s4  }
0x18: {  	[dreg:$0x13] =	wrdreg s2;
	s2 =	sadd.s32 $0x8, s0;
	s0 =	sadd.s32 s4, s1  }
0x19: {  	s23 =	smov.u32 s18;
	[dreg:$0x11] =	wrdreg s15;
	s2 =	smov.u32 @p0 s0  }
0x1a: {  	v0 =	vimm.f32 $1.000000000e+00;
	v1 =	vimm.f32 $0.0e+00;
	s25 =	smov.u32 s12;
	s7 =	simm.s32 $0x9;
	[dreg:$0x15] =	wrdreg s2  }
.LBB2_1:
0x1b: {  	s0 =	simm.s32 $0x0  }
.LBB2_2:
0x1c: {  	p0 =	sne.s32 s0, $0xFC0  }
.Ltmp0:
0x1d: {  	_ = 	snop;
	(pc) =	sbr.rel @p0 .LBB2_2-.Ltmp0, $3  }
0x1e: {  	_ =	sdelay $0x1  }
0x1f: {  	s1 =	sshra.s32 s0, $0x2  }
0x20: {  	s0 =	sadd.s32 $0x40, s0;
	[tilespmem:s1+$0xC580] =	vst v0  }
0x21: {  	s0 =	simm.s32 $0xC9A0  }
0x22: {  	[tilespmem:s0+$0x0] =	vst v1  }
0x23: {  	[tilespmem:s0+$0xFFFFFFE0] =	vst v1  }
0x24: {  	[tilespmem:s0+$0x10] =	vst v1  }
0x25: {  	s1 =	simm.s32 $0x40;
	s2 =	simm.s32 $0x0;
	[tilespmem:s0+$0xFFFFFFF0] =	vst v1  }
.LBB2_4:
0x26: {  	p0 =	sne.s32 s1, $0x9DC0  }
0x27: {  	[tilespmem:s2+$0x16780] =	vst v1;
	s0 =	sadd.s32 $0x40, s0;
	s2 =	smov.u32 s1;
	s1 =	sadd.s32 $0x40, s1  }
.Ltmp1:
0x28: {  	[tilespmem:s0+$0x0] =	vst v1;
	(pc) =	sbr.rel @p0 .LBB2_4-.Ltmp1, $4  }
0x29: {  	_ = 	snop  }
0x2a: {  	[tilespmem:s0+$0xFFFFFFE0] =	vst v1  }
0x2b: {  	[tilespmem:s0+$0x10] =	vst v1  }
0x2c: {  	s2 =	sshra.s32 s2, $0x2;
	[tilespmem:s0+$0xFFFFFFF0] =	vst v1  }
0x2d: {  	[tilespmem:s2+$0x16780] =	vst v1;
	s0 =	simm.s32 $0xC980;
	s6 =	simm.s32 $0x1  }
0x2e: {  	[spmem:s14] =	stream.linear.scatter [tilespmem:s0], [sflag:$0x1], $0x9E00, $0x38;
	[tilespmem:$0x1D000] =	vst v63  }
0x2f: {  	_ =	swait.ge [sflag:s6], $0x9E00  }
0x30: {  	[sflag:s6] =	ssyncset.done $0x0  }
0x31: {  	s12 =	simm.s32 $0x16780;
	[sflag:s6] =	ssyncadd.s32 $0xFFFF6200  }
0x32: {  	[spmem:s11] =	stream.linear.scatter [tilespmem:s12], [sflag:$0x1], $0x2780, $0x38;
	[tilespmem:$0x1D000] =	vst v63  }
0x33: {  	_ =	swait.ge [sflag:s6], $0x2780  }
0x34: {  	[sflag:s6] =	ssyncset.done $0x0  }
0x35: {  	[sflag:s6] =	ssyncadd.s32 $0xFFFFD880  }
0x36: {  	[bflag:$0x0] =	sbarrier.arrive $0xFFFF  }
0x37: {  	_ =	strace $0x80000048  }
0x38: {  	s1 =	simm.s32 $0x80;
	s15 =	simm.s32 $0x18F00;
	s13 =	rddreg [dreg:$0x11]  }
0x39: {  	[tilespmem:s15], [sflag:$0x1] =	stream.strided.gather [hbm4b:s13+s28], $0x1000, s1, s28, $0x200038;
	[tilespmem:$0x1D000] =	vst v63  }
0x3a: {  	s19 =	simm.s32 $0x1AF00;
	s18 =	rddreg [dreg:$0x12]  }
0x3b: {  	[tilespmem:s19], [sflag:$0x3] =	stream.strided.gather [hbm4b:s18+s28], $0x1000, s1, s28, $0x200038;
	[tilespmem:$0x1D000] =	vst v63  }
0x3c: {  	s30 =	simm.s32 $0x0;
	s24 =	simm.s32 $0x1CF00;
	s20 =	rddreg [dreg:$0x13]  }
0x3d: {  	[tilespmem:s24], [sflag:$0x5] =	stream.linear.gather [hbm4b:s20+s30], $0x40, $0x200038;
	[tilespmem:$0x1D000] =	vst v63  }
0x3e: {  	s29 =	simm.s32 $0x1CF80;
	p2 =	sne.s32 s9, $0x1;
	s26 =	rddreg [dreg:$0x14]  }
0x3f: {  	[tilespmem:s29], [sflag:$0x7] =	stream.linear.gather [hbm4b:s26+s30], $0x40, $0x200038;
	[tilespmem:$0x1D000] =	vst v63  }
.Ltmp2:
0x40: {  	_ = 	snop;
	(pc) =	sbr.rel @!p2 .LBB2_6-.Ltmp2, $4  }
0x41: {  	_ =	strace $0x90000048  }
0x42: {  	s31 =	rddreg [dreg:$0x5]  }
0x43: {  	p3 =	seq.s32 s9, $0x1;
	s10 =	simm.s32 $0x1;
	p0 =	sle.u32 s31, $0x0  }
0x44: {  	s10 =	simm.s32 @p3 $0x0;
	p1 =	por p0, p0;
	p0 =	por $0x0, $0x0  }
0x45: {  	[dreg:$0xe] =	wrdreg s21  }
0x46: {  	p2 =	seq.s32 @!p1 s10, $0x0;
	s1 =	sand.u32 $0x1, s30;
	s30 =	simm.s32 $0x1  }
0x47: {  	s20 =	simm.s32 $0x0;
	s21 =	simm.s32 $0x0;
	p3 =	sne.s32 s10, $0x0  }
0x48: {  	p0 =	por p2, p1;
	p2 =	por !p2, p1;
	s26 =	sadd.s32 $0x3, s1  }
0x49: {  	s29 =	sadd.s32 $0x5, s1;
	s2 =	sadd.s32 @!p0 s22, s10;
	s3 =	sand.u32 @!p0 $0x1, s6  }
0x4a: {  	s14 =	simm.s32 @!p0 $0x40;
	s15 =	simm.s32 @!p0 $0x80;
	_ =	strace @!p0 $0x80000049  }
0x4b: {  	s4 =	sshll.u32 @!p0 s2, $0xA;
	s5 =	sadd.s32 @!p0 $0x1, s3;
	s8 =	sshll.u32 @!p0 s3, $0xC  }
0x4c: {  	s11 =	sadd.s32 @!p0 $0x3, s3;
	s12 =	sshll.u32 @!p0 s2, $0x3;
	s4 =	sand.u32 @!p0 $0x1FFFFC00, s4  }
0x4d: {  	s2 =	sshll.u32 @!p0 s2, $0x6;
	s0 =	sor.u32 @!p0 $0x1AF00, s8;
	s12 =	sand.u32 @!p0 $0x1FFFFFF8, s12  }
0x4e: {  	s8 =	sor.u32 @!p0 $0x18F00, s8;
	s2 =	sadd.s32 @!p0 $0x13880, s2;
	s13 =	sadd.s32 @!p0 s4, s23  }
0x4f: {  	s12 =	sadd.s32 @!p0 s25, s12;
	s4 =	sadd.s32 @!p0 s17, s4;
	s2 =	sshrl.u32 @!p0 s2, $0x3  }
0x50: {  	[tilespmem:s8], [sflag:s5] =	stream.strided.gather @!p0 [hbm4b:s4+s14], $0x1000, s15, s14, $0x200038;
	[tilespmem:$0x1D000] =	vst v63  }
0x51: {  	s17 =	sadd.s32 $0x1, s1;
	s4 =	sshll.u32 @!p0 s3, $0x6;
	s5 =	sadd.s32 @!p0 $0x5, s3  }
0x52: {  	s2 =	sadd.s32 @!p0 s25, s2;
	s3 =	sadd.s32 @!p0 $0x7, s3;
	_ =	strace @!p0 $0x90000049  }
0x53: {  	s8 =	sor.u32 @!p0 $0x1CF00, s4;
	s4 =	sor.u32 @!p0 $0x1CF80, s4;
	_ =	strace @!p0 $0x8000004A  }
0x54: {  	[tilespmem:s0], [sflag:s11] =	stream.strided.gather @!p0 [hbm4b:s13+s14], $0x1000, s15, s14, $0x200038;
	[tilespmem:$0x1D000] =	vst v63  }
0x55: {  	s0 =	simm.s32 @!p0 $0x0;
	s13 =	simm.s32 $0x1;
	_ =	strace @!p0 $0x9000004A  }
0x56: {  	s14 =	simm.s32 $0x2;
	s15 =	sadd.s32 $0x1, s10;
	_ =	strace @!p0 $0x8000004B  }
0x57: {  	[tilespmem:s8], [sflag:s5] =	stream.linear.gather @!p0 [hbm4b:s12+s0], $0x40, $0x200038;
	[tilespmem:$0x1D000] =	vst v63  }
0x58: {  	s11 =	simm.s32 $0x0;
	p4 =	seq.s32 s15, s9;
	_ =	strace @!p0 $0x9000004B  }
0x59: {  	s15 =	simm.s32 @p4 $0x0;
	s8 =	simm.s32 $0x0;
	_ =	strace @!p0 $0x8000004C  }
0x5a: {  	[tilespmem:s4], [sflag:s3] =	stream.linear.gather @!p0 [hbm4b:s2+s0], $0x40, $0x200038;
	[tilespmem:$0x1D000] =	vst v63  }
0x5b: {  	s5 =	simm.s32 @!p0 $0x2;
	s8 =	simm.s32 @p2 $0x1;
	_ =	strace @!p0 $0x9000004C  }
0x5c: {  	s13 =	smov.u32 @p2 s5;
	p2 =	sne.s32 s9, $0x2;
	_ =	strace $0x8000004D  }
0x5d: {  	s5 =	sadd.s32 $0x7, s1;
	s1 =	simm.s32 $0x0;
	_ =	swait.ge [sflag:s17], $0x1000  }
0x5e: {  	s8 =	simm.s32 @p1 $0x0;
	s24 =	smov.u32 s13;
	[sflag:s17] =	ssyncset.done $0x0  }
0x5f: {  	s28 =	smov.u32 s13;
	s13 =	smov.u32 @p1 s6;
	[sflag:s17] =	ssyncadd.s32 $0xFFFFF000  }
0x60: {  	s24 =	smov.u32 @p1 s6;
	s19 =	rddreg [dreg:$0x5];
	_ =	strace $0x9000004D  }
0x61: {  	s18 =	sadd.s32 $0x1, s8;
	s3 =	sand.u32 $0x40, s20;
	_ =	strace $0x8000004E  }
0x62: {  	s28 =	smov.u32 @p1 s6;
	s2 =	sand.u32 $0x1000, s21;
	_ =	swait.ge [sflag:s26], $0x1000  }
0x63: {  	s20 =	simm.s32 $0x0;
	s0 =	simm.s32 $0x0;
	[sflag:s26] =	ssyncset.done $0x0  }
0x64: {  	s31 =	sor.u32 $0x1AF00, s2;
	s2 =	sor.u32 $0x18F00, s2;
	[sflag:s26] =	ssyncadd.s32 $0xFFFFF000  }
.Ltmp3:
0x65: {  	s8 =	sor.u32 $0x1CF00, s3;
	_ =	strace $0x9000004E;
	(pc) =	sbr.rel @!p2 .LBB2_8-.Ltmp3, $4  }
0x66: {  	p5 =	sle.u32 s19, $0x1;
	p6 =	seq.s32 s19, $0x0;
	_ =	strace $0x8000004F  }
0x67: {  	s17 =	sor.u32 $0x1CF80, s3;
	s19 =	simm.s32 $0x1;
	_ =	swait.ge [sflag:s29], $0x40  }
0x68: {  	p1 =	por p5, p5;
	p0 =	por p6, p3;
	[sflag:s29] =	ssyncset.done $0x0  }
0x69: {  	s19 =	simm.s32 @!p0 $0x0;
	p0 =	por $0x1, $0x1;
	[sflag:s29] =	ssyncadd.s32 $0xFFFFFFC0  }
.LBB2_9:
0x6a: {  	s3 =	smov.u32 s24;
	s6 =	smov.u32 s30  }
0x6b: {  	_ =	strace $0x9000004F;
	s12 =	smov.u32 s14;
	[dreg:$0x7] =	wrdreg s6  }
0x6c: {  	s11 =	sadd.s32 s19, s11;
	[dreg:$0x9] =	wrdreg s12;
	s6 =	smov.u32 s10  }
0x6d: {  	s26 =	sand.u32 $0x1, s11;
	[dreg:$0x6] =	wrdreg s6;
	p3 =	seq.s32 @!p1 s6, s15  }
0x6e: {  	s4 =	smov.u32 s13;
	[dreg:$0x8] =	wrdreg s26;
	p2 =	por p3, p1  }
0x6f: {  	s21 =	smov.u32 s28;
	_ =	strace $0x80000050;
	s10 =	sand.u32 @!p2 $0x1, s28  }
0x70: {  	_ =	swait.ge [sflag:s5], $0x40;
	s6 =	sadd.s32 @!p2 s22, s15;
	s12 =	sadd.s32 @!p2 $0x1, s10  }
0x71: {  	[sflag:s5] =	ssyncset.done $0x0;
	[dreg:$0xa] =	wrdreg s12;
	s12 =	sshll.u32 @!p2 s6, $0xA  }
0x72: {  	[sflag:s5] =	ssyncadd.s32 $0xFFFFFFC0;
	s30 =	sand.u32 @!p2 $0x1FFFFC00, s12;
	s12 =	sand.u32 @!p2 $0x1, s13  }
0x73: {  	s20 =	sadd.s32 s19, s20;
	_ =	strace $0x90000050;
	s5 =	sshll.u32 @!p2 s12, $0xC  }
0x74: {  	s0 =	sadd.s32 s19, s0;
	_ =	strace $0x80000051;
	s5 =	sor.u32 @!p2 $0x1AF00, s5  }
0x75: {  	[dreg:$0xb] =	wrdreg s5;
	s5 =	sadd.s32 @!p2 $0x3, s12;
	s12 =	simm.s32 $0x40  }
0x76: {  	[spmem:s16] =	stream.indirect.scatter.add.f32 [tilespmem:s2], [sflag:$0x9], $0x40, s8, s12, $0x2000b8;
	[tilespmem:$0x1D000] =	vst v63  }
0x77: {  	s1 =	sadd.s32 s19, s1;
	[dreg:$0xc] =	wrdreg s5;
	s2 =	sshll.u32 @!p2 s6, $0x3  }
0x78: {  	s29 =	simm.s32 $0xC580;
	_ =	swait.ge [sflag:s7], $0x1000;
	s2 =	sand.u32 @!p2 $0x1FFFFFF8, s2  }
0x79: {  	s19 =	smov.u32 s9;
	[sflag:s7] =	ssyncset.done $0x0;
	s2 =	sadd.s32 @!p2 s25, s2  }
0x7a: {  	s26 =	smov.u32 s23;
	[dreg:$0xd] =	wrdreg s2;
	[sflag:s7] =	ssyncadd.s32 $0xFFFFF000  }
0x7b: {  	[spmem:s16] =	stream.indirect.scatter.add.f32 [tilespmem:s31], [sflag:$0x9], $0x40, s17, s12, $0x2000b8;
	[tilespmem:$0x1D000] =	vst v63  }
0x7c: {  	p3 =	por !p3, p1;
	s10 =	sshll.u32 @!p2 s10, $0xC;
	_ =	swait.ge [sflag:s7], $0x1000  }
0x7d: {  	s10 =	sor.u32 @!p2 $0x18F00, s10;
	s6 =	sshll.u32 @!p2 s6, $0x6;
	[sflag:s7] =	ssyncset.done $0x0  }
0x7e: {  	s5 =	sadd.s32 @!p2 s30, s23;
	s6 =	sadd.s32 @!p2 $0x13880, s6;
	[sflag:s7] =	ssyncadd.s32 $0xFFFFF000  }
0x7f: {  	s23 =	smov.u32 s25;
	s6 =	sshrl.u32 @!p2 s6, $0x3;
	s25 =	rddreg [dreg:$0x2]  }
0x80: {  	[spmem:s25] =	stream.indirect.scatter.add.f32 [tilespmem:s29], [sflag:$0x9], $0x10, s8, s12, $0x2000b8;
	[tilespmem:$0x1D000] =	vst v63  }
0x81: {  	s2 =	smov.u32 s22;
	s31 =	sand.u32 @!p2 $0x1, s24;
	_ =	swait.ge [sflag:s7], $0x400  }
0x82: {  	s6 =	sadd.s32 @!p2 s23, s6;
	s16 =	sshll.u32 @!p2 s31, $0x6;
	[sflag:s7] =	ssyncset.done $0x0  }
0x83: {  	s31 =	sadd.s32 @!p2 $0x5, s31;
	s8 =	sand.u32 @!p2 $0x1, s18;
	[sflag:s7] =	ssyncadd.s32 $0xFFFFFC00  }
0x84: {  	[spmem:s25] =	stream.indirect.scatter.add.f32 [tilespmem:s29], [sflag:$0x9], $0x10, s17, s12, $0x2000b8;
	[tilespmem:$0x1D000] =	vst v63  }
0x85: {  	s16 =	sor.u32 @!p2 $0x1CF00, s16;
	s22 =	sshll.u32 @!p2 s8, $0x6;
	_ =	swait.ge [sflag:s7], $0x400  }
0x86: {  	s17 =	sadd.s32 @!p2 $0x1, s24;
	s29 =	simm.s32 $0x0;
	[sflag:s7] =	ssyncset.done $0x0  }
0x87: {  	s12 =	smov.u32 s0;
	s0 =	simm.s32 @!p2 $0x80;
	[sflag:s7] =	ssyncadd.s32 $0xFFFFFC00  }
0x88: {  	s25 =	smov.u32 s23;
	s7 =	rddreg [dreg:$0x4];
	_ =	strace $0x90000051  }
0x89: {  	s24 =	smov.u32 @p3 s17;
	s17 =	simm.s32 @!p2 $0x40;
	_ =	strace @!p2 $0x80000049  }
0x8a: {  	s24 =	smov.u32 @p1 s3;
	s30 =	sadd.s32 @!p2 s7, s30;
	s3 =	rddreg [dreg:$0xa]  }
0x8b: {  	[tilespmem:s10], [sflag:s3] =	stream.strided.gather @!p2 [hbm4b:s30+s17], $0x1000, s0, s17, $0x200038;
	[tilespmem:$0x1D000] =	vst v63  }
0x8c: {  	s23 =	smov.u32 s26;
	s30 =	rddreg [dreg:$0x9];
	_ =	strace @!p2 $0x90000049  }
0x8d: {  	s29 =	simm.s32 @p3 $0x1;
	s26 =	rddreg [dreg:$0x5];
	_ =	strace @!p2 $0x8000004A  }
0x8e: {  	s8 =	sadd.s32 @!p2 $0x7, s8;
	s29 =	simm.s32 @p1 $0x0;
	s9 =	rddreg [dreg:$0xb]  }
0x8f: {  	s22 =	sor.u32 @!p2 $0x1CF80, s22;
	s18 =	sadd.s32 s18, s29;
	s10 =	rddreg [dreg:$0xc]  }
0x90: {  	[tilespmem:s9], [sflag:s10] =	stream.strided.gather @!p2 [hbm4b:s5+s17], $0x1000, s0, s17, $0x200038;
	[tilespmem:$0x1D000] =	vst v63  }
0x91: {  	s29 =	sshll.u32 s1, $0x6;
	s7 =	sadd.s32 @!p2 $0x1, s28;
	_ =	strace @!p2 $0x9000004A  }
0x92: {  	s28 =	smov.u32 @p3 s7;
	s7 =	sand.u32 $0x40, s29;
	_ =	strace @!p2 $0x8000004B  }
0x93: {  	s29 =	sand.u32 $0x1, s20;
	s5 =	simm.s32 @!p2 $0x0;
	s9 =	rddreg [dreg:$0xd]  }
0x94: {  	[tilespmem:s16], [sflag:s31] =	stream.linear.gather @!p2 [hbm4b:s9+s5], $0x40, $0x200038;
	[tilespmem:$0x1D000] =	vst v63  }
0x95: {  	s28 =	smov.u32 @p1 s21;
	s16 =	rddreg [dreg:$0x1];
	_ =	strace @!p2 $0x9000004B  }
0x96: {  	s3 =	sand.u32 $0x1, s12;
	p4 =	sge.u32 s14, s26;
	_ =	strace @!p2 $0x8000004C  }
0x97: {  	[tilespmem:s22], [sflag:s8] =	stream.linear.gather @!p2 [hbm4b:s6+s5], $0x40, $0x200038;
	[tilespmem:$0x1D000] =	vst v63  }
0x98: {  	s14 =	sadd.s32 $0x1, s14;
	s0 =	sadd.s32 @!p2 $0x1, s13;
	_ =	strace @!p2 $0x9000004C  }
0x99: {  	s10 =	sshll.u32 s11, $0xC;
	s13 =	smov.u32 @p3 s0;
	_ =	strace $0x8000004D  }
0x9a: {  	s17 =	sshll.u32 s20, $0xC;
	s13 =	smov.u32 @p1 s4;
	s21 =	rddreg [dreg:$0x8]  }
0x9b: {  	s4 =	sand.u32 $0x1000, s17;
	p1 =	por p4, p4;
	s5 =	sadd.s32 $0x1, s21  }
0x9c: {  	s9 =	sshll.u32 s12, $0x6;
	s31 =	sor.u32 $0x1AF00, s4;
	_ =	swait.ge [sflag:s5], $0x1000  }
0x9d: {  	s0 =	sand.u32 $0x40, s9;
	s9 =	smov.u32 s19;
	[sflag:s5] =	ssyncset.done $0x0  }
0x9e: {  	s22 =	smov.u32 s2;
	s2 =	sand.u32 $0x1000, s10;
	[sflag:s5] =	ssyncadd.s32 $0xFFFFF000  }
0x9f: {  	s8 =	sadd.s32 $0x3, s29;
	s10 =	smov.u32 s15;
	_ =	strace $0x9000004D  }
0xa0: {  	p2 =	sne.s32 s19, s14;
	s21 =	sand.u32 $0x1, s1;
	_ =	strace $0x8000004E  }
0xa1: {  	s2 =	sor.u32 $0x18F00, s2;
	s6 =	sadd.s32 $0x5, s21;
	_ =	swait.ge [sflag:s8], $0x1000  }
0xa2: {  	s5 =	sadd.s32 $0x7, s3;
	s17 =	rddreg [dreg:$0x7];
	[sflag:s8] =	ssyncset.done $0x0  }
0xa3: {  	p4 =	seq.s32 s26, s17;
	[sflag:s8] =	ssyncadd.s32 $0xFFFFF000;
	s17 =	sor.u32 $0x1CF80, s0  }
0xa4: {  	s8 =	sor.u32 $0x1CF00, s7;
	s7 =	simm.s32 $0x9;
	_ =	strace $0x9000004E  }
.Ltmp4:
0xa5: {  	s26 =	sadd.s32 $0x1, s15;
	_ =	strace $0x8000004F;
	(pc) =	sbr.rel @p2 .LBB2_9-.Ltmp4, $4  }
0xa6: {  	s0 =	smov.u32 s12;
	p5 =	seq.s32 s26, s19;
	s29 =	rddreg [dreg:$0x6]  }
0xa7: {  	s19 =	simm.s32 $0x1;
	_ =	swait.ge [sflag:s6], $0x40;
	p6 =	sne.s32 s29, s15  }
0xa8: {  	[sflag:s6] =	ssyncset.done $0x0;
	s15 =	smov.u32 s26;
	p3 =	por p4, p6  }
0xa9: {  	s15 =	simm.s32 @p5 $0x0;
	[sflag:s6] =	ssyncadd.s32 $0xFFFFFFC0;
	s19 =	simm.s32 @!p3 $0x0  }
0xaa: {  	s21 =	rddreg [dreg:$0xe]  }
0xab: {  	s0 =	smov.u32 s10;
	s10 =	smov.u32 s15;
	s15 =	rddreg [dreg:$0x4]  }
0xac: {  	s6 =	smov.u32 s28;
	s14 =	rddreg [dreg:$0xf]  }
0xad: {  	s29 =	rddreg [dreg:$0x10];
	s28 =	simm.s32 $0x40;
	s30 =	simm.s32 $0x0  }
.LBB2_11:
0xae: {  	_ =	strace @p0 $0x9000004F  }
0xaf: {  	_ =	strace @p0 $0x80000050  }
0xb0: {  	_ =	swait.ge @p0 [sflag:s5], $0x40  }
0xb1: {  	[sflag:s5] =	ssyncset.done @p0 $0x0  }
0xb2: {  	[sflag:s5] =	ssyncadd.s32 @p0 $0xFFFFFFC0  }
0xb3: {  	_ =	strace @p0 $0x90000050  }
0xb4: {  	_ =	strace @p0 $0x80000051  }
0xb5: {  	[spmem:s16] =	stream.indirect.scatter.add.f32 @p0 [tilespmem:s2], [sflag:$0x9], $0x40, s8, s28, $0x2000b8;
	[tilespmem:$0x1D000] =	vst v63  }
0xb6: {  	_ =	swait.ge @p0 [sflag:s7], $0x1000  }
0xb7: {  	[sflag:s7] =	ssyncset.done @p0 $0x0  }
0xb8: {  	[sflag:s7] =	ssyncadd.s32 @p0 $0xFFFFF000  }
0xb9: {  	[spmem:s16] =	stream.indirect.scatter.add.f32 @p0 [tilespmem:s31], [sflag:$0x9], $0x40, s17, s28, $0x2000b8;
	[tilespmem:$0x1D000] =	vst v63  }
0xba: {  	_ =	swait.ge @p0 [sflag:s7], $0x1000  }
0xbb: {  	[sflag:s7] =	ssyncset.done @p0 $0x0  }
0xbc: {  	[sflag:s7] =	ssyncadd.s32 @p0 $0xFFFFF000  }
0xbd: {  	s2 =	simm.s32 $0xC580;
	s26 =	rddreg [dreg:$0x2]  }
0xbe: {  	[spmem:s26] =	stream.indirect.scatter.add.f32 @p0 [tilespmem:s2], [sflag:$0x9], $0x10, s8, s28, $0x2000b8;
	[tilespmem:$0x1D000] =	vst v63  }
0xbf: {  	p2 =	seq.s32 @!p1 s0, s10;
	_ =	swait.ge @p0 [sflag:s7], $0x400  }
0xc0: {  	p1 =	por p2, p1;
	[sflag:s7] =	ssyncset.done @p0 $0x0  }
0xc1: {  	s0 =	sadd.s32 @!p1 s22, s10;
	s8 =	simm.s32 $0xC580;
	[sflag:s7] =	ssyncadd.s32 @p0 $0xFFFFFC00  }
0xc2: {  	[spmem:s26] =	stream.indirect.scatter.add.f32 @p0 [tilespmem:s8], [sflag:$0x9], $0x10, s17, s28, $0x2000b8;
	[tilespmem:$0x1D000] =	vst v63  }
0xc3: {  	s4 =	sshll.u32 @!p1 s0, $0xA;
	_ =	swait.ge @p0 [sflag:s7], $0x400  }
0xc4: {  	s4 =	sand.u32 @!p1 $0x1FFFFC00, s4;
	s5 =	simm.s32 @!p1 $0x40;
	[sflag:s7] =	ssyncset.done @p0 $0x0  }
0xc5: {  	s2 =	sand.u32 @!p1 $0x1, s6;
	s6 =	simm.s32 @!p1 $0x80;
	[sflag:s7] =	ssyncadd.s32 @p0 $0xFFFFFC00  }
0xc6: {  	s3 =	sadd.s32 @!p1 $0x1, s2;
	s2 =	sshll.u32 @!p1 s2, $0xC;
	_ =	strace @p0 $0x90000051  }
0xc7: {  	s2 =	sor.u32 @!p1 $0x18F00, s2;
	s7 =	sadd.s32 @!p1 s15, s4;
	_ =	strace @!p1 $0x80000049  }
0xc8: {  	[tilespmem:s2], [sflag:s3] =	stream.strided.gather @!p1 [hbm4b:s7+s5], $0x1000, s6, s5, $0x200038;
	[tilespmem:$0x1D000] =	vst v63  }
0xc9: {  	s2 =	sand.u32 @!p1 $0x1, s13  }
0xca: {  	s4 =	sadd.s32 @!p1 s4, s23;
	s3 =	sshll.u32 @!p1 s2, $0xC;
	_ =	strace @!p1 $0x90000049  }
0xcb: {  	s2 =	sadd.s32 @!p1 $0x3, s2;
	s3 =	sor.u32 @!p1 $0x1AF00, s3;
	_ =	strace @!p1 $0x8000004A  }
0xcc: {  	[tilespmem:s3], [sflag:s2] =	stream.strided.gather @!p1 [hbm4b:s4+s5], $0x1000, s6, s5, $0x200038;
	[tilespmem:$0x1D000] =	vst v63  }
0xcd: {  	s2 =	sshll.u32 @!p1 s0, $0x3;
	s3 =	sand.u32 @!p1 $0x1, s24;
	s5 =	simm.s32 @!p1 $0x0  }
0xce: {  	s0 =	sshll.u32 @!p1 s0, $0x6;
	s2 =	sand.u32 @!p1 $0x1FFFFFF8, s2;
	s4 =	sshll.u32 @!p1 s3, $0x6  }
0xcf: {  	s3 =	sadd.s32 @!p1 $0x5, s3;
	_ =	strace @!p1 $0x9000004A;
	s0 =	sadd.s32 @!p1 $0x13880, s0  }
0xd0: {  	s2 =	sadd.s32 @!p1 s25, s2;
	s4 =	sor.u32 @!p1 $0x1CF00, s4;
	_ =	strace @!p1 $0x8000004B  }
0xd1: {  	[tilespmem:s4], [sflag:s3] =	stream.linear.gather @!p1 [hbm4b:s2+s5], $0x40, $0x200038;
	[tilespmem:$0x1D000] =	vst v63  }
0xd2: {  	s0 =	sshrl.u32 @!p1 s0, $0x3;
	s2 =	sand.u32 @!p1 $0x1, s18  }
0xd3: {  	s0 =	sadd.s32 @!p1 s25, s0;
	s3 =	sshll.u32 @!p1 s2, $0x6;
	_ =	strace @!p1 $0x9000004B  }
0xd4: {  	s2 =	sadd.s32 @!p1 $0x7, s2;
	s3 =	sor.u32 @!p1 $0x1CF80, s3;
	_ =	strace @!p1 $0x8000004C  }
0xd5: {  	[tilespmem:s3], [sflag:s2] =	stream.linear.gather @!p1 [hbm4b:s0+s5], $0x40, $0x200038;
	[tilespmem:$0x1D000] =	vst v63  }
0xd6: {  	s0 =	sadd.s32 @p0 s19, s11;
	s2 =	simm.s32 $0x0  }
0xd7: {  	s2 =	smov.u32 @p0 s0  }
0xd8: {  	_ =	strace @!p1 $0x9000004C;
	s0 =	sand.u32 $0x1, s2  }
0xd9: {  	_ =	strace $0x8000004D;
	s0 =	sadd.s32 $0x1, s0  }
0xda: {  	_ =	swait.ge [sflag:s0], $0x1000  }
0xdb: {  	s3 =	sadd.s32 @p0 s19, s20;
	[sflag:s0] =	ssyncset.done $0x0  }
0xdc: {  	s30 =	smov.u32 @p0 s3;
	[sflag:s0] =	ssyncadd.s32 $0xFFFFF000  }
0xdd: {  	s3 =	sand.u32 $0x1, s30;
	_ =	strace $0x9000004D  }
0xde: {  	s0 =	sadd.s32 $0x3, s3;
	_ =	strace $0x8000004E  }
0xdf: {  	_ =	swait.ge [sflag:s0], $0x1000  }
0xe0: {  	s1 =	sadd.s32 @p0 s19, s1;
	s3 =	simm.s32 $0x0;
	[sflag:s0] =	ssyncset.done $0x0  }
0xe1: {  	s3 =	smov.u32 @p0 s1;
	[sflag:s0] =	ssyncadd.s32 $0xFFFFF000  }
0xe2: {  	s4 =	sand.u32 $0x1, s3;
	_ =	strace $0x9000004E  }
0xe3: {  	s0 =	sadd.s32 $0x5, s4;
	_ =	strace $0x8000004F  }
0xe4: {  	_ =	swait.ge [sflag:s0], $0x40  }
0xe5: {  	s1 =	sadd.s32 @p0 s19, s12;
	s4 =	simm.s32 $0x0;
	[sflag:s0] =	ssyncset.done $0x0  }
0xe6: {  	s4 =	smov.u32 @p0 s1;
	[sflag:s0] =	ssyncadd.s32 $0xFFFFFFC0  }
0xe7: {  	s5 =	sand.u32 $0x1, s4;
	_ =	strace $0x9000004F  }
0xe8: {  	s0 =	sadd.s32 $0x7, s5;
	_ =	strace $0x80000050  }
0xe9: {  	_ =	swait.ge [sflag:s0], $0x40  }
0xea: {  	s7 =	simm.s32 $0x9;
	[sflag:s0] =	ssyncset.done $0x0  }
0xeb: {  	s10 =	sshll.u32 s2, $0xC;
	s6 =	sshll.u32 s3, $0x6;
	[sflag:s0] =	ssyncadd.s32 $0xFFFFFFC0  }
0xec: {  	s1 =	sand.u32 $0x1000, s10;
	s0 =	sand.u32 $0x40, s6;
	_ =	strace $0x90000050  }
0xed: {  	s1 =	sor.u32 $0x18F00, s1;
	s0 =	sor.u32 $0x1CF00, s0;
	_ =	strace $0x80000051  }
0xee: {  	[spmem:s16] =	stream.indirect.scatter.add.f32 [tilespmem:s1], [sflag:$0x9], $0x40, s0, s28, $0x2000b8;
	[tilespmem:$0x1D000] =	vst v63  }
0xef: {  	s12 =	sshll.u32 s30, $0xC;
	s11 =	sshll.u32 s4, $0x6;
	_ =	swait.ge [sflag:s7], $0x1000  }
0xf0: {  	s2 =	sand.u32 $0x1000, s12;
	s1 =	sand.u32 $0x40, s11;
	[sflag:s7] =	ssyncset.done $0x0  }
0xf1: {  	s2 =	sor.u32 $0x1AF00, s2;
	s1 =	sor.u32 $0x1CF80, s1;
	[sflag:s7] =	ssyncadd.s32 $0xFFFFF000  }
0xf2: {  	[spmem:s16] =	stream.indirect.scatter.add.f32 [tilespmem:s2], [sflag:$0x9], $0x40, s1, s28, $0x2000b8;
	[tilespmem:$0x1D000] =	vst v63  }
0xf3: {  	_ =	swait.ge [sflag:s7], $0x1000  }
0xf4: {  	[sflag:s7] =	ssyncset.done $0x0  }
0xf5: {  	[sflag:s7] =	ssyncadd.s32 $0xFFFFF000  }
0xf6: {  	[spmem:s26] =	stream.indirect.scatter.add.f32 [tilespmem:s8], [sflag:$0x9], $0x10, s0, s28, $0x2000b8;
	[tilespmem:$0x1D000] =	vst v63  }
0xf7: {  	_ =	swait.ge [sflag:s7], $0x400  }
0xf8: {  	[sflag:s7] =	ssyncset.done $0x0  }
0xf9: {  	[sflag:s7] =	ssyncadd.s32 $0xFFFFFC00  }
0xfa: {  	[spmem:s26] =	stream.indirect.scatter.add.f32 [tilespmem:s8], [sflag:$0x9], $0x10, s1, s28, $0x2000b8;
	[tilespmem:$0x1D000] =	vst v63  }
0xfb: {  	_ =	swait.ge [sflag:s7], $0x400  }
0xfc: {  	[sflag:s7] =	ssyncset.done $0x0  }
0xfd: {  	s17 =	sshrl.u32 s14, $0x3;
	[sflag:s7] =	ssyncadd.s32 $0xFFFFFC00  }
0xfe: {  	s13 =	stileid.u32;
	s24 =	simm.s32 $0x8;
	_ =	strace $0x90000051  }
0xff: {  	s20 =	simm.s32 $0x10;
	s0 =	sshll.u32 s13, $0x6;
	[bflag:$0x0] =	sbarrier.arrive $0xFFFF  }
0x100: {  	s19 =	simm.s32 $0x1;
	s0 =	sor.u32 $0x1C01, s0;
	s18 =	rddreg [dreg:$0x15]  }
0x101: {  	[hbm:s18@s20], [sflag:s0] =	dma.strided [spmem:s17@s24], $0x13C0, s19, $0x8   }
0x102: {  	_ =	swait.ge [sflag:s19], $0x13C0  }
0x103: {  	[sflag:s19] =	ssyncset.done $0x0  }
0x104: {  	s26 =	sshrl.u32 s29, $0x3;
	s30 =	rddreg [dreg:$0x16];
	[sflag:s19] =	ssyncadd.s32 $0xFFFFEC40  }
0x105: {  	[hbm:s30], [sflag:s0] =	dma.local [spmem:s26], $0x4F0  }
0x106: {  	_ =	swait.ge [sflag:s19], $0x4F0  }
0x107: {  	s21 =	sadd.s32 $0x1, s21;
	s31 =	rddreg [dreg:$0x17]  }
0x108: {  	p0 =	sne.s32 s21, s31  }
.Ltmp5:
0x109: {  	_ = 	snop;
	(pc) =	sbr.rel @p0 .LBB2_1-.Ltmp5, $4  }
.Ltmp6:
0x10a: {  	_ = 	snop;
	(pc) =	sbr.rel @!p0 .LBB2_12-.Ltmp6, $4  }
0x10b: {  	_ = 	snop  }
0x10c: {  	[sflag:s19] =	ssyncset.done $0x0  }
0x10d: {  	s11 =	smov.u32 s29;
	s17 =	smov.u32 s15;
	[sflag:s19] =	ssyncadd.s32 $0xFFFFFB10  }
0x10e: {  	_ = 	snop  }
.LBB2_6:
.Ltmp7:
0x10f: {  	(pc) =	sbr.rel .LBB2_11-.Ltmp7, $4  }
0x110: {  	s29 =	smov.u32 s11  }
0x111: {  	s11 =	simm.s32 $0x0;
	s20 =	simm.s32 $0x0;
	s0 =	simm.s32 $0x0  }
0x112: {  	s13 =	simm.s32 $0x1;
	s12 =	simm.s32 $0x0;
	s1 =	simm.s32 $0x0  }
0x113: {  	s15 =	smov.u32 s17;
	s24 =	simm.s32 $0x1;
	s18 =	simm.s32 $0x1  }
.LBB2_8:
.Ltmp8:
0x114: {  	s11 =	simm.s32 $0x0;
	(pc) =	sbr.rel .LBB2_11-.Ltmp8, $4  }
0x115: {  	s0 =	smov.u32 s10;
	s20 =	simm.s32 $0x0;
	s21 =	rddreg [dreg:$0xe]  }
0x116: {  	s10 =	smov.u32 s15;
	s6 =	smov.u32 s28;
	s15 =	rddreg [dreg:$0x4]  }
0x117: {  	s12 =	simm.s32 $0x0;
	s1 =	simm.s32 $0x0;
	s14 =	rddreg [dreg:$0xf]  }
0x118: {  	s29 =	rddreg [dreg:$0x10];
	s28 =	simm.s32 $0x40;
	s30 =	simm.s32 $0x0  }
.LBB2_12:
0x119: {  	_ =	sfence.sel $0x180000  }
0x11a: {  	[bflag:$0x0] =	sbarrier.arrive $0xFFFF  }
0x11b: {  	_ =	strace $0x90000047  }
0x11c: {  	s0 =	stileid.u32;
	[bflag:$0x2] =	sbarrier.arrive $0xFFFF  }
0x11d: {  	p0 =	sne.s32 s0, $0x0;
	s0 =	rddreg [dreg:$0x3]  }
0x11e: {  	s0 =	sadd.s32 @!p0 $0x100000, s0  }
0x11f: {  	[sflag:s0] =	ssyncadd.tile.s32 @!p0 $0x1;
	_ =	shalt  }
.Lfunc_end2:
_tile_overlayer_lowered:
.L_overlay_start_2:
0x120: {  	(tag) =	ssettag $0x2  }
0x121: {  	s0 =	rddreg [dreg:$0x0];
	s2 =	stileid.u32  }
0x122: {  	s1 =	rddreg [dreg:$0x1];
	p0 =	sne.s32 s2, $0x0  }
0x123: {  	s3 =	rddreg [dreg:$0x2];
	[bflag:$0x3] =	sbarrier.arrive $0xFFFF;
	s2 =	simm.s32 @!p0 $0x1C01  }
0x124: {  	[timem:s3], [sflag:s2] =	dma.local @!p0 [hbm:s0], s1  }
0x125: {  	s0 =	simm.s32 @!p0 $0x1  }
0x126: {  	_ =	swait.ge @!p0 [sflag:s0], s1  }
0x127: {  	s1 =	ssub.s32 @!p0 $0x0, s1;
	[sflag:s0] =	ssyncset.done @!p0 $0x0  }
0x128: {  	[sflag:s0] =	ssyncadd.s32 @!p0 s1  }
0x129: {  	[bflag:$0x3] =	sbarrier.arrive $0xFFFF  }
0x12a: {  	_ =	shalt  }

</sc_bundles>
